<compile_context>
chip_gen: v7x
topology: tpu7x:2x2x1
jax: 0.10.2.dev20260603
libtpu: 0.0.44.dev20260713+nightly
codegen_flags: <defaults>
</compile_context>

<pallas_src>
import functools
import math

import jax
import jax.numpy as jnp
from jax import lax
from jax.experimental import pallas as pl
from jax.experimental.pallas import tpu as pltpu
from jax.experimental.pallas import tpu_sc as plsc

DIM = 1024
HID = 2048
NE = 8
NT_TOK = 8192
BT = 1024
BLK = 512
NBLK = 40
P = NBLK * BLK
NC, NS = 2, 16
NW = NC * NS
TPT = NT_TOK // NW
CH = 64


def _gate_block(msg_ref, wg_ref, bg_ref, e0_ref, e1_ref, w0_ref, w1_ref):
    xh = msg_ref[...].astype(jnp.bfloat16)
    wh = wg_ref[...].astype(jnp.bfloat16)
    logits = jax.lax.dot_general(
        xh, wh, (((1,), (0,)), ((), ())),
        preferred_element_type=jnp.float32) + bg_ref[...][None, :]
    lane = jax.lax.broadcasted_iota(jnp.int32, (BT, NE), 1)
    cnt = jnp.zeros((BT, NE), jnp.int32)
    for j in range(NE):
        vj = logits[:, j:j + 1]
        beats = (vj > logits) | ((vj == logits) & (j < lane))
        cnt = cnt + beats.astype(jnp.int32)
    sel0 = cnt == 0
    sel1 = cnt == 1
    e0_ref[...] = jnp.sum(jnp.where(sel0, lane, 0), axis=1, keepdims=True)
    e1_ref[...] = jnp.sum(jnp.where(sel1, lane, 0), axis=1, keepdims=True)
    l0 = jnp.sum(jnp.where(sel0, logits, 0.0), axis=1, keepdims=True)
    l1 = jnp.sum(jnp.where(sel1, logits, 0.0), axis=1, keepdims=True)
    ex1 = jnp.exp(l1 - l0)
    s = 1.0 + ex1
    w0_ref[...] = 1.0 / s
    w1_ref[...] = ex1 / s


def _gate(msg, Wg, bg):
    nt = NT_TOK // BT
    return pl.pallas_call(
        _gate_block,
        grid=(nt,),
        in_specs=[
            pl.BlockSpec((BT, DIM), lambda t: (t, 0)),
            pl.BlockSpec((DIM, NE), lambda t: (0, 0)),
            pl.BlockSpec((NE,), lambda t: (0,)),
        ],
        out_specs=[
            pl.BlockSpec((BT, 1), lambda t: (t, 0)),
            pl.BlockSpec((BT, 1), lambda t: (t, 0)),
            pl.BlockSpec((BT, 1), lambda t: (t, 0)),
            pl.BlockSpec((BT, 1), lambda t: (t, 0)),
        ],
        out_shape=[
            jax.ShapeDtypeStruct((NT_TOK, 1), jnp.int32),
            jax.ShapeDtypeStruct((NT_TOK, 1), jnp.int32),
            jax.ShapeDtypeStruct((NT_TOK, 1), jnp.float32),
            jax.ShapeDtypeStruct((NT_TOK, 1), jnp.float32),
        ],
    )(msg, Wg, bg)


def _route_block(e0_ref, e1_ref, d0_ref, d1_ref, be_ref):
    e0 = e0_ref[...]
    e1 = e1_ref[...]
    rr = jax.lax.broadcasted_iota(jnp.int32, (128, 128), 0)
    cc = jax.lax.broadcasted_iota(jnp.int32, (128, 128), 1)
    U = (rr <= cc).astype(jnp.bfloat16)
    r64 = jax.lax.broadcasted_iota(jnp.int32, (64, 64), 0)
    c64 = jax.lax.broadcasted_iota(jnp.int32, (64, 64), 1)
    L64 = (c64 < r64).astype(jnp.bfloat16)
    dn = (((1,), (0,)), ((), ()))

    dest0 = jnp.zeros((64, 128), jnp.float32)
    dest1 = jnp.zeros((64, 128), jnp.float32)
    off = 0.0
    blkoffs = []
    for e in range(NE):
        m0 = (e0 == e).astype(jnp.float32)
        m1 = (e1 == e).astype(jnp.float32)
        s = m0 + m1
        incl = jax.lax.dot_general(s.astype(jnp.bfloat16), U, dn,
                                   preferred_element_type=jnp.float32)
        excl = incl - s
        rowtot = incl[:, 127:128]
        roff = jax.lax.dot_general(L64, rowtot.astype(jnp.bfloat16), dn,
                                   preferred_element_type=jnp.float32)
        Epre = excl + roff
        cnt = jnp.sum(s)
        dest0 = dest0 + m0 * (off + Epre)
        dest1 = dest1 + m1 * (off + Epre + m0)
        off = off + jnp.ceil(cnt * (1.0 / BLK)) * BLK
        blkoffs.append(off * (1.0 / BLK))

    lane128 = jax.lax.broadcasted_iota(jnp.int32, (1, 128), 1)
    be = jnp.zeros((1, 128), jnp.int32)
    for e in range(NE):
        be = be + (lane128.astype(jnp.float32) >= blkoffs[e]).astype(jnp.int32)
    be_ref[...] = be
    d0_ref[...] = dest0.astype(jnp.int32)
    d1_ref[...] = dest1.astype(jnp.int32)


def _route(e0_2d, e1_2d):
    return pl.pallas_call(
        _route_block,
        grid=(1,),
        in_specs=[
            pl.BlockSpec((64, 128), lambda i: (0, 0)),
            pl.BlockSpec((64, 128), lambda i: (0, 0)),
        ],
        out_specs=[
            pl.BlockSpec((64, 128), lambda i: (0, 0)),
            pl.BlockSpec((64, 128), lambda i: (0, 0)),
            pl.BlockSpec((1, 128), lambda i: (0, 0)),
        ],
        out_shape=[
            jax.ShapeDtypeStruct((64, 128), jnp.int32),
            jax.ShapeDtypeStruct((64, 128), jnp.int32),
            jax.ShapeDtypeStruct((1, 128), jnp.int32),
        ],
    )(e0_2d, e1_2d)


@functools.lru_cache(maxsize=None)
def _make_dispatch():
    CHD = 32
    NCHUNK = TPT // CHD

    @functools.partial(
        pl.kernel,
        out_type=jax.ShapeDtypeStruct((P, DIM), jnp.float32),
        mesh=plsc.VectorSubcoreMesh(core_axis_name="c", subcore_axis_name="s"),
        scratch_types=[
            pltpu.VMEM((CHD, DIM), jnp.float32),
            pltpu.VMEM((CHD, DIM), jnp.float32),
            pltpu.VMEM((CHD,), jnp.int32),
            pltpu.VMEM((CHD,), jnp.int32),
            pltpu.VMEM((CHD,), jnp.int32),
            pltpu.VMEM((CHD,), jnp.int32),
            pltpu.SemaphoreType.DMA,
            pltpu.SemaphoreType.DMA,
            pltpu.SemaphoreType.DMA,
            pltpu.SemaphoreType.DMA,
        ],
    )
    def dispatch(msg_hbm, d0_hbm, d1_hbm, xs_hbm,
                 rows_a, rows_b, i0_a, i1_a, i0_b, i1_b,
                 sin_a, sin_b, sout_a, sout_b):
        wid = lax.axis_index("c") * NS + lax.axis_index("s")
        base0 = pl.multiple_of(wid * TPT, TPT)
        rows = (rows_a, rows_b)
        i0s = (i0_a, i0_b)
        i1s = (i1_a, i1_b)
        sins = (sin_a, sin_b)
        souts = (sout_a, sout_b)

        def start_in(ci):
            b = ci % 2
            base = pl.multiple_of(base0 + ci * CHD, CHD)
            return [
                pltpu.async_copy(msg_hbm.at[pl.ds(base, CHD)], rows[b],
                                 sins[b]),
                pltpu.async_copy(d0_hbm.at[pl.ds(base, CHD)], i0s[b],
                                 sins[b]),
                pltpu.async_copy(d1_hbm.at[pl.ds(base, CHD)], i1s[b],
                                 sins[b]),
            ]

        in_d = {0: start_in(0)}
        out_d = {}
        for ci in range(NCHUNK):
            b = ci % 2
            for dsc in in_d.pop(ci):
                dsc.wait()
            out_d[ci] = [
                pltpu.async_copy(rows[b], xs_hbm.at[i0s[b]], souts[b]),
                pltpu.async_copy(rows[b], xs_hbm.at[i1s[b]], souts[b]),
            ]
            if ci + 1 < NCHUNK:
                if ci - 1 >= 0:
                    for dsc in out_d.pop(ci - 1):
                        dsc.wait()
                in_d[ci + 1] = start_in(ci + 1)
        for key in sorted(out_d):
            for dsc in out_d[key]:
                dsc.wait()

    return dispatch


def _dispatch(msg, d0, d1):
    return _make_dispatch()(msg, d0, d1)


def _ffn_block(be_ref, xs_ref, w1_ref, b1_ref, w2_ref, b2_ref, ys_ref):
    b = pl.program_id(0)

    @pl.when(be_ref[b] < NE)
    def _():
        x = xs_ref[...].astype(jnp.bfloat16)
        h = jax.lax.dot_general(
            x, w1_ref[0], (((1,), (0,)), ((), ())),
            preferred_element_type=jnp.float32) + b1_ref[0]
        h = 0.5 * h * (1.0 + jax.lax.erf(h * (1.0 / math.sqrt(2.0))))
        ys_ref[...] = jax.lax.dot_general(
            h.astype(jnp.bfloat16), w2_ref[0], (((1,), (0,)), ((), ())),
            preferred_element_type=jnp.float32) + b2_ref[0]


def _ffn(block_expert, xs, W1b, b1r, W2b, b2r):
    grid_spec = pltpu.PrefetchScalarGridSpec(
        num_scalar_prefetch=1,
        grid=(NBLK,),
        in_specs=[
            pl.BlockSpec((BLK, DIM), lambda b, be: (b, 0)),
            pl.BlockSpec((1, DIM, HID),
                         lambda b, be: (jnp.minimum(be[b], NE - 1), 0, 0)),
            pl.BlockSpec((1, 1, HID),
                         lambda b, be: (jnp.minimum(be[b], NE - 1), 0, 0)),
            pl.BlockSpec((1, HID, DIM),
                         lambda b, be: (jnp.minimum(be[b], NE - 1), 0, 0)),
            pl.BlockSpec((1, 1, DIM),
                         lambda b, be: (jnp.minimum(be[b], NE - 1), 0, 0)),
        ],
        out_specs=pl.BlockSpec((BLK, DIM), lambda b, be: (b, 0)),
    )
    return pl.pallas_call(
        _ffn_block,
        grid_spec=grid_spec,
        out_shape=jax.ShapeDtypeStruct((P, DIM), jnp.float32),
    )(block_expert, xs, W1b, b1r, W2b, b2r)


@functools.lru_cache(maxsize=None)
def _make_permute():
    @functools.partial(
        pl.kernel,
        out_type=[
            jax.ShapeDtypeStruct((NT_TOK, DIM), jnp.float32),
            jax.ShapeDtypeStruct((NT_TOK, DIM), jnp.float32),
        ],
        mesh=plsc.VectorSubcoreMesh(core_axis_name="c", subcore_axis_name="s"),
        scratch_types=[
            pltpu.VMEM((CH, DIM), jnp.float32),
            pltpu.VMEM((CH,), jnp.int32),
            pltpu.SemaphoreType.DMA,
        ],
    )
    def permute(ys_hbm, d0_hbm, d1_hbm, y0_hbm, y1_hbm, rows_v, idx_v, sem):
        wid = lax.axis_index("c") * NS + lax.axis_index("s")
        base0 = pl.multiple_of(wid * TPT, TPT)
        for ci in range(TPT // CH):
            base = pl.multiple_of(base0 + ci * CH, CH)
            pltpu.sync_copy(d0_hbm.at[pl.ds(base, CH)], idx_v)
            pltpu.async_copy(ys_hbm.at[idx_v], rows_v, sem).wait()
            pltpu.sync_copy(rows_v, y0_hbm.at[pl.ds(base, CH)])
            pltpu.sync_copy(d1_hbm.at[pl.ds(base, CH)], idx_v)
            pltpu.async_copy(ys_hbm.at[idx_v], rows_v, sem).wait()
            pltpu.sync_copy(rows_v, y1_hbm.at[pl.ds(base, CH)])

    return permute


def _permute(ys, d0, d1):
    return _make_permute()(ys, d0, d1)


def _combine_block(y0_ref, y1_ref, w0_ref, w1_ref, out_ref):
    out_ref[...] = w0_ref[...] * y0_ref[...] + w1_ref[...] * y1_ref[...]


def _combine(y0, y1, w0, w1):
    nt = NT_TOK // BT
    return pl.pallas_call(
        _combine_block,
        grid=(nt,),
        in_specs=[
            pl.BlockSpec((BT, DIM), lambda t: (t, 0)),
            pl.BlockSpec((BT, DIM), lambda t: (t, 0)),
            pl.BlockSpec((BT, 1), lambda t: (t, 0)),
            pl.BlockSpec((BT, 1), lambda t: (t, 0)),
        ],
        out_specs=pl.BlockSpec((BT, DIM), lambda t: (t, 0)),
        out_shape=jax.ShapeDtypeStruct((NT_TOK, DIM), jnp.float32),
    )(y0, y1, w0, w1)


@jax.jit
def kernel(msg, Wg, bg, W1, b1, W2, b2):
    W1b = W1.astype(jnp.bfloat16)
    W2b = W2.astype(jnp.bfloat16)
    b1r = b1.reshape(NE, 1, HID)
    b2r = b2.reshape(NE, 1, DIM)

    e0, e1, w0, w1 = _gate(msg, Wg, bg)
    d0_2d, d1_2d, be_2d = _route(e0.reshape(64, 128), e1.reshape(64, 128))
    d0 = d0_2d.reshape(NT_TOK)
    d1 = d1_2d.reshape(NT_TOK)
    block_expert = be_2d.reshape(128)[:NBLK]

    xs = _dispatch(msg, d0, d1)
    ys = _ffn(block_expert, xs, W1b, b1r, W2b, b2r)
    y0, y1 = _permute(ys, d0, d1)
    return _combine(y0, y1, w0, w1)

# --- scband reference (transcript-rebuilt; emitter-appended) ---
"""Pipeline reference for scband-mo-emessage-router-76836964926235 (READ-ONLY COPY).

The authoritative reference and input builder live on the scoring server;
editing this copy changes nothing except your own understanding.
"""

import jax, jax.numpy as jnp
import numpy as np

DIM = 1024
NUM_EXPERTS = 8
TOP_K = 2
N_TOKENS = 8192


def setup_inputs(seed: int = 0) -> dict:
    key = jax.random.key(seed)
    ks = jax.random.split(key, 8)
    msg = jax.random.normal(ks[0], (N_TOKENS, DIM), dtype=jnp.float32)
    s_in = 1.0 / np.sqrt(DIM)
    s_hid = 1.0 / np.sqrt(2 * DIM)
    Wg = jax.random.uniform(ks[1], (DIM, NUM_EXPERTS), minval=-s_in, maxval=s_in, dtype=jnp.float32)
    bg = jax.random.uniform(ks[2], (NUM_EXPERTS,), minval=-s_in, maxval=s_in, dtype=jnp.float32)
    W1 = jax.random.uniform(ks[3], (NUM_EXPERTS, DIM, 2 * DIM), minval=-s_in, maxval=s_in, dtype=jnp.float32)
    b1 = jax.random.uniform(ks[4], (NUM_EXPERTS, 2 * DIM), minval=-s_in, maxval=s_in, dtype=jnp.float32)
    W2 = jax.random.uniform(ks[5], (NUM_EXPERTS, 2 * DIM, DIM), minval=-s_hid, maxval=s_hid, dtype=jnp.float32)
    b2 = jax.random.uniform(ks[6], (NUM_EXPERTS, DIM), minval=-s_hid, maxval=s_hid, dtype=jnp.float32)
    return {"msg": msg, "Wg": Wg, "bg": bg, "W1": W1, "b1": b1, "W2": W2, "b2": b2}


def reference(msg, Wg, bg, W1, b1, W2, b2):
    # gate
    logits = msg @ Wg + bg
    topk_vals, topk_idx = jax.lax.top_k(logits, TOP_K)
    weights = jax.nn.softmax(topk_vals, axis=-1)
    out = jnp.zeros_like(msg)
    # dropout p=0.0 -> identity; GELU exact (erf) to match torch nn.GELU default
    for ei in range(NUM_EXPERTS):
        h = jax.nn.gelu(msg @ W1[ei] + b1[ei], approximate=False)
        y = h @ W2[ei] + b2[ei]
        for ki in range(TOP_K):
            mask = (topk_idx[:, ki] == ei)
            out = out + jnp.where(mask[:, None], weights[:, ki][:, None] * y, 0.0)
    return out

if __name__ == "__main__":
    import jax
    _d = setup_inputs()
    print(jax.jit(kernel)(*tuple(_d.values())))

</pallas_src>

<mosaic_0001>
#map = affine_map<(d0, d1) -> (0, 0)>
#map1 = affine_map<(d0, d1) -> (0)>
module attributes {stable_mosaic.version = 14 : i64} {
  func.func @dispatch(%arg0: i32, %arg1: i32, %arg2: memref<8192x1024xf32, #tpu.memory_space<hbm>>, %arg3: memref<8192xi32, #tpu.memory_space<hbm>>, %arg4: memref<8192xi32, #tpu.memory_space<hbm>>, %arg5: memref<20480x1024xf32, #tpu.memory_space<hbm>>, %arg6: memref<32x1024xf32, #tpu.memory_space<vmem>>, %arg7: memref<32x1024xf32, #tpu.memory_space<vmem>>, %arg8: memref<32xi32, #tpu.memory_space<vmem>>, %arg9: memref<32xi32, #tpu.memory_space<vmem>>, %arg10: memref<32xi32, #tpu.memory_space<vmem>>, %arg11: memref<32xi32, #tpu.memory_space<vmem>>, %arg12: memref<!tpu.dma_semaphore, #tpu.memory_space<semaphore_mem>>, %arg13: memref<!tpu.dma_semaphore, #tpu.memory_space<semaphore_mem>>, %arg14: memref<!tpu.dma_semaphore, #tpu.memory_space<semaphore_mem>>, %arg15: memref<!tpu.dma_semaphore, #tpu.memory_space<semaphore_mem>>) attributes {dimension_semantics = [#tpu.dimension_semantics<core_parallel>, #tpu.dimension_semantics<subcore_parallel>], iteration_bounds = array<i64: 2, 16>, scalar_prefetch = 0 : i64, scratch_operands = 10 : i64, tpu.core_type = #tpu.core_type<sc_vector_subcore>, window_params = [{transform_indices = #map}, {transform_indices = #map1}, {transform_indices = #map1}, {transform_indices = #map}]} {
    %mul3A = arith.constant 16 : i32
    %mul3A_0 = arith.muli %arg0, %mul3A : i32
    %add3A = arith.addi %mul3A_0, %arg1 : i32
    %mul3A_1 = arith.constant 256 : i32
    %mul3A_2 = arith.muli %add3A, %mul3A_1 : i32
    %multiple_of3A = tpu.assume_multiple %mul3A_2, 256 : i32
    %add3A_3 = arith.constant 0 : i32
    %add3A_4 = arith.addi %multiple_of3A, %add3A_3 : i32
    %multiple_of3A_5 = tpu.assume_multiple %add3A_4, 32 : i32
    %dma_start3A = arith.constant 0 : i32
    %dma_start3A_6 = tpu.memref_slice %arg2[%multiple_of3A_5, %dma_start3A] : memref<8192x1024xf32, #tpu.memory_space<hbm>> -> memref<32x1024xf32, #tpu.memory_space<hbm>>
    %dma_start3A_7 = arith.constant 0 : i32
    %dma_start3A_8 = tpu.memref_slice %arg2[%multiple_of3A_5, %dma_start3A_7] : memref<8192x1024xf32, #tpu.memory_space<hbm>> -> memref<32x1024xf32, #tpu.memory_space<hbm>>
    tpu.enqueue_dma source(%dma_start3A_8 : memref<32x1024xf32, #tpu.memory_space<hbm>>) target(%arg6 : memref<32x1024xf32, #tpu.memory_space<vmem>>) target_semaphore(%arg12 : memref<!tpu.dma_semaphore, #tpu.memory_space<semaphore_mem>>)
    %dma_start3A_9 = tpu.memref_slice %arg3[%multiple_of3A_5] : memref<8192xi32, #tpu.memory_space<hbm>> -> memref<32xi32, #tpu.memory_space<hbm>>
    %dma_start3A_10 = tpu.memref_slice %arg3[%multiple_of3A_5] : memref<8192xi32, #tpu.memory_space<hbm>> -> memref<32xi32, #tpu.memory_space<hbm>>
    tpu.enqueue_dma source(%dma_start3A_10 : memref<32xi32, #tpu.memory_space<hbm>>) target(%arg8 : memref<32xi32, #tpu.memory_space<vmem>>) target_semaphore(%arg12 : memref<!tpu.dma_semaphore, #tpu.memory_space<semaphore_mem>>)
    %dma_start3A_11 = tpu.memref_slice %arg4[%multiple_of3A_5] : memref<8192xi32, #tpu.memory_space<hbm>> -> memref<32xi32, #tpu.memory_space<hbm>>
    %dma_start3A_12 = tpu.memref_slice %arg4[%multiple_of3A_5] : memref<8192xi32, #tpu.memory_space<hbm>> -> memref<32xi32, #tpu.memory_space<hbm>>
    tpu.enqueue_dma source(%dma_start3A_12 : memref<32xi32, #tpu.memory_space<hbm>>) target(%arg9 : memref<32xi32, #tpu.memory_space<vmem>>) target_semaphore(%arg12 : memref<!tpu.dma_semaphore, #tpu.memory_space<semaphore_mem>>)
    %dma_wait3A = arith.constant 0 : i32
    %dma_wait3A_13 = tpu.memref_slice %arg2[%multiple_of3A_5, %dma_wait3A] : memref<8192x1024xf32, #tpu.memory_space<hbm>> -> memref<32x1024xf32, #tpu.memory_space<hbm>>
    %dma_wait3A_14 = arith.constant 0 : i32
    %dma_wait3A_15 = tpu.memref_slice %arg2[%multiple_of3A_5, %dma_wait3A_14] : memref<8192x1024xf32, #tpu.memory_space<hbm>> -> memref<32x1024xf32, #tpu.memory_space<hbm>>
    tpu.wait_dma2 semaphore(%arg12 : memref<!tpu.dma_semaphore, #tpu.memory_space<semaphore_mem>>) src(%dma_wait3A_15 : memref<32x1024xf32, #tpu.memory_space<hbm>>) dst(%arg6 : memref<32x1024xf32, #tpu.memory_space<vmem>>)
    %dma_wait3A_16 = tpu.memref_slice %arg3[%multiple_of3A_5] : memref<8192xi32, #tpu.memory_space<hbm>> -> memref<32xi32, #tpu.memory_space<hbm>>
    %dma_wait3A_17 = tpu.memref_slice %arg3[%multiple_of3A_5] : memref<8192xi32, #tpu.memory_space<hbm>> -> memref<32xi32, #tpu.memory_space<hbm>>
    tpu.wait_dma2 semaphore(%arg12 : memref<!tpu.dma_semaphore, #tpu.memory_space<semaphore_mem>>) src(%dma_wait3A_17 : memref<32xi32, #tpu.memory_space<hbm>>) dst(%arg8 : memref<32xi32, #tpu.memory_space<vmem>>)
    %dma_wait3A_18 = tpu.memref_slice %arg4[%multiple_of3A_5] : memref<8192xi32, #tpu.memory_space<hbm>> -> memref<32xi32, #tpu.memory_space<hbm>>
    %dma_wait3A_19 = tpu.memref_slice %arg4[%multiple_of3A_5] : memref<8192xi32, #tpu.memory_space<hbm>> -> memref<32xi32, #tpu.memory_space<hbm>>
    tpu.wait_dma2 semaphore(%arg12 : memref<!tpu.dma_semaphore, #tpu.memory_space<semaphore_mem>>) src(%dma_wait3A_19 : memref<32xi32, #tpu.memory_space<hbm>>) dst(%arg9 : memref<32xi32, #tpu.memory_space<vmem>>)
    %dma_start3A_20 = arith.constant 0 : i32
    %dma_start3A_21 = arith.constant 0 : i32
    %dma_start3A_22 = tpu.memref_slice %arg5[%dma_start3A_20, %dma_start3A_21] : memref<20480x1024xf32, #tpu.memory_space<hbm>> -> memref<20480x1024xf32, #tpu.memory_space<hbm>>
    tpu.enqueue_indirect_dma source(%arg6 : memref<32x1024xf32, #tpu.memory_space<vmem>>) target(%dma_start3A_22 : memref<20480x1024xf32, #tpu.memory_space<hbm>>) offsets(%arg8 : memref<32xi32, #tpu.memory_space<vmem>>) semaphore(%arg14 : memref<!tpu.dma_semaphore, #tpu.memory_space<semaphore_mem>>)
    %dma_start3A_23 = arith.constant 0 : i32
    %dma_start3A_24 = arith.constant 0 : i32
    %dma_start3A_25 = tpu.memref_slice %arg5[%dma_start3A_23, %dma_start3A_24] : memref<20480x1024xf32, #tpu.memory_space<hbm>> -> memref<20480x1024xf32, #tpu.memory_space<hbm>>
    tpu.enqueue_indirect_dma source(%arg6 : memref<32x1024xf32, #tpu.memory_space<vmem>>) target(%dma_start3A_25 : memref<20480x1024xf32, #tpu.memory_space<hbm>>) offsets(%arg9 : memref<32xi32, #tpu.memory_space<vmem>>) semaphore(%arg14 : memref<!tpu.dma_semaphore, #tpu.memory_space<semaphore_mem>>)
    %add3A_26 = arith.constant 32 : i32
    %add3A_27 = arith.addi %multiple_of3A, %add3A_26 : i32
    %multiple_of3A_28 = tpu.assume_multiple %add3A_27, 32 : i32
    %dma_start3A_29 = arith.constant 0 : i32
    %dma_start3A_30 = tpu.memref_slice %arg2[%multiple_of3A_28, %dma_start3A_29] : memref<8192x1024xf32, #tpu.memory_space<hbm>> -> memref<32x1024xf32, #tpu.memory_space<hbm>>
    %dma_start3A_31 = arith.constant 0 : i32
    %dma_start3A_32 = tpu.memref_slice %arg2[%multiple_of3A_28, %dma_start3A_31] : memref<8192x1024xf32, #tpu.memory_space<hbm>> -> memref<32x1024xf32, #tpu.memory_space<hbm>>
    tpu.enqueue_dma source(%dma_start3A_32 : memref<32x1024xf32, #tpu.memory_space<hbm>>) target(%arg7 : memref<32x1024xf32, #tpu.memory_space<vmem>>) target_semaphore(%arg13 : memref<!tpu.dma_semaphore, #tpu.memory_space<semaphore_mem>>)
    %dma_start3A_33 = tpu.memref_slice %arg3[%multiple_of3A_28] : memref<8192xi32, #tpu.memory_space<hbm>> -> memref<32xi32, #tpu.memory_space<hbm>>
    %dma_start3A_34 = tpu.memref_slice %arg3[%multiple_of3A_28] : memref<8192xi32, #tpu.memory_space<hbm>> -> memref<32xi32, #tpu.memory_space<hbm>>
    tpu.enqueue_dma source(%dma_start3A_34 : memref<32xi32, #tpu.memory_space<hbm>>) target(%arg10 : memref<32xi32, #tpu.memory_space<vmem>>) target_semaphore(%arg13 : memref<!tpu.dma_semaphore, #tpu.memory_space<semaphore_mem>>)
    %dma_start3A_35 = tpu.memref_slice %arg4[%multiple_of3A_28] : memref<8192xi32, #tpu.memory_space<hbm>> -> memref<32xi32, #tpu.memory_space<hbm>>
    %dma_start3A_36 = tpu.memref_slice %arg4[%multiple_of3A_28] : memref<8192xi32, #tpu.memory_space<hbm>> -> memref<32xi32, #tpu.memory_space<hbm>>
    tpu.enqueue_dma source(%dma_start3A_36 : memref<32xi32, #tpu.memory_space<hbm>>) target(%arg11 : memref<32xi32, #tpu.memory_space<vmem>>) target_semaphore(%arg13 : memref<!tpu.dma_semaphore, #tpu.memory_space<semaphore_mem>>)
    %dma_wait3A_37 = arith.constant 0 : i32
    %dma_wait3A_38 = tpu.memref_slice %arg2[%multiple_of3A_28, %dma_wait3A_37] : memref<8192x1024xf32, #tpu.memory_space<hbm>> -> memref<32x1024xf32, #tpu.memory_space<hbm>>
    %dma_wait3A_39 = arith.constant 0 : i32
    %dma_wait3A_40 = tpu.memref_slice %arg2[%multiple_of3A_28, %dma_wait3A_39] : memref<8192x1024xf32, #tpu.memory_space<hbm>> -> memref<32x1024xf32, #tpu.memory_space<hbm>>
    tpu.wait_dma2 semaphore(%arg13 : memref<!tpu.dma_semaphore, #tpu.memory_space<semaphore_mem>>) src(%dma_wait3A_40 : memref<32x1024xf32, #tpu.memory_space<hbm>>) dst(%arg7 : memref<32x1024xf32, #tpu.memory_space<vmem>>)
    %dma_wait3A_41 = tpu.memref_slice %arg3[%multiple_of3A_28] : memref<8192xi32, #tpu.memory_space<hbm>> -> memref<32xi32, #tpu.memory_space<hbm>>
    %dma_wait3A_42 = tpu.memref_slice %arg3[%multiple_of3A_28] : memref<8192xi32, #tpu.memory_space<hbm>> -> memref<32xi32, #tpu.memory_space<hbm>>
    tpu.wait_dma2 semaphore(%arg13 : memref<!tpu.dma_semaphore, #tpu.memory_space<semaphore_mem>>) src(%dma_wait3A_42 : memref<32xi32, #tpu.memory_space<hbm>>) dst(%arg10 : memref<32xi32, #tpu.memory_space<vmem>>)
    %dma_wait3A_43 = tpu.memref_slice %arg4[%multiple_of3A_28] : memref<8192xi32, #tpu.memory_space<hbm>> -> memref<32xi32, #tpu.memory_space<hbm>>
    %dma_wait3A_44 = tpu.memref_slice %arg4[%multiple_of3A_28] : memref<8192xi32, #tpu.memory_space<hbm>> -> memref<32xi32, #tpu.memory_space<hbm>>
    tpu.wait_dma2 semaphore(%arg13 : memref<!tpu.dma_semaphore, #tpu.memory_space<semaphore_mem>>) src(%dma_wait3A_44 : memref<32xi32, #tpu.memory_space<hbm>>) dst(%arg11 : memref<32xi32, #tpu.memory_space<vmem>>)
    %dma_start3A_45 = arith.constant 0 : i32
    %dma_start3A_46 = arith.constant 0 : i32
    %dma_start3A_47 = tpu.memref_slice %arg5[%dma_start3A_45, %dma_start3A_46] : memref<20480x1024xf32, #tpu.memory_space<hbm>> -> memref<20480x1024xf32, #tpu.memory_space<hbm>>
    tpu.enqueue_indirect_dma source(%arg7 : memref<32x1024xf32, #tpu.memory_space<vmem>>) target(%dma_start3A_47 : memref<20480x1024xf32, #tpu.memory_space<hbm>>) offsets(%arg10 : memref<32xi32, #tpu.memory_space<vmem>>) semaphore(%arg15 : memref<!tpu.dma_semaphore, #tpu.memory_space<semaphore_mem>>)
    %dma_start3A_48 = arith.constant 0 : i32
    %dma_start3A_49 = arith.constant 0 : i32
    %dma_start3A_50 = tpu.memref_slice %arg5[%dma_start3A_48, %dma_start3A_49] : memref<20480x1024xf32, #tpu.memory_space<hbm>> -> memref<20480x1024xf32, #tpu.memory_space<hbm>>
    tpu.enqueue_indirect_dma source(%arg7 : memref<32x1024xf32, #tpu.memory_space<vmem>>) target(%dma_start3A_50 : memref<20480x1024xf32, #tpu.memory_space<hbm>>) offsets(%arg11 : memref<32xi32, #tpu.memory_space<vmem>>) semaphore(%arg15 : memref<!tpu.dma_semaphore, #tpu.memory_space<semaphore_mem>>)
    %dma_wait3A_51 = arith.constant 0 : i32
    %dma_wait3A_52 = arith.constant 0 : i32
    %dma_wait3A_53 = tpu.memref_slice %arg5[%dma_wait3A_51, %dma_wait3A_52] : memref<20480x1024xf32, #tpu.memory_space<hbm>> -> memref<20480x1024xf32, #tpu.memory_space<hbm>>
    tpu.wait_indirect_dma semaphore(%arg14 : memref<!tpu.dma_semaphore, #tpu.memory_space<semaphore_mem>>) src(%arg6 : memref<32x1024xf32, #tpu.memory_space<vmem>>) dst(%dma_wait3A_53 : memref<20480x1024xf32, #tpu.memory_space<hbm>>)
    %dma_wait3A_54 = arith.constant 0 : i32
    %dma_wait3A_55 = arith.constant 0 : i32
    %dma_wait3A_56 = tpu.memref_slice %arg5[%dma_wait3A_54, %dma_wait3A_55] : memref<20480x1024xf32, #tpu.memory_space<hbm>> -> memref<20480x1024xf32, #tpu.memory_space<hbm>>
    tpu.wait_indirect_dma semaphore(%arg14 : memref<!tpu.dma_semaphore, #tpu.memory_space<semaphore_mem>>) src(%arg6 : memref<32x1024xf32, #tpu.memory_space<vmem>>) dst(%dma_wait3A_56 : memref<20480x1024xf32, #tpu.memory_space<hbm>>)
    %add3A_57 = arith.constant 64 : i32
    %add3A_58 = arith.addi %multiple_of3A, %add3A_57 : i32
    %multiple_of3A_59 = tpu.assume_multiple %add3A_58, 32 : i32
    %dma_start3A_60 = arith.constant 0 : i32
    %dma_start3A_61 = tpu.memref_slice %arg2[%multiple_of3A_59, %dma_start3A_60] : memref<8192x1024xf32, #tpu.memory_space<hbm>> -> memref<32x1024xf32, #tpu.memory_space<hbm>>
    %dma_start3A_62 = arith.constant 0 : i32
    %dma_start3A_63 = tpu.memref_slice %arg2[%multiple_of3A_59, %dma_start3A_62] : memref<8192x1024xf32, #tpu.memory_space<hbm>> -> memref<32x1024xf32, #tpu.memory_space<hbm>>
    tpu.enqueue_dma source(%dma_start3A_63 : memref<32x1024xf32, #tpu.memory_space<hbm>>) target(%arg6 : memref<32x1024xf32, #tpu.memory_space<vmem>>) target_semaphore(%arg12 : memref<!tpu.dma_semaphore, #tpu.memory_space<semaphore_mem>>)
    %dma_start3A_64 = tpu.memref_slice %arg3[%multiple_of3A_59] : memref<8192xi32, #tpu.memory_space<hbm>> -> memref<32xi32, #tpu.memory_space<hbm>>
    %dma_start3A_65 = tpu.memref_slice %arg3[%multiple_of3A_59] : memref<8192xi32, #tpu.memory_space<hbm>> -> memref<32xi32, #tpu.memory_space<hbm>>
    tpu.enqueue_dma source(%dma_start3A_65 : memref<32xi32, #tpu.memory_space<hbm>>) target(%arg8 : memref<32xi32, #tpu.memory_space<vmem>>) target_semaphore(%arg12 : memref<!tpu.dma_semaphore, #tpu.memory_space<semaphore_mem>>)
    %dma_start3A_66 = tpu.memref_slice %arg4[%multiple_of3A_59] : memref<8192xi32, #tpu.memory_space<hbm>> -> memref<32xi32, #tpu.memory_space<hbm>>
    %dma_start3A_67 = tpu.memref_slice %arg4[%multiple_of3A_59] : memref<8192xi32, #tpu.memory_space<hbm>> -> memref<32xi32, #tpu.memory_space<hbm>>
    tpu.enqueue_dma source(%dma_start3A_67 : memref<32xi32, #tpu.memory_space<hbm>>) target(%arg9 : memref<32xi32, #tpu.memory_space<vmem>>) target_semaphore(%arg12 : memref<!tpu.dma_semaphore, #tpu.memory_space<semaphore_mem>>)
    %dma_wait3A_68 = arith.constant 0 : i32
    %dma_wait3A_69 = tpu.memref_slice %arg2[%multiple_of3A_59, %dma_wait3A_68] : memref<8192x1024xf32, #tpu.memory_space<hbm>> -> memref<32x1024xf32, #tpu.memory_space<hbm>>
    %dma_wait3A_70 = arith.constant 0 : i32
    %dma_wait3A_71 = tpu.memref_slice %arg2[%multiple_of3A_59, %dma_wait3A_70] : memref<8192x1024xf32, #tpu.memory_space<hbm>> -> memref<32x1024xf32, #tpu.memory_space<hbm>>
    tpu.wait_dma2 semaphore(%arg12 : memref<!tpu.dma_semaphore, #tpu.memory_space<semaphore_mem>>) src(%dma_wait3A_71 : memref<32x1024xf32, #tpu.memory_space<hbm>>) dst(%arg6 : memref<32x1024xf32, #tpu.memory_space<vmem>>)
    %dma_wait3A_72 = tpu.memref_slice %arg3[%multiple_of3A_59] : memref<8192xi32, #tpu.memory_space<hbm>> -> memref<32xi32, #tpu.memory_space<hbm>>
    %dma_wait3A_73 = tpu.memref_slice %arg3[%multiple_of3A_59] : memref<8192xi32, #tpu.memory_space<hbm>> -> memref<32xi32, #tpu.memory_space<hbm>>
    tpu.wait_dma2 semaphore(%arg12 : memref<!tpu.dma_semaphore, #tpu.memory_space<semaphore_mem>>) src(%dma_wait3A_73 : memref<32xi32, #tpu.memory_space<hbm>>) dst(%arg8 : memref<32xi32, #tpu.memory_space<vmem>>)
    %dma_wait3A_74 = tpu.memref_slice %arg4[%multiple_of3A_59] : memref<8192xi32, #tpu.memory_space<hbm>> -> memref<32xi32, #tpu.memory_space<hbm>>
    %dma_wait3A_75 = tpu.memref_slice %arg4[%multiple_of3A_59] : memref<8192xi32, #tpu.memory_space<hbm>> -> memref<32xi32, #tpu.memory_space<hbm>>
    tpu.wait_dma2 semaphore(%arg12 : memref<!tpu.dma_semaphore, #tpu.memory_space<semaphore_mem>>) src(%dma_wait3A_75 : memref<32xi32, #tpu.memory_space<hbm>>) dst(%arg9 : memref<32xi32, #tpu.memory_space<vmem>>)
    %dma_start3A_76 = arith.constant 0 : i32
    %dma_start3A_77 = arith.constant 0 : i32
    %dma_start3A_78 = tpu.memref_slice %arg5[%dma_start3A_76, %dma_start3A_77] : memref<20480x1024xf32, #tpu.memory_space<hbm>> -> memref<20480x1024xf32, #tpu.memory_space<hbm>>
    tpu.enqueue_indirect_dma source(%arg6 : memref<32x1024xf32, #tpu.memory_space<vmem>>) target(%dma_start3A_78 : memref<20480x1024xf32, #tpu.memory_space<hbm>>) offsets(%arg8 : memref<32xi32, #tpu.memory_space<vmem>>) semaphore(%arg14 : memref<!tpu.dma_semaphore, #tpu.memory_space<semaphore_mem>>)
    %dma_start3A_79 = arith.constant 0 : i32
    %dma_start3A_80 = arith.constant 0 : i32
    %dma_start3A_81 = tpu.memref_slice %arg5[%dma_start3A_79, %dma_start3A_80] : memref<20480x1024xf32, #tpu.memory_space<hbm>> -> memref<20480x1024xf32, #tpu.memory_space<hbm>>
    tpu.enqueue_indirect_dma source(%arg6 : memref<32x1024xf32, #tpu.memory_space<vmem>>) target(%dma_start3A_81 : memref<20480x1024xf32, #tpu.memory_space<hbm>>) offsets(%arg9 : memref<32xi32, #tpu.memory_space<vmem>>) semaphore(%arg14 : memref<!tpu.dma_semaphore, #tpu.memory_space<semaphore_mem>>)
    %dma_wait3A_82 = arith.constant 0 : i32
    %dma_wait3A_83 = arith.constant 0 : i32
    %dma_wait3A_84 = tpu.memref_slice %arg5[%dma_wait3A_82, %dma_wait3A_83] : memref<20480x1024xf32, #tpu.memory_space<hbm>> -> memref<20480x1024xf32, #tpu.memory_space<hbm>>
    tpu.wait_indirect_dma semaphore(%arg15 : memref<!tpu.dma_semaphore, #tpu.memory_space<semaphore_mem>>) src(%arg7 : memref<32x1024xf32, #tpu.memory_space<vmem>>) dst(%dma_wait3A_84 : memref<20480x1024xf32, #tpu.memory_space<hbm>>)
    %dma_wait3A_85 = arith.constant 0 : i32
    %dma_wait3A_86 = arith.constant 0 : i32
    %dma_wait3A_87 = tpu.memref_slice %arg5[%dma_wait3A_85, %dma_wait3A_86] : memref<20480x1024xf32, #tpu.memory_space<hbm>> -> memref<20480x1024xf32, #tpu.memory_space<hbm>>
    tpu.wait_indirect_dma semaphore(%arg15 : memref<!tpu.dma_semaphore, #tpu.memory_space<semaphore_mem>>) src(%arg7 : memref<32x1024xf32, #tpu.memory_space<vmem>>) dst(%dma_wait3A_87 : memref<20480x1024xf32, #tpu.memory_space<hbm>>)
    %add3A_88 = arith.constant 96 : i32
    %add3A_89 = arith.addi %multiple_of3A, %add3A_88 : i32
    %multiple_of3A_90 = tpu.assume_multiple %add3A_89, 32 : i32
    %dma_start3A_91 = arith.constant 0 : i32
    %dma_start3A_92 = tpu.memref_slice %arg2[%multiple_of3A_90, %dma_start3A_91] : memref<8192x1024xf32, #tpu.memory_space<hbm>> -> memref<32x1024xf32, #tpu.memory_space<hbm>>
    %dma_start3A_93 = arith.constant 0 : i32
    %dma_start3A_94 = tpu.memref_slice %arg2[%multiple_of3A_90, %dma_start3A_93] : memref<8192x1024xf32, #tpu.memory_space<hbm>> -> memref<32x1024xf32, #tpu.memory_space<hbm>>
    tpu.enqueue_dma source(%dma_start3A_94 : memref<32x1024xf32, #tpu.memory_space<hbm>>) target(%arg7 : memref<32x1024xf32, #tpu.memory_space<vmem>>) target_semaphore(%arg13 : memref<!tpu.dma_semaphore, #tpu.memory_space<semaphore_mem>>)
    %dma_start3A_95 = tpu.memref_slice %arg3[%multiple_of3A_90] : memref<8192xi32, #tpu.memory_space<hbm>> -> memref<32xi32, #tpu.memory_space<hbm>>
    %dma_start3A_96 = tpu.memref_slice %arg3[%multiple_of3A_90] : memref<8192xi32, #tpu.memory_space<hbm>> -> memref<32xi32, #tpu.memory_space<hbm>>
    tpu.enqueue_dma source(%dma_start3A_96 : memref<32xi32, #tpu.memory_space<hbm>>) target(%arg10 : memref<32xi32, #tpu.memory_space<vmem>>) target_semaphore(%arg13 : memref<!tpu.dma_semaphore, #tpu.memory_space<semaphore_mem>>)
    %dma_start3A_97 = tpu.memref_slice %arg4[%multiple_of3A_90] : memref<8192xi32, #tpu.memory_space<hbm>> -> memref<32xi32, #tpu.memory_space<hbm>>
    %dma_start3A_98 = tpu.memref_slice %arg4[%multiple_of3A_90] : memref<8192xi32, #tpu.memory_space<hbm>> -> memref<32xi32, #tpu.memory_space<hbm>>
    tpu.enqueue_dma source(%dma_start3A_98 : memref<32xi32, #tpu.memory_space<hbm>>) target(%arg11 : memref<32xi32, #tpu.memory_space<vmem>>) target_semaphore(%arg13 : memref<!tpu.dma_semaphore, #tpu.memory_space<semaphore_mem>>)
    %dma_wait3A_99 = arith.constant 0 : i32
    %dma_wait3A_100 = tpu.memref_slice %arg2[%multiple_of3A_90, %dma_wait3A_99] : memref<8192x1024xf32, #tpu.memory_space<hbm>> -> memref<32x1024xf32, #tpu.memory_space<hbm>>
    %dma_wait3A_101 = arith.constant 0 : i32
    %dma_wait3A_102 = tpu.memref_slice %arg2[%multiple_of3A_90, %dma_wait3A_101] : memref<8192x1024xf32, #tpu.memory_space<hbm>> -> memref<32x1024xf32, #tpu.memory_space<hbm>>
    tpu.wait_dma2 semaphore(%arg13 : memref<!tpu.dma_semaphore, #tpu.memory_space<semaphore_mem>>) src(%dma_wait3A_102 : memref<32x1024xf32, #tpu.memory_space<hbm>>) dst(%arg7 : memref<32x1024xf32, #tpu.memory_space<vmem>>)
    %dma_wait3A_103 = tpu.memref_slice %arg3[%multiple_of3A_90] : memref<8192xi32, #tpu.memory_space<hbm>> -> memref<32xi32, #tpu.memory_space<hbm>>
    %dma_wait3A_104 = tpu.memref_slice %arg3[%multiple_of3A_90] : memref<8192xi32, #tpu.memory_space<hbm>> -> memref<32xi32, #tpu.memory_space<hbm>>
    tpu.wait_dma2 semaphore(%arg13 : memref<!tpu.dma_semaphore, #tpu.memory_space<semaphore_mem>>) src(%dma_wait3A_104 : memref<32xi32, #tpu.memory_space<hbm>>) dst(%arg10 : memref<32xi32, #tpu.memory_space<vmem>>)
    %dma_wait3A_105 = tpu.memref_slice %arg4[%multiple_of3A_90] : memref<8192xi32, #tpu.memory_space<hbm>> -> memref<32xi32, #tpu.memory_space<hbm>>
    %dma_wait3A_106 = tpu.memref_slice %arg4[%multiple_of3A_90] : memref<8192xi32, #tpu.memory_space<hbm>> -> memref<32xi32, #tpu.memory_space<hbm>>
    tpu.wait_dma2 semaphore(%arg13 : memref<!tpu.dma_semaphore, #tpu.memory_space<semaphore_mem>>) src(%dma_wait3A_106 : memref<32xi32, #tpu.memory_space<hbm>>) dst(%arg11 : memref<32xi32, #tpu.memory_space<vmem>>)
    %dma_start3A_107 = arith.constant 0 : i32
    %dma_start3A_108 = arith.constant 0 : i32
    %dma_start3A_109 = tpu.memref_slice %arg5[%dma_start3A_107, %dma_start3A_108] : memref<20480x1024xf32, #tpu.memory_space<hbm>> -> memref<20480x1024xf32, #tpu.memory_space<hbm>>
    tpu.enqueue_indirect_dma source(%arg7 : memref<32x1024xf32, #tpu.memory_space<vmem>>) target(%dma_start3A_109 : memref<20480x1024xf32, #tpu.memory_space<hbm>>) offsets(%arg10 : memref<32xi32, #tpu.memory_space<vmem>>) semaphore(%arg15 : memref<!tpu.dma_semaphore, #tpu.memory_space<semaphore_mem>>)
    %dma_start3A_110 = arith.constant 0 : i32
    %dma_start3A_111 = arith.constant 0 : i32
    %dma_start3A_112 = tpu.memref_slice %arg5[%dma_start3A_110, %dma_start3A_111] : memref<20480x1024xf32, #tpu.memory_space<hbm>> -> memref<20480x1024xf32, #tpu.memory_space<hbm>>
    tpu.enqueue_indirect_dma source(%arg7 : memref<32x1024xf32, #tpu.memory_space<vmem>>) target(%dma_start3A_112 : memref<20480x1024xf32, #tpu.memory_space<hbm>>) offsets(%arg11 : memref<32xi32, #tpu.memory_space<vmem>>) semaphore(%arg15 : memref<!tpu.dma_semaphore, #tpu.memory_space<semaphore_mem>>)
    %dma_wait3A_113 = arith.constant 0 : i32
    %dma_wait3A_114 = arith.constant 0 : i32
    %dma_wait3A_115 = tpu.memref_slice %arg5[%dma_wait3A_113, %dma_wait3A_114] : memref<20480x1024xf32, #tpu.memory_space<hbm>> -> memref<20480x1024xf32, #tpu.memory_space<hbm>>
    tpu.wait_indirect_dma semaphore(%arg14 : memref<!tpu.dma_semaphore, #tpu.memory_space<semaphore_mem>>) src(%arg6 : memref<32x1024xf32, #tpu.memory_space<vmem>>) dst(%dma_wait3A_115 : memref<20480x1024xf32, #tpu.memory_space<hbm>>)
    %dma_wait3A_116 = arith.constant 0 : i32
    %dma_wait3A_117 = arith.constant 0 : i32
    %dma_wait3A_118 = tpu.memref_slice %arg5[%dma_wait3A_116, %dma_wait3A_117] : memref<20480x1024xf32, #tpu.memory_space<hbm>> -> memref<20480x1024xf32, #tpu.memory_space<hbm>>
    tpu.wait_indirect_dma semaphore(%arg14 : memref<!tpu.dma_semaphore, #tpu.memory_space<semaphore_mem>>) src(%arg6 : memref<32x1024xf32, #tpu.memory_space<vmem>>) dst(%dma_wait3A_118 : memref<20480x1024xf32, #tpu.memory_space<hbm>>)
    %add3A_119 = arith.constant 128 : i32
    %add3A_120 = arith.addi %multiple_of3A, %add3A_119 : i32
    %multiple_of3A_121 = tpu.assume_multiple %add3A_120, 32 : i32
    %dma_start3A_122 = arith.constant 0 : i32
    %dma_start3A_123 = tpu.memref_slice %arg2[%multiple_of3A_121, %dma_start3A_122] : memref<8192x1024xf32, #tpu.memory_space<hbm>> -> memref<32x1024xf32, #tpu.memory_space<hbm>>
    %dma_start3A_124 = arith.constant 0 : i32
    %dma_start3A_125 = tpu.memref_slice %arg2[%multiple_of3A_121, %dma_start3A_124] : memref<8192x1024xf32, #tpu.memory_space<hbm>> -> memref<32x1024xf32, #tpu.memory_space<hbm>>
    tpu.enqueue_dma source(%dma_start3A_125 : memref<32x1024xf32, #tpu.memory_space<hbm>>) target(%arg6 : memref<32x1024xf32, #tpu.memory_space<vmem>>) target_semaphore(%arg12 : memref<!tpu.dma_semaphore, #tpu.memory_space<semaphore_mem>>)
    %dma_start3A_126 = tpu.memref_slice %arg3[%multiple_of3A_121] : memref<8192xi32, #tpu.memory_space<hbm>> -> memref<32xi32, #tpu.memory_space<hbm>>
    %dma_start3A_127 = tpu.memref_slice %arg3[%multiple_of3A_121] : memref<8192xi32, #tpu.memory_space<hbm>> -> memref<32xi32, #tpu.memory_space<hbm>>
    tpu.enqueue_dma source(%dma_start3A_127 : memref<32xi32, #tpu.memory_space<hbm>>) target(%arg8 : memref<32xi32, #tpu.memory_space<vmem>>) target_semaphore(%arg12 : memref<!tpu.dma_semaphore, #tpu.memory_space<semaphore_mem>>)
    %dma_start3A_128 = tpu.memref_slice %arg4[%multiple_of3A_121] : memref<8192xi32, #tpu.memory_space<hbm>> -> memref<32xi32, #tpu.memory_space<hbm>>
    %dma_start3A_129 = tpu.memref_slice %arg4[%multiple_of3A_121] : memref<8192xi32, #tpu.memory_space<hbm>> -> memref<32xi32, #tpu.memory_space<hbm>>
    tpu.enqueue_dma source(%dma_start3A_129 : memref<32xi32, #tpu.memory_space<hbm>>) target(%arg9 : memref<32xi32, #tpu.memory_space<vmem>>) target_semaphore(%arg12 : memref<!tpu.dma_semaphore, #tpu.memory_space<semaphore_mem>>)
    %dma_wait3A_130 = arith.constant 0 : i32
    %dma_wait3A_131 = tpu.memref_slice %arg2[%multiple_of3A_121, %dma_wait3A_130] : memref<8192x1024xf32, #tpu.memory_space<hbm>> -> memref<32x1024xf32, #tpu.memory_space<hbm>>
    %dma_wait3A_132 = arith.constant 0 : i32
    %dma_wait3A_133 = tpu.memref_slice %arg2[%multiple_of3A_121, %dma_wait3A_132] : memref<8192x1024xf32, #tpu.memory_space<hbm>> -> memref<32x1024xf32, #tpu.memory_space<hbm>>
    tpu.wait_dma2 semaphore(%arg12 : memref<!tpu.dma_semaphore, #tpu.memory_space<semaphore_mem>>) src(%dma_wait3A_133 : memref<32x1024xf32, #tpu.memory_space<hbm>>) dst(%arg6 : memref<32x1024xf32, #tpu.memory_space<vmem>>)
    %dma_wait3A_134 = tpu.memref_slice %arg3[%multiple_of3A_121] : memref<8192xi32, #tpu.memory_space<hbm>> -> memref<32xi32, #tpu.memory_space<hbm>>
    %dma_wait3A_135 = tpu.memref_slice %arg3[%multiple_of3A_121] : memref<8192xi32, #tpu.memory_space<hbm>> -> memref<32xi32, #tpu.memory_space<hbm>>
    tpu.wait_dma2 semaphore(%arg12 : memref<!tpu.dma_semaphore, #tpu.memory_space<semaphore_mem>>) src(%dma_wait3A_135 : memref<32xi32, #tpu.memory_space<hbm>>) dst(%arg8 : memref<32xi32, #tpu.memory_space<vmem>>)
    %dma_wait3A_136 = tpu.memref_slice %arg4[%multiple_of3A_121] : memref<8192xi32, #tpu.memory_space<hbm>> -> memref<32xi32, #tpu.memory_space<hbm>>
    %dma_wait3A_137 = tpu.memref_slice %arg4[%multiple_of3A_121] : memref<8192xi32, #tpu.memory_space<hbm>> -> memref<32xi32, #tpu.memory_space<hbm>>
    tpu.wait_dma2 semaphore(%arg12 : memref<!tpu.dma_semaphore, #tpu.memory_space<semaphore_mem>>) src(%dma_wait3A_137 : memref<32xi32, #tpu.memory_space<hbm>>) dst(%arg9 : memref<32xi32, #tpu.memory_space<vmem>>)
    %dma_start3A_138 = arith.constant 0 : i32
    %dma_start3A_139 = arith.constant 0 : i32
    %dma_start3A_140 = tpu.memref_slice %arg5[%dma_start3A_138, %dma_start3A_139] : memref<20480x1024xf32, #tpu.memory_space<hbm>> -> memref<20480x1024xf32, #tpu.memory_space<hbm>>
    tpu.enqueue_indirect_dma source(%arg6 : memref<32x1024xf32, #tpu.memory_space<vmem>>) target(%dma_start3A_140 : memref<20480x1024xf32, #tpu.memory_space<hbm>>) offsets(%arg8 : memref<32xi32, #tpu.memory_space<vmem>>) semaphore(%arg14 : memref<!tpu.dma_semaphore, #tpu.memory_space<semaphore_mem>>)
    %dma_start3A_141 = arith.constant 0 : i32
    %dma_start3A_142 = arith.constant 0 : i32
    %dma_start3A_143 = tpu.memref_slice %arg5[%dma_start3A_141, %dma_start3A_142] : memref<20480x1024xf32, #tpu.memory_space<hbm>> -> memref<20480x1024xf32, #tpu.memory_space<hbm>>
    tpu.enqueue_indirect_dma source(%arg6 : memref<32x1024xf32, #tpu.memory_space<vmem>>) target(%dma_start3A_143 : memref<20480x1024xf32, #tpu.memory_space<hbm>>) offsets(%arg9 : memref<32xi32, #tpu.memory_space<vmem>>) semaphore(%arg14 : memref<!tpu.dma_semaphore, #tpu.memory_space<semaphore_mem>>)
    %dma_wait3A_144 = arith.constant 0 : i32
    %dma_wait3A_145 = arith.constant 0 : i32
    %dma_wait3A_146 = tpu.memref_slice %arg5[%dma_wait3A_144, %dma_wait3A_145] : memref<20480x1024xf32, #tpu.memory_space<hbm>> -> memref<20480x1024xf32, #tpu.memory_space<hbm>>
    tpu.wait_indirect_dma semaphore(%arg15 : memref<!tpu.dma_semaphore, #tpu.memory_space<semaphore_mem>>) src(%arg7 : memref<32x1024xf32, #tpu.memory_space<vmem>>) dst(%dma_wait3A_146 : memref<20480x1024xf32, #tpu.memory_space<hbm>>)
    %dma_wait3A_147 = arith.constant 0 : i32
    %dma_wait3A_148 = arith.constant 0 : i32
    %dma_wait3A_149 = tpu.memref_slice %arg5[%dma_wait3A_147, %dma_wait3A_148] : memref<20480x1024xf32, #tpu.memory_space<hbm>> -> memref<20480x1024xf32, #tpu.memory_space<hbm>>
    tpu.wait_indirect_dma semaphore(%arg15 : memref<!tpu.dma_semaphore, #tpu.memory_space<semaphore_mem>>) src(%arg7 : memref<32x1024xf32, #tpu.memory_space<vmem>>) dst(%dma_wait3A_149 : memref<20480x1024xf32, #tpu.memory_space<hbm>>)
    %add3A_150 = arith.constant 160 : i32
    %add3A_151 = arith.addi %multiple_of3A, %add3A_150 : i32
    %multiple_of3A_152 = tpu.assume_multiple %add3A_151, 32 : i32
    %dma_start3A_153 = arith.constant 0 : i32
    %dma_start3A_154 = tpu.memref_slice %arg2[%multiple_of3A_152, %dma_start3A_153] : memref<8192x1024xf32, #tpu.memory_space<hbm>> -> memref<32x1024xf32, #tpu.memory_space<hbm>>
    %dma_start3A_155 = arith.constant 0 : i32
    %dma_start3A_156 = tpu.memref_slice %arg2[%multiple_of3A_152, %dma_start3A_155] : memref<8192x1024xf32, #tpu.memory_space<hbm>> -> memref<32x1024xf32, #tpu.memory_space<hbm>>
    tpu.enqueue_dma source(%dma_start3A_156 : memref<32x1024xf32, #tpu.memory_space<hbm>>) target(%arg7 : memref<32x1024xf32, #tpu.memory_space<vmem>>) target_semaphore(%arg13 : memref<!tpu.dma_semaphore, #tpu.memory_space<semaphore_mem>>)
    %dma_start3A_157 = tpu.memref_slice %arg3[%multiple_of3A_152] : memref<8192xi32, #tpu.memory_space<hbm>> -> memref<32xi32, #tpu.memory_space<hbm>>
    %dma_start3A_158 = tpu.memref_slice %arg3[%multiple_of3A_152] : memref<8192xi32, #tpu.memory_space<hbm>> -> memref<32xi32, #tpu.memory_space<hbm>>
    tpu.enqueue_dma source(%dma_start3A_158 : memref<32xi32, #tpu.memory_space<hbm>>) target(%arg10 : memref<32xi32, #tpu.memory_space<vmem>>) target_semaphore(%arg13 : memref<!tpu.dma_semaphore, #tpu.memory_space<semaphore_mem>>)
    %dma_start3A_159 = tpu.memref_slice %arg4[%multiple_of3A_152] : memref<8192xi32, #tpu.memory_space<hbm>> -> memref<32xi32, #tpu.memory_space<hbm>>
    %dma_start3A_160 = tpu.memref_slice %arg4[%multiple_of3A_152] : memref<8192xi32, #tpu.memory_space<hbm>> -> memref<32xi32, #tpu.memory_space<hbm>>
    tpu.enqueue_dma source(%dma_start3A_160 : memref<32xi32, #tpu.memory_space<hbm>>) target(%arg11 : memref<32xi32, #tpu.memory_space<vmem>>) target_semaphore(%arg13 : memref<!tpu.dma_semaphore, #tpu.memory_space<semaphore_mem>>)
    %dma_wait3A_161 = arith.constant 0 : i32
    %dma_wait3A_162 = tpu.memref_slice %arg2[%multiple_of3A_152, %dma_wait3A_161] : memref<8192x1024xf32, #tpu.memory_space<hbm>> -> memref<32x1024xf32, #tpu.memory_space<hbm>>
    %dma_wait3A_163 = arith.constant 0 : i32
    %dma_wait3A_164 = tpu.memref_slice %arg2[%multiple_of3A_152, %dma_wait3A_163] : memref<8192x1024xf32, #tpu.memory_space<hbm>> -> memref<32x1024xf32, #tpu.memory_space<hbm>>
    tpu.wait_dma2 semaphore(%arg13 : memref<!tpu.dma_semaphore, #tpu.memory_space<semaphore_mem>>) src(%dma_wait3A_164 : memref<32x1024xf32, #tpu.memory_space<hbm>>) dst(%arg7 : memref<32x1024xf32, #tpu.memory_space<vmem>>)
    %dma_wait3A_165 = tpu.memref_slice %arg3[%multiple_of3A_152] : memref<8192xi32, #tpu.memory_space<hbm>> -> memref<32xi32, #tpu.memory_space<hbm>>
    %dma_wait3A_166 = tpu.memref_slice %arg3[%multiple_of3A_152] : memref<8192xi32, #tpu.memory_space<hbm>> -> memref<32xi32, #tpu.memory_space<hbm>>
    tpu.wait_dma2 semaphore(%arg13 : memref<!tpu.dma_semaphore, #tpu.memory_space<semaphore_mem>>) src(%dma_wait3A_166 : memref<32xi32, #tpu.memory_space<hbm>>) dst(%arg10 : memref<32xi32, #tpu.memory_space<vmem>>)
    %dma_wait3A_167 = tpu.memref_slice %arg4[%multiple_of3A_152] : memref<8192xi32, #tpu.memory_space<hbm>> -> memref<32xi32, #tpu.memory_space<hbm>>
    %dma_wait3A_168 = tpu.memref_slice %arg4[%multiple_of3A_152] : memref<8192xi32, #tpu.memory_space<hbm>> -> memref<32xi32, #tpu.memory_space<hbm>>
    tpu.wait_dma2 semaphore(%arg13 : memref<!tpu.dma_semaphore, #tpu.memory_space<semaphore_mem>>) src(%dma_wait3A_168 : memref<32xi32, #tpu.memory_space<hbm>>) dst(%arg11 : memref<32xi32, #tpu.memory_space<vmem>>)
    %dma_start3A_169 = arith.constant 0 : i32
    %dma_start3A_170 = arith.constant 0 : i32
    %dma_start3A_171 = tpu.memref_slice %arg5[%dma_start3A_169, %dma_start3A_170] : memref<20480x1024xf32, #tpu.memory_space<hbm>> -> memref<20480x1024xf32, #tpu.memory_space<hbm>>
    tpu.enqueue_indirect_dma source(%arg7 : memref<32x1024xf32, #tpu.memory_space<vmem>>) target(%dma_start3A_171 : memref<20480x1024xf32, #tpu.memory_space<hbm>>) offsets(%arg10 : memref<32xi32, #tpu.memory_space<vmem>>) semaphore(%arg15 : memref<!tpu.dma_semaphore, #tpu.memory_space<semaphore_mem>>)
    %dma_start3A_172 = arith.constant 0 : i32
    %dma_start3A_173 = arith.constant 0 : i32
    %dma_start3A_174 = tpu.memref_slice %arg5[%dma_start3A_172, %dma_start3A_173] : memref<20480x1024xf32, #tpu.memory_space<hbm>> -> memref<20480x1024xf32, #tpu.memory_space<hbm>>
    tpu.enqueue_indirect_dma source(%arg7 : memref<32x1024xf32, #tpu.memory_space<vmem>>) target(%dma_start3A_174 : memref<20480x1024xf32, #tpu.memory_space<hbm>>) offsets(%arg11 : memref<32xi32, #tpu.memory_space<vmem>>) semaphore(%arg15 : memref<!tpu.dma_semaphore, #tpu.memory_space<semaphore_mem>>)
    %dma_wait3A_175 = arith.constant 0 : i32
    %dma_wait3A_176 = arith.constant 0 : i32
    %dma_wait3A_177 = tpu.memref_slice %arg5[%dma_wait3A_175, %dma_wait3A_176] : memref<20480x1024xf32, #tpu.memory_space<hbm>> -> memref<20480x1024xf32, #tpu.memory_space<hbm>>
    tpu.wait_indirect_dma semaphore(%arg14 : memref<!tpu.dma_semaphore, #tpu.memory_space<semaphore_mem>>) src(%arg6 : memref<32x1024xf32, #tpu.memory_space<vmem>>) dst(%dma_wait3A_177 : memref<20480x1024xf32, #tpu.memory_space<hbm>>)
    %dma_wait3A_178 = arith.constant 0 : i32
    %dma_wait3A_179 = arith.constant 0 : i32
    %dma_wait3A_180 = tpu.memref_slice %arg5[%dma_wait3A_178, %dma_wait3A_179] : memref<20480x1024xf32, #tpu.memory_space<hbm>> -> memref<20480x1024xf32, #tpu.memory_space<hbm>>
    tpu.wait_indirect_dma semaphore(%arg14 : memref<!tpu.dma_semaphore, #tpu.memory_space<semaphore_mem>>) src(%arg6 : memref<32x1024xf32, #tpu.memory_space<vmem>>) dst(%dma_wait3A_180 : memref<20480x1024xf32, #tpu.memory_space<hbm>>)
    %add3A_181 = arith.constant 192 : i32
    %add3A_182 = arith.addi %multiple_of3A, %add3A_181 : i32
    %multiple_of3A_183 = tpu.assume_multiple %add3A_182, 32 : i32
    %dma_start3A_184 = arith.constant 0 : i32
    %dma_start3A_185 = tpu.memref_slice %arg2[%multiple_of3A_183, %dma_start3A_184] : memref<8192x1024xf32, #tpu.memory_space<hbm>> -> memref<32x1024xf32, #tpu.memory_space<hbm>>
    %dma_start3A_186 = arith.constant 0 : i32
    %dma_start3A_187 = tpu.memref_slice %arg2[%multiple_of3A_183, %dma_start3A_186] : memref<8192x1024xf32, #tpu.memory_space<hbm>> -> memref<32x1024xf32, #tpu.memory_space<hbm>>
    tpu.enqueue_dma source(%dma_start3A_187 : memref<32x1024xf32, #tpu.memory_space<hbm>>) target(%arg6 : memref<32x1024xf32, #tpu.memory_space<vmem>>) target_semaphore(%arg12 : memref<!tpu.dma_semaphore, #tpu.memory_space<semaphore_mem>>)
    %dma_start3A_188 = tpu.memref_slice %arg3[%multiple_of3A_183] : memref<8192xi32, #tpu.memory_space<hbm>> -> memref<32xi32, #tpu.memory_space<hbm>>
    %dma_start3A_189 = tpu.memref_slice %arg3[%multiple_of3A_183] : memref<8192xi32, #tpu.memory_space<hbm>> -> memref<32xi32, #tpu.memory_space<hbm>>
    tpu.enqueue_dma source(%dma_start3A_189 : memref<32xi32, #tpu.memory_space<hbm>>) target(%arg8 : memref<32xi32, #tpu.memory_space<vmem>>) target_semaphore(%arg12 : memref<!tpu.dma_semaphore, #tpu.memory_space<semaphore_mem>>)
    %dma_start3A_190 = tpu.memref_slice %arg4[%multiple_of3A_183] : memref<8192xi32, #tpu.memory_space<hbm>> -> memref<32xi32, #tpu.memory_space<hbm>>
    %dma_start3A_191 = tpu.memref_slice %arg4[%multiple_of3A_183] : memref<8192xi32, #tpu.memory_space<hbm>> -> memref<32xi32, #tpu.memory_space<hbm>>
    tpu.enqueue_dma source(%dma_start3A_191 : memref<32xi32, #tpu.memory_space<hbm>>) target(%arg9 : memref<32xi32, #tpu.memory_space<vmem>>) target_semaphore(%arg12 : memref<!tpu.dma_semaphore, #tpu.memory_space<semaphore_mem>>)
    %dma_wait3A_192 = arith.constant 0 : i32
    %dma_wait3A_193 = tpu.memref_slice %arg2[%multiple_of3A_183, %dma_wait3A_192] : memref<8192x1024xf32, #tpu.memory_space<hbm>> -> memref<32x1024xf32, #tpu.memory_space<hbm>>
    %dma_wait3A_194 = arith.constant 0 : i32
    %dma_wait3A_195 = tpu.memref_slice %arg2[%multiple_of3A_183, %dma_wait3A_194] : memref<8192x1024xf32, #tpu.memory_space<hbm>> -> memref<32x1024xf32, #tpu.memory_space<hbm>>
    tpu.wait_dma2 semaphore(%arg12 : memref<!tpu.dma_semaphore, #tpu.memory_space<semaphore_mem>>) src(%dma_wait3A_195 : memref<32x1024xf32, #tpu.memory_space<hbm>>) dst(%arg6 : memref<32x1024xf32, #tpu.memory_space<vmem>>)
    %dma_wait3A_196 = tpu.memref_slice %arg3[%multiple_of3A_183] : memref<8192xi32, #tpu.memory_space<hbm>> -> memref<32xi32, #tpu.memory_space<hbm>>
    %dma_wait3A_197 = tpu.memref_slice %arg3[%multiple_of3A_183] : memref<8192xi32, #tpu.memory_space<hbm>> -> memref<32xi32, #tpu.memory_space<hbm>>
    tpu.wait_dma2 semaphore(%arg12 : memref<!tpu.dma_semaphore, #tpu.memory_space<semaphore_mem>>) src(%dma_wait3A_197 : memref<32xi32, #tpu.memory_space<hbm>>) dst(%arg8 : memref<32xi32, #tpu.memory_space<vmem>>)
    %dma_wait3A_198 = tpu.memref_slice %arg4[%multiple_of3A_183] : memref<8192xi32, #tpu.memory_space<hbm>> -> memref<32xi32, #tpu.memory_space<hbm>>
    %dma_wait3A_199 = tpu.memref_slice %arg4[%multiple_of3A_183] : memref<8192xi32, #tpu.memory_space<hbm>> -> memref<32xi32, #tpu.memory_space<hbm>>
    tpu.wait_dma2 semaphore(%arg12 : memref<!tpu.dma_semaphore, #tpu.memory_space<semaphore_mem>>) src(%dma_wait3A_199 : memref<32xi32, #tpu.memory_space<hbm>>) dst(%arg9 : memref<32xi32, #tpu.memory_space<vmem>>)
    %dma_start3A_200 = arith.constant 0 : i32
    %dma_start3A_201 = arith.constant 0 : i32
    %dma_start3A_202 = tpu.memref_slice %arg5[%dma_start3A_200, %dma_start3A_201] : memref<20480x1024xf32, #tpu.memory_space<hbm>> -> memref<20480x1024xf32, #tpu.memory_space<hbm>>
    tpu.enqueue_indirect_dma source(%arg6 : memref<32x1024xf32, #tpu.memory_space<vmem>>) target(%dma_start3A_202 : memref<20480x1024xf32, #tpu.memory_space<hbm>>) offsets(%arg8 : memref<32xi32, #tpu.memory_space<vmem>>) semaphore(%arg14 : memref<!tpu.dma_semaphore, #tpu.memory_space<semaphore_mem>>)
    %dma_start3A_203 = arith.constant 0 : i32
    %dma_start3A_204 = arith.constant 0 : i32
    %dma_start3A_205 = tpu.memref_slice %arg5[%dma_start3A_203, %dma_start3A_204] : memref<20480x1024xf32, #tpu.memory_space<hbm>> -> memref<20480x1024xf32, #tpu.memory_space<hbm>>
    tpu.enqueue_indirect_dma source(%arg6 : memref<32x1024xf32, #tpu.memory_space<vmem>>) target(%dma_start3A_205 : memref<20480x1024xf32, #tpu.memory_space<hbm>>) offsets(%arg9 : memref<32xi32, #tpu.memory_space<vmem>>) semaphore(%arg14 : memref<!tpu.dma_semaphore, #tpu.memory_space<semaphore_mem>>)
    %dma_wait3A_206 = arith.constant 0 : i32
    %dma_wait3A_207 = arith.constant 0 : i32
    %dma_wait3A_208 = tpu.memref_slice %arg5[%dma_wait3A_206, %dma_wait3A_207] : memref<20480x1024xf32, #tpu.memory_space<hbm>> -> memref<20480x1024xf32, #tpu.memory_space<hbm>>
    tpu.wait_indirect_dma semaphore(%arg15 : memref<!tpu.dma_semaphore, #tpu.memory_space<semaphore_mem>>) src(%arg7 : memref<32x1024xf32, #tpu.memory_space<vmem>>) dst(%dma_wait3A_208 : memref<20480x1024xf32, #tpu.memory_space<hbm>>)
    %dma_wait3A_209 = arith.constant 0 : i32
    %dma_wait3A_210 = arith.constant 0 : i32
    %dma_wait3A_211 = tpu.memref_slice %arg5[%dma_wait3A_209, %dma_wait3A_210] : memref<20480x1024xf32, #tpu.memory_space<hbm>> -> memref<20480x1024xf32, #tpu.memory_space<hbm>>
    tpu.wait_indirect_dma semaphore(%arg15 : memref<!tpu.dma_semaphore, #tpu.memory_space<semaphore_mem>>) src(%arg7 : memref<32x1024xf32, #tpu.memory_space<vmem>>) dst(%dma_wait3A_211 : memref<20480x1024xf32, #tpu.memory_space<hbm>>)
    %add3A_212 = arith.constant 224 : i32
    %add3A_213 = arith.addi %multiple_of3A, %add3A_212 : i32
    %multiple_of3A_214 = tpu.assume_multiple %add3A_213, 32 : i32
    %dma_start3A_215 = arith.constant 0 : i32
    %dma_start3A_216 = tpu.memref_slice %arg2[%multiple_of3A_214, %dma_start3A_215] : memref<8192x1024xf32, #tpu.memory_space<hbm>> -> memref<32x1024xf32, #tpu.memory_space<hbm>>
    %dma_start3A_217 = arith.constant 0 : i32
    %dma_start3A_218 = tpu.memref_slice %arg2[%multiple_of3A_214, %dma_start3A_217] : memref<8192x1024xf32, #tpu.memory_space<hbm>> -> memref<32x1024xf32, #tpu.memory_space<hbm>>
    tpu.enqueue_dma source(%dma_start3A_218 : memref<32x1024xf32, #tpu.memory_space<hbm>>) target(%arg7 : memref<32x1024xf32, #tpu.memory_space<vmem>>) target_semaphore(%arg13 : memref<!tpu.dma_semaphore, #tpu.memory_space<semaphore_mem>>)
    %dma_start3A_219 = tpu.memref_slice %arg3[%multiple_of3A_214] : memref<8192xi32, #tpu.memory_space<hbm>> -> memref<32xi32, #tpu.memory_space<hbm>>
    %dma_start3A_220 = tpu.memref_slice %arg3[%multiple_of3A_214] : memref<8192xi32, #tpu.memory_space<hbm>> -> memref<32xi32, #tpu.memory_space<hbm>>
    tpu.enqueue_dma source(%dma_start3A_220 : memref<32xi32, #tpu.memory_space<hbm>>) target(%arg10 : memref<32xi32, #tpu.memory_space<vmem>>) target_semaphore(%arg13 : memref<!tpu.dma_semaphore, #tpu.memory_space<semaphore_mem>>)
    %dma_start3A_221 = tpu.memref_slice %arg4[%multiple_of3A_214] : memref<8192xi32, #tpu.memory_space<hbm>> -> memref<32xi32, #tpu.memory_space<hbm>>
    %dma_start3A_222 = tpu.memref_slice %arg4[%multiple_of3A_214] : memref<8192xi32, #tpu.memory_space<hbm>> -> memref<32xi32, #tpu.memory_space<hbm>>
    tpu.enqueue_dma source(%dma_start3A_222 : memref<32xi32, #tpu.memory_space<hbm>>) target(%arg11 : memref<32xi32, #tpu.memory_space<vmem>>) target_semaphore(%arg13 : memref<!tpu.dma_semaphore, #tpu.memory_space<semaphore_mem>>)
    %dma_wait3A_223 = arith.constant 0 : i32
    %dma_wait3A_224 = tpu.memref_slice %arg2[%multiple_of3A_214, %dma_wait3A_223] : memref<8192x1024xf32, #tpu.memory_space<hbm>> -> memref<32x1024xf32, #tpu.memory_space<hbm>>
    %dma_wait3A_225 = arith.constant 0 : i32
    %dma_wait3A_226 = tpu.memref_slice %arg2[%multiple_of3A_214, %dma_wait3A_225] : memref<8192x1024xf32, #tpu.memory_space<hbm>> -> memref<32x1024xf32, #tpu.memory_space<hbm>>
    tpu.wait_dma2 semaphore(%arg13 : memref<!tpu.dma_semaphore, #tpu.memory_space<semaphore_mem>>) src(%dma_wait3A_226 : memref<32x1024xf32, #tpu.memory_space<hbm>>) dst(%arg7 : memref<32x1024xf32, #tpu.memory_space<vmem>>)
    %dma_wait3A_227 = tpu.memref_slice %arg3[%multiple_of3A_214] : memref<8192xi32, #tpu.memory_space<hbm>> -> memref<32xi32, #tpu.memory_space<hbm>>
    %dma_wait3A_228 = tpu.memref_slice %arg3[%multiple_of3A_214] : memref<8192xi32, #tpu.memory_space<hbm>> -> memref<32xi32, #tpu.memory_space<hbm>>
    tpu.wait_dma2 semaphore(%arg13 : memref<!tpu.dma_semaphore, #tpu.memory_space<semaphore_mem>>) src(%dma_wait3A_228 : memref<32xi32, #tpu.memory_space<hbm>>) dst(%arg10 : memref<32xi32, #tpu.memory_space<vmem>>)
    %dma_wait3A_229 = tpu.memref_slice %arg4[%multiple_of3A_214] : memref<8192xi32, #tpu.memory_space<hbm>> -> memref<32xi32, #tpu.memory_space<hbm>>
    %dma_wait3A_230 = tpu.memref_slice %arg4[%multiple_of3A_214] : memref<8192xi32, #tpu.memory_space<hbm>> -> memref<32xi32, #tpu.memory_space<hbm>>
    tpu.wait_dma2 semaphore(%arg13 : memref<!tpu.dma_semaphore, #tpu.memory_space<semaphore_mem>>) src(%dma_wait3A_230 : memref<32xi32, #tpu.memory_space<hbm>>) dst(%arg11 : memref<32xi32, #tpu.memory_space<vmem>>)
    %dma_start3A_231 = arith.constant 0 : i32
    %dma_start3A_232 = arith.constant 0 : i32
    %dma_start3A_233 = tpu.memref_slice %arg5[%dma_start3A_231, %dma_start3A_232] : memref<20480x1024xf32, #tpu.memory_space<hbm>> -> memref<20480x1024xf32, #tpu.memory_space<hbm>>
    tpu.enqueue_indirect_dma source(%arg7 : memref<32x1024xf32, #tpu.memory_space<vmem>>) target(%dma_start3A_233 : memref<20480x1024xf32, #tpu.memory_space<hbm>>) offsets(%arg10 : memref<32xi32, #tpu.memory_space<vmem>>) semaphore(%arg15 : memref<!tpu.dma_semaphore, #tpu.memory_space<semaphore_mem>>)
    %dma_start3A_234 = arith.constant 0 : i32
    %dma_start3A_235 = arith.constant 0 : i32
    %dma_start3A_236 = tpu.memref_slice %arg5[%dma_start3A_234, %dma_start3A_235] : memref<20480x1024xf32, #tpu.memory_space<hbm>> -> memref<20480x1024xf32, #tpu.memory_space<hbm>>
    tpu.enqueue_indirect_dma source(%arg7 : memref<32x1024xf32, #tpu.memory_space<vmem>>) target(%dma_start3A_236 : memref<20480x1024xf32, #tpu.memory_space<hbm>>) offsets(%arg11 : memref<32xi32, #tpu.memory_space<vmem>>) semaphore(%arg15 : memref<!tpu.dma_semaphore, #tpu.memory_space<semaphore_mem>>)
    %dma_wait3A_237 = arith.constant 0 : i32
    %dma_wait3A_238 = arith.constant 0 : i32
    %dma_wait3A_239 = tpu.memref_slice %arg5[%dma_wait3A_237, %dma_wait3A_238] : memref<20480x1024xf32, #tpu.memory_space<hbm>> -> memref<20480x1024xf32, #tpu.memory_space<hbm>>
    tpu.wait_indirect_dma semaphore(%arg14 : memref<!tpu.dma_semaphore, #tpu.memory_space<semaphore_mem>>) src(%arg6 : memref<32x1024xf32, #tpu.memory_space<vmem>>) dst(%dma_wait3A_239 : memref<20480x1024xf32, #tpu.memory_space<hbm>>)
    %dma_wait3A_240 = arith.constant 0 : i32
    %dma_wait3A_241 = arith.constant 0 : i32
    %dma_wait3A_242 = tpu.memref_slice %arg5[%dma_wait3A_240, %dma_wait3A_241] : memref<20480x1024xf32, #tpu.memory_space<hbm>> -> memref<20480x1024xf32, #tpu.memory_space<hbm>>
    tpu.wait_indirect_dma semaphore(%arg14 : memref<!tpu.dma_semaphore, #tpu.memory_space<semaphore_mem>>) src(%arg6 : memref<32x1024xf32, #tpu.memory_space<vmem>>) dst(%dma_wait3A_242 : memref<20480x1024xf32, #tpu.memory_space<hbm>>)
    %dma_wait3A_243 = arith.constant 0 : i32
    %dma_wait3A_244 = arith.constant 0 : i32
    %dma_wait3A_245 = tpu.memref_slice %arg5[%dma_wait3A_243, %dma_wait3A_244] : memref<20480x1024xf32, #tpu.memory_space<hbm>> -> memref<20480x1024xf32, #tpu.memory_space<hbm>>
    tpu.wait_indirect_dma semaphore(%arg15 : memref<!tpu.dma_semaphore, #tpu.memory_space<semaphore_mem>>) src(%arg7 : memref<32x1024xf32, #tpu.memory_space<vmem>>) dst(%dma_wait3A_245 : memref<20480x1024xf32, #tpu.memory_space<hbm>>)
    %dma_wait3A_246 = arith.constant 0 : i32
    %dma_wait3A_247 = arith.constant 0 : i32
    %dma_wait3A_248 = tpu.memref_slice %arg5[%dma_wait3A_246, %dma_wait3A_247] : memref<20480x1024xf32, #tpu.memory_space<hbm>> -> memref<20480x1024xf32, #tpu.memory_space<hbm>>
    tpu.wait_indirect_dma semaphore(%arg15 : memref<!tpu.dma_semaphore, #tpu.memory_space<semaphore_mem>>) src(%arg7 : memref<32x1024xf32, #tpu.memory_space<vmem>>) dst(%dma_wait3A_248 : memref<20480x1024xf32, #tpu.memory_space<hbm>>)
    return
  }
}

#map = affine_map<(d0, d1) -> (0, 0)>
#map1 = affine_map<(d0, d1) -> (0)>
module attributes {stable_mosaic.version = 14 : i64} {
  func.func @permute(%arg0: i32, %arg1: i32, %arg2: memref<20480x1024xf32, #tpu.memory_space<hbm>>, %arg3: memref<8192xi32, #tpu.memory_space<hbm>>, %arg4: memref<8192xi32, #tpu.memory_space<hbm>>, %arg5: memref<8192x1024xf32, #tpu.memory_space<hbm>>, %arg6: memref<8192x1024xf32, #tpu.memory_space<hbm>>, %arg7: memref<64x1024xf32, #tpu.memory_space<vmem>>, %arg8: memref<64xi32, #tpu.memory_space<vmem>>, %arg9: memref<!tpu.dma_semaphore, #tpu.memory_space<semaphore_mem>>) attributes {dimension_semantics = [#tpu.dimension_semantics<core_parallel>, #tpu.dimension_semantics<subcore_parallel>], iteration_bounds = array<i64: 2, 16>, scalar_prefetch = 0 : i64, scratch_operands = 3 : i64, tpu.core_type = #tpu.core_type<sc_vector_subcore>, window_params = [{transform_indices = #map}, {transform_indices = #map1}, {transform_indices = #map1}, {transform_indices = #map}, {transform_indices = #map}]} {
    %mul3A = arith.constant 16 : i32
    %mul3A_0 = arith.muli %arg0, %mul3A : i32
    %add3A = arith.addi %mul3A_0, %arg1 : i32
    %mul3A_1 = arith.constant 256 : i32
    %mul3A_2 = arith.muli %add3A, %mul3A_1 : i32
    %multiple_of3A = tpu.assume_multiple %mul3A_2, 256 : i32
    %add3A_3 = arith.constant 0 : i32
    %add3A_4 = arith.addi %multiple_of3A, %add3A_3 : i32
    %multiple_of3A_5 = tpu.assume_multiple %add3A_4, 64 : i32
    "tpu.region"() ({
      %run_scoped3A = tpu.sem_alloc : memref<!tpu.dma_semaphore, #tpu.memory_space<semaphore_mem>>
      %dma_start3A_61 = tpu.memref_slice %arg3[%multiple_of3A_5] : memref<8192xi32, #tpu.memory_space<hbm>> -> memref<64xi32, #tpu.memory_space<hbm>>
      %dma_start3A_62 = tpu.memref_slice %arg3[%multiple_of3A_5] : memref<8192xi32, #tpu.memory_space<hbm>> -> memref<64xi32, #tpu.memory_space<hbm>>
      tpu.enqueue_dma source(%dma_start3A_62 : memref<64xi32, #tpu.memory_space<hbm>>) target(%arg8 : memref<64xi32, #tpu.memory_space<vmem>>) target_semaphore(%run_scoped3A : memref<!tpu.dma_semaphore, #tpu.memory_space<semaphore_mem>>)
      %dma_wait3A_63 = tpu.memref_slice %arg3[%multiple_of3A_5] : memref<8192xi32, #tpu.memory_space<hbm>> -> memref<64xi32, #tpu.memory_space<hbm>>
      %dma_wait3A_64 = tpu.memref_slice %arg3[%multiple_of3A_5] : memref<8192xi32, #tpu.memory_space<hbm>> -> memref<64xi32, #tpu.memory_space<hbm>>
      tpu.wait_dma2 semaphore(%run_scoped3A : memref<!tpu.dma_semaphore, #tpu.memory_space<semaphore_mem>>) src(%dma_wait3A_64 : memref<64xi32, #tpu.memory_space<hbm>>) dst(%arg8 : memref<64xi32, #tpu.memory_space<vmem>>)
      tpu.yield
    }) : () -> ()
    %dma_start3A = arith.constant 0 : i32
    %dma_start3A_6 = arith.constant 0 : i32
    %dma_start3A_7 = tpu.memref_slice %arg2[%dma_start3A, %dma_start3A_6] : memref<20480x1024xf32, #tpu.memory_space<hbm>> -> memref<20480x1024xf32, #tpu.memory_space<hbm>>
    tpu.enqueue_indirect_dma source(%dma_start3A_7 : memref<20480x1024xf32, #tpu.memory_space<hbm>>) target(%arg7 : memref<64x1024xf32, #tpu.memory_space<vmem>>) offsets(%arg8 : memref<64xi32, #tpu.memory_space<vmem>>) semaphore(%arg9 : memref<!tpu.dma_semaphore, #tpu.memory_space<semaphore_mem>>)
    %dma_wait3A = arith.constant 0 : i32
    %dma_wait3A_8 = arith.constant 0 : i32
    %dma_wait3A_9 = tpu.memref_slice %arg2[%dma_wait3A, %dma_wait3A_8] : memref<20480x1024xf32, #tpu.memory_space<hbm>> -> memref<20480x1024xf32, #tpu.memory_space<hbm>>
    tpu.wait_indirect_dma semaphore(%arg9 : memref<!tpu.dma_semaphore, #tpu.memory_space<semaphore_mem>>) src(%dma_wait3A_9 : memref<20480x1024xf32, #tpu.memory_space<hbm>>) dst(%arg7 : memref<64x1024xf32, #tpu.memory_space<vmem>>)
    "tpu.region"() ({
      %run_scoped3A = tpu.sem_alloc : memref<!tpu.dma_semaphore, #tpu.memory_space<semaphore_mem>>
      %dma_start3A_61 = arith.constant 0 : i32
      %dma_start3A_62 = tpu.memref_slice %arg5[%multiple_of3A_5, %dma_start3A_61] : memref<8192x1024xf32, #tpu.memory_space<hbm>> -> memref<64x1024xf32, #tpu.memory_space<hbm>>
      %dma_start3A_63 = arith.constant 0 : i32
      %dma_start3A_64 = tpu.memref_slice %arg5[%multiple_of3A_5, %dma_start3A_63] : memref<8192x1024xf32, #tpu.memory_space<hbm>> -> memref<64x1024xf32, #tpu.memory_space<hbm>>
      tpu.enqueue_dma source(%arg7 : memref<64x1024xf32, #tpu.memory_space<vmem>>) target(%dma_start3A_64 : memref<64x1024xf32, #tpu.memory_space<hbm>>) target_semaphore(%run_scoped3A : memref<!tpu.dma_semaphore, #tpu.memory_space<semaphore_mem>>)
      %dma_wait3A_65 = arith.constant 0 : i32
      %dma_wait3A_66 = tpu.memref_slice %arg5[%multiple_of3A_5, %dma_wait3A_65] : memref<8192x1024xf32, #tpu.memory_space<hbm>> -> memref<64x1024xf32, #tpu.memory_space<hbm>>
      %dma_wait3A_67 = arith.constant 0 : i32
      %dma_wait3A_68 = tpu.memref_slice %arg5[%multiple_of3A_5, %dma_wait3A_67] : memref<8192x1024xf32, #tpu.memory_space<hbm>> -> memref<64x1024xf32, #tpu.memory_space<hbm>>
      tpu.wait_dma2 semaphore(%run_scoped3A : memref<!tpu.dma_semaphore, #tpu.memory_space<semaphore_mem>>) src(%arg7 : memref<64x1024xf32, #tpu.memory_space<vmem>>) dst(%dma_wait3A_68 : memref<64x1024xf32, #tpu.memory_space<hbm>>)
      tpu.yield
    }) : () -> ()
    "tpu.region"() ({
      %run_scoped3A = tpu.sem_alloc : memref<!tpu.dma_semaphore, #tpu.memory_space<semaphore_mem>>
      %dma_start3A_61 = tpu.memref_slice %arg4[%multiple_of3A_5] : memref<8192xi32, #tpu.memory_space<hbm>> -> memref<64xi32, #tpu.memory_space<hbm>>
      %dma_start3A_62 = tpu.memref_slice %arg4[%multiple_of3A_5] : memref<8192xi32, #tpu.memory_space<hbm>> -> memref<64xi32, #tpu.memory_space<hbm>>
      tpu.enqueue_dma source(%dma_start3A_62 : memref<64xi32, #tpu.memory_space<hbm>>) target(%arg8 : memref<64xi32, #tpu.memory_space<vmem>>) target_semaphore(%run_scoped3A : memref<!tpu.dma_semaphore, #tpu.memory_space<semaphore_mem>>)
      %dma_wait3A_63 = tpu.memref_slice %arg4[%multiple_of3A_5] : memref<8192xi32, #tpu.memory_space<hbm>> -> memref<64xi32, #tpu.memory_space<hbm>>
      %dma_wait3A_64 = tpu.memref_slice %arg4[%multiple_of3A_5] : memref<8192xi32, #tpu.memory_space<hbm>> -> memref<64xi32, #tpu.memory_space<hbm>>
      tpu.wait_dma2 semaphore(%run_scoped3A : memref<!tpu.dma_semaphore, #tpu.memory_space<semaphore_mem>>) src(%dma_wait3A_64 : memref<64xi32, #tpu.memory_space<hbm>>) dst(%arg8 : memref<64xi32, #tpu.memory_space<vmem>>)
      tpu.yield
    }) : () -> ()
    %dma_start3A_10 = arith.constant 0 : i32
    %dma_start3A_11 = arith.constant 0 : i32
    %dma_start3A_12 = tpu.memref_slice %arg2[%dma_start3A_10, %dma_start3A_11] : memref<20480x1024xf32, #tpu.memory_space<hbm>> -> memref<20480x1024xf32, #tpu.memory_space<hbm>>
    tpu.enqueue_indirect_dma source(%dma_start3A_12 : memref<20480x1024xf32, #tpu.memory_space<hbm>>) target(%arg7 : memref<64x1024xf32, #tpu.memory_space<vmem>>) offsets(%arg8 : memref<64xi32, #tpu.memory_space<vmem>>) semaphore(%arg9 : memref<!tpu.dma_semaphore, #tpu.memory_space<semaphore_mem>>)
    %dma_wait3A_13 = arith.constant 0 : i32
    %dma_wait3A_14 = arith.constant 0 : i32
    %dma_wait3A_15 = tpu.memref_slice %arg2[%dma_wait3A_13, %dma_wait3A_14] : memref<20480x1024xf32, #tpu.memory_space<hbm>> -> memref<20480x1024xf32, #tpu.memory_space<hbm>>
    tpu.wait_indirect_dma semaphore(%arg9 : memref<!tpu.dma_semaphore, #tpu.memory_space<semaphore_mem>>) src(%dma_wait3A_15 : memref<20480x1024xf32, #tpu.memory_space<hbm>>) dst(%arg7 : memref<64x1024xf32, #tpu.memory_space<vmem>>)
    "tpu.region"() ({
      %run_scoped3A = tpu.sem_alloc : memref<!tpu.dma_semaphore, #tpu.memory_space<semaphore_mem>>
      %dma_start3A_61 = arith.constant 0 : i32
      %dma_start3A_62 = tpu.memref_slice %arg6[%multiple_of3A_5, %dma_start3A_61] : memref<8192x1024xf32, #tpu.memory_space<hbm>> -> memref<64x1024xf32, #tpu.memory_space<hbm>>
      %dma_start3A_63 = arith.constant 0 : i32
      %dma_start3A_64 = tpu.memref_slice %arg6[%multiple_of3A_5, %dma_start3A_63] : memref<8192x1024xf32, #tpu.memory_space<hbm>> -> memref<64x1024xf32, #tpu.memory_space<hbm>>
      tpu.enqueue_dma source(%arg7 : memref<64x1024xf32, #tpu.memory_space<vmem>>) target(%dma_start3A_64 : memref<64x1024xf32, #tpu.memory_space<hbm>>) target_semaphore(%run_scoped3A : memref<!tpu.dma_semaphore, #tpu.memory_space<semaphore_mem>>)
      %dma_wait3A_65 = arith.constant 0 : i32
      %dma_wait3A_66 = tpu.memref_slice %arg6[%multiple_of3A_5, %dma_wait3A_65] : memref<8192x1024xf32, #tpu.memory_space<hbm>> -> memref<64x1024xf32, #tpu.memory_space<hbm>>
      %dma_wait3A_67 = arith.constant 0 : i32
      %dma_wait3A_68 = tpu.memref_slice %arg6[%multiple_of3A_5, %dma_wait3A_67] : memref<8192x1024xf32, #tpu.memory_space<hbm>> -> memref<64x1024xf32, #tpu.memory_space<hbm>>
      tpu.wait_dma2 semaphore(%run_scoped3A : memref<!tpu.dma_semaphore, #tpu.memory_space<semaphore_mem>>) src(%arg7 : memref<64x1024xf32, #tpu.memory_space<vmem>>) dst(%dma_wait3A_68 : memref<64x1024xf32, #tpu.memory_space<hbm>>)
      tpu.yield
    }) : () -> ()
    %add3A_16 = arith.constant 64 : i32
    %add3A_17 = arith.addi %multiple_of3A, %add3A_16 : i32
    %multiple_of3A_18 = tpu.assume_multiple %add3A_17, 64 : i32
    "tpu.region"() ({
      %run_scoped3A = tpu.sem_alloc : memref<!tpu.dma_semaphore, #tpu.memory_space<semaphore_mem>>
      %dma_start3A_61 = tpu.memref_slice %arg3[%multiple_of3A_18] : memref<8192xi32, #tpu.memory_space<hbm>> -> memref<64xi32, #tpu.memory_space<hbm>>
      %dma_start3A_62 = tpu.memref_slice %arg3[%multiple_of3A_18] : memref<8192xi32, #tpu.memory_space<hbm>> -> memref<64xi32, #tpu.memory_space<hbm>>
      tpu.enqueue_dma source(%dma_start3A_62 : memref<64xi32, #tpu.memory_space<hbm>>) target(%arg8 : memref<64xi32, #tpu.memory_space<vmem>>) target_semaphore(%run_scoped3A : memref<!tpu.dma_semaphore, #tpu.memory_space<semaphore_mem>>)
      %dma_wait3A_63 = tpu.memref_slice %arg3[%multiple_of3A_18] : memref<8192xi32, #tpu.memory_space<hbm>> -> memref<64xi32, #tpu.memory_space<hbm>>
      %dma_wait3A_64 = tpu.memref_slice %arg3[%multiple_of3A_18] : memref<8192xi32, #tpu.memory_space<hbm>> -> memref<64xi32, #tpu.memory_space<hbm>>
      tpu.wait_dma2 semaphore(%run_scoped3A : memref<!tpu.dma_semaphore, #tpu.memory_space<semaphore_mem>>) src(%dma_wait3A_64 : memref<64xi32, #tpu.memory_space<hbm>>) dst(%arg8 : memref<64xi32, #tpu.memory_space<vmem>>)
      tpu.yield
    }) : () -> ()
    %dma_start3A_19 = arith.constant 0 : i32
    %dma_start3A_20 = arith.constant 0 : i32
    %dma_start3A_21 = tpu.memref_slice %arg2[%dma_start3A_19, %dma_start3A_20] : memref<20480x1024xf32, #tpu.memory_space<hbm>> -> memref<20480x1024xf32, #tpu.memory_space<hbm>>
    tpu.enqueue_indirect_dma source(%dma_start3A_21 : memref<20480x1024xf32, #tpu.memory_space<hbm>>) target(%arg7 : memref<64x1024xf32, #tpu.memory_space<vmem>>) offsets(%arg8 : memref<64xi32, #tpu.memory_space<vmem>>) semaphore(%arg9 : memref<!tpu.dma_semaphore, #tpu.memory_space<semaphore_mem>>)
    %dma_wait3A_22 = arith.constant 0 : i32
    %dma_wait3A_23 = arith.constant 0 : i32
    %dma_wait3A_24 = tpu.memref_slice %arg2[%dma_wait3A_22, %dma_wait3A_23] : memref<20480x1024xf32, #tpu.memory_space<hbm>> -> memref<20480x1024xf32, #tpu.memory_space<hbm>>
    tpu.wait_indirect_dma semaphore(%arg9 : memref<!tpu.dma_semaphore, #tpu.memory_space<semaphore_mem>>) src(%dma_wait3A_24 : memref<20480x1024xf32, #tpu.memory_space<hbm>>) dst(%arg7 : memref<64x1024xf32, #tpu.memory_space<vmem>>)
    "tpu.region"() ({
      %run_scoped3A = tpu.sem_alloc : memref<!tpu.dma_semaphore, #tpu.memory_space<semaphore_mem>>
      %dma_start3A_61 = arith.constant 0 : i32
      %dma_start3A_62 = tpu.memref_slice %arg5[%multiple_of3A_18, %dma_start3A_61] : memref<8192x1024xf32, #tpu.memory_space<hbm>> -> memref<64x1024xf32, #tpu.memory_space<hbm>>
      %dma_start3A_63 = arith.constant 0 : i32
      %dma_start3A_64 = tpu.memref_slice %arg5[%multiple_of3A_18, %dma_start3A_63] : memref<8192x1024xf32, #tpu.memory_space<hbm>> -> memref<64x1024xf32, #tpu.memory_space<hbm>>
      tpu.enqueue_dma source(%arg7 : memref<64x1024xf32, #tpu.memory_space<vmem>>) target(%dma_start3A_64 : memref<64x1024xf32, #tpu.memory_space<hbm>>) target_semaphore(%run_scoped3A : memref<!tpu.dma_semaphore, #tpu.memory_space<semaphore_mem>>)
      %dma_wait3A_65 = arith.constant 0 : i32
      %dma_wait3A_66 = tpu.memref_slice %arg5[%multiple_of3A_18, %dma_wait3A_65] : memref<8192x1024xf32, #tpu.memory_space<hbm>> -> memref<64x1024xf32, #tpu.memory_space<hbm>>
      %dma_wait3A_67 = arith.constant 0 : i32
      %dma_wait3A_68 = tpu.memref_slice %arg5[%multiple_of3A_18, %dma_wait3A_67] : memref<8192x1024xf32, #tpu.memory_space<hbm>> -> memref<64x1024xf32, #tpu.memory_space<hbm>>
      tpu.wait_dma2 semaphore(%run_scoped3A : memref<!tpu.dma_semaphore, #tpu.memory_space<semaphore_mem>>) src(%arg7 : memref<64x1024xf32, #tpu.memory_space<vmem>>) dst(%dma_wait3A_68 : memref<64x1024xf32, #tpu.memory_space<hbm>>)
      tpu.yield
    }) : () -> ()
    "tpu.region"() ({
      %run_scoped3A = tpu.sem_alloc : memref<!tpu.dma_semaphore, #tpu.memory_space<semaphore_mem>>
      %dma_start3A_61 = tpu.memref_slice %arg4[%multiple_of3A_18] : memref<8192xi32, #tpu.memory_space<hbm>> -> memref<64xi32, #tpu.memory_space<hbm>>
      %dma_start3A_62 = tpu.memref_slice %arg4[%multiple_of3A_18] : memref<8192xi32, #tpu.memory_space<hbm>> -> memref<64xi32, #tpu.memory_space<hbm>>
      tpu.enqueue_dma source(%dma_start3A_62 : memref<64xi32, #tpu.memory_space<hbm>>) target(%arg8 : memref<64xi32, #tpu.memory_space<vmem>>) target_semaphore(%run_scoped3A : memref<!tpu.dma_semaphore, #tpu.memory_space<semaphore_mem>>)
      %dma_wait3A_63 = tpu.memref_slice %arg4[%multiple_of3A_18] : memref<8192xi32, #tpu.memory_space<hbm>> -> memref<64xi32, #tpu.memory_space<hbm>>
      %dma_wait3A_64 = tpu.memref_slice %arg4[%multiple_of3A_18] : memref<8192xi32, #tpu.memory_space<hbm>> -> memref<64xi32, #tpu.memory_space<hbm>>
      tpu.wait_dma2 semaphore(%run_scoped3A : memref<!tpu.dma_semaphore, #tpu.memory_space<semaphore_mem>>) src(%dma_wait3A_64 : memref<64xi32, #tpu.memory_space<hbm>>) dst(%arg8 : memref<64xi32, #tpu.memory_space<vmem>>)
      tpu.yield
    }) : () -> ()
    %dma_start3A_25 = arith.constant 0 : i32
    %dma_start3A_26 = arith.constant 0 : i32
    %dma_start3A_27 = tpu.memref_slice %arg2[%dma_start3A_25, %dma_start3A_26] : memref<20480x1024xf32, #tpu.memory_space<hbm>> -> memref<20480x1024xf32, #tpu.memory_space<hbm>>
    tpu.enqueue_indirect_dma source(%dma_start3A_27 : memref<20480x1024xf32, #tpu.memory_space<hbm>>) target(%arg7 : memref<64x1024xf32, #tpu.memory_space<vmem>>) offsets(%arg8 : memref<64xi32, #tpu.memory_space<vmem>>) semaphore(%arg9 : memref<!tpu.dma_semaphore, #tpu.memory_space<semaphore_mem>>)
    %dma_wait3A_28 = arith.constant 0 : i32
    %dma_wait3A_29 = arith.constant 0 : i32
    %dma_wait3A_30 = tpu.memref_slice %arg2[%dma_wait3A_28, %dma_wait3A_29] : memref<20480x1024xf32, #tpu.memory_space<hbm>> -> memref<20480x1024xf32, #tpu.memory_space<hbm>>
    tpu.wait_indirect_dma semaphore(%arg9 : memref<!tpu.dma_semaphore, #tpu.memory_space<semaphore_mem>>) src(%dma_wait3A_30 : memref<20480x1024xf32, #tpu.memory_space<hbm>>) dst(%arg7 : memref<64x1024xf32, #tpu.memory_space<vmem>>)
    "tpu.region"() ({
      %run_scoped3A = tpu.sem_alloc : memref<!tpu.dma_semaphore, #tpu.memory_space<semaphore_mem>>
      %dma_start3A_61 = arith.constant 0 : i32
      %dma_start3A_62 = tpu.memref_slice %arg6[%multiple_of3A_18, %dma_start3A_61] : memref<8192x1024xf32, #tpu.memory_space<hbm>> -> memref<64x1024xf32, #tpu.memory_space<hbm>>
      %dma_start3A_63 = arith.constant 0 : i32
      %dma_start3A_64 = tpu.memref_slice %arg6[%multiple_of3A_18, %dma_start3A_63] : memref<8192x1024xf32, #tpu.memory_space<hbm>> -> memref<64x1024xf32, #tpu.memory_space<hbm>>
      tpu.enqueue_dma source(%arg7 : memref<64x1024xf32, #tpu.memory_space<vmem>>) target(%dma_start3A_64 : memref<64x1024xf32, #tpu.memory_space<hbm>>) target_semaphore(%run_scoped3A : memref<!tpu.dma_semaphore, #tpu.memory_space<semaphore_mem>>)
      %dma_wait3A_65 = arith.constant 0 : i32
      %dma_wait3A_66 = tpu.memref_slice %arg6[%multiple_of3A_18, %dma_wait3A_65] : memref<8192x1024xf32, #tpu.memory_space<hbm>> -> memref<64x1024xf32, #tpu.memory_space<hbm>>
      %dma_wait3A_67 = arith.constant 0 : i32
      %dma_wait3A_68 = tpu.memref_slice %arg6[%multiple_of3A_18, %dma_wait3A_67] : memref<8192x1024xf32, #tpu.memory_space<hbm>> -> memref<64x1024xf32, #tpu.memory_space<hbm>>
      tpu.wait_dma2 semaphore(%run_scoped3A : memref<!tpu.dma_semaphore, #tpu.memory_space<semaphore_mem>>) src(%arg7 : memref<64x1024xf32, #tpu.memory_space<vmem>>) dst(%dma_wait3A_68 : memref<64x1024xf32, #tpu.memory_space<hbm>>)
      tpu.yield
    }) : () -> ()
    %add3A_31 = arith.constant 128 : i32
    %add3A_32 = arith.addi %multiple_of3A, %add3A_31 : i32
    %multiple_of3A_33 = tpu.assume_multiple %add3A_32, 64 : i32
    "tpu.region"() ({
      %run_scoped3A = tpu.sem_alloc : memref<!tpu.dma_semaphore, #tpu.memory_space<semaphore_mem>>
      %dma_start3A_61 = tpu.memref_slice %arg3[%multiple_of3A_33] : memref<8192xi32, #tpu.memory_space<hbm>> -> memref<64xi32, #tpu.memory_space<hbm>>
      %dma_start3A_62 = tpu.memref_slice %arg3[%multiple_of3A_33] : memref<8192xi32, #tpu.memory_space<hbm>> -> memref<64xi32, #tpu.memory_space<hbm>>
      tpu.enqueue_dma source(%dma_start3A_62 : memref<64xi32, #tpu.memory_space<hbm>>) target(%arg8 : memref<64xi32, #tpu.memory_space<vmem>>) target_semaphore(%run_scoped3A : memref<!tpu.dma_semaphore, #tpu.memory_space<semaphore_mem>>)
      %dma_wait3A_63 = tpu.memref_slice %arg3[%multiple_of3A_33] : memref<8192xi32, #tpu.memory_space<hbm>> -> memref<64xi32, #tpu.memory_space<hbm>>
      %dma_wait3A_64 = tpu.memref_slice %arg3[%multiple_of3A_33] : memref<8192xi32, #tpu.memory_space<hbm>> -> memref<64xi32, #tpu.memory_space<hbm>>
      tpu.wait_dma2 semaphore(%run_scoped3A : memref<!tpu.dma_semaphore, #tpu.memory_space<semaphore_mem>>) src(%dma_wait3A_64 : memref<64xi32, #tpu.memory_space<hbm>>) dst(%arg8 : memref<64xi32, #tpu.memory_space<vmem>>)
      tpu.yield
    }) : () -> ()
    %dma_start3A_34 = arith.constant 0 : i32
    %dma_start3A_35 = arith.constant 0 : i32
    %dma_start3A_36 = tpu.memref_slice %arg2[%dma_start3A_34, %dma_start3A_35] : memref<20480x1024xf32, #tpu.memory_space<hbm>> -> memref<20480x1024xf32, #tpu.memory_space<hbm>>
    tpu.enqueue_indirect_dma source(%dma_start3A_36 : memref<20480x1024xf32, #tpu.memory_space<hbm>>) target(%arg7 : memref<64x1024xf32, #tpu.memory_space<vmem>>) offsets(%arg8 : memref<64xi32, #tpu.memory_space<vmem>>) semaphore(%arg9 : memref<!tpu.dma_semaphore, #tpu.memory_space<semaphore_mem>>)
    %dma_wait3A_37 = arith.constant 0 : i32
    %dma_wait3A_38 = arith.constant 0 : i32
    %dma_wait3A_39 = tpu.memref_slice %arg2[%dma_wait3A_37, %dma_wait3A_38] : memref<20480x1024xf32, #tpu.memory_space<hbm>> -> memref<20480x1024xf32, #tpu.memory_space<hbm>>
    tpu.wait_indirect_dma semaphore(%arg9 : memref<!tpu.dma_semaphore, #tpu.memory_space<semaphore_mem>>) src(%dma_wait3A_39 : memref<20480x1024xf32, #tpu.memory_space<hbm>>) dst(%arg7 : memref<64x1024xf32, #tpu.memory_space<vmem>>)
    "tpu.region"() ({
      %run_scoped3A = tpu.sem_alloc : memref<!tpu.dma_semaphore, #tpu.memory_space<semaphore_mem>>
      %dma_start3A_61 = arith.constant 0 : i32
      %dma_start3A_62 = tpu.memref_slice %arg5[%multiple_of3A_33, %dma_start3A_61] : memref<8192x1024xf32, #tpu.memory_space<hbm>> -> memref<64x1024xf32, #tpu.memory_space<hbm>>
      %dma_start3A_63 = arith.constant 0 : i32
      %dma_start3A_64 = tpu.memref_slice %arg5[%multiple_of3A_33, %dma_start3A_63] : memref<8192x1024xf32, #tpu.memory_space<hbm>> -> memref<64x1024xf32, #tpu.memory_space<hbm>>
      tpu.enqueue_dma source(%arg7 : memref<64x1024xf32, #tpu.memory_space<vmem>>) target(%dma_start3A_64 : memref<64x1024xf32, #tpu.memory_space<hbm>>) target_semaphore(%run_scoped3A : memref<!tpu.dma_semaphore, #tpu.memory_space<semaphore_mem>>)
      %dma_wait3A_65 = arith.constant 0 : i32
      %dma_wait3A_66 = tpu.memref_slice %arg5[%multiple_of3A_33, %dma_wait3A_65] : memref<8192x1024xf32, #tpu.memory_space<hbm>> -> memref<64x1024xf32, #tpu.memory_space<hbm>>
      %dma_wait3A_67 = arith.constant 0 : i32
      %dma_wait3A_68 = tpu.memref_slice %arg5[%multiple_of3A_33, %dma_wait3A_67] : memref<8192x1024xf32, #tpu.memory_space<hbm>> -> memref<64x1024xf32, #tpu.memory_space<hbm>>
      tpu.wait_dma2 semaphore(%run_scoped3A : memref<!tpu.dma_semaphore, #tpu.memory_space<semaphore_mem>>) src(%arg7 : memref<64x1024xf32, #tpu.memory_space<vmem>>) dst(%dma_wait3A_68 : memref<64x1024xf32, #tpu.memory_space<hbm>>)
      tpu.yield
    }) : () -> ()
    "tpu.region"() ({
      %run_scoped3A = tpu.sem_alloc : memref<!tpu.dma_semaphore, #tpu.memory_space<semaphore_mem>>
      %dma_start3A_61 = tpu.memref_slice %arg4[%multiple_of3A_33] : memref<8192xi32, #tpu.memory_space<hbm>> -> memref<64xi32, #tpu.memory_space<hbm>>
      %dma_start3A_62 = tpu.memref_slice %arg4[%multiple_of3A_33] : memref<8192xi32, #tpu.memory_space<hbm>> -> memref<64xi32, #tpu.memory_space<hbm>>
      tpu.enqueue_dma source(%dma_start3A_62 : memref<64xi32, #tpu.memory_space<hbm>>) target(%arg8 : memref<64xi32, #tpu.memory_space<vmem>>) target_semaphore(%run_scoped3A : memref<!tpu.dma_semaphore, #tpu.memory_space<semaphore_mem>>)
      %dma_wait3A_63 = tpu.memref_slice %arg4[%multiple_of3A_33] : memref<8192xi32, #tpu.memory_space<hbm>> -> memref<64xi32, #tpu.memory_space<hbm>>
      %dma_wait3A_64 = tpu.memref_slice %arg4[%multiple_of3A_33] : memref<8192xi32, #tpu.memory_space<hbm>> -> memref<64xi32, #tpu.memory_space<hbm>>
      tpu.wait_dma2 semaphore(%run_scoped3A : memref<!tpu.dma_semaphore, #tpu.memory_space<semaphore_mem>>) src(%dma_wait3A_64 : memref<64xi32, #tpu.memory_space<hbm>>) dst(%arg8 : memref<64xi32, #tpu.memory_space<vmem>>)
      tpu.yield
    }) : () -> ()
    %dma_start3A_40 = arith.constant 0 : i32
    %dma_start3A_41 = arith.constant 0 : i32
    %dma_start3A_42 = tpu.memref_slice %arg2[%dma_start3A_40, %dma_start3A_41] : memref<20480x1024xf32, #tpu.memory_space<hbm>> -> memref<20480x1024xf32, #tpu.memory_space<hbm>>
    tpu.enqueue_indirect_dma source(%dma_start3A_42 : memref<20480x1024xf32, #tpu.memory_space<hbm>>) target(%arg7 : memref<64x1024xf32, #tpu.memory_space<vmem>>) offsets(%arg8 : memref<64xi32, #tpu.memory_space<vmem>>) semaphore(%arg9 : memref<!tpu.dma_semaphore, #tpu.memory_space<semaphore_mem>>)
    %dma_wait3A_43 = arith.constant 0 : i32
    %dma_wait3A_44 = arith.constant 0 : i32
    %dma_wait3A_45 = tpu.memref_slice %arg2[%dma_wait3A_43, %dma_wait3A_44] : memref<20480x1024xf32, #tpu.memory_space<hbm>> -> memref<20480x1024xf32, #tpu.memory_space<hbm>>
    tpu.wait_indirect_dma semaphore(%arg9 : memref<!tpu.dma_semaphore, #tpu.memory_space<semaphore_mem>>) src(%dma_wait3A_45 : memref<20480x1024xf32, #tpu.memory_space<hbm>>) dst(%arg7 : memref<64x1024xf32, #tpu.memory_space<vmem>>)
    "tpu.region"() ({
      %run_scoped3A = tpu.sem_alloc : memref<!tpu.dma_semaphore, #tpu.memory_space<semaphore_mem>>
      %dma_start3A_61 = arith.constant 0 : i32
      %dma_start3A_62 = tpu.memref_slice %arg6[%multiple_of3A_33, %dma_start3A_61] : memref<8192x1024xf32, #tpu.memory_space<hbm>> -> memref<64x1024xf32, #tpu.memory_space<hbm>>
      %dma_start3A_63 = arith.constant 0 : i32
      %dma_start3A_64 = tpu.memref_slice %arg6[%multiple_of3A_33, %dma_start3A_63] : memref<8192x1024xf32, #tpu.memory_space<hbm>> -> memref<64x1024xf32, #tpu.memory_space<hbm>>
      tpu.enqueue_dma source(%arg7 : memref<64x1024xf32, #tpu.memory_space<vmem>>) target(%dma_start3A_64 : memref<64x1024xf32, #tpu.memory_space<hbm>>) target_semaphore(%run_scoped3A : memref<!tpu.dma_semaphore, #tpu.memory_space<semaphore_mem>>)
      %dma_wait3A_65 = arith.constant 0 : i32
      %dma_wait3A_66 = tpu.memref_slice %arg6[%multiple_of3A_33, %dma_wait3A_65] : memref<8192x1024xf32, #tpu.memory_space<hbm>> -> memref<64x1024xf32, #tpu.memory_space<hbm>>
      %dma_wait3A_67 = arith.constant 0 : i32
      %dma_wait3A_68 = tpu.memref_slice %arg6[%multiple_of3A_33, %dma_wait3A_67] : memref<8192x1024xf32, #tpu.memory_space<hbm>> -> memref<64x1024xf32, #tpu.memory_space<hbm>>
      tpu.wait_dma2 semaphore(%run_scoped3A : memref<!tpu.dma_semaphore, #tpu.memory_space<semaphore_mem>>) src(%arg7 : memref<64x1024xf32, #tpu.memory_space<vmem>>) dst(%dma_wait3A_68 : memref<64x1024xf32, #tpu.memory_space<hbm>>)
      tpu.yield
    }) : () -> ()
    %add3A_46 = arith.constant 192 : i32
    %add3A_47 = arith.addi %multiple_of3A, %add3A_46 : i32
    %multiple_of3A_48 = tpu.assume_multiple %add3A_47, 64 : i32
    "tpu.region"() ({
      %run_scoped3A = tpu.sem_alloc : memref<!tpu.dma_semaphore, #tpu.memory_space<semaphore_mem>>
      %dma_start3A_61 = tpu.memref_slice %arg3[%multiple_of3A_48] : memref<8192xi32, #tpu.memory_space<hbm>> -> memref<64xi32, #tpu.memory_space<hbm>>
      %dma_start3A_62 = tpu.memref_slice %arg3[%multiple_of3A_48] : memref<8192xi32, #tpu.memory_space<hbm>> -> memref<64xi32, #tpu.memory_space<hbm>>
      tpu.enqueue_dma source(%dma_start3A_62 : memref<64xi32, #tpu.memory_space<hbm>>) target(%arg8 : memref<64xi32, #tpu.memory_space<vmem>>) target_semaphore(%run_scoped3A : memref<!tpu.dma_semaphore, #tpu.memory_space<semaphore_mem>>)
      %dma_wait3A_63 = tpu.memref_slice %arg3[%multiple_of3A_48] : memref<8192xi32, #tpu.memory_space<hbm>> -> memref<64xi32, #tpu.memory_space<hbm>>
      %dma_wait3A_64 = tpu.memref_slice %arg3[%multiple_of3A_48] : memref<8192xi32, #tpu.memory_space<hbm>> -> memref<64xi32, #tpu.memory_space<hbm>>
      tpu.wait_dma2 semaphore(%run_scoped3A : memref<!tpu.dma_semaphore, #tpu.memory_space<semaphore_mem>>) src(%dma_wait3A_64 : memref<64xi32, #tpu.memory_space<hbm>>) dst(%arg8 : memref<64xi32, #tpu.memory_space<vmem>>)
      tpu.yield
    }) : () -> ()
    %dma_start3A_49 = arith.constant 0 : i32
    %dma_start3A_50 = arith.constant 0 : i32
    %dma_start3A_51 = tpu.memref_slice %arg2[%dma_start3A_49, %dma_start3A_50] : memref<20480x1024xf32, #tpu.memory_space<hbm>> -> memref<20480x1024xf32, #tpu.memory_space<hbm>>
    tpu.enqueue_indirect_dma source(%dma_start3A_51 : memref<20480x1024xf32, #tpu.memory_space<hbm>>) target(%arg7 : memref<64x1024xf32, #tpu.memory_space<vmem>>) offsets(%arg8 : memref<64xi32, #tpu.memory_space<vmem>>) semaphore(%arg9 : memref<!tpu.dma_semaphore, #tpu.memory_space<semaphore_mem>>)
    %dma_wait3A_52 = arith.constant 0 : i32
    %dma_wait3A_53 = arith.constant 0 : i32
    %dma_wait3A_54 = tpu.memref_slice %arg2[%dma_wait3A_52, %dma_wait3A_53] : memref<20480x1024xf32, #tpu.memory_space<hbm>> -> memref<20480x1024xf32, #tpu.memory_space<hbm>>
    tpu.wait_indirect_dma semaphore(%arg9 : memref<!tpu.dma_semaphore, #tpu.memory_space<semaphore_mem>>) src(%dma_wait3A_54 : memref<20480x1024xf32, #tpu.memory_space<hbm>>) dst(%arg7 : memref<64x1024xf32, #tpu.memory_space<vmem>>)
    "tpu.region"() ({
      %run_scoped3A = tpu.sem_alloc : memref<!tpu.dma_semaphore, #tpu.memory_space<semaphore_mem>>
      %dma_start3A_61 = arith.constant 0 : i32
      %dma_start3A_62 = tpu.memref_slice %arg5[%multiple_of3A_48, %dma_start3A_61] : memref<8192x1024xf32, #tpu.memory_space<hbm>> -> memref<64x1024xf32, #tpu.memory_space<hbm>>
      %dma_start3A_63 = arith.constant 0 : i32
      %dma_start3A_64 = tpu.memref_slice %arg5[%multiple_of3A_48, %dma_start3A_63] : memref<8192x1024xf32, #tpu.memory_space<hbm>> -> memref<64x1024xf32, #tpu.memory_space<hbm>>
      tpu.enqueue_dma source(%arg7 : memref<64x1024xf32, #tpu.memory_space<vmem>>) target(%dma_start3A_64 : memref<64x1024xf32, #tpu.memory_space<hbm>>) target_semaphore(%run_scoped3A : memref<!tpu.dma_semaphore, #tpu.memory_space<semaphore_mem>>)
      %dma_wait3A_65 = arith.constant 0 : i32
      %dma_wait3A_66 = tpu.memref_slice %arg5[%multiple_of3A_48, %dma_wait3A_65] : memref<8192x1024xf32, #tpu.memory_space<hbm>> -> memref<64x1024xf32, #tpu.memory_space<hbm>>
      %dma_wait3A_67 = arith.constant 0 : i32
      %dma_wait3A_68 = tpu.memref_slice %arg5[%multiple_of3A_48, %dma_wait3A_67] : memref<8192x1024xf32, #tpu.memory_space<hbm>> -> memref<64x1024xf32, #tpu.memory_space<hbm>>
      tpu.wait_dma2 semaphore(%run_scoped3A : memref<!tpu.dma_semaphore, #tpu.memory_space<semaphore_mem>>) src(%arg7 : memref<64x1024xf32, #tpu.memory_space<vmem>>) dst(%dma_wait3A_68 : memref<64x1024xf32, #tpu.memory_space<hbm>>)
      tpu.yield
    }) : () -> ()
    "tpu.region"() ({
      %run_scoped3A = tpu.sem_alloc : memref<!tpu.dma_semaphore, #tpu.memory_space<semaphore_mem>>
      %dma_start3A_61 = tpu.memref_slice %arg4[%multiple_of3A_48] : memref<8192xi32, #tpu.memory_space<hbm>> -> memref<64xi32, #tpu.memory_space<hbm>>
      %dma_start3A_62 = tpu.memref_slice %arg4[%multiple_of3A_48] : memref<8192xi32, #tpu.memory_space<hbm>> -> memref<64xi32, #tpu.memory_space<hbm>>
      tpu.enqueue_dma source(%dma_start3A_62 : memref<64xi32, #tpu.memory_space<hbm>>) target(%arg8 : memref<64xi32, #tpu.memory_space<vmem>>) target_semaphore(%run_scoped3A : memref<!tpu.dma_semaphore, #tpu.memory_space<semaphore_mem>>)
      %dma_wait3A_63 = tpu.memref_slice %arg4[%multiple_of3A_48] : memref<8192xi32, #tpu.memory_space<hbm>> -> memref<64xi32, #tpu.memory_space<hbm>>
      %dma_wait3A_64 = tpu.memref_slice %arg4[%multiple_of3A_48] : memref<8192xi32, #tpu.memory_space<hbm>> -> memref<64xi32, #tpu.memory_space<hbm>>
      tpu.wait_dma2 semaphore(%run_scoped3A : memref<!tpu.dma_semaphore, #tpu.memory_space<semaphore_mem>>) src(%dma_wait3A_64 : memref<64xi32, #tpu.memory_space<hbm>>) dst(%arg8 : memref<64xi32, #tpu.memory_space<vmem>>)
      tpu.yield
    }) : () -> ()
    %dma_start3A_55 = arith.constant 0 : i32
    %dma_start3A_56 = arith.constant 0 : i32
    %dma_start3A_57 = tpu.memref_slice %arg2[%dma_start3A_55, %dma_start3A_56] : memref<20480x1024xf32, #tpu.memory_space<hbm>> -> memref<20480x1024xf32, #tpu.memory_space<hbm>>
    tpu.enqueue_indirect_dma source(%dma_start3A_57 : memref<20480x1024xf32, #tpu.memory_space<hbm>>) target(%arg7 : memref<64x1024xf32, #tpu.memory_space<vmem>>) offsets(%arg8 : memref<64xi32, #tpu.memory_space<vmem>>) semaphore(%arg9 : memref<!tpu.dma_semaphore, #tpu.memory_space<semaphore_mem>>)
    %dma_wait3A_58 = arith.constant 0 : i32
    %dma_wait3A_59 = arith.constant 0 : i32
    %dma_wait3A_60 = tpu.memref_slice %arg2[%dma_wait3A_58, %dma_wait3A_59] : memref<20480x1024xf32, #tpu.memory_space<hbm>> -> memref<20480x1024xf32, #tpu.memory_space<hbm>>
    tpu.wait_indirect_dma semaphore(%arg9 : memref<!tpu.dma_semaphore, #tpu.memory_space<semaphore_mem>>) src(%dma_wait3A_60 : memref<20480x1024xf32, #tpu.memory_space<hbm>>) dst(%arg7 : memref<64x1024xf32, #tpu.memory_space<vmem>>)
    "tpu.region"() ({
      %run_scoped3A = tpu.sem_alloc : memref<!tpu.dma_semaphore, #tpu.memory_space<semaphore_mem>>
      %dma_start3A_61 = arith.constant 0 : i32
      %dma_start3A_62 = tpu.memref_slice %arg6[%multiple_of3A_48, %dma_start3A_61] : memref<8192x1024xf32, #tpu.memory_space<hbm>> -> memref<64x1024xf32, #tpu.memory_space<hbm>>
      %dma_start3A_63 = arith.constant 0 : i32
      %dma_start3A_64 = tpu.memref_slice %arg6[%multiple_of3A_48, %dma_start3A_63] : memref<8192x1024xf32, #tpu.memory_space<hbm>> -> memref<64x1024xf32, #tpu.memory_space<hbm>>
      tpu.enqueue_dma source(%arg7 : memref<64x1024xf32, #tpu.memory_space<vmem>>) target(%dma_start3A_64 : memref<64x1024xf32, #tpu.memory_space<hbm>>) target_semaphore(%run_scoped3A : memref<!tpu.dma_semaphore, #tpu.memory_space<semaphore_mem>>)
      %dma_wait3A_65 = arith.constant 0 : i32
      %dma_wait3A_66 = tpu.memref_slice %arg6[%multiple_of3A_48, %dma_wait3A_65] : memref<8192x1024xf32, #tpu.memory_space<hbm>> -> memref<64x1024xf32, #tpu.memory_space<hbm>>
      %dma_wait3A_67 = arith.constant 0 : i32
      %dma_wait3A_68 = tpu.memref_slice %arg6[%multiple_of3A_48, %dma_wait3A_67] : memref<8192x1024xf32, #tpu.memory_space<hbm>> -> memref<64x1024xf32, #tpu.memory_space<hbm>>
      tpu.wait_dma2 semaphore(%run_scoped3A : memref<!tpu.dma_semaphore, #tpu.memory_space<semaphore_mem>>) src(%arg7 : memref<64x1024xf32, #tpu.memory_space<vmem>>) dst(%dma_wait3A_68 : memref<64x1024xf32, #tpu.memory_space<hbm>>)
      tpu.yield
    }) : () -> ()
    return
  }
}

module attributes {stable_mosaic.version = 14 : i64} {
  func.func @_gate_block(%arg0: i32, %arg1: memref<1024x1024xf32, #tpu.memory_space<vmem>>, %arg2: memref<1024x8xf32, #tpu.memory_space<vmem>>, %arg3: memref<8xf32, #tpu.memory_space<vmem>>, %arg4: memref<1024x1xi32, #tpu.memory_space<vmem>>, %arg5: memref<1024x1xi32, #tpu.memory_space<vmem>>, %arg6: memref<1024x1xf32, #tpu.memory_space<vmem>>, %arg7: memref<1024x1xf32, #tpu.memory_space<vmem>>) attributes {dimension_semantics = [#tpu.dimension_semantics<arbitrary>], iteration_bounds = array<i64: 8>, scalar_prefetch = 0 : i64, scratch_operands = 0 : i64, tpu.core_type = #tpu.core_type<tc>, window_params = [{transform_indices = @transform_0, window_bounds = array<i64: 1024, 1024>}, {pipeline_mode = #tpu.pipeline_mode<synchronous>, transform_indices = @transform_1, window_bounds = array<i64: 1024, 8>}, {pipeline_mode = #tpu.pipeline_mode<synchronous>, transform_indices = @transform_2, window_bounds = array<i64: 8>}, {transform_indices = @transform_3, window_bounds = array<i64: 1024, 1>}, {transform_indices = @transform_4, window_bounds = array<i64: 1024, 1>}, {transform_indices = @transform_5, window_bounds = array<i64: 1024, 1>}, {transform_indices = @transform_6, window_bounds = array<i64: 1024, 1>}]} {
    %get3A = arith.constant 0 : index
    %get3A_0 = arith.constant 0 : index
    %get3A_1 = vector.load %arg1[%get3A, %get3A_0] : memref<1024x1024xf32, #tpu.memory_space<vmem>>, vector<1024x1024xf32>
    %convert_element_type3A = arith.truncf %get3A_1 : vector<1024x1024xf32> to vector<1024x1024xbf16>
    %get3A_2 = arith.constant 0 : index
    %get3A_3 = arith.constant 0 : index
    %get3A_4 = vector.load %arg2[%get3A_2, %get3A_3] : memref<1024x8xf32, #tpu.memory_space<vmem>>, vector<1024x8xf32>
    %convert_element_type3A_5 = arith.truncf %get3A_4 : vector<1024x8xf32> to vector<1024x8xbf16>
    %dot_general3A = arith.constant dense<0.000000e+00> : vector<1024x8xf32>
    %dot_general3A_6 = tpu.matmul %convert_element_type3A, %convert_element_type3A_5, %dot_general3A {dimension_numbers = #tpu.dot_dimension_numbers<[1], [0], [0], [1], [0, 0, 1, 1], [], []>, transpose_lhs_hint = false} : vector<1024x1024xbf16>, vector<1024x8xbf16>, vector<1024x8xf32> -> vector<1024x8xf32>
    %get3A_7 = arith.constant 0 : index
    %get3A_8 = vector.load %arg3[%get3A_7] : memref<8xf32, #tpu.memory_space<vmem>>, vector<8xf32>
    %broadcast_in_dim3A = vector.shape_cast %get3A_8 : vector<8xf32> to vector<1x8xf32>
    %add3A = vector.broadcast %broadcast_in_dim3A : vector<1x8xf32> to vector<1024x8xf32>
    %add3A_9 = arith.addf %dot_general3A_6, %add3A : vector<1024x8xf32>
    %iota3A = tpu.iota {dimensions = array<i32: 1>} : vector<1024x8xi32>
    %broadcast_in_dim3A_10 = arith.constant 0 : i32
    %broadcast_in_dim3A_11 = vector.broadcast %broadcast_in_dim3A_10 : i32 to vector<1024x8xi32>
    %slice3A = vector.extract_strided_slice %add3A_9 {offsets = [0, 0], sizes = [1024, 1], strides = [1, 1]} : vector<1024x8xf32> to vector<1024x1xf32>
    %gt3A = vector.broadcast %slice3A : vector<1024x1xf32> to vector<1024x8xf32>
    %gt3A_12 = arith.cmpf ogt, %gt3A, %add3A_9 : vector<1024x8xf32>
    %eq3A = vector.broadcast %slice3A : vector<1024x1xf32> to vector<1024x8xf32>
    %eq3A_13 = arith.cmpf oeq, %eq3A, %add3A_9 : vector<1024x8xf32>
    %gt3A_14 = arith.constant 0 : i32
    %gt3A_15 = vector.broadcast %gt3A_14 : i32 to vector<1024x8xi32>
    %gt3A_16 = arith.cmpi sgt, %iota3A, %gt3A_15 : vector<1024x8xi32>
    %and3A = arith.andi %eq3A_13, %gt3A_16 : vector<1024x8xi1>
    %or3A = arith.ori %gt3A_12, %and3A : vector<1024x8xi1>
    %convert_element_type3A_17 = arith.extui %or3A : vector<1024x8xi1> to vector<1024x8xi32>
    %add3A_18 = arith.addi %broadcast_in_dim3A_11, %convert_element_type3A_17 : vector<1024x8xi32>
    %slice3A_19 = vector.extract_strided_slice %add3A_9 {offsets = [0, 1], sizes = [1024, 1], strides = [1, 1]} : vector<1024x8xf32> to vector<1024x1xf32>
    %gt3A_20 = vector.broadcast %slice3A_19 : vector<1024x1xf32> to vector<1024x8xf32>
    %gt3A_21 = arith.cmpf ogt, %gt3A_20, %add3A_9 : vector<1024x8xf32>
    %eq3A_22 = vector.broadcast %slice3A_19 : vector<1024x1xf32> to vector<1024x8xf32>
    %eq3A_23 = arith.cmpf oeq, %eq3A_22, %add3A_9 : vector<1024x8xf32>
    %gt3A_24 = arith.constant 1 : i32
    %gt3A_25 = vector.broadcast %gt3A_24 : i32 to vector<1024x8xi32>
    %gt3A_26 = arith.cmpi sgt, %iota3A, %gt3A_25 : vector<1024x8xi32>
    %and3A_27 = arith.andi %eq3A_23, %gt3A_26 : vector<1024x8xi1>
    %or3A_28 = arith.ori %gt3A_21, %and3A_27 : vector<1024x8xi1>
    %convert_element_type3A_29 = arith.extui %or3A_28 : vector<1024x8xi1> to vector<1024x8xi32>
    %add3A_30 = arith.addi %add3A_18, %convert_element_type3A_29 : vector<1024x8xi32>
    %slice3A_31 = vector.extract_strided_slice %add3A_9 {offsets = [0, 2], sizes = [1024, 1], strides = [1, 1]} : vector<1024x8xf32> to vector<1024x1xf32>
    %gt3A_32 = vector.broadcast %slice3A_31 : vector<1024x1xf32> to vector<1024x8xf32>
    %gt3A_33 = arith.cmpf ogt, %gt3A_32, %add3A_9 : vector<1024x8xf32>
    %eq3A_34 = vector.broadcast %slice3A_31 : vector<1024x1xf32> to vector<1024x8xf32>
    %eq3A_35 = arith.cmpf oeq, %eq3A_34, %add3A_9 : vector<1024x8xf32>
    %gt3A_36 = arith.constant 2 : i32
    %gt3A_37 = vector.broadcast %gt3A_36 : i32 to vector<1024x8xi32>
    %gt3A_38 = arith.cmpi sgt, %iota3A, %gt3A_37 : vector<1024x8xi32>
    %and3A_39 = arith.andi %eq3A_35, %gt3A_38 : vector<1024x8xi1>
    %or3A_40 = arith.ori %gt3A_33, %and3A_39 : vector<1024x8xi1>
    %convert_element_type3A_41 = arith.extui %or3A_40 : vector<1024x8xi1> to vector<1024x8xi32>
    %add3A_42 = arith.addi %add3A_30, %convert_element_type3A_41 : vector<1024x8xi32>
    %slice3A_43 = vector.extract_strided_slice %add3A_9 {offsets = [0, 3], sizes = [1024, 1], strides = [1, 1]} : vector<1024x8xf32> to vector<1024x1xf32>
    %gt3A_44 = vector.broadcast %slice3A_43 : vector<1024x1xf32> to vector<1024x8xf32>
    %gt3A_45 = arith.cmpf ogt, %gt3A_44, %add3A_9 : vector<1024x8xf32>
    %eq3A_46 = vector.broadcast %slice3A_43 : vector<1024x1xf32> to vector<1024x8xf32>
    %eq3A_47 = arith.cmpf oeq, %eq3A_46, %add3A_9 : vector<1024x8xf32>
    %gt3A_48 = arith.constant 3 : i32
    %gt3A_49 = vector.broadcast %gt3A_48 : i32 to vector<1024x8xi32>
    %gt3A_50 = arith.cmpi sgt, %iota3A, %gt3A_49 : vector<1024x8xi32>
    %and3A_51 = arith.andi %eq3A_47, %gt3A_50 : vector<1024x8xi1>
    %or3A_52 = arith.ori %gt3A_45, %and3A_51 : vector<1024x8xi1>
    %convert_element_type3A_53 = arith.extui %or3A_52 : vector<1024x8xi1> to vector<1024x8xi32>
    %add3A_54 = arith.addi %add3A_42, %convert_element_type3A_53 : vector<1024x8xi32>
    %slice3A_55 = vector.extract_strided_slice %add3A_9 {offsets = [0, 4], sizes = [1024, 1], strides = [1, 1]} : vector<1024x8xf32> to vector<1024x1xf32>
    %gt3A_56 = vector.broadcast %slice3A_55 : vector<1024x1xf32> to vector<1024x8xf32>
    %gt3A_57 = arith.cmpf ogt, %gt3A_56, %add3A_9 : vector<1024x8xf32>
    %eq3A_58 = vector.broadcast %slice3A_55 : vector<1024x1xf32> to vector<1024x8xf32>
    %eq3A_59 = arith.cmpf oeq, %eq3A_58, %add3A_9 : vector<1024x8xf32>
    %gt3A_60 = arith.constant 4 : i32
    %gt3A_61 = vector.broadcast %gt3A_60 : i32 to vector<1024x8xi32>
    %gt3A_62 = arith.cmpi sgt, %iota3A, %gt3A_61 : vector<1024x8xi32>
    %and3A_63 = arith.andi %eq3A_59, %gt3A_62 : vector<1024x8xi1>
    %or3A_64 = arith.ori %gt3A_57, %and3A_63 : vector<1024x8xi1>
    %convert_element_type3A_65 = arith.extui %or3A_64 : vector<1024x8xi1> to vector<1024x8xi32>
    %add3A_66 = arith.addi %add3A_54, %convert_element_type3A_65 : vector<1024x8xi32>
    %slice3A_67 = vector.extract_strided_slice %add3A_9 {offsets = [0, 5], sizes = [1024, 1], strides = [1, 1]} : vector<1024x8xf32> to vector<1024x1xf32>
    %gt3A_68 = vector.broadcast %slice3A_67 : vector<1024x1xf32> to vector<1024x8xf32>
    %gt3A_69 = arith.cmpf ogt, %gt3A_68, %add3A_9 : vector<1024x8xf32>
    %eq3A_70 = vector.broadcast %slice3A_67 : vector<1024x1xf32> to vector<1024x8xf32>
    %eq3A_71 = arith.cmpf oeq, %eq3A_70, %add3A_9 : vector<1024x8xf32>
    %gt3A_72 = arith.constant 5 : i32
    %gt3A_73 = vector.broadcast %gt3A_72 : i32 to vector<1024x8xi32>
    %gt3A_74 = arith.cmpi sgt, %iota3A, %gt3A_73 : vector<1024x8xi32>
    %and3A_75 = arith.andi %eq3A_71, %gt3A_74 : vector<1024x8xi1>
    %or3A_76 = arith.ori %gt3A_69, %and3A_75 : vector<1024x8xi1>
    %convert_element_type3A_77 = arith.extui %or3A_76 : vector<1024x8xi1> to vector<1024x8xi32>
    %add3A_78 = arith.addi %add3A_66, %convert_element_type3A_77 : vector<1024x8xi32>
    %slice3A_79 = vector.extract_strided_slice %add3A_9 {offsets = [0, 6], sizes = [1024, 1], strides = [1, 1]} : vector<1024x8xf32> to vector<1024x1xf32>
    %gt3A_80 = vector.broadcast %slice3A_79 : vector<1024x1xf32> to vector<1024x8xf32>
    %gt3A_81 = arith.cmpf ogt, %gt3A_80, %add3A_9 : vector<1024x8xf32>
    %eq3A_82 = vector.broadcast %slice3A_79 : vector<1024x1xf32> to vector<1024x8xf32>
    %eq3A_83 = arith.cmpf oeq, %eq3A_82, %add3A_9 : vector<1024x8xf32>
    %gt3A_84 = arith.constant 6 : i32
    %gt3A_85 = vector.broadcast %gt3A_84 : i32 to vector<1024x8xi32>
    %gt3A_86 = arith.cmpi sgt, %iota3A, %gt3A_85 : vector<1024x8xi32>
    %and3A_87 = arith.andi %eq3A_83, %gt3A_86 : vector<1024x8xi1>
    %or3A_88 = arith.ori %gt3A_81, %and3A_87 : vector<1024x8xi1>
    %convert_element_type3A_89 = arith.extui %or3A_88 : vector<1024x8xi1> to vector<1024x8xi32>
    %add3A_90 = arith.addi %add3A_78, %convert_element_type3A_89 : vector<1024x8xi32>
    %slice3A_91 = vector.extract_strided_slice %add3A_9 {offsets = [0, 7], sizes = [1024, 1], strides = [1, 1]} : vector<1024x8xf32> to vector<1024x1xf32>
    %gt3A_92 = vector.broadcast %slice3A_91 : vector<1024x1xf32> to vector<1024x8xf32>
    %gt3A_93 = arith.cmpf ogt, %gt3A_92, %add3A_9 : vector<1024x8xf32>
    %eq3A_94 = vector.broadcast %slice3A_91 : vector<1024x1xf32> to vector<1024x8xf32>
    %eq3A_95 = arith.cmpf oeq, %eq3A_94, %add3A_9 : vector<1024x8xf32>
    %gt3A_96 = arith.constant 7 : i32
    %gt3A_97 = vector.broadcast %gt3A_96 : i32 to vector<1024x8xi32>
    %gt3A_98 = arith.cmpi sgt, %iota3A, %gt3A_97 : vector<1024x8xi32>
    %and3A_99 = arith.andi %eq3A_95, %gt3A_98 : vector<1024x8xi1>
    %or3A_100 = arith.ori %gt3A_93, %and3A_99 : vector<1024x8xi1>
    %convert_element_type3A_101 = arith.extui %or3A_100 : vector<1024x8xi1> to vector<1024x8xi32>
    %add3A_102 = arith.addi %add3A_90, %convert_element_type3A_101 : vector<1024x8xi32>
    %eq3A_103 = arith.constant 0 : i32
    %eq3A_104 = vector.broadcast %eq3A_103 : i32 to vector<1024x8xi32>
    %eq3A_105 = arith.cmpi eq, %add3A_102, %eq3A_104 : vector<1024x8xi32>
    %eq3A_106 = arith.constant 1 : i32
    %eq3A_107 = vector.broadcast %eq3A_106 : i32 to vector<1024x8xi32>
    %eq3A_108 = arith.cmpi eq, %add3A_102, %eq3A_107 : vector<1024x8xi32>
    %jit3A = arith.constant 0 : i32
    %broadcast_in_dim3A_109 = vector.broadcast %jit3A : i32 to vector<1024x8xi32>
    %select_n3A = arith.select %eq3A_105, %iota3A, %broadcast_in_dim3A_109 : vector<1024x8xi1>, vector<1024x8xi32>
    %reduce_sum3A = arith.constant dense<0> : vector<1024xi32>
    %reduce_sum3A_110 = vector.multi_reduction <add>, %select_n3A, %reduce_sum3A [1] : vector<1024x8xi32> to vector<1024xi32>
    %broadcast_in_dim3A_111 = vector.shape_cast %reduce_sum3A_110 : vector<1024xi32> to vector<1024x1xi32>
    %swap3A = arith.constant 0 : index
    %swap3A_112 = arith.constant 0 : index
    %swap3A_113 = vector.load %arg4[%swap3A, %swap3A_112] : memref<1024x1xi32, #tpu.memory_space<vmem>>, vector<1024x1xi32>
    tpu.vector_store %arg4[%swap3A, %swap3A_112], %broadcast_in_dim3A_111 {strides = array<i32>} : memref<1024x1xi32, #tpu.memory_space<vmem>>, vector<1024x1xi32>,
    %jit3A_114 = arith.constant 0 : i32
    %broadcast_in_dim3A_115 = vector.broadcast %jit3A_114 : i32 to vector<1024x8xi32>
    %select_n3A_116 = arith.select %eq3A_108, %iota3A, %broadcast_in_dim3A_115 : vector<1024x8xi1>, vector<1024x8xi32>
    %reduce_sum3A_117 = arith.constant dense<0> : vector<1024xi32>
    %reduce_sum3A_118 = vector.multi_reduction <add>, %select_n3A_116, %reduce_sum3A_117 [1] : vector<1024x8xi32> to vector<1024xi32>
    %broadcast_in_dim3A_119 = vector.shape_cast %reduce_sum3A_118 : vector<1024xi32> to vector<1024x1xi32>
    %swap3A_120 = arith.constant 0 : index
    %swap3A_121 = arith.constant 0 : index
    %swap3A_122 = vector.load %arg5[%swap3A_120, %swap3A_121] : memref<1024x1xi32, #tpu.memory_space<vmem>>, vector<1024x1xi32>
    tpu.vector_store %arg5[%swap3A_120, %swap3A_121], %broadcast_in_dim3A_119 {strides = array<i32>} : memref<1024x1xi32, #tpu.memory_space<vmem>>, vector<1024x1xi32>,
    %jit3A_123 = arith.constant 0.000000e+00 : f32
    %broadcast_in_dim3A_124 = vector.broadcast %jit3A_123 : f32 to vector<1024x8xf32>
    %select_n3A_125 = arith.select %eq3A_105, %add3A_9, %broadcast_in_dim3A_124 : vector<1024x8xi1>, vector<1024x8xf32>
    %reduce_sum3A_126 = arith.constant dense<0.000000e+00> : vector<1024xf32>
    %reduce_sum3A_127 = vector.multi_reduction <add>, %select_n3A_125, %reduce_sum3A_126 [1] : vector<1024x8xf32> to vector<1024xf32>
    %broadcast_in_dim3A_128 = vector.shape_cast %reduce_sum3A_127 : vector<1024xf32> to vector<1024x1xf32>
    %jit3A_129 = arith.constant 0.000000e+00 : f32
    %broadcast_in_dim3A_130 = vector.broadcast %jit3A_129 : f32 to vector<1024x8xf32>
    %select_n3A_131 = arith.select %eq3A_108, %add3A_9, %broadcast_in_dim3A_130 : vector<1024x8xi1>, vector<1024x8xf32>
    %reduce_sum3A_132 = arith.constant dense<0.000000e+00> : vector<1024xf32>
    %reduce_sum3A_133 = vector.multi_reduction <add>, %select_n3A_131, %reduce_sum3A_132 [1] : vector<1024x8xf32> to vector<1024xf32>
    %broadcast_in_dim3A_134 = vector.shape_cast %reduce_sum3A_133 : vector<1024xf32> to vector<1024x1xf32>
    %sub3A = arith.subf %broadcast_in_dim3A_134, %broadcast_in_dim3A_128 : vector<1024x1xf32>
    %exp3A = math.exp %sub3A : vector<1024x1xf32>
    %add3A_135 = arith.constant 1.000000e+00 : f32
    %add3A_136 = vector.broadcast %add3A_135 : f32 to vector<1024x1xf32>
    %add3A_137 = arith.addf %add3A_136, %exp3A : vector<1024x1xf32>
    %div3A = arith.constant 1.000000e+00 : f32
    %div3A_138 = vector.broadcast %div3A : f32 to vector<1024x1xf32>
    %div3A_139 = arith.divf %div3A_138, %add3A_137 : vector<1024x1xf32>
    %swap3A_140 = arith.constant 0 : index
    %swap3A_141 = arith.constant 0 : index
    %swap3A_142 = vector.load %arg6[%swap3A_140, %swap3A_141] : memref<1024x1xf32, #tpu.memory_space<vmem>>, vector<1024x1xf32>
    tpu.vector_store %arg6[%swap3A_140, %swap3A_141], %div3A_139 {strides = array<i32>} : memref<1024x1xf32, #tpu.memory_space<vmem>>, vector<1024x1xf32>,
    %div3A_143 = arith.divf %exp3A, %add3A_137 : vector<1024x1xf32>
    %swap3A_144 = arith.constant 0 : index
    %swap3A_145 = arith.constant 0 : index
    %swap3A_146 = vector.load %arg7[%swap3A_144, %swap3A_145] : memref<1024x1xf32, #tpu.memory_space<vmem>>, vector<1024x1xf32>
    tpu.vector_store %arg7[%swap3A_144, %swap3A_145], %div3A_143 {strides = array<i32>} : memref<1024x1xf32, #tpu.memory_space<vmem>>, vector<1024x1xf32>,
    return
  }
  func.func @transform_0(%arg0: i32) -> (i32, i32) {
    %c0_i32 = arith.constant 0 : i32
    %c0_i32_0 = arith.constant 0 : i32
    return %arg0, %c0_i32 : i32, i32
  }
  func.func @transform_1(%arg0: i32) -> (i32, i32) {
    %c0_i32 = arith.constant 0 : i32
    %c0_i32_0 = arith.constant 0 : i32
    %c0_i32_1 = arith.constant 0 : i32
    return %c0_i32, %c0_i32_0 : i32, i32
  }
  func.func @transform_2(%arg0: i32) -> i32 {
    %c0_i32 = arith.constant 0 : i32
    %c0_i32_0 = arith.constant 0 : i32
    return %c0_i32 : i32
  }
  func.func @transform_3(%arg0: i32) -> (i32, i32) {
    %c0_i32 = arith.constant 0 : i32
    %c0_i32_0 = arith.constant 0 : i32
    return %arg0, %c0_i32 : i32, i32
  }
  func.func @transform_4(%arg0: i32) -> (i32, i32) {
    %c0_i32 = arith.constant 0 : i32
    %c0_i32_0 = arith.constant 0 : i32
    return %arg0, %c0_i32 : i32, i32
  }
  func.func @transform_5(%arg0: i32) -> (i32, i32) {
    %c0_i32 = arith.constant 0 : i32
    %c0_i32_0 = arith.constant 0 : i32
    return %arg0, %c0_i32 : i32, i32
  }
  func.func @transform_6(%arg0: i32) -> (i32, i32) {
    %c0_i32 = arith.constant 0 : i32
    %c0_i32_0 = arith.constant 0 : i32
    return %arg0, %c0_i32 : i32, i32
  }
}

module attributes {stable_mosaic.version = 14 : i64} {
  func.func @_route_block(%arg0: i32, %arg1: memref<64x128xi32, #tpu.memory_space<vmem>>, %arg2: memref<64x128xi32, #tpu.memory_space<vmem>>, %arg3: memref<64x128xi32, #tpu.memory_space<vmem>>, %arg4: memref<64x128xi32, #tpu.memory_space<vmem>>, %arg5: memref<1x128xi32, #tpu.memory_space<vmem>>) attributes {dimension_semantics = [#tpu.dimension_semantics<arbitrary>], iteration_bounds = array<i64: 1>, scalar_prefetch = 0 : i64, scratch_operands = 0 : i64, tpu.core_type = #tpu.core_type<tc>, window_params = [{pipeline_mode = #tpu.pipeline_mode<synchronous>, transform_indices = @transform_0, window_bounds = array<i64: 64, 128>}, {pipeline_mode = #tpu.pipeline_mode<synchronous>, transform_indices = @transform_1, window_bounds = array<i64: 64, 128>}, {pipeline_mode = #tpu.pipeline_mode<synchronous>, transform_indices = @transform_2, window_bounds = array<i64: 64, 128>}, {pipeline_mode = #tpu.pipeline_mode<synchronous>, transform_indices = @transform_3, window_bounds = array<i64: 64, 128>}, {pipeline_mode = #tpu.pipeline_mode<synchronous>, transform_indices = @transform_4, window_bounds = array<i64: 1, 128>}]} {
    %get3A = arith.constant 0 : index
    %get3A_0 = arith.constant 0 : index
    %get3A_1 = vector.load %arg1[%get3A, %get3A_0] : memref<64x128xi32, #tpu.memory_space<vmem>>, vector<64x128xi32>
    %get3A_2 = arith.constant 0 : index
    %get3A_3 = arith.constant 0 : index
    %get3A_4 = vector.load %arg2[%get3A_2, %get3A_3] : memref<64x128xi32, #tpu.memory_space<vmem>>, vector<64x128xi32>
    %iota3A = tpu.iota {dimensions = array<i32: 0>} : vector<128x128xi32>
    %iota3A_5 = tpu.iota {dimensions = array<i32: 1>} : vector<128x128xi32>
    %le3A = arith.cmpi sle, %iota3A, %iota3A_5 : vector<128x128xi32>
    %convert_element_type3A = arith.extui %le3A : vector<128x128xi1> to vector<128x128xi32>
    %convert_element_type3A_6 = arith.sitofp %convert_element_type3A : vector<128x128xi32> to vector<128x128xf32>
    %convert_element_type3A_7 = arith.truncf %convert_element_type3A_6 : vector<128x128xf32> to vector<128x128xbf16>
    %iota3A_8 = tpu.iota {dimensions = array<i32: 0>} : vector<64x64xi32>
    %iota3A_9 = tpu.iota {dimensions = array<i32: 1>} : vector<64x64xi32>
    %lt3A = arith.cmpi slt, %iota3A_9, %iota3A_8 : vector<64x64xi32>
    %convert_element_type3A_10 = arith.extui %lt3A : vector<64x64xi1> to vector<64x64xi32>
    %convert_element_type3A_11 = arith.sitofp %convert_element_type3A_10 : vector<64x64xi32> to vector<64x64xf32>
    %convert_element_type3A_12 = arith.truncf %convert_element_type3A_11 : vector<64x64xf32> to vector<64x64xbf16>
    %broadcast_in_dim3A = arith.constant 0.000000e+00 : f32
    %broadcast_in_dim3A_13 = vector.broadcast %broadcast_in_dim3A : f32 to vector<64x128xf32>
    %broadcast_in_dim3A_14 = arith.constant 0.000000e+00 : f32
    %broadcast_in_dim3A_15 = vector.broadcast %broadcast_in_dim3A_14 : f32 to vector<64x128xf32>
    %eq3A = arith.constant 0 : i32
    %eq3A_16 = vector.broadcast %eq3A : i32 to vector<64x128xi32>
    %eq3A_17 = arith.cmpi eq, %get3A_1, %eq3A_16 : vector<64x128xi32>
    %convert_element_type3A_18 = arith.extui %eq3A_17 : vector<64x128xi1> to vector<64x128xi32>
    %convert_element_type3A_19 = arith.sitofp %convert_element_type3A_18 : vector<64x128xi32> to vector<64x128xf32>
    %eq3A_20 = arith.constant 0 : i32
    %eq3A_21 = vector.broadcast %eq3A_20 : i32 to vector<64x128xi32>
    %eq3A_22 = arith.cmpi eq, %get3A_4, %eq3A_21 : vector<64x128xi32>
    %convert_element_type3A_23 = arith.extui %eq3A_22 : vector<64x128xi1> to vector<64x128xi32>
    %convert_element_type3A_24 = arith.sitofp %convert_element_type3A_23 : vector<64x128xi32> to vector<64x128xf32>
    %add3A = arith.addf %convert_element_type3A_19, %convert_element_type3A_24 : vector<64x128xf32>
    %convert_element_type3A_25 = arith.truncf %add3A : vector<64x128xf32> to vector<64x128xbf16>
    %dot_general3A = arith.constant dense<0.000000e+00> : vector<64x128xf32>
    %dot_general3A_26 = tpu.matmul %convert_element_type3A_25, %convert_element_type3A_7, %dot_general3A {dimension_numbers = #tpu.dot_dimension_numbers<[1], [0], [0], [1], [0, 0, 1, 1], [], []>, transpose_lhs_hint = false} : vector<64x128xbf16>, vector<128x128xbf16>, vector<64x128xf32> -> vector<64x128xf32>
    %sub3A = arith.subf %dot_general3A_26, %add3A : vector<64x128xf32>
    %slice3A = vector.extract_strided_slice %dot_general3A_26 {offsets = [0, 127], sizes = [64, 1], strides = [1, 1]} : vector<64x128xf32> to vector<64x1xf32>
    %convert_element_type3A_27 = arith.truncf %slice3A : vector<64x1xf32> to vector<64x1xbf16>
    %dot_general3A_28 = arith.constant dense<0.000000e+00> : vector<64x1xf32>
    %dot_general3A_29 = tpu.matmul %convert_element_type3A_12, %convert_element_type3A_27, %dot_general3A_28 {dimension_numbers = #tpu.dot_dimension_numbers<[1], [0], [0], [1], [0, 0, 1, 1], [], []>, transpose_lhs_hint = false} : vector<64x64xbf16>, vector<64x1xbf16>, vector<64x1xf32> -> vector<64x1xf32>
    %add3A_30 = vector.broadcast %dot_general3A_29 : vector<64x1xf32> to vector<64x128xf32>
    %add3A_31 = arith.addf %sub3A, %add3A_30 : vector<64x128xf32>
    %reduce_sum3A = vector.shape_cast %add3A : vector<64x128xf32> to vector<1x64x128xf32>
    %reduce_sum3A_32 = arith.constant dense<0.000000e+00> : vector<1xf32>
    %reduce_sum3A_33 = vector.multi_reduction <add>, %reduce_sum3A, %reduce_sum3A_32 [1, 2] : vector<1x64x128xf32> to vector<1xf32>
    %reduce_sum3A_34 = vector.shape_cast %reduce_sum3A_33 : vector<1xf32> to vector<1x1x1xf32>
    %reduce_sum3A_35 = vector.extract %reduce_sum3A_34[0, 0, 0] : f32 from vector<1x1x1xf32>
    %add3A_36 = arith.constant 0.000000e+00 : f32
    %add3A_37 = vector.broadcast %add3A_36 : f32 to vector<64x128xf32>
    %add3A_38 = arith.addf %add3A_37, %add3A_31 : vector<64x128xf32>
    %mul3A = arith.mulf %convert_element_type3A_19, %add3A_38 : vector<64x128xf32>
    %add3A_39 = arith.addf %broadcast_in_dim3A_13, %mul3A : vector<64x128xf32>
    %add3A_40 = arith.constant 0.000000e+00 : f32
    %add3A_41 = vector.broadcast %add3A_40 : f32 to vector<64x128xf32>
    %add3A_42 = arith.addf %add3A_41, %add3A_31 : vector<64x128xf32>
    %add3A_43 = arith.addf %add3A_42, %convert_element_type3A_19 : vector<64x128xf32>
    %mul3A_44 = arith.mulf %convert_element_type3A_24, %add3A_43 : vector<64x128xf32>
    %add3A_45 = arith.addf %broadcast_in_dim3A_15, %mul3A_44 : vector<64x128xf32>
    %mul3A_46 = arith.constant 0.001953125 : f32
    %mul3A_47 = arith.mulf %reduce_sum3A_35, %mul3A_46 : f32
    %ceil3A = math.ceil %mul3A_47 : f32
    %mul3A_48 = arith.constant 5.120000e+02 : f32
    %mul3A_49 = arith.mulf %ceil3A, %mul3A_48 : f32
    %add3A_50 = arith.constant 0.000000e+00 : f32
    %add3A_51 = arith.addf %add3A_50, %mul3A_49 : f32
    %mul3A_52 = arith.constant 0.001953125 : f32
    %mul3A_53 = arith.mulf %add3A_51, %mul3A_52 : f32
    %eq3A_54 = arith.constant 1 : i32
    %eq3A_55 = vector.broadcast %eq3A_54 : i32 to vector<64x128xi32>
    %eq3A_56 = arith.cmpi eq, %get3A_1, %eq3A_55 : vector<64x128xi32>
    %convert_element_type3A_57 = arith.extui %eq3A_56 : vector<64x128xi1> to vector<64x128xi32>
    %convert_element_type3A_58 = arith.sitofp %convert_element_type3A_57 : vector<64x128xi32> to vector<64x128xf32>
    %eq3A_59 = arith.constant 1 : i32
    %eq3A_60 = vector.broadcast %eq3A_59 : i32 to vector<64x128xi32>
    %eq3A_61 = arith.cmpi eq, %get3A_4, %eq3A_60 : vector<64x128xi32>
    %convert_element_type3A_62 = arith.extui %eq3A_61 : vector<64x128xi1> to vector<64x128xi32>
    %convert_element_type3A_63 = arith.sitofp %convert_element_type3A_62 : vector<64x128xi32> to vector<64x128xf32>
    %add3A_64 = arith.addf %convert_element_type3A_58, %convert_element_type3A_63 : vector<64x128xf32>
    %convert_element_type3A_65 = arith.truncf %add3A_64 : vector<64x128xf32> to vector<64x128xbf16>
    %dot_general3A_66 = arith.constant dense<0.000000e+00> : vector<64x128xf32>
    %dot_general3A_67 = tpu.matmul %convert_element_type3A_65, %convert_element_type3A_7, %dot_general3A_66 {dimension_numbers = #tpu.dot_dimension_numbers<[1], [0], [0], [1], [0, 0, 1, 1], [], []>, transpose_lhs_hint = false} : vector<64x128xbf16>, vector<128x128xbf16>, vector<64x128xf32> -> vector<64x128xf32>
    %sub3A_68 = arith.subf %dot_general3A_67, %add3A_64 : vector<64x128xf32>
    %slice3A_69 = vector.extract_strided_slice %dot_general3A_67 {offsets = [0, 127], sizes = [64, 1], strides = [1, 1]} : vector<64x128xf32> to vector<64x1xf32>
    %convert_element_type3A_70 = arith.truncf %slice3A_69 : vector<64x1xf32> to vector<64x1xbf16>
    %dot_general3A_71 = arith.constant dense<0.000000e+00> : vector<64x1xf32>
    %dot_general3A_72 = tpu.matmul %convert_element_type3A_12, %convert_element_type3A_70, %dot_general3A_71 {dimension_numbers = #tpu.dot_dimension_numbers<[1], [0], [0], [1], [0, 0, 1, 1], [], []>, transpose_lhs_hint = false} : vector<64x64xbf16>, vector<64x1xbf16>, vector<64x1xf32> -> vector<64x1xf32>
    %add3A_73 = vector.broadcast %dot_general3A_72 : vector<64x1xf32> to vector<64x128xf32>
    %add3A_74 = arith.addf %sub3A_68, %add3A_73 : vector<64x128xf32>
    %reduce_sum3A_75 = vector.shape_cast %add3A_64 : vector<64x128xf32> to vector<1x64x128xf32>
    %reduce_sum3A_76 = arith.constant dense<0.000000e+00> : vector<1xf32>
    %reduce_sum3A_77 = vector.multi_reduction <add>, %reduce_sum3A_75, %reduce_sum3A_76 [1, 2] : vector<1x64x128xf32> to vector<1xf32>
    %reduce_sum3A_78 = vector.shape_cast %reduce_sum3A_77 : vector<1xf32> to vector<1x1x1xf32>
    %reduce_sum3A_79 = vector.extract %reduce_sum3A_78[0, 0, 0] : f32 from vector<1x1x1xf32>
    %add3A_80 = vector.broadcast %add3A_51 : f32 to vector<64x128xf32>
    %add3A_81 = arith.addf %add3A_80, %add3A_74 : vector<64x128xf32>
    %mul3A_82 = arith.mulf %convert_element_type3A_58, %add3A_81 : vector<64x128xf32>
    %add3A_83 = arith.addf %add3A_39, %mul3A_82 : vector<64x128xf32>
    %add3A_84 = vector.broadcast %add3A_51 : f32 to vector<64x128xf32>
    %add3A_85 = arith.addf %add3A_84, %add3A_74 : vector<64x128xf32>
    %add3A_86 = arith.addf %add3A_85, %convert_element_type3A_58 : vector<64x128xf32>
    %mul3A_87 = arith.mulf %convert_element_type3A_63, %add3A_86 : vector<64x128xf32>
    %add3A_88 = arith.addf %add3A_45, %mul3A_87 : vector<64x128xf32>
    %mul3A_89 = arith.constant 0.001953125 : f32
    %mul3A_90 = arith.mulf %reduce_sum3A_79, %mul3A_89 : f32
    %ceil3A_91 = math.ceil %mul3A_90 : f32
    %mul3A_92 = arith.constant 5.120000e+02 : f32
    %mul3A_93 = arith.mulf %ceil3A_91, %mul3A_92 : f32
    %add3A_94 = arith.addf %add3A_51, %mul3A_93 : f32
    %mul3A_95 = arith.constant 0.001953125 : f32
    %mul3A_96 = arith.mulf %add3A_94, %mul3A_95 : f32
    %eq3A_97 = arith.constant 2 : i32
    %eq3A_98 = vector.broadcast %eq3A_97 : i32 to vector<64x128xi32>
    %eq3A_99 = arith.cmpi eq, %get3A_1, %eq3A_98 : vector<64x128xi32>
    %convert_element_type3A_100 = arith.extui %eq3A_99 : vector<64x128xi1> to vector<64x128xi32>
    %convert_element_type3A_101 = arith.sitofp %convert_element_type3A_100 : vector<64x128xi32> to vector<64x128xf32>
    %eq3A_102 = arith.constant 2 : i32
    %eq3A_103 = vector.broadcast %eq3A_102 : i32 to vector<64x128xi32>
    %eq3A_104 = arith.cmpi eq, %get3A_4, %eq3A_103 : vector<64x128xi32>
    %convert_element_type3A_105 = arith.extui %eq3A_104 : vector<64x128xi1> to vector<64x128xi32>
    %convert_element_type3A_106 = arith.sitofp %convert_element_type3A_105 : vector<64x128xi32> to vector<64x128xf32>
    %add3A_107 = arith.addf %convert_element_type3A_101, %convert_element_type3A_106 : vector<64x128xf32>
    %convert_element_type3A_108 = arith.truncf %add3A_107 : vector<64x128xf32> to vector<64x128xbf16>
    %dot_general3A_109 = arith.constant dense<0.000000e+00> : vector<64x128xf32>
    %dot_general3A_110 = tpu.matmul %convert_element_type3A_108, %convert_element_type3A_7, %dot_general3A_109 {dimension_numbers = #tpu.dot_dimension_numbers<[1], [0], [0], [1], [0, 0, 1, 1], [], []>, transpose_lhs_hint = false} : vector<64x128xbf16>, vector<128x128xbf16>, vector<64x128xf32> -> vector<64x128xf32>
    %sub3A_111 = arith.subf %dot_general3A_110, %add3A_107 : vector<64x128xf32>
    %slice3A_112 = vector.extract_strided_slice %dot_general3A_110 {offsets = [0, 127], sizes = [64, 1], strides = [1, 1]} : vector<64x128xf32> to vector<64x1xf32>
    %convert_element_type3A_113 = arith.truncf %slice3A_112 : vector<64x1xf32> to vector<64x1xbf16>
    %dot_general3A_114 = arith.constant dense<0.000000e+00> : vector<64x1xf32>
    %dot_general3A_115 = tpu.matmul %convert_element_type3A_12, %convert_element_type3A_113, %dot_general3A_114 {dimension_numbers = #tpu.dot_dimension_numbers<[1], [0], [0], [1], [0, 0, 1, 1], [], []>, transpose_lhs_hint = false} : vector<64x64xbf16>, vector<64x1xbf16>, vector<64x1xf32> -> vector<64x1xf32>
    %add3A_116 = vector.broadcast %dot_general3A_115 : vector<64x1xf32> to vector<64x128xf32>
    %add3A_117 = arith.addf %sub3A_111, %add3A_116 : vector<64x128xf32>
    %reduce_sum3A_118 = vector.shape_cast %add3A_107 : vector<64x128xf32> to vector<1x64x128xf32>
    %reduce_sum3A_119 = arith.constant dense<0.000000e+00> : vector<1xf32>
    %reduce_sum3A_120 = vector.multi_reduction <add>, %reduce_sum3A_118, %reduce_sum3A_119 [1, 2] : vector<1x64x128xf32> to vector<1xf32>
    %reduce_sum3A_121 = vector.shape_cast %reduce_sum3A_120 : vector<1xf32> to vector<1x1x1xf32>
    %reduce_sum3A_122 = vector.extract %reduce_sum3A_121[0, 0, 0] : f32 from vector<1x1x1xf32>
    %add3A_123 = vector.broadcast %add3A_94 : f32 to vector<64x128xf32>
    %add3A_124 = arith.addf %add3A_123, %add3A_117 : vector<64x128xf32>
    %mul3A_125 = arith.mulf %convert_element_type3A_101, %add3A_124 : vector<64x128xf32>
    %add3A_126 = arith.addf %add3A_83, %mul3A_125 : vector<64x128xf32>
    %add3A_127 = vector.broadcast %add3A_94 : f32 to vector<64x128xf32>
    %add3A_128 = arith.addf %add3A_127, %add3A_117 : vector<64x128xf32>
    %add3A_129 = arith.addf %add3A_128, %convert_element_type3A_101 : vector<64x128xf32>
    %mul3A_130 = arith.mulf %convert_element_type3A_106, %add3A_129 : vector<64x128xf32>
    %add3A_131 = arith.addf %add3A_88, %mul3A_130 : vector<64x128xf32>
    %mul3A_132 = arith.constant 0.001953125 : f32
    %mul3A_133 = arith.mulf %reduce_sum3A_122, %mul3A_132 : f32
    %ceil3A_134 = math.ceil %mul3A_133 : f32
    %mul3A_135 = arith.constant 5.120000e+02 : f32
    %mul3A_136 = arith.mulf %ceil3A_134, %mul3A_135 : f32
    %add3A_137 = arith.addf %add3A_94, %mul3A_136 : f32
    %mul3A_138 = arith.constant 0.001953125 : f32
    %mul3A_139 = arith.mulf %add3A_137, %mul3A_138 : f32
    %eq3A_140 = arith.constant 3 : i32
    %eq3A_141 = vector.broadcast %eq3A_140 : i32 to vector<64x128xi32>
    %eq3A_142 = arith.cmpi eq, %get3A_1, %eq3A_141 : vector<64x128xi32>
    %convert_element_type3A_143 = arith.extui %eq3A_142 : vector<64x128xi1> to vector<64x128xi32>
    %convert_element_type3A_144 = arith.sitofp %convert_element_type3A_143 : vector<64x128xi32> to vector<64x128xf32>
    %eq3A_145 = arith.constant 3 : i32
    %eq3A_146 = vector.broadcast %eq3A_145 : i32 to vector<64x128xi32>
    %eq3A_147 = arith.cmpi eq, %get3A_4, %eq3A_146 : vector<64x128xi32>
    %convert_element_type3A_148 = arith.extui %eq3A_147 : vector<64x128xi1> to vector<64x128xi32>
    %convert_element_type3A_149 = arith.sitofp %convert_element_type3A_148 : vector<64x128xi32> to vector<64x128xf32>
    %add3A_150 = arith.addf %convert_element_type3A_144, %convert_element_type3A_149 : vector<64x128xf32>
    %convert_element_type3A_151 = arith.truncf %add3A_150 : vector<64x128xf32> to vector<64x128xbf16>
    %dot_general3A_152 = arith.constant dense<0.000000e+00> : vector<64x128xf32>
    %dot_general3A_153 = tpu.matmul %convert_element_type3A_151, %convert_element_type3A_7, %dot_general3A_152 {dimension_numbers = #tpu.dot_dimension_numbers<[1], [0], [0], [1], [0, 0, 1, 1], [], []>, transpose_lhs_hint = false} : vector<64x128xbf16>, vector<128x128xbf16>, vector<64x128xf32> -> vector<64x128xf32>
    %sub3A_154 = arith.subf %dot_general3A_153, %add3A_150 : vector<64x128xf32>
    %slice3A_155 = vector.extract_strided_slice %dot_general3A_153 {offsets = [0, 127], sizes = [64, 1], strides = [1, 1]} : vector<64x128xf32> to vector<64x1xf32>
    %convert_element_type3A_156 = arith.truncf %slice3A_155 : vector<64x1xf32> to vector<64x1xbf16>
    %dot_general3A_157 = arith.constant dense<0.000000e+00> : vector<64x1xf32>
    %dot_general3A_158 = tpu.matmul %convert_element_type3A_12, %convert_element_type3A_156, %dot_general3A_157 {dimension_numbers = #tpu.dot_dimension_numbers<[1], [0], [0], [1], [0, 0, 1, 1], [], []>, transpose_lhs_hint = false} : vector<64x64xbf16>, vector<64x1xbf16>, vector<64x1xf32> -> vector<64x1xf32>
    %add3A_159 = vector.broadcast %dot_general3A_158 : vector<64x1xf32> to vector<64x128xf32>
    %add3A_160 = arith.addf %sub3A_154, %add3A_159 : vector<64x128xf32>
    %reduce_sum3A_161 = vector.shape_cast %add3A_150 : vector<64x128xf32> to vector<1x64x128xf32>
    %reduce_sum3A_162 = arith.constant dense<0.000000e+00> : vector<1xf32>
    %reduce_sum3A_163 = vector.multi_reduction <add>, %reduce_sum3A_161, %reduce_sum3A_162 [1, 2] : vector<1x64x128xf32> to vector<1xf32>
    %reduce_sum3A_164 = vector.shape_cast %reduce_sum3A_163 : vector<1xf32> to vector<1x1x1xf32>
    %reduce_sum3A_165 = vector.extract %reduce_sum3A_164[0, 0, 0] : f32 from vector<1x1x1xf32>
    %add3A_166 = vector.broadcast %add3A_137 : f32 to vector<64x128xf32>
    %add3A_167 = arith.addf %add3A_166, %add3A_160 : vector<64x128xf32>
    %mul3A_168 = arith.mulf %convert_element_type3A_144, %add3A_167 : vector<64x128xf32>
    %add3A_169 = arith.addf %add3A_126, %mul3A_168 : vector<64x128xf32>
    %add3A_170 = vector.broadcast %add3A_137 : f32 to vector<64x128xf32>
    %add3A_171 = arith.addf %add3A_170, %add3A_160 : vector<64x128xf32>
    %add3A_172 = arith.addf %add3A_171, %convert_element_type3A_144 : vector<64x128xf32>
    %mul3A_173 = arith.mulf %convert_element_type3A_149, %add3A_172 : vector<64x128xf32>
    %add3A_174 = arith.addf %add3A_131, %mul3A_173 : vector<64x128xf32>
    %mul3A_175 = arith.constant 0.001953125 : f32
    %mul3A_176 = arith.mulf %reduce_sum3A_165, %mul3A_175 : f32
    %ceil3A_177 = math.ceil %mul3A_176 : f32
    %mul3A_178 = arith.constant 5.120000e+02 : f32
    %mul3A_179 = arith.mulf %ceil3A_177, %mul3A_178 : f32
    %add3A_180 = arith.addf %add3A_137, %mul3A_179 : f32
    %mul3A_181 = arith.constant 0.001953125 : f32
    %mul3A_182 = arith.mulf %add3A_180, %mul3A_181 : f32
    %eq3A_183 = arith.constant 4 : i32
    %eq3A_184 = vector.broadcast %eq3A_183 : i32 to vector<64x128xi32>
    %eq3A_185 = arith.cmpi eq, %get3A_1, %eq3A_184 : vector<64x128xi32>
    %convert_element_type3A_186 = arith.extui %eq3A_185 : vector<64x128xi1> to vector<64x128xi32>
    %convert_element_type3A_187 = arith.sitofp %convert_element_type3A_186 : vector<64x128xi32> to vector<64x128xf32>
    %eq3A_188 = arith.constant 4 : i32
    %eq3A_189 = vector.broadcast %eq3A_188 : i32 to vector<64x128xi32>
    %eq3A_190 = arith.cmpi eq, %get3A_4, %eq3A_189 : vector<64x128xi32>
    %convert_element_type3A_191 = arith.extui %eq3A_190 : vector<64x128xi1> to vector<64x128xi32>
    %convert_element_type3A_192 = arith.sitofp %convert_element_type3A_191 : vector<64x128xi32> to vector<64x128xf32>
    %add3A_193 = arith.addf %convert_element_type3A_187, %convert_element_type3A_192 : vector<64x128xf32>
    %convert_element_type3A_194 = arith.truncf %add3A_193 : vector<64x128xf32> to vector<64x128xbf16>
    %dot_general3A_195 = arith.constant dense<0.000000e+00> : vector<64x128xf32>
    %dot_general3A_196 = tpu.matmul %convert_element_type3A_194, %convert_element_type3A_7, %dot_general3A_195 {dimension_numbers = #tpu.dot_dimension_numbers<[1], [0], [0], [1], [0, 0, 1, 1], [], []>, transpose_lhs_hint = false} : vector<64x128xbf16>, vector<128x128xbf16>, vector<64x128xf32> -> vector<64x128xf32>
    %sub3A_197 = arith.subf %dot_general3A_196, %add3A_193 : vector<64x128xf32>
    %slice3A_198 = vector.extract_strided_slice %dot_general3A_196 {offsets = [0, 127], sizes = [64, 1], strides = [1, 1]} : vector<64x128xf32> to vector<64x1xf32>
    %convert_element_type3A_199 = arith.truncf %slice3A_198 : vector<64x1xf32> to vector<64x1xbf16>
    %dot_general3A_200 = arith.constant dense<0.000000e+00> : vector<64x1xf32>
    %dot_general3A_201 = tpu.matmul %convert_element_type3A_12, %convert_element_type3A_199, %dot_general3A_200 {dimension_numbers = #tpu.dot_dimension_numbers<[1], [0], [0], [1], [0, 0, 1, 1], [], []>, transpose_lhs_hint = false} : vector<64x64xbf16>, vector<64x1xbf16>, vector<64x1xf32> -> vector<64x1xf32>
    %add3A_202 = vector.broadcast %dot_general3A_201 : vector<64x1xf32> to vector<64x128xf32>
    %add3A_203 = arith.addf %sub3A_197, %add3A_202 : vector<64x128xf32>
    %reduce_sum3A_204 = vector.shape_cast %add3A_193 : vector<64x128xf32> to vector<1x64x128xf32>
    %reduce_sum3A_205 = arith.constant dense<0.000000e+00> : vector<1xf32>
    %reduce_sum3A_206 = vector.multi_reduction <add>, %reduce_sum3A_204, %reduce_sum3A_205 [1, 2] : vector<1x64x128xf32> to vector<1xf32>
    %reduce_sum3A_207 = vector.shape_cast %reduce_sum3A_206 : vector<1xf32> to vector<1x1x1xf32>
    %reduce_sum3A_208 = vector.extract %reduce_sum3A_207[0, 0, 0] : f32 from vector<1x1x1xf32>
    %add3A_209 = vector.broadcast %add3A_180 : f32 to vector<64x128xf32>
    %add3A_210 = arith.addf %add3A_209, %add3A_203 : vector<64x128xf32>
    %mul3A_211 = arith.mulf %convert_element_type3A_187, %add3A_210 : vector<64x128xf32>
    %add3A_212 = arith.addf %add3A_169, %mul3A_211 : vector<64x128xf32>
    %add3A_213 = vector.broadcast %add3A_180 : f32 to vector<64x128xf32>
    %add3A_214 = arith.addf %add3A_213, %add3A_203 : vector<64x128xf32>
    %add3A_215 = arith.addf %add3A_214, %convert_element_type3A_187 : vector<64x128xf32>
    %mul3A_216 = arith.mulf %convert_element_type3A_192, %add3A_215 : vector<64x128xf32>
    %add3A_217 = arith.addf %add3A_174, %mul3A_216 : vector<64x128xf32>
    %mul3A_218 = arith.constant 0.001953125 : f32
    %mul3A_219 = arith.mulf %reduce_sum3A_208, %mul3A_218 : f32
    %ceil3A_220 = math.ceil %mul3A_219 : f32
    %mul3A_221 = arith.constant 5.120000e+02 : f32
    %mul3A_222 = arith.mulf %ceil3A_220, %mul3A_221 : f32
    %add3A_223 = arith.addf %add3A_180, %mul3A_222 : f32
    %mul3A_224 = arith.constant 0.001953125 : f32
    %mul3A_225 = arith.mulf %add3A_223, %mul3A_224 : f32
    %eq3A_226 = arith.constant 5 : i32
    %eq3A_227 = vector.broadcast %eq3A_226 : i32 to vector<64x128xi32>
    %eq3A_228 = arith.cmpi eq, %get3A_1, %eq3A_227 : vector<64x128xi32>
    %convert_element_type3A_229 = arith.extui %eq3A_228 : vector<64x128xi1> to vector<64x128xi32>
    %convert_element_type3A_230 = arith.sitofp %convert_element_type3A_229 : vector<64x128xi32> to vector<64x128xf32>
    %eq3A_231 = arith.constant 5 : i32
    %eq3A_232 = vector.broadcast %eq3A_231 : i32 to vector<64x128xi32>
    %eq3A_233 = arith.cmpi eq, %get3A_4, %eq3A_232 : vector<64x128xi32>
    %convert_element_type3A_234 = arith.extui %eq3A_233 : vector<64x128xi1> to vector<64x128xi32>
    %convert_element_type3A_235 = arith.sitofp %convert_element_type3A_234 : vector<64x128xi32> to vector<64x128xf32>
    %add3A_236 = arith.addf %convert_element_type3A_230, %convert_element_type3A_235 : vector<64x128xf32>
    %convert_element_type3A_237 = arith.truncf %add3A_236 : vector<64x128xf32> to vector<64x128xbf16>
    %dot_general3A_238 = arith.constant dense<0.000000e+00> : vector<64x128xf32>
    %dot_general3A_239 = tpu.matmul %convert_element_type3A_237, %convert_element_type3A_7, %dot_general3A_238 {dimension_numbers = #tpu.dot_dimension_numbers<[1], [0], [0], [1], [0, 0, 1, 1], [], []>, transpose_lhs_hint = false} : vector<64x128xbf16>, vector<128x128xbf16>, vector<64x128xf32> -> vector<64x128xf32>
    %sub3A_240 = arith.subf %dot_general3A_239, %add3A_236 : vector<64x128xf32>
    %slice3A_241 = vector.extract_strided_slice %dot_general3A_239 {offsets = [0, 127], sizes = [64, 1], strides = [1, 1]} : vector<64x128xf32> to vector<64x1xf32>
    %convert_element_type3A_242 = arith.truncf %slice3A_241 : vector<64x1xf32> to vector<64x1xbf16>
    %dot_general3A_243 = arith.constant dense<0.000000e+00> : vector<64x1xf32>
    %dot_general3A_244 = tpu.matmul %convert_element_type3A_12, %convert_element_type3A_242, %dot_general3A_243 {dimension_numbers = #tpu.dot_dimension_numbers<[1], [0], [0], [1], [0, 0, 1, 1], [], []>, transpose_lhs_hint = false} : vector<64x64xbf16>, vector<64x1xbf16>, vector<64x1xf32> -> vector<64x1xf32>
    %add3A_245 = vector.broadcast %dot_general3A_244 : vector<64x1xf32> to vector<64x128xf32>
    %add3A_246 = arith.addf %sub3A_240, %add3A_245 : vector<64x128xf32>
    %reduce_sum3A_247 = vector.shape_cast %add3A_236 : vector<64x128xf32> to vector<1x64x128xf32>
    %reduce_sum3A_248 = arith.constant dense<0.000000e+00> : vector<1xf32>
    %reduce_sum3A_249 = vector.multi_reduction <add>, %reduce_sum3A_247, %reduce_sum3A_248 [1, 2] : vector<1x64x128xf32> to vector<1xf32>
    %reduce_sum3A_250 = vector.shape_cast %reduce_sum3A_249 : vector<1xf32> to vector<1x1x1xf32>
    %reduce_sum3A_251 = vector.extract %reduce_sum3A_250[0, 0, 0] : f32 from vector<1x1x1xf32>
    %add3A_252 = vector.broadcast %add3A_223 : f32 to vector<64x128xf32>
    %add3A_253 = arith.addf %add3A_252, %add3A_246 : vector<64x128xf32>
    %mul3A_254 = arith.mulf %convert_element_type3A_230, %add3A_253 : vector<64x128xf32>
    %add3A_255 = arith.addf %add3A_212, %mul3A_254 : vector<64x128xf32>
    %add3A_256 = vector.broadcast %add3A_223 : f32 to vector<64x128xf32>
    %add3A_257 = arith.addf %add3A_256, %add3A_246 : vector<64x128xf32>
    %add3A_258 = arith.addf %add3A_257, %convert_element_type3A_230 : vector<64x128xf32>
    %mul3A_259 = arith.mulf %convert_element_type3A_235, %add3A_258 : vector<64x128xf32>
    %add3A_260 = arith.addf %add3A_217, %mul3A_259 : vector<64x128xf32>
    %mul3A_261 = arith.constant 0.001953125 : f32
    %mul3A_262 = arith.mulf %reduce_sum3A_251, %mul3A_261 : f32
    %ceil3A_263 = math.ceil %mul3A_262 : f32
    %mul3A_264 = arith.constant 5.120000e+02 : f32
    %mul3A_265 = arith.mulf %ceil3A_263, %mul3A_264 : f32
    %add3A_266 = arith.addf %add3A_223, %mul3A_265 : f32
    %mul3A_267 = arith.constant 0.001953125 : f32
    %mul3A_268 = arith.mulf %add3A_266, %mul3A_267 : f32
    %eq3A_269 = arith.constant 6 : i32
    %eq3A_270 = vector.broadcast %eq3A_269 : i32 to vector<64x128xi32>
    %eq3A_271 = arith.cmpi eq, %get3A_1, %eq3A_270 : vector<64x128xi32>
    %convert_element_type3A_272 = arith.extui %eq3A_271 : vector<64x128xi1> to vector<64x128xi32>
    %convert_element_type3A_273 = arith.sitofp %convert_element_type3A_272 : vector<64x128xi32> to vector<64x128xf32>
    %eq3A_274 = arith.constant 6 : i32
    %eq3A_275 = vector.broadcast %eq3A_274 : i32 to vector<64x128xi32>
    %eq3A_276 = arith.cmpi eq, %get3A_4, %eq3A_275 : vector<64x128xi32>
    %convert_element_type3A_277 = arith.extui %eq3A_276 : vector<64x128xi1> to vector<64x128xi32>
    %convert_element_type3A_278 = arith.sitofp %convert_element_type3A_277 : vector<64x128xi32> to vector<64x128xf32>
    %add3A_279 = arith.addf %convert_element_type3A_273, %convert_element_type3A_278 : vector<64x128xf32>
    %convert_element_type3A_280 = arith.truncf %add3A_279 : vector<64x128xf32> to vector<64x128xbf16>
    %dot_general3A_281 = arith.constant dense<0.000000e+00> : vector<64x128xf32>
    %dot_general3A_282 = tpu.matmul %convert_element_type3A_280, %convert_element_type3A_7, %dot_general3A_281 {dimension_numbers = #tpu.dot_dimension_numbers<[1], [0], [0], [1], [0, 0, 1, 1], [], []>, transpose_lhs_hint = false} : vector<64x128xbf16>, vector<128x128xbf16>, vector<64x128xf32> -> vector<64x128xf32>
    %sub3A_283 = arith.subf %dot_general3A_282, %add3A_279 : vector<64x128xf32>
    %slice3A_284 = vector.extract_strided_slice %dot_general3A_282 {offsets = [0, 127], sizes = [64, 1], strides = [1, 1]} : vector<64x128xf32> to vector<64x1xf32>
    %convert_element_type3A_285 = arith.truncf %slice3A_284 : vector<64x1xf32> to vector<64x1xbf16>
    %dot_general3A_286 = arith.constant dense<0.000000e+00> : vector<64x1xf32>
    %dot_general3A_287 = tpu.matmul %convert_element_type3A_12, %convert_element_type3A_285, %dot_general3A_286 {dimension_numbers = #tpu.dot_dimension_numbers<[1], [0], [0], [1], [0, 0, 1, 1], [], []>, transpose_lhs_hint = false} : vector<64x64xbf16>, vector<64x1xbf16>, vector<64x1xf32> -> vector<64x1xf32>
    %add3A_288 = vector.broadcast %dot_general3A_287 : vector<64x1xf32> to vector<64x128xf32>
    %add3A_289 = arith.addf %sub3A_283, %add3A_288 : vector<64x128xf32>
    %reduce_sum3A_290 = vector.shape_cast %add3A_279 : vector<64x128xf32> to vector<1x64x128xf32>
    %reduce_sum3A_291 = arith.constant dense<0.000000e+00> : vector<1xf32>
    %reduce_sum3A_292 = vector.multi_reduction <add>, %reduce_sum3A_290, %reduce_sum3A_291 [1, 2] : vector<1x64x128xf32> to vector<1xf32>
    %reduce_sum3A_293 = vector.shape_cast %reduce_sum3A_292 : vector<1xf32> to vector<1x1x1xf32>
    %reduce_sum3A_294 = vector.extract %reduce_sum3A_293[0, 0, 0] : f32 from vector<1x1x1xf32>
    %add3A_295 = vector.broadcast %add3A_266 : f32 to vector<64x128xf32>
    %add3A_296 = arith.addf %add3A_295, %add3A_289 : vector<64x128xf32>
    %mul3A_297 = arith.mulf %convert_element_type3A_273, %add3A_296 : vector<64x128xf32>
    %add3A_298 = arith.addf %add3A_255, %mul3A_297 : vector<64x128xf32>
    %add3A_299 = vector.broadcast %add3A_266 : f32 to vector<64x128xf32>
    %add3A_300 = arith.addf %add3A_299, %add3A_289 : vector<64x128xf32>
    %add3A_301 = arith.addf %add3A_300, %convert_element_type3A_273 : vector<64x128xf32>
    %mul3A_302 = arith.mulf %convert_element_type3A_278, %add3A_301 : vector<64x128xf32>
    %add3A_303 = arith.addf %add3A_260, %mul3A_302 : vector<64x128xf32>
    %mul3A_304 = arith.constant 0.001953125 : f32
    %mul3A_305 = arith.mulf %reduce_sum3A_294, %mul3A_304 : f32
    %ceil3A_306 = math.ceil %mul3A_305 : f32
    %mul3A_307 = arith.constant 5.120000e+02 : f32
    %mul3A_308 = arith.mulf %ceil3A_306, %mul3A_307 : f32
    %add3A_309 = arith.addf %add3A_266, %mul3A_308 : f32
    %mul3A_310 = arith.constant 0.001953125 : f32
    %mul3A_311 = arith.mulf %add3A_309, %mul3A_310 : f32
    %eq3A_312 = arith.constant 7 : i32
    %eq3A_313 = vector.broadcast %eq3A_312 : i32 to vector<64x128xi32>
    %eq3A_314 = arith.cmpi eq, %get3A_1, %eq3A_313 : vector<64x128xi32>
    %convert_element_type3A_315 = arith.extui %eq3A_314 : vector<64x128xi1> to vector<64x128xi32>
    %convert_element_type3A_316 = arith.sitofp %convert_element_type3A_315 : vector<64x128xi32> to vector<64x128xf32>
    %eq3A_317 = arith.constant 7 : i32
    %eq3A_318 = vector.broadcast %eq3A_317 : i32 to vector<64x128xi32>
    %eq3A_319 = arith.cmpi eq, %get3A_4, %eq3A_318 : vector<64x128xi32>
    %convert_element_type3A_320 = arith.extui %eq3A_319 : vector<64x128xi1> to vector<64x128xi32>
    %convert_element_type3A_321 = arith.sitofp %convert_element_type3A_320 : vector<64x128xi32> to vector<64x128xf32>
    %add3A_322 = arith.addf %convert_element_type3A_316, %convert_element_type3A_321 : vector<64x128xf32>
    %convert_element_type3A_323 = arith.truncf %add3A_322 : vector<64x128xf32> to vector<64x128xbf16>
    %dot_general3A_324 = arith.constant dense<0.000000e+00> : vector<64x128xf32>
    %dot_general3A_325 = tpu.matmul %convert_element_type3A_323, %convert_element_type3A_7, %dot_general3A_324 {dimension_numbers = #tpu.dot_dimension_numbers<[1], [0], [0], [1], [0, 0, 1, 1], [], []>, transpose_lhs_hint = false} : vector<64x128xbf16>, vector<128x128xbf16>, vector<64x128xf32> -> vector<64x128xf32>
    %sub3A_326 = arith.subf %dot_general3A_325, %add3A_322 : vector<64x128xf32>
    %slice3A_327 = vector.extract_strided_slice %dot_general3A_325 {offsets = [0, 127], sizes = [64, 1], strides = [1, 1]} : vector<64x128xf32> to vector<64x1xf32>
    %convert_element_type3A_328 = arith.truncf %slice3A_327 : vector<64x1xf32> to vector<64x1xbf16>
    %dot_general3A_329 = arith.constant dense<0.000000e+00> : vector<64x1xf32>
    %dot_general3A_330 = tpu.matmul %convert_element_type3A_12, %convert_element_type3A_328, %dot_general3A_329 {dimension_numbers = #tpu.dot_dimension_numbers<[1], [0], [0], [1], [0, 0, 1, 1], [], []>, transpose_lhs_hint = false} : vector<64x64xbf16>, vector<64x1xbf16>, vector<64x1xf32> -> vector<64x1xf32>
    %add3A_331 = vector.broadcast %dot_general3A_330 : vector<64x1xf32> to vector<64x128xf32>
    %add3A_332 = arith.addf %sub3A_326, %add3A_331 : vector<64x128xf32>
    %reduce_sum3A_333 = vector.shape_cast %add3A_322 : vector<64x128xf32> to vector<1x64x128xf32>
    %reduce_sum3A_334 = arith.constant dense<0.000000e+00> : vector<1xf32>
    %reduce_sum3A_335 = vector.multi_reduction <add>, %reduce_sum3A_333, %reduce_sum3A_334 [1, 2] : vector<1x64x128xf32> to vector<1xf32>
    %reduce_sum3A_336 = vector.shape_cast %reduce_sum3A_335 : vector<1xf32> to vector<1x1x1xf32>
    %reduce_sum3A_337 = vector.extract %reduce_sum3A_336[0, 0, 0] : f32 from vector<1x1x1xf32>
    %add3A_338 = vector.broadcast %add3A_309 : f32 to vector<64x128xf32>
    %add3A_339 = arith.addf %add3A_338, %add3A_332 : vector<64x128xf32>
    %mul3A_340 = arith.mulf %convert_element_type3A_316, %add3A_339 : vector<64x128xf32>
    %add3A_341 = arith.addf %add3A_298, %mul3A_340 : vector<64x128xf32>
    %add3A_342 = vector.broadcast %add3A_309 : f32 to vector<64x128xf32>
    %add3A_343 = arith.addf %add3A_342, %add3A_332 : vector<64x128xf32>
    %add3A_344 = arith.addf %add3A_343, %convert_element_type3A_316 : vector<64x128xf32>
    %mul3A_345 = arith.mulf %convert_element_type3A_321, %add3A_344 : vector<64x128xf32>
    %add3A_346 = arith.addf %add3A_303, %mul3A_345 : vector<64x128xf32>
    %mul3A_347 = arith.constant 0.001953125 : f32
    %mul3A_348 = arith.mulf %reduce_sum3A_337, %mul3A_347 : f32
    %ceil3A_349 = math.ceil %mul3A_348 : f32
    %mul3A_350 = arith.constant 5.120000e+02 : f32
    %mul3A_351 = arith.mulf %ceil3A_349, %mul3A_350 : f32
    %add3A_352 = arith.addf %add3A_309, %mul3A_351 : f32
    %mul3A_353 = arith.constant 0.001953125 : f32
    %mul3A_354 = arith.mulf %add3A_352, %mul3A_353 : f32
    %iota3A_355 = tpu.iota {dimensions = array<i32: 1>} : vector<1x128xi32>
    %broadcast_in_dim3A_356 = arith.constant 0 : i32
    %broadcast_in_dim3A_357 = vector.broadcast %broadcast_in_dim3A_356 : i32 to vector<1x128xi32>
    %convert_element_type3A_358 = arith.sitofp %iota3A_355 : vector<1x128xi32> to vector<1x128xf32>
    %ge3A = vector.broadcast %mul3A_53 : f32 to vector<1x128xf32>
    %ge3A_359 = arith.cmpf oge, %convert_element_type3A_358, %ge3A : vector<1x128xf32>
    %convert_element_type3A_360 = arith.extui %ge3A_359 : vector<1x128xi1> to vector<1x128xi32>
    %add3A_361 = arith.addi %broadcast_in_dim3A_357, %convert_element_type3A_360 : vector<1x128xi32>
    %convert_element_type3A_362 = arith.sitofp %iota3A_355 : vector<1x128xi32> to vector<1x128xf32>
    %ge3A_363 = vector.broadcast %mul3A_96 : f32 to vector<1x128xf32>
    %ge3A_364 = arith.cmpf oge, %convert_element_type3A_362, %ge3A_363 : vector<1x128xf32>
    %convert_element_type3A_365 = arith.extui %ge3A_364 : vector<1x128xi1> to vector<1x128xi32>
    %add3A_366 = arith.addi %add3A_361, %convert_element_type3A_365 : vector<1x128xi32>
    %convert_element_type3A_367 = arith.sitofp %iota3A_355 : vector<1x128xi32> to vector<1x128xf32>
    %ge3A_368 = vector.broadcast %mul3A_139 : f32 to vector<1x128xf32>
    %ge3A_369 = arith.cmpf oge, %convert_element_type3A_367, %ge3A_368 : vector<1x128xf32>
    %convert_element_type3A_370 = arith.extui %ge3A_369 : vector<1x128xi1> to vector<1x128xi32>
    %add3A_371 = arith.addi %add3A_366, %convert_element_type3A_370 : vector<1x128xi32>
    %convert_element_type3A_372 = arith.sitofp %iota3A_355 : vector<1x128xi32> to vector<1x128xf32>
    %ge3A_373 = vector.broadcast %mul3A_182 : f32 to vector<1x128xf32>
    %ge3A_374 = arith.cmpf oge, %convert_element_type3A_372, %ge3A_373 : vector<1x128xf32>
    %convert_element_type3A_375 = arith.extui %ge3A_374 : vector<1x128xi1> to vector<1x128xi32>
    %add3A_376 = arith.addi %add3A_371, %convert_element_type3A_375 : vector<1x128xi32>
    %convert_element_type3A_377 = arith.sitofp %iota3A_355 : vector<1x128xi32> to vector<1x128xf32>
    %ge3A_378 = vector.broadcast %mul3A_225 : f32 to vector<1x128xf32>
    %ge3A_379 = arith.cmpf oge, %convert_element_type3A_377, %ge3A_378 : vector<1x128xf32>
    %convert_element_type3A_380 = arith.extui %ge3A_379 : vector<1x128xi1> to vector<1x128xi32>
    %add3A_381 = arith.addi %add3A_376, %convert_element_type3A_380 : vector<1x128xi32>
    %convert_element_type3A_382 = arith.sitofp %iota3A_355 : vector<1x128xi32> to vector<1x128xf32>
    %ge3A_383 = vector.broadcast %mul3A_268 : f32 to vector<1x128xf32>
    %ge3A_384 = arith.cmpf oge, %convert_element_type3A_382, %ge3A_383 : vector<1x128xf32>
    %convert_element_type3A_385 = arith.extui %ge3A_384 : vector<1x128xi1> to vector<1x128xi32>
    %add3A_386 = arith.addi %add3A_381, %convert_element_type3A_385 : vector<1x128xi32>
    %convert_element_type3A_387 = arith.sitofp %iota3A_355 : vector<1x128xi32> to vector<1x128xf32>
    %ge3A_388 = vector.broadcast %mul3A_311 : f32 to vector<1x128xf32>
    %ge3A_389 = arith.cmpf oge, %convert_element_type3A_387, %ge3A_388 : vector<1x128xf32>
    %convert_element_type3A_390 = arith.extui %ge3A_389 : vector<1x128xi1> to vector<1x128xi32>
    %add3A_391 = arith.addi %add3A_386, %convert_element_type3A_390 : vector<1x128xi32>
    %convert_element_type3A_392 = arith.sitofp %iota3A_355 : vector<1x128xi32> to vector<1x128xf32>
    %ge3A_393 = vector.broadcast %mul3A_354 : f32 to vector<1x128xf32>
    %ge3A_394 = arith.cmpf oge, %convert_element_type3A_392, %ge3A_393 : vector<1x128xf32>
    %convert_element_type3A_395 = arith.extui %ge3A_394 : vector<1x128xi1> to vector<1x128xi32>
    %add3A_396 = arith.addi %add3A_391, %convert_element_type3A_395 : vector<1x128xi32>
    %swap3A = arith.constant 0 : index
    %swap3A_397 = arith.constant 0 : index
    %swap3A_398 = vector.load %arg5[%swap3A, %swap3A_397] : memref<1x128xi32, #tpu.memory_space<vmem>>, vector<1x128xi32>
    tpu.vector_store %arg5[%swap3A, %swap3A_397], %add3A_396 {strides = array<i32>} : memref<1x128xi32, #tpu.memory_space<vmem>>, vector<1x128xi32>,
    %convert_element_type3A_399 = arith.fptosi %add3A_341 : vector<64x128xf32> to vector<64x128xi32>
    %swap3A_400 = arith.constant 0 : index
    %swap3A_401 = arith.constant 0 : index
    %swap3A_402 = vector.load %arg3[%swap3A_400, %swap3A_401] : memref<64x128xi32, #tpu.memory_space<vmem>>, vector<64x128xi32>
    tpu.vector_store %arg3[%swap3A_400, %swap3A_401], %convert_element_type3A_399 {strides = array<i32>} : memref<64x128xi32, #tpu.memory_space<vmem>>, vector<64x128xi32>,
    %convert_element_type3A_403 = arith.fptosi %add3A_346 : vector<64x128xf32> to vector<64x128xi32>
    %swap3A_404 = arith.constant 0 : index
    %swap3A_405 = arith.constant 0 : index
    %swap3A_406 = vector.load %arg4[%swap3A_404, %swap3A_405] : memref<64x128xi32, #tpu.memory_space<vmem>>, vector<64x128xi32>
    tpu.vector_store %arg4[%swap3A_404, %swap3A_405], %convert_element_type3A_403 {strides = array<i32>} : memref<64x128xi32, #tpu.memory_space<vmem>>, vector<64x128xi32>,
    return
  }
  func.func @transform_0(%arg0: i32) -> (i32, i32) {
    %c0_i32 = arith.constant 0 : i32
    %c0_i32_0 = arith.constant 0 : i32
    %c0_i32_1 = arith.constant 0 : i32
    return %c0_i32, %c0_i32_0 : i32, i32
  }
  func.func @transform_1(%arg0: i32) -> (i32, i32) {
    %c0_i32 = arith.constant 0 : i32
    %c0_i32_0 = arith.constant 0 : i32
    %c0_i32_1 = arith.constant 0 : i32
    return %c0_i32, %c0_i32_0 : i32, i32
  }
  func.func @transform_2(%arg0: i32) -> (i32, i32) {
    %c0_i32 = arith.constant 0 : i32
    %c0_i32_0 = arith.constant 0 : i32
    %c0_i32_1 = arith.constant 0 : i32
    return %c0_i32, %c0_i32_0 : i32, i32
  }
  func.func @transform_3(%arg0: i32) -> (i32, i32) {
    %c0_i32 = arith.constant 0 : i32
    %c0_i32_0 = arith.constant 0 : i32
    %c0_i32_1 = arith.constant 0 : i32
    return %c0_i32, %c0_i32_0 : i32, i32
  }
  func.func @transform_4(%arg0: i32) -> (i32, i32) {
    %c0_i32 = arith.constant 0 : i32
    %c0_i32_0 = arith.constant 0 : i32
    %c0_i32_1 = arith.constant 0 : i32
    return %c0_i32, %c0_i32_0 : i32, i32
  }
}

module attributes {stable_mosaic.version = 14 : i64} {
  func.func @_ffn_block(%arg0: i32, %arg1: memref<40xi32, #tpu.memory_space<smem>>, %arg2: memref<512x1024xf32, #tpu.memory_space<vmem>>, %arg3: memref<1x1024x2048xbf16, #tpu.memory_space<vmem>>, %arg4: memref<1x1x2048xf32, #tpu.memory_space<vmem>>, %arg5: memref<1x2048x1024xbf16, #tpu.memory_space<vmem>>, %arg6: memref<1x1x1024xf32, #tpu.memory_space<vmem>>, %arg7: memref<512x1024xf32, #tpu.memory_space<vmem>>) attributes {dimension_semantics = [#tpu.dimension_semantics<arbitrary>], iteration_bounds = array<i64: 40>, scalar_prefetch = 1 : i64, scratch_operands = 0 : i64, tpu.core_type = #tpu.core_type<tc>, window_params = [{transform_indices = @transform_0, window_bounds = array<i64: 512, 1024>}, {transform_indices = @transform_1, window_bounds = array<i64: 1, 1024, 2048>}, {transform_indices = @transform_2, window_bounds = array<i64: 1, 1, 2048>}, {transform_indices = @transform_3, window_bounds = array<i64: 1, 2048, 1024>}, {transform_indices = @transform_4, window_bounds = array<i64: 1, 1, 1024>}, {transform_indices = @transform_5, window_bounds = array<i64: 512, 1024>}]} {
    %get3A = arith.index_cast %arg0 : i32 to index
    %get3A_0 = memref.load %arg1[%get3A] : memref<40xi32, #tpu.memory_space<smem>>
    %lt3A = arith.constant 8 : i32
    %lt3A_1 = arith.cmpi slt, %get3A_0, %lt3A : i32
    %convert_element_type3A = arith.extui %lt3A_1 : i1 to i32
    %cond3A = arith.constant 0 : i32
    %cond3A_2 = arith.cmpi ne, %convert_element_type3A, %cond3A : i32
    scf.if %cond3A_2 {
      %get3A_3 = arith.constant 0 : index
      %get3A_4 = arith.constant 0 : index
      %get3A_5 = vector.load %arg2[%get3A_3, %get3A_4] : memref<512x1024xf32, #tpu.memory_space<vmem>>, vector<512x1024xf32>
      %convert_element_type3A_6 = arith.truncf %get3A_5 : vector<512x1024xf32> to vector<512x1024xbf16>
      %get3A_7 = arith.constant 0 : index
      %get3A_8 = arith.constant 0 : index
      %get3A_9 = arith.constant 0 : index
      %get3A_10 = vector.load %arg3[%get3A_7, %get3A_8, %get3A_9] : memref<1x1024x2048xbf16, #tpu.memory_space<vmem>>, vector<1x1024x2048xbf16>
      %get3A_11 = vector.shape_cast %get3A_10 : vector<1x1024x2048xbf16> to vector<1024x2048xbf16>
      %dot_general3A = arith.constant dense<0.000000e+00> : vector<512x2048xf32>
      %dot_general3A_12 = tpu.matmul %convert_element_type3A_6, %get3A_11, %dot_general3A {dimension_numbers = #tpu.dot_dimension_numbers<[1], [0], [0], [1], [0, 0, 1, 1], [], []>, transpose_lhs_hint = false} : vector<512x1024xbf16>, vector<1024x2048xbf16>, vector<512x2048xf32> -> vector<512x2048xf32>
      %get3A_13 = arith.constant 0 : index
      %get3A_14 = arith.constant 0 : index
      %get3A_15 = arith.constant 0 : index
      %get3A_16 = vector.load %arg4[%get3A_13, %get3A_14, %get3A_15] : memref<1x1x2048xf32, #tpu.memory_space<vmem>>, vector<1x1x2048xf32>
      %get3A_17 = vector.shape_cast %get3A_16 : vector<1x1x2048xf32> to vector<1x2048xf32>
      %add3A = vector.broadcast %get3A_17 : vector<1x2048xf32> to vector<512x2048xf32>
      %add3A_18 = arith.addf %dot_general3A_12, %add3A : vector<512x2048xf32>
      %mul3A = arith.constant 5.000000e-01 : f32
      %mul3A_19 = vector.broadcast %mul3A : f32 to vector<512x2048xf32>
      %mul3A_20 = arith.mulf %mul3A_19, %add3A_18 : vector<512x2048xf32>
      %mul3A_21 = arith.constant 0.707106769 : f32
      %mul3A_22 = vector.broadcast %mul3A_21 : f32 to vector<512x2048xf32>
      %mul3A_23 = arith.mulf %add3A_18, %mul3A_22 : vector<512x2048xf32>
      %erf3A = math.erf %mul3A_23 : vector<512x2048xf32>
      %add3A_24 = arith.constant 1.000000e+00 : f32
      %add3A_25 = vector.broadcast %add3A_24 : f32 to vector<512x2048xf32>
      %add3A_26 = arith.addf %add3A_25, %erf3A : vector<512x2048xf32>
      %mul3A_27 = arith.mulf %mul3A_20, %add3A_26 : vector<512x2048xf32>
      %convert_element_type3A_28 = arith.truncf %mul3A_27 : vector<512x2048xf32> to vector<512x2048xbf16>
      %get3A_29 = arith.constant 0 : index
      %get3A_30 = arith.constant 0 : index
      %get3A_31 = arith.constant 0 : index
      %get3A_32 = vector.load %arg5[%get3A_29, %get3A_30, %get3A_31] : memref<1x2048x1024xbf16, #tpu.memory_space<vmem>>, vector<1x2048x1024xbf16>
      %get3A_33 = vector.shape_cast %get3A_32 : vector<1x2048x1024xbf16> to vector<2048x1024xbf16>
      %dot_general3A_34 = arith.constant dense<0.000000e+00> : vector<512x1024xf32>
      %dot_general3A_35 = tpu.matmul %convert_element_type3A_28, %get3A_33, %dot_general3A_34 {dimension_numbers = #tpu.dot_dimension_numbers<[1], [0], [0], [1], [0, 0, 1, 1], [], []>, transpose_lhs_hint = false} : vector<512x2048xbf16>, vector<2048x1024xbf16>, vector<512x1024xf32> -> vector<512x1024xf32>
      %get3A_36 = arith.constant 0 : index
      %get3A_37 = arith.constant 0 : index
      %get3A_38 = arith.constant 0 : index
      %get3A_39 = vector.load %arg6[%get3A_36, %get3A_37, %get3A_38] : memref<1x1x1024xf32, #tpu.memory_space<vmem>>, vector<1x1x1024xf32>
      %get3A_40 = vector.shape_cast %get3A_39 : vector<1x1x1024xf32> to vector<1x1024xf32>
      %add3A_41 = vector.broadcast %get3A_40 : vector<1x1024xf32> to vector<512x1024xf32>
      %add3A_42 = arith.addf %dot_general3A_35, %add3A_41 : vector<512x1024xf32>
      %swap3A = arith.constant 0 : index
      %swap3A_43 = arith.constant 0 : index
      %swap3A_44 = vector.load %arg7[%swap3A, %swap3A_43] : memref<512x1024xf32, #tpu.memory_space<vmem>>, vector<512x1024xf32>
      tpu.vector_store %arg7[%swap3A, %swap3A_43], %add3A_42 {strides = array<i32>} : memref<512x1024xf32, #tpu.memory_space<vmem>>, vector<512x1024xf32>,
    } else {
    }
    return
  }
  func.func @transform_0(%arg0: i32, %arg1: memref<40xi32, #tpu.memory_space<smem>>) -> (i32, i32) {
    %c0_i32 = arith.constant 0 : i32
    %c0_i32_0 = arith.constant 0 : i32
    return %arg0, %c0_i32 : i32, i32
  }
  func.func @transform_1(%arg0: i32, %arg1: memref<40xi32, #tpu.memory_space<smem>>) -> (i32, i32, i32) {
    %get3A = arith.index_cast %arg0 : i32 to index
    %get3A_0 = memref.load %arg1[%get3A] : memref<40xi32, #tpu.memory_space<smem>>
    %min3A = arith.constant 7 : i32
    %min3A_1 = arith.minsi %get3A_0, %min3A : i32
    %c0_i32 = arith.constant 0 : i32
    %c0_i32_2 = arith.constant 0 : i32
    %c0_i32_3 = arith.constant 0 : i32
    return %min3A_1, %c0_i32, %c0_i32_2 : i32, i32, i32
  }
  func.func @transform_2(%arg0: i32, %arg1: memref<40xi32, #tpu.memory_space<smem>>) -> (i32, i32, i32) {
    %get3A = arith.index_cast %arg0 : i32 to index
    %get3A_0 = memref.load %arg1[%get3A] : memref<40xi32, #tpu.memory_space<smem>>
    %min3A = arith.constant 7 : i32
    %min3A_1 = arith.minsi %get3A_0, %min3A : i32
    %c0_i32 = arith.constant 0 : i32
    %c0_i32_2 = arith.constant 0 : i32
    %c0_i32_3 = arith.constant 0 : i32
    return %min3A_1, %c0_i32, %c0_i32_2 : i32, i32, i32
  }
  func.func @transform_3(%arg0: i32, %arg1: memref<40xi32, #tpu.memory_space<smem>>) -> (i32, i32, i32) {
    %get3A = arith.index_cast %arg0 : i32 to index
    %get3A_0 = memref.load %arg1[%get3A] : memref<40xi32, #tpu.memory_space<smem>>
    %min3A = arith.constant 7 : i32
    %min3A_1 = arith.minsi %get3A_0, %min3A : i32
    %c0_i32 = arith.constant 0 : i32
    %c0_i32_2 = arith.constant 0 : i32
    %c0_i32_3 = arith.constant 0 : i32
    return %min3A_1, %c0_i32, %c0_i32_2 : i32, i32, i32
  }
  func.func @transform_4(%arg0: i32, %arg1: memref<40xi32, #tpu.memory_space<smem>>) -> (i32, i32, i32) {
    %get3A = arith.index_cast %arg0 : i32 to index
    %get3A_0 = memref.load %arg1[%get3A] : memref<40xi32, #tpu.memory_space<smem>>
    %min3A = arith.constant 7 : i32
    %min3A_1 = arith.minsi %get3A_0, %min3A : i32
    %c0_i32 = arith.constant 0 : i32
    %c0_i32_2 = arith.constant 0 : i32
    %c0_i32_3 = arith.constant 0 : i32
    return %min3A_1, %c0_i32, %c0_i32_2 : i32, i32, i32
  }
  func.func @transform_5(%arg0: i32, %arg1: memref<40xi32, #tpu.memory_space<smem>>) -> (i32, i32) {
    %c0_i32 = arith.constant 0 : i32
    %c0_i32_0 = arith.constant 0 : i32
    return %arg0, %c0_i32 : i32, i32
  }
}

module attributes {stable_mosaic.version = 14 : i64} {
  func.func @_combine_block(%arg0: i32, %arg1: memref<1024x1024xf32, #tpu.memory_space<vmem>>, %arg2: memref<1024x1024xf32, #tpu.memory_space<vmem>>, %arg3: memref<1024x1xf32, #tpu.memory_space<vmem>>, %arg4: memref<1024x1xf32, #tpu.memory_space<vmem>>, %arg5: memref<1024x1024xf32, #tpu.memory_space<vmem>>) attributes {dimension_semantics = [#tpu.dimension_semantics<arbitrary>], iteration_bounds = array<i64: 8>, scalar_prefetch = 0 : i64, scratch_operands = 0 : i64, tpu.core_type = #tpu.core_type<tc>, window_params = [{transform_indices = @transform_0, window_bounds = array<i64: 1024, 1024>}, {transform_indices = @transform_1, window_bounds = array<i64: 1024, 1024>}, {transform_indices = @transform_2, window_bounds = array<i64: 1024, 1>}, {transform_indices = @transform_3, window_bounds = array<i64: 1024, 1>}, {transform_indices = @transform_4, window_bounds = array<i64: 1024, 1024>}]} {
    %get3A = arith.constant 0 : index
    %get3A_0 = arith.constant 0 : index
    %get3A_1 = vector.load %arg3[%get3A, %get3A_0] : memref<1024x1xf32, #tpu.memory_space<vmem>>, vector<1024x1xf32>
    %get3A_2 = arith.constant 0 : index
    %get3A_3 = arith.constant 0 : index
    %get3A_4 = vector.load %arg1[%get3A_2, %get3A_3] : memref<1024x1024xf32, #tpu.memory_space<vmem>>, vector<1024x1024xf32>
    %mul3A = vector.broadcast %get3A_1 : vector<1024x1xf32> to vector<1024x1024xf32>
    %mul3A_5 = arith.mulf %mul3A, %get3A_4 : vector<1024x1024xf32>
    %get3A_6 = arith.constant 0 : index
    %get3A_7 = arith.constant 0 : index
    %get3A_8 = vector.load %arg4[%get3A_6, %get3A_7] : memref<1024x1xf32, #tpu.memory_space<vmem>>, vector<1024x1xf32>
    %get3A_9 = arith.constant 0 : index
    %get3A_10 = arith.constant 0 : index
    %get3A_11 = vector.load %arg2[%get3A_9, %get3A_10] : memref<1024x1024xf32, #tpu.memory_space<vmem>>, vector<1024x1024xf32>
    %mul3A_12 = vector.broadcast %get3A_8 : vector<1024x1xf32> to vector<1024x1024xf32>
    %mul3A_13 = arith.mulf %mul3A_12, %get3A_11 : vector<1024x1024xf32>
    %add3A = arith.addf %mul3A_5, %mul3A_13 : vector<1024x1024xf32>
    %swap3A = arith.constant 0 : index
    %swap3A_14 = arith.constant 0 : index
    %swap3A_15 = vector.load %arg5[%swap3A, %swap3A_14] : memref<1024x1024xf32, #tpu.memory_space<vmem>>, vector<1024x1024xf32>
    tpu.vector_store %arg5[%swap3A, %swap3A_14], %add3A {strides = array<i32>} : memref<1024x1024xf32, #tpu.memory_space<vmem>>, vector<1024x1024xf32>,
    return
  }
  func.func @transform_0(%arg0: i32) -> (i32, i32) {
    %c0_i32 = arith.constant 0 : i32
    %c0_i32_0 = arith.constant 0 : i32
    return %arg0, %c0_i32 : i32, i32
  }
  func.func @transform_1(%arg0: i32) -> (i32, i32) {
    %c0_i32 = arith.constant 0 : i32
    %c0_i32_0 = arith.constant 0 : i32
    return %arg0, %c0_i32 : i32, i32
  }
  func.func @transform_2(%arg0: i32) -> (i32, i32) {
    %c0_i32 = arith.constant 0 : i32
    %c0_i32_0 = arith.constant 0 : i32
    return %arg0, %c0_i32 : i32, i32
  }
  func.func @transform_3(%arg0: i32) -> (i32, i32) {
    %c0_i32 = arith.constant 0 : i32
    %c0_i32_0 = arith.constant 0 : i32
    return %arg0, %c0_i32 : i32, i32
  }
  func.func @transform_4(%arg0: i32) -> (i32, i32) {
    %c0_i32 = arith.constant 0 : i32
    %c0_i32_0 = arith.constant 0 : i32
    return %arg0, %c0_i32 : i32, i32
  }
}

</mosaic_0001>

<sc_bundles>
// kernel: kernel.11.cloned.1.call-start
scs
__scs_entry_jumppad:
0x0: {  	(pc) =	sbr.rel $0x88, $3  }
0x1: {  	(tag) =	ssettag $0x0;
	lr =	simm.s32 $0x1  }
0x2: {  	[smem:$0x3F9A] =	sst lr;
	_ =	strace $0xD0000000  }
0x3: {  	_ = 	snop  }
0x4: {  	_ = 	snop  }
0x5: {  	_ = 	snop  }
0x6: {  	_ = 	snop  }
0x7: {  	_ = 	snop  }
__scs_overlays_trampoline_lowered:
0x8: {  	[smem:$0x3FA9] =	sst s0  }
0x9: {  	[smem:$0x3FAA] =	sst s1  }
0xa: {  	[smem:$0x3FAB] =	sst s2  }
0xb: {  	[smem:$0x3FAC] =	sst s3  }
0xc: {  	[smem:$0x3FAD] =	sst s4  }
0xd: {  	[smem:$0x3FAE] =	sst s5  }
0xe: {  	[smem:$0x3FAF] =	sst s6  }
0xf: {  	[smem:$0x3FB0] =	sst s7  }
0x10: {  	[smem:$0x3FB1] =	sst s8  }
0x11: {  	[smem:$0x3FB2] =	sst s9;
	s0 =	simm.s32 @!p0 $0x0  }
0x12: {  	s1 =	sld [smem:$0x3F98];
	s0 =	simm.s32 @p0 $0x1  }
0x13: {  	[smem:$0x3FB3] =	sst s0;
	s0 =	simm.s32 @!p1 $0x0  }
0x14: {  	s2 =	sld [smem:$0x3F97];
	s0 =	simm.s32 @p1 $0x1  }
0x15: {  	[smem:$0x3FB4] =	sst s0;
	s0 =	simm.s32 @!p2 $0x0  }
0x16: {  	s3 =	sld [smem:$0x3FDB];
	s0 =	simm.s32 @p2 $0x1  }
0x17: {  	s4 =	simm.s32 $0x1BF5;
	[smem:$0x3FB6] =	sst s0  }
0x18: {  	s0 =	sld [smem:$0x3F99];
	_ =	swait.ge [sflag:s4], $0x0  }
0x19: {  	s7 =	sld [smem:$0x3F9A]  }
0x1a: {  	s8 =	sadd.s32 $0xFFFFE003, lr  }
0x1b: {  	s9 =	sadd.s32 $0xFFFFFEF7, lr;
	s5 =	simm.s32 $0xFFFFFFFF;
	p2 =	slt.u32 s8, $0xFFFFF086  }
0x1c: {  	p1 =	slt.u32 s9, $0xF7A;
	s5 =	simm.s32 @!p2 $0x0  }
0x1d: {  	s5 =	simm.s32 @p1 $0x1;
	p0 =	seq.s32 s7, s2  }
0x1e: {  	s7 =	smul.u32 @!p0 $0xF7A, s2;
	p2 =	seq.s32 @!p0 s5, $0x0  }
0x1f: {  	s9 =	smul.u32 $0xF7A, s1;
	s8 =	simm.s32 @!p0 $0x1BF5;
	p2 =	por !p2, p0  }
0x20: {  	[sflag:s8] =	ssyncset.s32 @!p0 $0xFFFFF086;
	s6 =	sadd.s32 @!p0 s3, s7;
	s7 =	simm.s32 @!p0 $0x108  }
0x21: {  	s3 =	sadd.s32 s3, s9;
	s6 =	sadd.s32 @!p0 $0x88, s6;
	s7 =	simm.s32 @p2 $0x1082  }
0x22: {  	[simem:s7], [sflag:s8] =	dma.local @!p0 [hbm:s6], $0xF7A  }
0x23: {  	s9 =	sor.u32 $0xD0000000, s2;
	s6 =	simm.s32 $0x108;
	_ =	swait.ge @!p0 [sflag:s8], $0x0  }
0x24: {  	s3 =	sadd.s32 $0x88, s3;
	s6 =	simm.s32 @!p1 $0x1082;
	[sflag:s4] =	ssyncset.s32 $0xFFFFF086  }
0x25: {  	[simem:s6], [sflag:s4] =	dma.local [hbm:s3], $0xF7A  }
0x26: {  	[smem:$0x3F9A] =	sst s1;
	(tag) =	ssettag s2;
	_ =	strace s9  }
0x27: {  	s1 =	sld [smem:$0x3FAA]  }
0x28: {  	s2 =	sld [smem:$0x3FAB]  }
0x29: {  	s4 =	sld [smem:$0x3FAD]  }
0x2a: {  	p0 =	seq.s32 s5, $0x0;
	s5 =	sld [smem:$0x3FAE]  }
0x2b: {  	s6 =	sld [smem:$0x3FAF]  }
0x2c: {  	s7 =	sld [smem:$0x3FB0]  }
0x2d: {  	s3 =	simm.s32 $0x108;
	s8 =	sld [smem:$0x3FB1]  }
0x2e: {  	s3 =	simm.s32 @!p0 $0x1082;
	s9 =	sld [smem:$0x3FB2]  }
0x2f: {  	lr =	sadd.s32 s0, s3;
	s0 =	sld [smem:$0x3FA9]  }
0x30: {  	s3 =	sld [smem:$0x3FAC]  }
0x31: {  	[smem:$0x3FB5] =	sst s10  }
0x32: {  	s10 =	sld [smem:$0x3FB3];
	_ =	sdelay $0x3  }
0x33: {  	p0 =	seq.s32 s10, $0x1;
	s10 =	sld [smem:$0x3FB5];
	_ =	sdelay $0x3  }
0x34: {  	[smem:$0x3FB5] =	sst s10  }
0x35: {  	s10 =	sld [smem:$0x3FB4];
	_ =	sdelay $0x3  }
0x36: {  	p1 =	seq.s32 s10, $0x1;
	s10 =	sld [smem:$0x3FB5];
	_ =	sdelay $0x3  }
0x37: {  	[smem:$0x3FB5] =	sst s10  }
0x38: {  	s10 =	sld [smem:$0x3FB6]  }
0x39: {  	_ = 	snop;
	(pc) =	sbr.ind lr, $3  }
0x3a: {  	_ = 	snop  }
0x3b: {  	_ = 	snop  }
0x3c: {  	p2 =	seq.s32 s10, $0x1;
	s10 =	sld [smem:$0x3FB5]  }
0x3d: {  	_ =	shalt  }
0x3e: {  	_ =	shalt  }
0x3f: {  	_ =	shalt  }
0x40: {  	_ =	shalt  }
0x41: {  	_ =	shalt  }
0x42: {  	_ =	shalt  }
0x43: {  	_ =	shalt  }
0x44: {  	_ =	shalt  }
0x45: {  	_ =	shalt  }
0x46: {  	_ =	shalt  }
0x47: {  	_ =	shalt  }
0x48: {  	_ =	shalt  }
0x49: {  	_ =	shalt  }
0x4a: {  	_ =	shalt  }
0x4b: {  	_ =	shalt  }
0x4c: {  	_ =	shalt  }
0x4d: {  	_ =	shalt  }
0x4e: {  	_ =	shalt  }
0x4f: {  	_ =	shalt  }
0x50: {  	_ =	shalt  }
0x51: {  	_ =	shalt  }
0x52: {  	_ =	shalt  }
0x53: {  	_ =	shalt  }
0x54: {  	_ =	shalt  }
0x55: {  	_ =	shalt  }
0x56: {  	_ =	shalt  }
0x57: {  	_ =	shalt  }
0x58: {  	_ =	shalt  }
0x59: {  	_ =	shalt  }
0x5a: {  	_ =	shalt  }
0x5b: {  	_ =	shalt  }
0x5c: {  	_ =	shalt  }
0x5d: {  	_ =	shalt  }
0x5e: {  	_ =	shalt  }
0x5f: {  	_ =	shalt  }
0x60: {  	_ =	shalt  }
0x61: {  	_ =	shalt  }
0x62: {  	_ =	shalt  }
0x63: {  	_ =	shalt  }
0x64: {  	_ =	shalt  }
0x65: {  	_ =	shalt  }
0x66: {  	_ =	shalt  }
0x67: {  	_ =	shalt  }
0x68: {  	_ =	shalt  }
0x69: {  	_ =	shalt  }
0x6a: {  	_ =	shalt  }
0x6b: {  	_ =	shalt  }
0x6c: {  	_ =	shalt  }
0x6d: {  	_ =	shalt  }
0x6e: {  	_ =	shalt  }
0x6f: {  	_ =	shalt  }
0x70: {  	_ =	shalt  }
0x71: {  	_ =	shalt  }
0x72: {  	_ =	shalt  }
0x73: {  	_ =	shalt  }
0x74: {  	_ =	shalt  }
0x75: {  	_ =	shalt  }
0x76: {  	_ =	shalt  }
0x77: {  	_ =	shalt  }
0x78: {  	_ =	shalt  }
0x79: {  	_ =	shalt  }
0x7a: {  	_ =	shalt  }
0x7b: {  	_ =	shalt  }
0x7c: {  	_ =	shalt  }
0x7d: {  	_ =	shalt  }
0x7e: {  	_ =	shalt  }
0x7f: {  	_ =	shalt  }
0x80: {  	_ =	shalt  }
0x81: {  	_ =	shalt  }
0x82: {  	_ =	shalt  }
0x83: {  	_ =	shalt  }
0x84: {  	_ =	shalt  }
0x85: {  	_ =	shalt  }
0x86: {  	_ =	shalt  }
0x87: {  	_ =	shalt  }
.Lfunc_end0:
.L_simem_size_0:
called_computation.1_lowered:
.L_overlay_start_0:
0x88: {  	s2 =	sld [smem:$0x3FD9]  }
0x89: {  	s3 =	sld [smem:$0x3FFE];
	_ =	sdelay $0x1  }
0x8a: {  	s1 =	srdreg.scid  }
0x8b: {  	s0 =	sand.u32 $0x1, s1  }
0x8c: {  	s16 =	sshll.u32 s0, $0xA;
	s2 =	sadd.s32 s3, s2  }
0x8d: {  	s2 =	sadd.s32 s2, s16  }
0x8e: {  	[smem:$0x3FC1] =	sst s2  }
0x8f: {  	_ = 	snop  }
0x90: {  	(tm) =	ssettm $0x1  }
0x91: {  	s17 =	sld [smem:$0x3FFB];
	_ =	sdelay $0x3  }
0x92: {  	_ =	strace s17  }
0x93: {  	s2 =	sld [smem:$0x3FFC];
	_ =	sdelay $0x3  }
0x94: {  	_ =	strace s2  }
0x95: {  	s2 =	sld [smem:$0x3FFD];
	_ =	sdelay $0x3  }
0x96: {  	_ =	strace s2  }
0x97: {  	_ =	strace $0x8FFFFFFF  }
0x98: {  	s18 =	sld [smem:$0x3FDB];
	_ =	sdelay $0x1  }
0x99: {  	s19 =	simm.s32 $_scs_section_size  }
0x9a: {  	s4 =	simm.s32 $_size__tile_overlayer_lowered;
	s5 =	simm.s32 $_tile_overlayer_lowered  }
0x9b: {  	s22 =	simm.s32 $0x1BFF;
	s21 =	sshll.u32 s5, $0x1;
	s2 =	sadd.s32 s19, s18  }
0x9c: {  	s6 =	simm.s32 $0x0;
	s20 =	sshll.u32 s4, $0x1;
	s4 =	sadd.s32 s21, s2  }
0x9d: {  	[timem:s6], [sflag:s22] =	dma.local [hbm:s4], s20  }
0x9e: {  	_ =	swait.ge [sflag:s22], s20  }
0x9f: {  	s3 =	ssub.s32 $0x0, s20;
	[sflag:s22] =	ssyncset.done $0x0  }
0xa0: {  	[sflag:s22] =	ssyncadd.s32 s3;
	_ =	sdelay $0x1  }
0xa1: {  	s23 =	simm.s32 $0x1B8B  }
0xa2: {  	_ =	swait.ge [sflag:s23], $0x1  }
0xa3: {  	[sflag:s23] =	ssyncset.done $0x0  }
0xa4: {  	s25 =	simm.s32 $0x1B8E;
	s24 =	sld [smem:$0x3FFE];
	[sflag:s23] =	ssyncadd.s32 $0xFFFFFFFF  }
0xa5: {  	s26 =	simm.s32 $execute0_lowered;
	[smem:$0x3FD2] =	sst s25  }
0xa6: {  	s4 =	sshll.u32 s26, $0x1;
	_ =	strace $0x80000049;
	[dreg:$0x1] =	wrdreg $0xFFFFFFFF  }
0xa7: {  	s28 =	simm.s32 $_size_execute0_lowered;
	s2 =	sadd.s32 s2, s4;
	[dreg:$0x0] =	wrdreg $0x0  }
0xa8: {  	s4 =	sshll.u32 s28, $0x1;
	[dreg:$0x2] =	wrdreg s2  }
0xa9: {  	[dreg:$0x3] =	wrdreg s4  }
0xaa: {  	[dreg:$0x4] =	wrdreg $0xC0  }
0xab: {  	_ =	task [dreg:s6], $0x5FFFF  }
0xac: {  	[dreg:$0x1] =	wrdreg $0xFFFFFFFF  }
0xad: {  	[dreg:$0x0] =	wrdreg $0x60  }
0xae: {  	[dreg:$0x2] =	wrdreg s24  }
0xaf: {  	[dreg:$0x3] =	wrdreg $0x9  }
0xb0: {  	_ =	task.clear_ibuf [dreg:s6], $0x4FFFF;
	_ =	strace $0x90000049  }
0xb1: {  	s29 =	simm.s32 $0x9;
	_ =	strace $0x8000004B  }
0xb2: {  	_ =	swait.ge [sflag:s29], $0x1  }
0xb3: {  	[sflag:s29] =	ssyncadd.s32 $0xFFFFFFFF  }
0xb4: {  	_ =	strace $0x9000004B  }
0xb5: {  	_ =	sfence  }
0xb6: {  	s30 =	sld [smem:$0x0];
	_ =	sdelay $0x2  }
0xb7: {  	s31 =	sshll.u32 s1, $0xD;
	s1 =	sshrl.u32 s1, $0x2  }
0xb8: {  	s3 =	sand.u32 $0x4000, s31;
	s1 =	sadd.s32 s1, s30  }
0xb9: {  	s0 =	sor.u32 s3, s0;
	s1 =	sshll.u32 s1, $0x11  }
0xba: {  	s0 =	sor.u32 s1, s0  }
0xbb: {  	s0 =	sadd.s32 $0x8F2B, s0  }
0xbc: {  	[sflag:s0] =	ssyncadd.remote.s32 $0x1  }
0xbd: {  	_ =	sfence.sel $0xFFFF  }
0xbe: {  	[dreg:$0x0] =	wrdreg $0xFFFFFFFF;
	(pc) =	sbr.abs _section_cstart, $3  }
0xbf: {  	[dreg:$0x1] =	wrdreg $0xFFFFFFFF  }
0xc0: {  	_ =	task.clear_ibuf [dreg:s6], $0x2FFFF;
	_ =	strace $0x9FFFFFFF  }
0xc1: {  	(tm) =	ssettm $0x7FFFFFFF  }
tec
execute0_lowered:
.L_overlay_start_1:
0x0: {  	(tag) =	ssettag $0x1  }
0x1: {  	s0 =	rddreg [dreg:$0x0]  }
0x2: {  	s2 =	simm.s32 $0x0;
	s1 =	srdreg.scid;
	s3 =	stileid.u32  }
0x3: {  	[smem:$0x7FF] =	sst s2;
	s1 =	sand.u32 $0x1, s1;
	s5 =	sshll.u32 s3, $0x8  }
0x4: {  	s3 =	sadd.s32 $0x3C2600, s0;
	s6 =	sadd.s32 $0x41C00, s0;
	s4 =	sshll.u32 s1, $0xC  }
0x5: {  	s7 =	sadd.s32 $0x42000, s0;
	s31 =	sadd.s32 $0x42400, s0;
	s4 =	sor.u32 s5, s4  }
0x6: {  	s9 =	sadd.s32 $0x142400, s0;
	_ =	strace $0x8000004A;
	s8 =	sshrl.u32 s4, $0x3  }
0x7: {  	s1 =	ssub.s32 $0x2, s1;
	s11 =	sshll.u32 s4, $0x7;
	s10 =	sadd.s32 s6, s8  }
0x8: {  	s5 =	sadd.s32 $0x3C2800, s0;
	s12 =	sadd.s32 s31, s11;
	[dreg:$0x2] =	wrdreg s10  }
0x9: {  	s13 =	sor.u32 $0x40, s4;
	s8 =	sadd.s32 s7, s8;
	[dreg:$0x3] =	wrdreg s12  }
0xa: {  	s14 =	sadd.s32 s9, s11;
	s15 =	sshrl.u32 s13, $0x3;
	[dreg:$0x4] =	wrdreg s8  }
0xb: {  	s19 =	sor.u32 $0x80, s4;
	[dreg:$0x5] =	wrdreg s14;
	s16 =	sadd.s32 s6, s15  }
0xc: {  	s21 =	sshrl.u32 s19, $0x3;
	s18 =	sadd.s32 s7, s15;
	[dreg:$0x6] =	wrdreg s16  }
0xd: {  	s11 =	sshll.u32 s19, $0x7;
	s22 =	sadd.s32 s6, s21;
	[dreg:$0x8] =	wrdreg s18  }
0xe: {  	s4 =	sor.u32 $0xC0, s4;
	s23 =	sadd.s32 s31, s11;
	[dreg:$0xa] =	wrdreg s22  }
0xf: {  	s26 =	sshrl.u32 s4, $0x3;
	s24 =	sadd.s32 s7, s21;
	[dreg:$0xb] =	wrdreg s23  }
0x10: {  	s28 =	sshll.u32 s4, $0x7;
	s25 =	sadd.s32 s9, s11;
	[dreg:$0xc] =	wrdreg s24  }
0x11: {  	s4 =	sadd.s32 $0x3C2700, s0;
	s6 =	sadd.s32 s6, s26;
	[dreg:$0xd] =	wrdreg s25  }
0x12: {  	s10 =	sshll.u32 s13, $0x7;
	s29 =	sadd.s32 s31, s28;
	[dreg:$0xe] =	wrdreg s6  }
0x13: {  	s12 =	sshrl.u32 s1, $0x1;
	s7 =	sadd.s32 s7, s26;
	[dreg:$0xf] =	wrdreg s29  }
0x14: {  	s17 =	sadd.s32 s31, s10;
	s20 =	sadd.s32 s9, s10;
	[dreg:$0x10] =	wrdreg s7  }
0x15: {  	v2 =	vlaneseq.u32;
	s1 =	ssub.s32 s1, s12;
	s6 =	sadd.s32 $0x3C2900, s0;
	[dreg:$0x7] =	wrdreg s17  }
0x16: {  	vm0 =	vmmov $0xffff;
	v1 =	vshrl.u32 v2, $0x3;
	s31 =	sadd.s32 s9, s28;
	s9 =	simm.s32 $0x2;
	[dreg:$0x9] =	wrdreg s20  }
0x17: {  	v0 =	vand.u32 $0x7, v2;
	v2 =	vor.u32 $0x8, v2;
	v1 =	vmul.u32 $0x8, v1;
	[dreg:$0x11] =	wrdreg s31;
	s30 =	smax.u32 s1, $0x1;
	s17 =	simm.s32 $0x1  }
.LBB2_1:
0x18: {  	s18 =	rddreg [dreg:$0x2];
	s0 =	simm.s32 $0x10000  }
0x19: {  	[tilespmem:s0], [sflag:$0x2] =	stream.linear.gather [hbm4b:s18+s2], $0x40, $0x38;
	[tilespmem:$0x10080] =	vst v63  }
0x1a: {  	_ =	swait.ge [sflag:s9], $0x40  }
0x1b: {  	[sflag:s9] =	ssyncset.done $0x0  }
0x1c: {  	[sflag:s9] =	ssyncadd.s32 $0xFFFFFFC0  }
0x1d: {  	v3 =	vld [tilespmem:$0x10000];
	_ =	sdelay $0x4  }
0x1e: {  	v4 =	vshll.u32 v3, $0x3  }
0x1f: {  	v3 =	vand.u32 $0x7, v3;
	v4 =	vand.u32 $0xFFFFFFC0, v4  }
0x20: {  	v3 =	vor.u32 v3, v4  }
0x21: {  	v4 =	vperm.xlane v3, v0;
	_ =	sdelay $0x1  }
0x22: {  	v4 =	vadd.s32 v1, v4;
	_ =	sdelay $0x4  }
0x23: {  	[tilespmem:s2], [sflag:$0x1] =	stream.indirect_vreg.gather [hbm4b:s3+s2], $0x80, v4, vm0, $0xb8;
	[tilespmem:$0x10080] =	vst v63  }
0x24: {  	s16 =	simm.s32 $0x800;
	v3 =	vperm.xlane v3, v2  }
0x25: {  	[tilespmem:s16], [sflag:$0x1] =	stream.indirect_vreg.gather [hbm4b:s4+s2], $0x80, v4, vm0, $0xb8;
	[tilespmem:$0x10080] =	vst v63  }
0x26: {  	s18 =	simm.s32 $0x1000;
	v3 =	vadd.s32 v1, v3  }
0x27: {  	[tilespmem:s18], [sflag:$0x1] =	stream.indirect_vreg.gather [hbm4b:s5+s2], $0x80, v4, vm0, $0xb8;
	[tilespmem:$0x10080] =	vst v63  }
0x28: {  	s19 =	simm.s32 $0x1800  }
0x29: {  	[tilespmem:s19], [sflag:$0x1] =	stream.indirect_vreg.gather [hbm4b:s6+s2], $0x80, v4, vm0, $0xb8;
	[tilespmem:$0x10080] =	vst v63  }
0x2a: {  	s20 =	simm.s32 $0x2000  }
0x2b: {  	[tilespmem:s20], [sflag:$0x1] =	stream.indirect_vreg.gather [hbm4b:s3+s2], $0x80, v3, vm0, $0xb8;
	[tilespmem:$0x10080] =	vst v63  }
0x2c: {  	s21 =	simm.s32 $0x2800  }
0x2d: {  	[tilespmem:s21], [sflag:$0x1] =	stream.indirect_vreg.gather [hbm4b:s4+s2], $0x80, v3, vm0, $0xb8;
	[tilespmem:$0x10080] =	vst v63  }
0x2e: {  	s22 =	simm.s32 $0x3000  }
0x2f: {  	[tilespmem:s22], [sflag:$0x1] =	stream.indirect_vreg.gather [hbm4b:s5+s2], $0x80, v3, vm0, $0xb8;
	[tilespmem:$0x10080] =	vst v63  }
0x30: {  	s23 =	simm.s32 $0x3800  }
0x31: {  	[tilespmem:s23], [sflag:$0x1] =	stream.indirect_vreg.gather [hbm4b:s6+s2], $0x80, v3, vm0, $0xb8;
	[tilespmem:$0x10080] =	vst v63  }
0x32: {  	v3 =	vld [tilespmem:$0x10010];
	_ =	sdelay $0x4  }
0x33: {  	v33 =	vshll.u32 v3, $0x3  }
0x34: {  	v3 =	vand.u32 $0x7, v3;
	v4 =	vand.u32 $0xFFFFFFC0, v33  }
0x35: {  	v3 =	vor.u32 v3, v4  }
0x36: {  	v4 =	vperm.xlane v3, v0;
	_ =	sdelay $0x1  }
0x37: {  	v4 =	vadd.s32 v1, v4;
	_ =	sdelay $0x3  }
0x38: {  	s24 =	simm.s32 $0x4000  }
0x39: {  	[tilespmem:s24], [sflag:$0x1] =	stream.indirect_vreg.gather [hbm4b:s3+s2], $0x80, v4, vm0, $0xb8;
	[tilespmem:$0x10080] =	vst v63  }
0x3a: {  	s25 =	simm.s32 $0x4800;
	v3 =	vperm.xlane v3, v2  }
0x3b: {  	[tilespmem:s25], [sflag:$0x1] =	stream.indirect_vreg.gather [hbm4b:s4+s2], $0x80, v4, vm0, $0xb8;
	[tilespmem:$0x10080] =	vst v63  }
0x3c: {  	s26 =	simm.s32 $0x5000;
	v3 =	vadd.s32 v1, v3  }
0x3d: {  	[tilespmem:s26], [sflag:$0x1] =	stream.indirect_vreg.gather [hbm4b:s5+s2], $0x80, v4, vm0, $0xb8;
	[tilespmem:$0x10080] =	vst v63  }
0x3e: {  	s28 =	simm.s32 $0x5800  }
0x3f: {  	[tilespmem:s28], [sflag:$0x1] =	stream.indirect_vreg.gather [hbm4b:s6+s2], $0x80, v4, vm0, $0xb8;
	[tilespmem:$0x10080] =	vst v63  }
0x40: {  	s29 =	simm.s32 $0x6000  }
0x41: {  	[tilespmem:s29], [sflag:$0x1] =	stream.indirect_vreg.gather [hbm4b:s3+s2], $0x80, v3, vm0, $0xb8;
	[tilespmem:$0x10080] =	vst v63  }
0x42: {  	s31 =	simm.s32 $0x6800  }
0x43: {  	[tilespmem:s31], [sflag:$0x1] =	stream.indirect_vreg.gather [hbm4b:s4+s2], $0x80, v3, vm0, $0xb8;
	[tilespmem:$0x10080] =	vst v63  }
0x44: {  	s15 =	simm.s32 $0x7000  }
0x45: {  	[tilespmem:s15], [sflag:$0x1] =	stream.indirect_vreg.gather [hbm4b:s5+s2], $0x80, v3, vm0, $0xb8;
	[tilespmem:$0x10080] =	vst v63  }
0x46: {  	s18 =	simm.s32 $0x7800  }
0x47: {  	[tilespmem:s18], [sflag:$0x1] =	stream.indirect_vreg.gather [hbm4b:s6+s2], $0x80, v3, vm0, $0xb8;
	[tilespmem:$0x10080] =	vst v63  }
0x48: {  	v3 =	vld [tilespmem:$0x10020];
	_ =	sdelay $0x4  }
0x49: {  	v34 =	vshll.u32 v3, $0x3  }
0x4a: {  	v3 =	vand.u32 $0x7, v3;
	v4 =	vand.u32 $0xFFFFFFC0, v34  }
0x4b: {  	v3 =	vor.u32 v3, v4  }
0x4c: {  	v4 =	vperm.xlane v3, v0;
	_ =	sdelay $0x1  }
0x4d: {  	v4 =	vadd.s32 v1, v4;
	_ =	sdelay $0x3  }
0x4e: {  	s19 =	simm.s32 $0x8000  }
0x4f: {  	[tilespmem:s19], [sflag:$0x1] =	stream.indirect_vreg.gather [hbm4b:s3+s2], $0x80, v4, vm0, $0xb8;
	[tilespmem:$0x10080] =	vst v63  }
0x50: {  	s20 =	simm.s32 $0x8800;
	v3 =	vperm.xlane v3, v2  }
0x51: {  	[tilespmem:s20], [sflag:$0x1] =	stream.indirect_vreg.gather [hbm4b:s4+s2], $0x80, v4, vm0, $0xb8;
	[tilespmem:$0x10080] =	vst v63  }
0x52: {  	s21 =	simm.s32 $0x9000;
	v3 =	vadd.s32 v1, v3  }
0x53: {  	[tilespmem:s21], [sflag:$0x1] =	stream.indirect_vreg.gather [hbm4b:s5+s2], $0x80, v4, vm0, $0xb8;
	[tilespmem:$0x10080] =	vst v63  }
0x54: {  	s22 =	simm.s32 $0x9800  }
0x55: {  	[tilespmem:s22], [sflag:$0x1] =	stream.indirect_vreg.gather [hbm4b:s6+s2], $0x80, v4, vm0, $0xb8;
	[tilespmem:$0x10080] =	vst v63  }
0x56: {  	s23 =	simm.s32 $0xA000  }
0x57: {  	[tilespmem:s23], [sflag:$0x1] =	stream.indirect_vreg.gather [hbm4b:s3+s2], $0x80, v3, vm0, $0xb8;
	[tilespmem:$0x10080] =	vst v63  }
0x58: {  	s24 =	simm.s32 $0xA800  }
0x59: {  	[tilespmem:s24], [sflag:$0x1] =	stream.indirect_vreg.gather [hbm4b:s4+s2], $0x80, v3, vm0, $0xb8;
	[tilespmem:$0x10080] =	vst v63  }
0x5a: {  	s25 =	simm.s32 $0xB000  }
0x5b: {  	[tilespmem:s25], [sflag:$0x1] =	stream.indirect_vreg.gather [hbm4b:s5+s2], $0x80, v3, vm0, $0xb8;
	[tilespmem:$0x10080] =	vst v63  }
0x5c: {  	s26 =	simm.s32 $0xB800  }
0x5d: {  	[tilespmem:s26], [sflag:$0x1] =	stream.indirect_vreg.gather [hbm4b:s6+s2], $0x80, v3, vm0, $0xb8;
	[tilespmem:$0x10080] =	vst v63  }
0x5e: {  	v3 =	vld [tilespmem:$0x10030];
	_ =	sdelay $0x4  }
0x5f: {  	v35 =	vshll.u32 v3, $0x3  }
0x60: {  	v3 =	vand.u32 $0x7, v3;
	v4 =	vand.u32 $0xFFFFFFC0, v35  }
0x61: {  	v3 =	vor.u32 v3, v4  }
0x62: {  	v4 =	vperm.xlane v3, v0;
	_ =	sdelay $0x1  }
0x63: {  	v4 =	vadd.s32 v1, v4;
	_ =	sdelay $0x3  }
0x64: {  	s28 =	simm.s32 $0xC000  }
0x65: {  	[tilespmem:s28], [sflag:$0x1] =	stream.indirect_vreg.gather [hbm4b:s3+s2], $0x80, v4, vm0, $0xb8;
	[tilespmem:$0x10080] =	vst v63  }
0x66: {  	s0 =	simm.s32 $0xC800;
	v3 =	vperm.xlane v3, v2  }
0x67: {  	[tilespmem:s0], [sflag:$0x1] =	stream.indirect_vreg.gather [hbm4b:s4+s2], $0x80, v4, vm0, $0xb8;
	[tilespmem:$0x10080] =	vst v63  }
0x68: {  	s15 =	simm.s32 $0xD000;
	v3 =	vadd.s32 v1, v3  }
0x69: {  	[tilespmem:s15], [sflag:$0x1] =	stream.indirect_vreg.gather [hbm4b:s5+s2], $0x80, v4, vm0, $0xb8;
	[tilespmem:$0x10080] =	vst v63  }
0x6a: {  	s19 =	simm.s32 $0xD800  }
0x6b: {  	[tilespmem:s19], [sflag:$0x1] =	stream.indirect_vreg.gather [hbm4b:s6+s2], $0x80, v4, vm0, $0xb8;
	[tilespmem:$0x10080] =	vst v63  }
0x6c: {  	s22 =	simm.s32 $0xE000  }
0x6d: {  	[tilespmem:s22], [sflag:$0x1] =	stream.indirect_vreg.gather [hbm4b:s3+s2], $0x80, v3, vm0, $0xb8;
	[tilespmem:$0x10080] =	vst v63  }
0x6e: {  	s24 =	simm.s32 $0xE800  }
0x6f: {  	[tilespmem:s24], [sflag:$0x1] =	stream.indirect_vreg.gather [hbm4b:s4+s2], $0x80, v3, vm0, $0xb8;
	[tilespmem:$0x10080] =	vst v63  }
0x70: {  	s25 =	simm.s32 $0xF000  }
0x71: {  	[tilespmem:s25], [sflag:$0x1] =	stream.indirect_vreg.gather [hbm4b:s5+s2], $0x80, v3, vm0, $0xb8;
	[tilespmem:$0x10080] =	vst v63  }
0x72: {  	s0 =	simm.s32 $0xF800  }
0x73: {  	[tilespmem:s0], [sflag:$0x1] =	stream.indirect_vreg.gather [hbm4b:s6+s2], $0x80, v3, vm0, $0xb8;
	[tilespmem:$0x10080] =	vst v63  }
0x74: {  	_ =	swait.ge [sflag:s17], $0x10000  }
0x75: {  	[sflag:s17] =	ssyncset.done $0x0  }
0x76: {  	s15 =	rddreg [dreg:$0x3];
	[sflag:s17] =	ssyncadd.s32 $0xFFFF0000  }
0x77: {  	[hbm4b:s15+s2] =	stream.linear.scatter [tilespmem:s2], [sflag:$0x2], $0x10000, $0x38;
	[tilespmem:$0x10080] =	vst v63  }
0x78: {  	_ =	swait.ge [sflag:s9], $0x10000  }
0x79: {  	[sflag:s9] =	ssyncset.done $0x0  }
0x7a: {  	s12 =	simm.s32 $0x10000;
	s19 =	rddreg [dreg:$0x4];
	[sflag:s9] =	ssyncadd.s32 $0xFFFF0000  }
0x7b: {  	[tilespmem:s12], [sflag:$0x2] =	stream.linear.gather [hbm4b:s19+s2], $0x40, $0x38;
	[tilespmem:$0x10080] =	vst v63  }
0x7c: {  	_ =	swait.ge [sflag:s9], $0x40  }
0x7d: {  	[sflag:s9] =	ssyncset.done $0x0  }
0x7e: {  	[sflag:s9] =	ssyncadd.s32 $0xFFFFFFC0  }
0x7f: {  	v3 =	vld [tilespmem:$0x10000];
	_ =	sdelay $0x4  }
0x80: {  	v36 =	vshll.u32 v3, $0x3  }
0x81: {  	v3 =	vand.u32 $0x7, v3;
	v4 =	vand.u32 $0xFFFFFFC0, v36  }
0x82: {  	v3 =	vor.u32 v3, v4  }
0x83: {  	v4 =	vperm.xlane v3, v0;
	_ =	sdelay $0x1  }
0x84: {  	v4 =	vadd.s32 v1, v4;
	_ =	sdelay $0x4  }
0x85: {  	[tilespmem:s2], [sflag:$0x1] =	stream.indirect_vreg.gather [hbm4b:s3+s2], $0x80, v4, vm0, $0xb8;
	[tilespmem:$0x10080] =	vst v63  }
0x86: {  	s13 =	simm.s32 $0x800;
	v3 =	vperm.xlane v3, v2  }
0x87: {  	[tilespmem:s13], [sflag:$0x1] =	stream.indirect_vreg.gather [hbm4b:s4+s2], $0x80, v4, vm0, $0xb8;
	[tilespmem:$0x10080] =	vst v63  }
0x88: {  	s1 =	simm.s32 $0x1000;
	v3 =	vadd.s32 v1, v3  }
0x89: {  	[tilespmem:s1], [sflag:$0x1] =	stream.indirect_vreg.gather [hbm4b:s5+s2], $0x80, v4, vm0, $0xb8;
	[tilespmem:$0x10080] =	vst v63  }
0x8a: {  	s7 =	simm.s32 $0x1800  }
0x8b: {  	[tilespmem:s7], [sflag:$0x1] =	stream.indirect_vreg.gather [hbm4b:s6+s2], $0x80, v4, vm0, $0xb8;
	[tilespmem:$0x10080] =	vst v63  }
0x8c: {  	s8 =	simm.s32 $0x2000  }
0x8d: {  	[tilespmem:s8], [sflag:$0x1] =	stream.indirect_vreg.gather [hbm4b:s3+s2], $0x80, v3, vm0, $0xb8;
	[tilespmem:$0x10080] =	vst v63  }
0x8e: {  	s10 =	simm.s32 $0x2800  }
0x8f: {  	[tilespmem:s10], [sflag:$0x1] =	stream.indirect_vreg.gather [hbm4b:s4+s2], $0x80, v3, vm0, $0xb8;
	[tilespmem:$0x10080] =	vst v63  }
0x90: {  	s11 =	simm.s32 $0x3000  }
0x91: {  	[tilespmem:s11], [sflag:$0x1] =	stream.indirect_vreg.gather [hbm4b:s5+s2], $0x80, v3, vm0, $0xb8;
	[tilespmem:$0x10080] =	vst v63  }
0x92: {  	s14 =	simm.s32 $0x3800  }
0x93: {  	[tilespmem:s14], [sflag:$0x1] =	stream.indirect_vreg.gather [hbm4b:s6+s2], $0x80, v3, vm0, $0xb8;
	[tilespmem:$0x10080] =	vst v63  }
0x94: {  	v3 =	vld [tilespmem:$0x10010];
	_ =	sdelay $0x4  }
0x95: {  	v37 =	vshll.u32 v3, $0x3  }
0x96: {  	v3 =	vand.u32 $0x7, v3;
	v4 =	vand.u32 $0xFFFFFFC0, v37  }
0x97: {  	v3 =	vor.u32 v3, v4  }
0x98: {  	v4 =	vperm.xlane v3, v0;
	_ =	sdelay $0x1  }
0x99: {  	v4 =	vadd.s32 v1, v4;
	_ =	sdelay $0x3  }
0x9a: {  	s15 =	simm.s32 $0x4000  }
0x9b: {  	[tilespmem:s15], [sflag:$0x1] =	stream.indirect_vreg.gather [hbm4b:s3+s2], $0x80, v4, vm0, $0xb8;
	[tilespmem:$0x10080] =	vst v63  }
0x9c: {  	s16 =	simm.s32 $0x4800;
	v3 =	vperm.xlane v3, v2  }
0x9d: {  	[tilespmem:s16], [sflag:$0x1] =	stream.indirect_vreg.gather [hbm4b:s4+s2], $0x80, v4, vm0, $0xb8;
	[tilespmem:$0x10080] =	vst v63  }
0x9e: {  	v3 =	vadd.s32 v1, v3;
	s16 =	simm.s32 $0x5000  }
0x9f: {  	[tilespmem:s16], [sflag:$0x1] =	stream.indirect_vreg.gather [hbm4b:s5+s2], $0x80, v4, vm0, $0xb8;
	[tilespmem:$0x10080] =	vst v63  }
0xa0: {  	s19 =	simm.s32 $0x5800  }
0xa1: {  	[tilespmem:s19], [sflag:$0x1] =	stream.indirect_vreg.gather [hbm4b:s6+s2], $0x80, v4, vm0, $0xb8;
	[tilespmem:$0x10080] =	vst v63  }
0xa2: {  	s0 =	simm.s32 $0x6000  }
0xa3: {  	[tilespmem:s0], [sflag:$0x1] =	stream.indirect_vreg.gather [hbm4b:s3+s2], $0x80, v3, vm0, $0xb8;
	[tilespmem:$0x10080] =	vst v63  }
0xa4: {  	s1 =	simm.s32 $0x6800  }
0xa5: {  	[tilespmem:s1], [sflag:$0x1] =	stream.indirect_vreg.gather [hbm4b:s4+s2], $0x80, v3, vm0, $0xb8;
	[tilespmem:$0x10080] =	vst v63  }
0xa6: {  	s7 =	simm.s32 $0x7000  }
0xa7: {  	[tilespmem:s7], [sflag:$0x1] =	stream.indirect_vreg.gather [hbm4b:s5+s2], $0x80, v3, vm0, $0xb8;
	[tilespmem:$0x10080] =	vst v63  }
0xa8: {  	s12 =	simm.s32 $0x7800  }
0xa9: {  	[tilespmem:s12], [sflag:$0x1] =	stream.indirect_vreg.gather [hbm4b:s6+s2], $0x80, v3, vm0, $0xb8;
	[tilespmem:$0x10080] =	vst v63  }
0xaa: {  	v3 =	vld [tilespmem:$0x10020];
	_ =	sdelay $0x4  }
0xab: {  	v38 =	vshll.u32 v3, $0x3  }
0xac: {  	v3 =	vand.u32 $0x7, v3;
	v4 =	vand.u32 $0xFFFFFFC0, v38  }
0xad: {  	v3 =	vor.u32 v3, v4  }
0xae: {  	v4 =	vperm.xlane v3, v0;
	_ =	sdelay $0x1  }
0xaf: {  	v4 =	vadd.s32 v1, v4;
	_ =	sdelay $0x3  }
0xb0: {  	s13 =	simm.s32 $0x8000  }
0xb1: {  	[tilespmem:s13], [sflag:$0x1] =	stream.indirect_vreg.gather [hbm4b:s3+s2], $0x80, v4, vm0, $0xb8;
	[tilespmem:$0x10080] =	vst v63  }
0xb2: {  	s14 =	simm.s32 $0x8800;
	v3 =	vperm.xlane v3, v2  }
0xb3: {  	[tilespmem:s14], [sflag:$0x1] =	stream.indirect_vreg.gather [hbm4b:s4+s2], $0x80, v4, vm0, $0xb8;
	[tilespmem:$0x10080] =	vst v63  }
0xb4: {  	s8 =	simm.s32 $0x9000;
	v3 =	vadd.s32 v1, v3  }
0xb5: {  	[tilespmem:s8], [sflag:$0x1] =	stream.indirect_vreg.gather [hbm4b:s5+s2], $0x80, v4, vm0, $0xb8;
	[tilespmem:$0x10080] =	vst v63  }
0xb6: {  	s10 =	simm.s32 $0x9800  }
0xb7: {  	[tilespmem:s10], [sflag:$0x1] =	stream.indirect_vreg.gather [hbm4b:s6+s2], $0x80, v4, vm0, $0xb8;
	[tilespmem:$0x10080] =	vst v63  }
0xb8: {  	s11 =	simm.s32 $0xA000  }
0xb9: {  	[tilespmem:s11], [sflag:$0x1] =	stream.indirect_vreg.gather [hbm4b:s3+s2], $0x80, v3, vm0, $0xb8;
	[tilespmem:$0x10080] =	vst v63  }
0xba: {  	s29 =	simm.s32 $0xA800  }
0xbb: {  	[tilespmem:s29], [sflag:$0x1] =	stream.indirect_vreg.gather [hbm4b:s4+s2], $0x80, v3, vm0, $0xb8;
	[tilespmem:$0x10080] =	vst v63  }
0xbc: {  	s31 =	simm.s32 $0xB000  }
0xbd: {  	[tilespmem:s31], [sflag:$0x1] =	stream.indirect_vreg.gather [hbm4b:s5+s2], $0x80, v3, vm0, $0xb8;
	[tilespmem:$0x10080] =	vst v63  }
0xbe: {  	s23 =	simm.s32 $0xB800  }
0xbf: {  	[tilespmem:s23], [sflag:$0x1] =	stream.indirect_vreg.gather [hbm4b:s6+s2], $0x80, v3, vm0, $0xb8;
	[tilespmem:$0x10080] =	vst v63  }
0xc0: {  	v3 =	vld [tilespmem:$0x10030];
	_ =	sdelay $0x4  }
0xc1: {  	v39 =	vshll.u32 v3, $0x3  }
0xc2: {  	v3 =	vand.u32 $0x7, v3;
	v4 =	vand.u32 $0xFFFFFFC0, v39  }
0xc3: {  	v3 =	vor.u32 v3, v4  }
0xc4: {  	v4 =	vperm.xlane v3, v0;
	_ =	sdelay $0x1  }
0xc5: {  	v4 =	vadd.s32 v1, v4;
	_ =	sdelay $0x3  }
0xc6: {  	s20 =	simm.s32 $0xC000  }
0xc7: {  	[tilespmem:s20], [sflag:$0x1] =	stream.indirect_vreg.gather [hbm4b:s3+s2], $0x80, v4, vm0, $0xb8;
	[tilespmem:$0x10080] =	vst v63  }
0xc8: {  	s21 =	simm.s32 $0xC800;
	v3 =	vperm.xlane v3, v2  }
0xc9: {  	[tilespmem:s21], [sflag:$0x1] =	stream.indirect_vreg.gather [hbm4b:s4+s2], $0x80, v4, vm0, $0xb8;
	[tilespmem:$0x10080] =	vst v63  }
0xca: {  	v3 =	vadd.s32 v1, v3;
	s21 =	simm.s32 $0xD000  }
0xcb: {  	[tilespmem:s21], [sflag:$0x1] =	stream.indirect_vreg.gather [hbm4b:s5+s2], $0x80, v4, vm0, $0xb8;
	[tilespmem:$0x10080] =	vst v63  }
0xcc: {  	s23 =	simm.s32 $0xD800  }
0xcd: {  	[tilespmem:s23], [sflag:$0x1] =	stream.indirect_vreg.gather [hbm4b:s6+s2], $0x80, v4, vm0, $0xb8;
	[tilespmem:$0x10080] =	vst v63  }
0xce: {  	s26 =	simm.s32 $0xE000  }
0xcf: {  	[tilespmem:s26], [sflag:$0x1] =	stream.indirect_vreg.gather [hbm4b:s3+s2], $0x80, v3, vm0, $0xb8;
	[tilespmem:$0x10080] =	vst v63  }
0xd0: {  	s28 =	simm.s32 $0xE800  }
0xd1: {  	[tilespmem:s28], [sflag:$0x1] =	stream.indirect_vreg.gather [hbm4b:s4+s2], $0x80, v3, vm0, $0xb8;
	[tilespmem:$0x10080] =	vst v63  }
0xd2: {  	s28 =	simm.s32 $0xF000  }
0xd3: {  	[tilespmem:s28], [sflag:$0x1] =	stream.indirect_vreg.gather [hbm4b:s5+s2], $0x80, v3, vm0, $0xb8;
	[tilespmem:$0x10080] =	vst v63  }
0xd4: {  	s22 =	simm.s32 $0xF800  }
0xd5: {  	[tilespmem:s22], [sflag:$0x1] =	stream.indirect_vreg.gather [hbm4b:s6+s2], $0x80, v3, vm0, $0xb8;
	[tilespmem:$0x10080] =	vst v63  }
0xd6: {  	_ =	swait.ge [sflag:s17], $0x10000  }
0xd7: {  	[sflag:s17] =	ssyncset.done $0x0  }
0xd8: {  	s20 =	rddreg [dreg:$0x5];
	[sflag:s17] =	ssyncadd.s32 $0xFFFF0000  }
0xd9: {  	[hbm4b:s20+s2] =	stream.linear.scatter [tilespmem:s2], [sflag:$0x2], $0x10000, $0x38;
	[tilespmem:$0x10080] =	vst v63  }
0xda: {  	_ =	swait.ge [sflag:s9], $0x10000  }
0xdb: {  	[sflag:s9] =	ssyncset.done $0x0  }
0xdc: {  	s20 =	simm.s32 $0x10000;
	s18 =	rddreg [dreg:$0x6];
	[sflag:s9] =	ssyncadd.s32 $0xFFFF0000  }
0xdd: {  	[tilespmem:s20], [sflag:$0x2] =	stream.linear.gather [hbm4b:s18+s2], $0x40, $0x38;
	[tilespmem:$0x10080] =	vst v63  }
0xde: {  	_ =	swait.ge [sflag:s9], $0x40  }
0xdf: {  	[sflag:s9] =	ssyncset.done $0x0  }
0xe0: {  	[sflag:s9] =	ssyncadd.s32 $0xFFFFFFC0  }
0xe1: {  	v3 =	vld [tilespmem:$0x10000];
	_ =	sdelay $0x4  }
0xe2: {  	v40 =	vshll.u32 v3, $0x3  }
0xe3: {  	v3 =	vand.u32 $0x7, v3;
	v4 =	vand.u32 $0xFFFFFFC0, v40  }
0xe4: {  	v3 =	vor.u32 v3, v4  }
0xe5: {  	v4 =	vperm.xlane v3, v0;
	_ =	sdelay $0x1  }
0xe6: {  	v4 =	vadd.s32 v1, v4;
	_ =	sdelay $0x4  }
0xe7: {  	[tilespmem:s2], [sflag:$0x1] =	stream.indirect_vreg.gather [hbm4b:s3+s2], $0x80, v4, vm0, $0xb8;
	[tilespmem:$0x10080] =	vst v63  }
0xe8: {  	s20 =	simm.s32 $0x800;
	v3 =	vperm.xlane v3, v2  }
0xe9: {  	[tilespmem:s20], [sflag:$0x1] =	stream.indirect_vreg.gather [hbm4b:s4+s2], $0x80, v4, vm0, $0xb8;
	[tilespmem:$0x10080] =	vst v63  }
0xea: {  	s25 =	simm.s32 $0x1000;
	v3 =	vadd.s32 v1, v3  }
0xeb: {  	[tilespmem:s25], [sflag:$0x1] =	stream.indirect_vreg.gather [hbm4b:s5+s2], $0x80, v4, vm0, $0xb8;
	[tilespmem:$0x10080] =	vst v63  }
0xec: {  	s20 =	simm.s32 $0x1800  }
0xed: {  	[tilespmem:s20], [sflag:$0x1] =	stream.indirect_vreg.gather [hbm4b:s6+s2], $0x80, v4, vm0, $0xb8;
	[tilespmem:$0x10080] =	vst v63  }
0xee: {  	s25 =	simm.s32 $0x2000  }
0xef: {  	[tilespmem:s25], [sflag:$0x1] =	stream.indirect_vreg.gather [hbm4b:s3+s2], $0x80, v3, vm0, $0xb8;
	[tilespmem:$0x10080] =	vst v63  }
0xf0: {  	s20 =	simm.s32 $0x2800  }
0xf1: {  	[tilespmem:s20], [sflag:$0x1] =	stream.indirect_vreg.gather [hbm4b:s4+s2], $0x80, v3, vm0, $0xb8;
	[tilespmem:$0x10080] =	vst v63  }
0xf2: {  	s25 =	simm.s32 $0x3000  }
0xf3: {  	[tilespmem:s25], [sflag:$0x1] =	stream.indirect_vreg.gather [hbm4b:s5+s2], $0x80, v3, vm0, $0xb8;
	[tilespmem:$0x10080] =	vst v63  }
0xf4: {  	s20 =	simm.s32 $0x3800  }
0xf5: {  	[tilespmem:s20], [sflag:$0x1] =	stream.indirect_vreg.gather [hbm4b:s6+s2], $0x80, v3, vm0, $0xb8;
	[tilespmem:$0x10080] =	vst v63  }
0xf6: {  	v3 =	vld [tilespmem:$0x10010];
	_ =	sdelay $0x4  }
0xf7: {  	v41 =	vshll.u32 v3, $0x3  }
0xf8: {  	v3 =	vand.u32 $0x7, v3;
	v4 =	vand.u32 $0xFFFFFFC0, v41  }
0xf9: {  	v3 =	vor.u32 v3, v4  }
0xfa: {  	v4 =	vperm.xlane v3, v0;
	_ =	sdelay $0x1  }
0xfb: {  	v4 =	vadd.s32 v1, v4;
	_ =	sdelay $0x4  }
0xfc: {  	[tilespmem:s15], [sflag:$0x1] =	stream.indirect_vreg.gather [hbm4b:s3+s2], $0x80, v4, vm0, $0xb8;
	[tilespmem:$0x10080] =	vst v63  }
0xfd: {  	s25 =	simm.s32 $0x4800;
	v3 =	vperm.xlane v3, v2  }
0xfe: {  	[tilespmem:s25], [sflag:$0x1] =	stream.indirect_vreg.gather [hbm4b:s4+s2], $0x80, v4, vm0, $0xb8;
	[tilespmem:$0x10080] =	vst v63  }
0xff: {  	v3 =	vadd.s32 v1, v3  }
0x100: {  	[tilespmem:s16], [sflag:$0x1] =	stream.indirect_vreg.gather [hbm4b:s5+s2], $0x80, v4, vm0, $0xb8;
	[tilespmem:$0x10080] =	vst v63  }
0x101: {  	_ = 	snop  }
0x102: {  	[tilespmem:s19], [sflag:$0x1] =	stream.indirect_vreg.gather [hbm4b:s6+s2], $0x80, v4, vm0, $0xb8;
	[tilespmem:$0x10080] =	vst v63  }
0x103: {  	_ = 	snop  }
0x104: {  	[tilespmem:s0], [sflag:$0x1] =	stream.indirect_vreg.gather [hbm4b:s3+s2], $0x80, v3, vm0, $0xb8;
	[tilespmem:$0x10080] =	vst v63  }
0x105: {  	_ = 	snop  }
0x106: {  	[tilespmem:s1], [sflag:$0x1] =	stream.indirect_vreg.gather [hbm4b:s4+s2], $0x80, v3, vm0, $0xb8;
	[tilespmem:$0x10080] =	vst v63  }
0x107: {  	_ = 	snop  }
0x108: {  	[tilespmem:s7], [sflag:$0x1] =	stream.indirect_vreg.gather [hbm4b:s5+s2], $0x80, v3, vm0, $0xb8;
	[tilespmem:$0x10080] =	vst v63  }
0x109: {  	_ = 	snop  }
0x10a: {  	[tilespmem:s12], [sflag:$0x1] =	stream.indirect_vreg.gather [hbm4b:s6+s2], $0x80, v3, vm0, $0xb8;
	[tilespmem:$0x10080] =	vst v63  }
0x10b: {  	v3 =	vld [tilespmem:$0x10020];
	_ =	sdelay $0x4  }
0x10c: {  	v42 =	vshll.u32 v3, $0x3  }
0x10d: {  	v3 =	vand.u32 $0x7, v3;
	v4 =	vand.u32 $0xFFFFFFC0, v42  }
0x10e: {  	v3 =	vor.u32 v3, v4  }
0x10f: {  	v4 =	vperm.xlane v3, v0;
	_ =	sdelay $0x1  }
0x110: {  	v4 =	vadd.s32 v1, v4;
	_ =	sdelay $0x4  }
0x111: {  	[tilespmem:s13], [sflag:$0x1] =	stream.indirect_vreg.gather [hbm4b:s3+s2], $0x80, v4, vm0, $0xb8;
	[tilespmem:$0x10080] =	vst v63  }
0x112: {  	v3 =	vperm.xlane v3, v2  }
0x113: {  	[tilespmem:s14], [sflag:$0x1] =	stream.indirect_vreg.gather [hbm4b:s4+s2], $0x80, v4, vm0, $0xb8;
	[tilespmem:$0x10080] =	vst v63  }
0x114: {  	v3 =	vadd.s32 v1, v3  }
0x115: {  	[tilespmem:s8], [sflag:$0x1] =	stream.indirect_vreg.gather [hbm4b:s5+s2], $0x80, v4, vm0, $0xb8;
	[tilespmem:$0x10080] =	vst v63  }
0x116: {  	_ = 	snop  }
0x117: {  	[tilespmem:s10], [sflag:$0x1] =	stream.indirect_vreg.gather [hbm4b:s6+s2], $0x80, v4, vm0, $0xb8;
	[tilespmem:$0x10080] =	vst v63  }
0x118: {  	_ = 	snop  }
0x119: {  	[tilespmem:s11], [sflag:$0x1] =	stream.indirect_vreg.gather [hbm4b:s3+s2], $0x80, v3, vm0, $0xb8;
	[tilespmem:$0x10080] =	vst v63  }
0x11a: {  	s24 =	simm.s32 $0xA800  }
0x11b: {  	[tilespmem:s24], [sflag:$0x1] =	stream.indirect_vreg.gather [hbm4b:s4+s2], $0x80, v3, vm0, $0xb8;
	[tilespmem:$0x10080] =	vst v63  }
0x11c: {  	s29 =	simm.s32 $0xB000  }
0x11d: {  	[tilespmem:s29], [sflag:$0x1] =	stream.indirect_vreg.gather [hbm4b:s5+s2], $0x80, v3, vm0, $0xb8;
	[tilespmem:$0x10080] =	vst v63  }
0x11e: {  	s31 =	simm.s32 $0xB800  }
0x11f: {  	[tilespmem:s31], [sflag:$0x1] =	stream.indirect_vreg.gather [hbm4b:s6+s2], $0x80, v3, vm0, $0xb8;
	[tilespmem:$0x10080] =	vst v63  }
0x120: {  	v3 =	vld [tilespmem:$0x10030];
	_ =	sdelay $0x4  }
0x121: {  	v43 =	vshll.u32 v3, $0x3  }
0x122: {  	v3 =	vand.u32 $0x7, v3;
	v4 =	vand.u32 $0xFFFFFFC0, v43  }
0x123: {  	v3 =	vor.u32 v3, v4  }
0x124: {  	v4 =	vperm.xlane v3, v0;
	_ =	sdelay $0x1  }
0x125: {  	v4 =	vadd.s32 v1, v4;
	_ =	sdelay $0x3  }
0x126: {  	s31 =	simm.s32 $0xC000  }
0x127: {  	[tilespmem:s31], [sflag:$0x1] =	stream.indirect_vreg.gather [hbm4b:s3+s2], $0x80, v4, vm0, $0xb8;
	[tilespmem:$0x10080] =	vst v63  }
0x128: {  	s0 =	simm.s32 $0xC800;
	v3 =	vperm.xlane v3, v2  }
0x129: {  	[tilespmem:s0], [sflag:$0x1] =	stream.indirect_vreg.gather [hbm4b:s4+s2], $0x80, v4, vm0, $0xb8;
	[tilespmem:$0x10080] =	vst v63  }
0x12a: {  	s20 =	simm.s32 $0xD000;
	v3 =	vadd.s32 v1, v3  }
0x12b: {  	[tilespmem:s20], [sflag:$0x1] =	stream.indirect_vreg.gather [hbm4b:s5+s2], $0x80, v4, vm0, $0xb8;
	[tilespmem:$0x10080] =	vst v63  }
0x12c: {  	s23 =	simm.s32 $0xD800  }
0x12d: {  	[tilespmem:s23], [sflag:$0x1] =	stream.indirect_vreg.gather [hbm4b:s6+s2], $0x80, v4, vm0, $0xb8;
	[tilespmem:$0x10080] =	vst v63  }
0x12e: {  	s26 =	simm.s32 $0xE000  }
0x12f: {  	[tilespmem:s26], [sflag:$0x1] =	stream.indirect_vreg.gather [hbm4b:s3+s2], $0x80, v3, vm0, $0xb8;
	[tilespmem:$0x10080] =	vst v63  }
0x130: {  	s21 =	simm.s32 $0xE800  }
0x131: {  	[tilespmem:s21], [sflag:$0x1] =	stream.indirect_vreg.gather [hbm4b:s4+s2], $0x80, v3, vm0, $0xb8;
	[tilespmem:$0x10080] =	vst v63  }
0x132: {  	s28 =	simm.s32 $0xF000  }
0x133: {  	[tilespmem:s28], [sflag:$0x1] =	stream.indirect_vreg.gather [hbm4b:s5+s2], $0x80, v3, vm0, $0xb8;
	[tilespmem:$0x10080] =	vst v63  }
0x134: {  	s22 =	simm.s32 $0xF800  }
0x135: {  	[tilespmem:s22], [sflag:$0x1] =	stream.indirect_vreg.gather [hbm4b:s6+s2], $0x80, v3, vm0, $0xb8;
	[tilespmem:$0x10080] =	vst v63  }
0x136: {  	_ =	swait.ge [sflag:s17], $0x10000  }
0x137: {  	[sflag:s17] =	ssyncset.done $0x0  }
0x138: {  	s0 =	rddreg [dreg:$0x7];
	[sflag:s17] =	ssyncadd.s32 $0xFFFF0000  }
0x139: {  	[hbm4b:s0+s2] =	stream.linear.scatter [tilespmem:s2], [sflag:$0x2], $0x10000, $0x38;
	[tilespmem:$0x10080] =	vst v63  }
0x13a: {  	_ =	swait.ge [sflag:s9], $0x10000  }
0x13b: {  	[sflag:s9] =	ssyncset.done $0x0  }
0x13c: {  	s0 =	simm.s32 $0x10000;
	s18 =	rddreg [dreg:$0x8];
	[sflag:s9] =	ssyncadd.s32 $0xFFFF0000  }
0x13d: {  	[tilespmem:s0], [sflag:$0x2] =	stream.linear.gather [hbm4b:s18+s2], $0x40, $0x38;
	[tilespmem:$0x10080] =	vst v63  }
0x13e: {  	_ =	swait.ge [sflag:s9], $0x40  }
0x13f: {  	[sflag:s9] =	ssyncset.done $0x0  }
0x140: {  	[sflag:s9] =	ssyncadd.s32 $0xFFFFFFC0  }
0x141: {  	v3 =	vld [tilespmem:$0x10000];
	_ =	sdelay $0x4  }
0x142: {  	v44 =	vshll.u32 v3, $0x3  }
0x143: {  	v3 =	vand.u32 $0x7, v3;
	v4 =	vand.u32 $0xFFFFFFC0, v44  }
0x144: {  	v3 =	vor.u32 v3, v4  }
0x145: {  	v4 =	vperm.xlane v3, v0;
	_ =	sdelay $0x1  }
0x146: {  	v4 =	vadd.s32 v1, v4;
	_ =	sdelay $0x4  }
0x147: {  	[tilespmem:s2], [sflag:$0x1] =	stream.indirect_vreg.gather [hbm4b:s3+s2], $0x80, v4, vm0, $0xb8;
	[tilespmem:$0x10080] =	vst v63  }
0x148: {  	s18 =	simm.s32 $0x800;
	v3 =	vperm.xlane v3, v2  }
0x149: {  	[tilespmem:s18], [sflag:$0x1] =	stream.indirect_vreg.gather [hbm4b:s4+s2], $0x80, v4, vm0, $0xb8;
	[tilespmem:$0x10080] =	vst v63  }
0x14a: {  	s0 =	simm.s32 $0x1000;
	v3 =	vadd.s32 v1, v3  }
0x14b: {  	[tilespmem:s0], [sflag:$0x1] =	stream.indirect_vreg.gather [hbm4b:s5+s2], $0x80, v4, vm0, $0xb8;
	[tilespmem:$0x10080] =	vst v63  }
0x14c: {  	s0 =	simm.s32 $0x1800  }
0x14d: {  	[tilespmem:s0], [sflag:$0x1] =	stream.indirect_vreg.gather [hbm4b:s6+s2], $0x80, v4, vm0, $0xb8;
	[tilespmem:$0x10080] =	vst v63  }
0x14e: {  	s0 =	simm.s32 $0x2000  }
0x14f: {  	[tilespmem:s0], [sflag:$0x1] =	stream.indirect_vreg.gather [hbm4b:s3+s2], $0x80, v3, vm0, $0xb8;
	[tilespmem:$0x10080] =	vst v63  }
0x150: {  	s0 =	simm.s32 $0x2800  }
0x151: {  	[tilespmem:s0], [sflag:$0x1] =	stream.indirect_vreg.gather [hbm4b:s4+s2], $0x80, v3, vm0, $0xb8;
	[tilespmem:$0x10080] =	vst v63  }
0x152: {  	s0 =	simm.s32 $0x3000  }
0x153: {  	[tilespmem:s0], [sflag:$0x1] =	stream.indirect_vreg.gather [hbm4b:s5+s2], $0x80, v3, vm0, $0xb8;
	[tilespmem:$0x10080] =	vst v63  }
0x154: {  	s18 =	simm.s32 $0x3800  }
0x155: {  	[tilespmem:s18], [sflag:$0x1] =	stream.indirect_vreg.gather [hbm4b:s6+s2], $0x80, v3, vm0, $0xb8;
	[tilespmem:$0x10080] =	vst v63  }
0x156: {  	v3 =	vld [tilespmem:$0x10010];
	_ =	sdelay $0x4  }
0x157: {  	v45 =	vshll.u32 v3, $0x3  }
0x158: {  	v3 =	vand.u32 $0x7, v3;
	v4 =	vand.u32 $0xFFFFFFC0, v45  }
0x159: {  	v3 =	vor.u32 v3, v4  }
0x15a: {  	v4 =	vperm.xlane v3, v0;
	_ =	sdelay $0x1  }
0x15b: {  	v4 =	vadd.s32 v1, v4;
	_ =	sdelay $0x3  }
0x15c: {  	s15 =	simm.s32 $0x4000  }
0x15d: {  	[tilespmem:s15], [sflag:$0x1] =	stream.indirect_vreg.gather [hbm4b:s3+s2], $0x80, v4, vm0, $0xb8;
	[tilespmem:$0x10080] =	vst v63  }
0x15e: {  	s18 =	simm.s32 $0x4800;
	v3 =	vperm.xlane v3, v2  }
0x15f: {  	[tilespmem:s18], [sflag:$0x1] =	stream.indirect_vreg.gather [hbm4b:s4+s2], $0x80, v4, vm0, $0xb8;
	[tilespmem:$0x10080] =	vst v63  }
0x160: {  	s16 =	simm.s32 $0x5000;
	v3 =	vadd.s32 v1, v3  }
0x161: {  	[tilespmem:s16], [sflag:$0x1] =	stream.indirect_vreg.gather [hbm4b:s5+s2], $0x80, v4, vm0, $0xb8;
	[tilespmem:$0x10080] =	vst v63  }
0x162: {  	s19 =	simm.s32 $0x5800  }
0x163: {  	[tilespmem:s19], [sflag:$0x1] =	stream.indirect_vreg.gather [hbm4b:s6+s2], $0x80, v4, vm0, $0xb8;
	[tilespmem:$0x10080] =	vst v63  }
0x164: {  	s19 =	simm.s32 $0x6000  }
0x165: {  	[tilespmem:s19], [sflag:$0x1] =	stream.indirect_vreg.gather [hbm4b:s3+s2], $0x80, v3, vm0, $0xb8;
	[tilespmem:$0x10080] =	vst v63  }
0x166: {  	s1 =	simm.s32 $0x6800  }
0x167: {  	[tilespmem:s1], [sflag:$0x1] =	stream.indirect_vreg.gather [hbm4b:s4+s2], $0x80, v3, vm0, $0xb8;
	[tilespmem:$0x10080] =	vst v63  }
0x168: {  	s7 =	simm.s32 $0x7000  }
0x169: {  	[tilespmem:s7], [sflag:$0x1] =	stream.indirect_vreg.gather [hbm4b:s5+s2], $0x80, v3, vm0, $0xb8;
	[tilespmem:$0x10080] =	vst v63  }
0x16a: {  	s12 =	simm.s32 $0x7800  }
0x16b: {  	[tilespmem:s12], [sflag:$0x1] =	stream.indirect_vreg.gather [hbm4b:s6+s2], $0x80, v3, vm0, $0xb8;
	[tilespmem:$0x10080] =	vst v63  }
0x16c: {  	v3 =	vld [tilespmem:$0x10020];
	_ =	sdelay $0x4  }
0x16d: {  	v46 =	vshll.u32 v3, $0x3  }
0x16e: {  	v3 =	vand.u32 $0x7, v3;
	v4 =	vand.u32 $0xFFFFFFC0, v46  }
0x16f: {  	v3 =	vor.u32 v3, v4  }
0x170: {  	v4 =	vperm.xlane v3, v0;
	_ =	sdelay $0x1  }
0x171: {  	v4 =	vadd.s32 v1, v4;
	_ =	sdelay $0x3  }
0x172: {  	s13 =	simm.s32 $0x8000  }
0x173: {  	[tilespmem:s13], [sflag:$0x1] =	stream.indirect_vreg.gather [hbm4b:s3+s2], $0x80, v4, vm0, $0xb8;
	[tilespmem:$0x10080] =	vst v63  }
0x174: {  	s14 =	simm.s32 $0x8800;
	v3 =	vperm.xlane v3, v2  }
0x175: {  	[tilespmem:s14], [sflag:$0x1] =	stream.indirect_vreg.gather [hbm4b:s4+s2], $0x80, v4, vm0, $0xb8;
	[tilespmem:$0x10080] =	vst v63  }
0x176: {  	s8 =	simm.s32 $0x9000;
	v3 =	vadd.s32 v1, v3  }
0x177: {  	[tilespmem:s8], [sflag:$0x1] =	stream.indirect_vreg.gather [hbm4b:s5+s2], $0x80, v4, vm0, $0xb8;
	[tilespmem:$0x10080] =	vst v63  }
0x178: {  	s10 =	simm.s32 $0x9800  }
0x179: {  	[tilespmem:s10], [sflag:$0x1] =	stream.indirect_vreg.gather [hbm4b:s6+s2], $0x80, v4, vm0, $0xb8;
	[tilespmem:$0x10080] =	vst v63  }
0x17a: {  	s11 =	simm.s32 $0xA000  }
0x17b: {  	[tilespmem:s11], [sflag:$0x1] =	stream.indirect_vreg.gather [hbm4b:s3+s2], $0x80, v3, vm0, $0xb8;
	[tilespmem:$0x10080] =	vst v63  }
0x17c: {  	s25 =	simm.s32 $0xA800  }
0x17d: {  	[tilespmem:s25], [sflag:$0x1] =	stream.indirect_vreg.gather [hbm4b:s4+s2], $0x80, v3, vm0, $0xb8;
	[tilespmem:$0x10080] =	vst v63  }
0x17e: {  	s24 =	simm.s32 $0xB000  }
0x17f: {  	[tilespmem:s24], [sflag:$0x1] =	stream.indirect_vreg.gather [hbm4b:s5+s2], $0x80, v3, vm0, $0xb8;
	[tilespmem:$0x10080] =	vst v63  }
0x180: {  	s29 =	simm.s32 $0xB800  }
0x181: {  	[tilespmem:s29], [sflag:$0x1] =	stream.indirect_vreg.gather [hbm4b:s6+s2], $0x80, v3, vm0, $0xb8;
	[tilespmem:$0x10080] =	vst v63  }
0x182: {  	v3 =	vld [tilespmem:$0x10030];
	_ =	sdelay $0x4  }
0x183: {  	v47 =	vshll.u32 v3, $0x3  }
0x184: {  	v3 =	vand.u32 $0x7, v3;
	v4 =	vand.u32 $0xFFFFFFC0, v47  }
0x185: {  	v3 =	vor.u32 v3, v4  }
0x186: {  	v4 =	vperm.xlane v3, v0;
	_ =	sdelay $0x1  }
0x187: {  	v4 =	vadd.s32 v1, v4;
	_ =	sdelay $0x3  }
0x188: {  	s31 =	simm.s32 $0xC000  }
0x189: {  	[tilespmem:s31], [sflag:$0x1] =	stream.indirect_vreg.gather [hbm4b:s3+s2], $0x80, v4, vm0, $0xb8;
	[tilespmem:$0x10080] =	vst v63  }
0x18a: {  	s24 =	simm.s32 $0xC800;
	v3 =	vperm.xlane v3, v2  }
0x18b: {  	[tilespmem:s24], [sflag:$0x1] =	stream.indirect_vreg.gather [hbm4b:s4+s2], $0x80, v4, vm0, $0xb8;
	[tilespmem:$0x10080] =	vst v63  }
0x18c: {  	s20 =	simm.s32 $0xD000;
	v3 =	vadd.s32 v1, v3  }
0x18d: {  	[tilespmem:s20], [sflag:$0x1] =	stream.indirect_vreg.gather [hbm4b:s5+s2], $0x80, v4, vm0, $0xb8;
	[tilespmem:$0x10080] =	vst v63  }
0x18e: {  	s23 =	simm.s32 $0xD800  }
0x18f: {  	[tilespmem:s23], [sflag:$0x1] =	stream.indirect_vreg.gather [hbm4b:s6+s2], $0x80, v4, vm0, $0xb8;
	[tilespmem:$0x10080] =	vst v63  }
0x190: {  	s26 =	simm.s32 $0xE000  }
0x191: {  	[tilespmem:s26], [sflag:$0x1] =	stream.indirect_vreg.gather [hbm4b:s3+s2], $0x80, v3, vm0, $0xb8;
	[tilespmem:$0x10080] =	vst v63  }
0x192: {  	s21 =	simm.s32 $0xE800  }
0x193: {  	[tilespmem:s21], [sflag:$0x1] =	stream.indirect_vreg.gather [hbm4b:s4+s2], $0x80, v3, vm0, $0xb8;
	[tilespmem:$0x10080] =	vst v63  }
0x194: {  	s28 =	simm.s32 $0xF000  }
0x195: {  	[tilespmem:s28], [sflag:$0x1] =	stream.indirect_vreg.gather [hbm4b:s5+s2], $0x80, v3, vm0, $0xb8;
	[tilespmem:$0x10080] =	vst v63  }
0x196: {  	s22 =	simm.s32 $0xF800  }
0x197: {  	[tilespmem:s22], [sflag:$0x1] =	stream.indirect_vreg.gather [hbm4b:s6+s2], $0x80, v3, vm0, $0xb8;
	[tilespmem:$0x10080] =	vst v63  }
0x198: {  	_ =	swait.ge [sflag:s17], $0x10000  }
0x199: {  	[sflag:s17] =	ssyncset.done $0x0  }
0x19a: {  	s28 =	rddreg [dreg:$0x9];
	[sflag:s17] =	ssyncadd.s32 $0xFFFF0000  }
0x19b: {  	[hbm4b:s28+s2] =	stream.linear.scatter [tilespmem:s2], [sflag:$0x2], $0x10000, $0x38;
	[tilespmem:$0x10080] =	vst v63  }
0x19c: {  	_ =	swait.ge [sflag:s9], $0x10000  }
0x19d: {  	[sflag:s9] =	ssyncset.done $0x0  }
0x19e: {  	s28 =	simm.s32 $0x10000;
	s18 =	rddreg [dreg:$0xa];
	[sflag:s9] =	ssyncadd.s32 $0xFFFF0000  }
0x19f: {  	[tilespmem:s28], [sflag:$0x2] =	stream.linear.gather [hbm4b:s18+s2], $0x40, $0x38;
	[tilespmem:$0x10080] =	vst v63  }
0x1a0: {  	_ =	swait.ge [sflag:s9], $0x40  }
0x1a1: {  	[sflag:s9] =	ssyncset.done $0x0  }
0x1a2: {  	[sflag:s9] =	ssyncadd.s32 $0xFFFFFFC0  }
0x1a3: {  	v3 =	vld [tilespmem:$0x10000];
	_ =	sdelay $0x4  }
0x1a4: {  	v48 =	vshll.u32 v3, $0x3  }
0x1a5: {  	v3 =	vand.u32 $0x7, v3;
	v4 =	vand.u32 $0xFFFFFFC0, v48  }
0x1a6: {  	v3 =	vor.u32 v3, v4  }
0x1a7: {  	v4 =	vperm.xlane v3, v0;
	_ =	sdelay $0x1  }
0x1a8: {  	v4 =	vadd.s32 v1, v4;
	_ =	sdelay $0x4  }
0x1a9: {  	[tilespmem:s2], [sflag:$0x1] =	stream.indirect_vreg.gather [hbm4b:s3+s2], $0x80, v4, vm0, $0xb8;
	[tilespmem:$0x10080] =	vst v63  }
0x1aa: {  	s28 =	simm.s32 $0x800;
	v3 =	vperm.xlane v3, v2  }
0x1ab: {  	[tilespmem:s28], [sflag:$0x1] =	stream.indirect_vreg.gather [hbm4b:s4+s2], $0x80, v4, vm0, $0xb8;
	[tilespmem:$0x10080] =	vst v63  }
0x1ac: {  	v3 =	vadd.s32 v1, v3;
	s28 =	simm.s32 $0x1000  }
0x1ad: {  	[tilespmem:s28], [sflag:$0x1] =	stream.indirect_vreg.gather [hbm4b:s5+s2], $0x80, v4, vm0, $0xb8;
	[tilespmem:$0x10080] =	vst v63  }
0x1ae: {  	s28 =	simm.s32 $0x1800  }
0x1af: {  	[tilespmem:s28], [sflag:$0x1] =	stream.indirect_vreg.gather [hbm4b:s6+s2], $0x80, v4, vm0, $0xb8;
	[tilespmem:$0x10080] =	vst v63  }
0x1b0: {  	s28 =	simm.s32 $0x2000  }
0x1b1: {  	[tilespmem:s28], [sflag:$0x1] =	stream.indirect_vreg.gather [hbm4b:s3+s2], $0x80, v3, vm0, $0xb8;
	[tilespmem:$0x10080] =	vst v63  }
0x1b2: {  	s28 =	simm.s32 $0x2800  }
0x1b3: {  	[tilespmem:s28], [sflag:$0x1] =	stream.indirect_vreg.gather [hbm4b:s4+s2], $0x80, v3, vm0, $0xb8;
	[tilespmem:$0x10080] =	vst v63  }
0x1b4: {  	s28 =	simm.s32 $0x3000  }
0x1b5: {  	[tilespmem:s28], [sflag:$0x1] =	stream.indirect_vreg.gather [hbm4b:s5+s2], $0x80, v3, vm0, $0xb8;
	[tilespmem:$0x10080] =	vst v63  }
0x1b6: {  	s28 =	simm.s32 $0x3800  }
0x1b7: {  	[tilespmem:s28], [sflag:$0x1] =	stream.indirect_vreg.gather [hbm4b:s6+s2], $0x80, v3, vm0, $0xb8;
	[tilespmem:$0x10080] =	vst v63  }
0x1b8: {  	v3 =	vld [tilespmem:$0x10010];
	_ =	sdelay $0x4  }
0x1b9: {  	v49 =	vshll.u32 v3, $0x3  }
0x1ba: {  	v3 =	vand.u32 $0x7, v3;
	v4 =	vand.u32 $0xFFFFFFC0, v49  }
0x1bb: {  	v3 =	vor.u32 v3, v4  }
0x1bc: {  	v4 =	vperm.xlane v3, v0;
	_ =	sdelay $0x1  }
0x1bd: {  	v4 =	vadd.s32 v1, v4;
	_ =	sdelay $0x3  }
0x1be: {  	s15 =	simm.s32 $0x4000  }
0x1bf: {  	[tilespmem:s15], [sflag:$0x1] =	stream.indirect_vreg.gather [hbm4b:s3+s2], $0x80, v4, vm0, $0xb8;
	[tilespmem:$0x10080] =	vst v63  }
0x1c0: {  	s28 =	simm.s32 $0x4800;
	v3 =	vperm.xlane v3, v2  }
0x1c1: {  	[tilespmem:s28], [sflag:$0x1] =	stream.indirect_vreg.gather [hbm4b:s4+s2], $0x80, v4, vm0, $0xb8;
	[tilespmem:$0x10080] =	vst v63  }
0x1c2: {  	s16 =	simm.s32 $0x5000;
	v3 =	vadd.s32 v1, v3  }
0x1c3: {  	[tilespmem:s16], [sflag:$0x1] =	stream.indirect_vreg.gather [hbm4b:s5+s2], $0x80, v4, vm0, $0xb8;
	[tilespmem:$0x10080] =	vst v63  }
0x1c4: {  	s18 =	simm.s32 $0x5800  }
0x1c5: {  	[tilespmem:s18], [sflag:$0x1] =	stream.indirect_vreg.gather [hbm4b:s6+s2], $0x80, v4, vm0, $0xb8;
	[tilespmem:$0x10080] =	vst v63  }
0x1c6: {  	s0 =	simm.s32 $0x6000  }
0x1c7: {  	[tilespmem:s0], [sflag:$0x1] =	stream.indirect_vreg.gather [hbm4b:s3+s2], $0x80, v3, vm0, $0xb8;
	[tilespmem:$0x10080] =	vst v63  }
0x1c8: {  	s1 =	simm.s32 $0x6800  }
0x1c9: {  	[tilespmem:s1], [sflag:$0x1] =	stream.indirect_vreg.gather [hbm4b:s4+s2], $0x80, v3, vm0, $0xb8;
	[tilespmem:$0x10080] =	vst v63  }
0x1ca: {  	s7 =	simm.s32 $0x7000  }
0x1cb: {  	[tilespmem:s7], [sflag:$0x1] =	stream.indirect_vreg.gather [hbm4b:s5+s2], $0x80, v3, vm0, $0xb8;
	[tilespmem:$0x10080] =	vst v63  }
0x1cc: {  	s12 =	simm.s32 $0x7800  }
0x1cd: {  	[tilespmem:s12], [sflag:$0x1] =	stream.indirect_vreg.gather [hbm4b:s6+s2], $0x80, v3, vm0, $0xb8;
	[tilespmem:$0x10080] =	vst v63  }
0x1ce: {  	v3 =	vld [tilespmem:$0x10020];
	_ =	sdelay $0x4  }
0x1cf: {  	v50 =	vshll.u32 v3, $0x3  }
0x1d0: {  	v3 =	vand.u32 $0x7, v3;
	v4 =	vand.u32 $0xFFFFFFC0, v50  }
0x1d1: {  	v3 =	vor.u32 v3, v4  }
0x1d2: {  	v4 =	vperm.xlane v3, v0;
	_ =	sdelay $0x1  }
0x1d3: {  	v4 =	vadd.s32 v1, v4;
	_ =	sdelay $0x3  }
0x1d4: {  	s13 =	simm.s32 $0x8000  }
0x1d5: {  	[tilespmem:s13], [sflag:$0x1] =	stream.indirect_vreg.gather [hbm4b:s3+s2], $0x80, v4, vm0, $0xb8;
	[tilespmem:$0x10080] =	vst v63  }
0x1d6: {  	s14 =	simm.s32 $0x8800;
	v3 =	vperm.xlane v3, v2  }
0x1d7: {  	[tilespmem:s14], [sflag:$0x1] =	stream.indirect_vreg.gather [hbm4b:s4+s2], $0x80, v4, vm0, $0xb8;
	[tilespmem:$0x10080] =	vst v63  }
0x1d8: {  	s8 =	simm.s32 $0x9000;
	v3 =	vadd.s32 v1, v3  }
0x1d9: {  	[tilespmem:s8], [sflag:$0x1] =	stream.indirect_vreg.gather [hbm4b:s5+s2], $0x80, v4, vm0, $0xb8;
	[tilespmem:$0x10080] =	vst v63  }
0x1da: {  	s10 =	simm.s32 $0x9800  }
0x1db: {  	[tilespmem:s10], [sflag:$0x1] =	stream.indirect_vreg.gather [hbm4b:s6+s2], $0x80, v4, vm0, $0xb8;
	[tilespmem:$0x10080] =	vst v63  }
0x1dc: {  	s11 =	simm.s32 $0xA000  }
0x1dd: {  	[tilespmem:s11], [sflag:$0x1] =	stream.indirect_vreg.gather [hbm4b:s3+s2], $0x80, v3, vm0, $0xb8;
	[tilespmem:$0x10080] =	vst v63  }
0x1de: {  	s25 =	simm.s32 $0xA800  }
0x1df: {  	[tilespmem:s25], [sflag:$0x1] =	stream.indirect_vreg.gather [hbm4b:s4+s2], $0x80, v3, vm0, $0xb8;
	[tilespmem:$0x10080] =	vst v63  }
0x1e0: {  	s19 =	simm.s32 $0xB000  }
0x1e1: {  	[tilespmem:s19], [sflag:$0x1] =	stream.indirect_vreg.gather [hbm4b:s5+s2], $0x80, v3, vm0, $0xb8;
	[tilespmem:$0x10080] =	vst v63  }
0x1e2: {  	s29 =	simm.s32 $0xB800  }
0x1e3: {  	[tilespmem:s29], [sflag:$0x1] =	stream.indirect_vreg.gather [hbm4b:s6+s2], $0x80, v3, vm0, $0xb8;
	[tilespmem:$0x10080] =	vst v63  }
0x1e4: {  	v3 =	vld [tilespmem:$0x10030];
	_ =	sdelay $0x4  }
0x1e5: {  	v51 =	vshll.u32 v3, $0x3  }
0x1e6: {  	v3 =	vand.u32 $0x7, v3;
	v4 =	vand.u32 $0xFFFFFFC0, v51  }
0x1e7: {  	v3 =	vor.u32 v3, v4  }
0x1e8: {  	v4 =	vperm.xlane v3, v0;
	_ =	sdelay $0x1  }
0x1e9: {  	v4 =	vadd.s32 v1, v4;
	_ =	sdelay $0x3  }
0x1ea: {  	s31 =	simm.s32 $0xC000  }
0x1eb: {  	[tilespmem:s31], [sflag:$0x1] =	stream.indirect_vreg.gather [hbm4b:s3+s2], $0x80, v4, vm0, $0xb8;
	[tilespmem:$0x10080] =	vst v63  }
0x1ec: {  	s19 =	simm.s32 $0xC800;
	v3 =	vperm.xlane v3, v2  }
0x1ed: {  	[tilespmem:s19], [sflag:$0x1] =	stream.indirect_vreg.gather [hbm4b:s4+s2], $0x80, v4, vm0, $0xb8;
	[tilespmem:$0x10080] =	vst v63  }
0x1ee: {  	s20 =	simm.s32 $0xD000;
	v3 =	vadd.s32 v1, v3  }
0x1ef: {  	[tilespmem:s20], [sflag:$0x1] =	stream.indirect_vreg.gather [hbm4b:s5+s2], $0x80, v4, vm0, $0xb8;
	[tilespmem:$0x10080] =	vst v63  }
0x1f0: {  	s23 =	simm.s32 $0xD800  }
0x1f1: {  	[tilespmem:s23], [sflag:$0x1] =	stream.indirect_vreg.gather [hbm4b:s6+s2], $0x80, v4, vm0, $0xb8;
	[tilespmem:$0x10080] =	vst v63  }
0x1f2: {  	s24 =	simm.s32 $0xE000  }
0x1f3: {  	[tilespmem:s24], [sflag:$0x1] =	stream.indirect_vreg.gather [hbm4b:s3+s2], $0x80, v3, vm0, $0xb8;
	[tilespmem:$0x10080] =	vst v63  }
0x1f4: {  	s21 =	simm.s32 $0xE800  }
0x1f5: {  	[tilespmem:s21], [sflag:$0x1] =	stream.indirect_vreg.gather [hbm4b:s4+s2], $0x80, v3, vm0, $0xb8;
	[tilespmem:$0x10080] =	vst v63  }
0x1f6: {  	s26 =	simm.s32 $0xF000  }
0x1f7: {  	[tilespmem:s26], [sflag:$0x1] =	stream.indirect_vreg.gather [hbm4b:s5+s2], $0x80, v3, vm0, $0xb8;
	[tilespmem:$0x10080] =	vst v63  }
0x1f8: {  	s22 =	simm.s32 $0xF800  }
0x1f9: {  	[tilespmem:s22], [sflag:$0x1] =	stream.indirect_vreg.gather [hbm4b:s6+s2], $0x80, v3, vm0, $0xb8;
	[tilespmem:$0x10080] =	vst v63  }
0x1fa: {  	_ =	swait.ge [sflag:s17], $0x10000  }
0x1fb: {  	[sflag:s17] =	ssyncset.done $0x0  }
0x1fc: {  	s26 =	rddreg [dreg:$0xb];
	[sflag:s17] =	ssyncadd.s32 $0xFFFF0000  }
0x1fd: {  	[hbm4b:s26+s2] =	stream.linear.scatter [tilespmem:s2], [sflag:$0x2], $0x10000, $0x38;
	[tilespmem:$0x10080] =	vst v63  }
0x1fe: {  	_ =	swait.ge [sflag:s9], $0x10000  }
0x1ff: {  	[sflag:s9] =	ssyncset.done $0x0  }
0x200: {  	s26 =	simm.s32 $0x10000;
	s18 =	rddreg [dreg:$0xc];
	[sflag:s9] =	ssyncadd.s32 $0xFFFF0000  }
0x201: {  	[tilespmem:s26], [sflag:$0x2] =	stream.linear.gather [hbm4b:s18+s2], $0x40, $0x38;
	[tilespmem:$0x10080] =	vst v63  }
0x202: {  	_ =	swait.ge [sflag:s9], $0x40  }
0x203: {  	[sflag:s9] =	ssyncset.done $0x0  }
0x204: {  	[sflag:s9] =	ssyncadd.s32 $0xFFFFFFC0  }
0x205: {  	v3 =	vld [tilespmem:$0x10000];
	_ =	sdelay $0x4  }
0x206: {  	v52 =	vshll.u32 v3, $0x3  }
0x207: {  	v3 =	vand.u32 $0x7, v3;
	v4 =	vand.u32 $0xFFFFFFC0, v52  }
0x208: {  	v3 =	vor.u32 v3, v4  }
0x209: {  	v4 =	vperm.xlane v3, v0;
	_ =	sdelay $0x1  }
0x20a: {  	v4 =	vadd.s32 v1, v4;
	_ =	sdelay $0x4  }
0x20b: {  	[tilespmem:s2], [sflag:$0x1] =	stream.indirect_vreg.gather [hbm4b:s3+s2], $0x80, v4, vm0, $0xb8;
	[tilespmem:$0x10080] =	vst v63  }
0x20c: {  	s26 =	simm.s32 $0x800;
	v3 =	vperm.xlane v3, v2  }
0x20d: {  	[tilespmem:s26], [sflag:$0x1] =	stream.indirect_vreg.gather [hbm4b:s4+s2], $0x80, v4, vm0, $0xb8;
	[tilespmem:$0x10080] =	vst v63  }
0x20e: {  	v3 =	vadd.s32 v1, v3;
	s26 =	simm.s32 $0x1000  }
0x20f: {  	[tilespmem:s26], [sflag:$0x1] =	stream.indirect_vreg.gather [hbm4b:s5+s2], $0x80, v4, vm0, $0xb8;
	[tilespmem:$0x10080] =	vst v63  }
0x210: {  	s26 =	simm.s32 $0x1800  }
0x211: {  	[tilespmem:s26], [sflag:$0x1] =	stream.indirect_vreg.gather [hbm4b:s6+s2], $0x80, v4, vm0, $0xb8;
	[tilespmem:$0x10080] =	vst v63  }
0x212: {  	s26 =	simm.s32 $0x2000  }
0x213: {  	[tilespmem:s26], [sflag:$0x1] =	stream.indirect_vreg.gather [hbm4b:s3+s2], $0x80, v3, vm0, $0xb8;
	[tilespmem:$0x10080] =	vst v63  }
0x214: {  	s26 =	simm.s32 $0x2800  }
0x215: {  	[tilespmem:s26], [sflag:$0x1] =	stream.indirect_vreg.gather [hbm4b:s4+s2], $0x80, v3, vm0, $0xb8;
	[tilespmem:$0x10080] =	vst v63  }
0x216: {  	s26 =	simm.s32 $0x3000  }
0x217: {  	[tilespmem:s26], [sflag:$0x1] =	stream.indirect_vreg.gather [hbm4b:s5+s2], $0x80, v3, vm0, $0xb8;
	[tilespmem:$0x10080] =	vst v63  }
0x218: {  	s26 =	simm.s32 $0x3800  }
0x219: {  	[tilespmem:s26], [sflag:$0x1] =	stream.indirect_vreg.gather [hbm4b:s6+s2], $0x80, v3, vm0, $0xb8;
	[tilespmem:$0x10080] =	vst v63  }
0x21a: {  	v3 =	vld [tilespmem:$0x10010];
	_ =	sdelay $0x4  }
0x21b: {  	v53 =	vshll.u32 v3, $0x3  }
0x21c: {  	v3 =	vand.u32 $0x7, v3;
	v4 =	vand.u32 $0xFFFFFFC0, v53  }
0x21d: {  	v3 =	vor.u32 v3, v4  }
0x21e: {  	v4 =	vperm.xlane v3, v0;
	_ =	sdelay $0x1  }
0x21f: {  	v4 =	vadd.s32 v1, v4;
	_ =	sdelay $0x3  }
0x220: {  	s26 =	simm.s32 $0x4000  }
0x221: {  	[tilespmem:s26], [sflag:$0x1] =	stream.indirect_vreg.gather [hbm4b:s3+s2], $0x80, v4, vm0, $0xb8;
	[tilespmem:$0x10080] =	vst v63  }
0x222: {  	s18 =	simm.s32 $0x4800;
	v3 =	vperm.xlane v3, v2  }
0x223: {  	[tilespmem:s18], [sflag:$0x1] =	stream.indirect_vreg.gather [hbm4b:s4+s2], $0x80, v4, vm0, $0xb8;
	[tilespmem:$0x10080] =	vst v63  }
0x224: {  	s16 =	simm.s32 $0x5000;
	v3 =	vadd.s32 v1, v3  }
0x225: {  	[tilespmem:s16], [sflag:$0x1] =	stream.indirect_vreg.gather [hbm4b:s5+s2], $0x80, v4, vm0, $0xb8;
	[tilespmem:$0x10080] =	vst v63  }
0x226: {  	s15 =	simm.s32 $0x5800  }
0x227: {  	[tilespmem:s15], [sflag:$0x1] =	stream.indirect_vreg.gather [hbm4b:s6+s2], $0x80, v4, vm0, $0xb8;
	[tilespmem:$0x10080] =	vst v63  }
0x228: {  	s0 =	simm.s32 $0x6000  }
0x229: {  	[tilespmem:s0], [sflag:$0x1] =	stream.indirect_vreg.gather [hbm4b:s3+s2], $0x80, v3, vm0, $0xb8;
	[tilespmem:$0x10080] =	vst v63  }
0x22a: {  	s1 =	simm.s32 $0x6800  }
0x22b: {  	[tilespmem:s1], [sflag:$0x1] =	stream.indirect_vreg.gather [hbm4b:s4+s2], $0x80, v3, vm0, $0xb8;
	[tilespmem:$0x10080] =	vst v63  }
0x22c: {  	s7 =	simm.s32 $0x7000  }
0x22d: {  	[tilespmem:s7], [sflag:$0x1] =	stream.indirect_vreg.gather [hbm4b:s5+s2], $0x80, v3, vm0, $0xb8;
	[tilespmem:$0x10080] =	vst v63  }
0x22e: {  	s28 =	simm.s32 $0x7800  }
0x22f: {  	[tilespmem:s28], [sflag:$0x1] =	stream.indirect_vreg.gather [hbm4b:s6+s2], $0x80, v3, vm0, $0xb8;
	[tilespmem:$0x10080] =	vst v63  }
0x230: {  	v3 =	vld [tilespmem:$0x10020];
	_ =	sdelay $0x4  }
0x231: {  	v54 =	vshll.u32 v3, $0x3  }
0x232: {  	v3 =	vand.u32 $0x7, v3;
	v4 =	vand.u32 $0xFFFFFFC0, v54  }
0x233: {  	v3 =	vor.u32 v3, v4  }
0x234: {  	v4 =	vperm.xlane v3, v0;
	_ =	sdelay $0x1  }
0x235: {  	v4 =	vadd.s32 v1, v4;
	_ =	sdelay $0x3  }
0x236: {  	s13 =	simm.s32 $0x8000  }
0x237: {  	[tilespmem:s13], [sflag:$0x1] =	stream.indirect_vreg.gather [hbm4b:s3+s2], $0x80, v4, vm0, $0xb8;
	[tilespmem:$0x10080] =	vst v63  }
0x238: {  	s14 =	simm.s32 $0x8800;
	v3 =	vperm.xlane v3, v2  }
0x239: {  	[tilespmem:s14], [sflag:$0x1] =	stream.indirect_vreg.gather [hbm4b:s4+s2], $0x80, v4, vm0, $0xb8;
	[tilespmem:$0x10080] =	vst v63  }
0x23a: {  	s8 =	simm.s32 $0x9000;
	v3 =	vadd.s32 v1, v3  }
0x23b: {  	[tilespmem:s8], [sflag:$0x1] =	stream.indirect_vreg.gather [hbm4b:s5+s2], $0x80, v4, vm0, $0xb8;
	[tilespmem:$0x10080] =	vst v63  }
0x23c: {  	s10 =	simm.s32 $0x9800  }
0x23d: {  	[tilespmem:s10], [sflag:$0x1] =	stream.indirect_vreg.gather [hbm4b:s6+s2], $0x80, v4, vm0, $0xb8;
	[tilespmem:$0x10080] =	vst v63  }
0x23e: {  	s11 =	simm.s32 $0xA000  }
0x23f: {  	[tilespmem:s11], [sflag:$0x1] =	stream.indirect_vreg.gather [hbm4b:s3+s2], $0x80, v3, vm0, $0xb8;
	[tilespmem:$0x10080] =	vst v63  }
0x240: {  	s25 =	simm.s32 $0xA800  }
0x241: {  	[tilespmem:s25], [sflag:$0x1] =	stream.indirect_vreg.gather [hbm4b:s4+s2], $0x80, v3, vm0, $0xb8;
	[tilespmem:$0x10080] =	vst v63  }
0x242: {  	s12 =	simm.s32 $0xB000  }
0x243: {  	[tilespmem:s12], [sflag:$0x1] =	stream.indirect_vreg.gather [hbm4b:s5+s2], $0x80, v3, vm0, $0xb8;
	[tilespmem:$0x10080] =	vst v63  }
0x244: {  	s29 =	simm.s32 $0xB800  }
0x245: {  	[tilespmem:s29], [sflag:$0x1] =	stream.indirect_vreg.gather [hbm4b:s6+s2], $0x80, v3, vm0, $0xb8;
	[tilespmem:$0x10080] =	vst v63  }
0x246: {  	v3 =	vld [tilespmem:$0x10030];
	_ =	sdelay $0x4  }
0x247: {  	v55 =	vshll.u32 v3, $0x3  }
0x248: {  	v3 =	vand.u32 $0x7, v3;
	v4 =	vand.u32 $0xFFFFFFC0, v55  }
0x249: {  	v3 =	vor.u32 v3, v4  }
0x24a: {  	v4 =	vperm.xlane v3, v0;
	_ =	sdelay $0x1  }
0x24b: {  	v4 =	vadd.s32 v1, v4;
	_ =	sdelay $0x3  }
0x24c: {  	s31 =	simm.s32 $0xC000  }
0x24d: {  	[tilespmem:s31], [sflag:$0x1] =	stream.indirect_vreg.gather [hbm4b:s3+s2], $0x80, v4, vm0, $0xb8;
	[tilespmem:$0x10080] =	vst v63  }
0x24e: {  	s18 =	simm.s32 $0xC800;
	v3 =	vperm.xlane v3, v2  }
0x24f: {  	[tilespmem:s18], [sflag:$0x1] =	stream.indirect_vreg.gather [hbm4b:s4+s2], $0x80, v4, vm0, $0xb8;
	[tilespmem:$0x10080] =	vst v63  }
0x250: {  	s19 =	simm.s32 $0xD000;
	v3 =	vadd.s32 v1, v3  }
0x251: {  	[tilespmem:s19], [sflag:$0x1] =	stream.indirect_vreg.gather [hbm4b:s5+s2], $0x80, v4, vm0, $0xb8;
	[tilespmem:$0x10080] =	vst v63  }
0x252: {  	s23 =	simm.s32 $0xD800  }
0x253: {  	[tilespmem:s23], [sflag:$0x1] =	stream.indirect_vreg.gather [hbm4b:s6+s2], $0x80, v4, vm0, $0xb8;
	[tilespmem:$0x10080] =	vst v63  }
0x254: {  	s24 =	simm.s32 $0xE000  }
0x255: {  	[tilespmem:s24], [sflag:$0x1] =	stream.indirect_vreg.gather [hbm4b:s3+s2], $0x80, v3, vm0, $0xb8;
	[tilespmem:$0x10080] =	vst v63  }
0x256: {  	s20 =	simm.s32 $0xE800  }
0x257: {  	[tilespmem:s20], [sflag:$0x1] =	stream.indirect_vreg.gather [hbm4b:s4+s2], $0x80, v3, vm0, $0xb8;
	[tilespmem:$0x10080] =	vst v63  }
0x258: {  	s21 =	simm.s32 $0xF000  }
0x259: {  	[tilespmem:s21], [sflag:$0x1] =	stream.indirect_vreg.gather [hbm4b:s5+s2], $0x80, v3, vm0, $0xb8;
	[tilespmem:$0x10080] =	vst v63  }
0x25a: {  	s22 =	simm.s32 $0xF800  }
0x25b: {  	[tilespmem:s22], [sflag:$0x1] =	stream.indirect_vreg.gather [hbm4b:s6+s2], $0x80, v3, vm0, $0xb8;
	[tilespmem:$0x10080] =	vst v63  }
0x25c: {  	_ =	swait.ge [sflag:s17], $0x10000  }
0x25d: {  	[sflag:s17] =	ssyncset.done $0x0  }
0x25e: {  	s19 =	rddreg [dreg:$0xd];
	[sflag:s17] =	ssyncadd.s32 $0xFFFF0000  }
0x25f: {  	[hbm4b:s19+s2] =	stream.linear.scatter [tilespmem:s2], [sflag:$0x2], $0x10000, $0x38;
	[tilespmem:$0x10080] =	vst v63  }
0x260: {  	_ =	swait.ge [sflag:s9], $0x10000  }
0x261: {  	[sflag:s9] =	ssyncset.done $0x0  }
0x262: {  	s22 =	simm.s32 $0x10000;
	s21 =	rddreg [dreg:$0xe];
	[sflag:s9] =	ssyncadd.s32 $0xFFFF0000  }
0x263: {  	[tilespmem:s22], [sflag:$0x2] =	stream.linear.gather [hbm4b:s21+s2], $0x40, $0x38;
	[tilespmem:$0x10080] =	vst v63  }
0x264: {  	_ =	swait.ge [sflag:s9], $0x40  }
0x265: {  	[sflag:s9] =	ssyncset.done $0x0  }
0x266: {  	[sflag:s9] =	ssyncadd.s32 $0xFFFFFFC0  }
0x267: {  	v3 =	vld [tilespmem:$0x10000];
	_ =	sdelay $0x4  }
0x268: {  	v56 =	vshll.u32 v3, $0x3  }
0x269: {  	v3 =	vand.u32 $0x7, v3;
	v4 =	vand.u32 $0xFFFFFFC0, v56  }
0x26a: {  	v3 =	vor.u32 v3, v4  }
0x26b: {  	v4 =	vperm.xlane v3, v0;
	_ =	sdelay $0x1  }
0x26c: {  	v4 =	vadd.s32 v1, v4;
	_ =	sdelay $0x4  }
0x26d: {  	[tilespmem:s2], [sflag:$0x1] =	stream.indirect_vreg.gather [hbm4b:s3+s2], $0x80, v4, vm0, $0xb8;
	[tilespmem:$0x10080] =	vst v63  }
0x26e: {  	s24 =	simm.s32 $0x800;
	v3 =	vperm.xlane v3, v2  }
0x26f: {  	[tilespmem:s24], [sflag:$0x1] =	stream.indirect_vreg.gather [hbm4b:s4+s2], $0x80, v4, vm0, $0xb8;
	[tilespmem:$0x10080] =	vst v63  }
0x270: {  	s29 =	simm.s32 $0x1000;
	v3 =	vadd.s32 v1, v3  }
0x271: {  	[tilespmem:s29], [sflag:$0x1] =	stream.indirect_vreg.gather [hbm4b:s5+s2], $0x80, v4, vm0, $0xb8;
	[tilespmem:$0x10080] =	vst v63  }
0x272: {  	s19 =	simm.s32 $0x1800  }
0x273: {  	[tilespmem:s19], [sflag:$0x1] =	stream.indirect_vreg.gather [hbm4b:s6+s2], $0x80, v4, vm0, $0xb8;
	[tilespmem:$0x10080] =	vst v63  }
0x274: {  	s22 =	simm.s32 $0x2000  }
0x275: {  	[tilespmem:s22], [sflag:$0x1] =	stream.indirect_vreg.gather [hbm4b:s3+s2], $0x80, v3, vm0, $0xb8;
	[tilespmem:$0x10080] =	vst v63  }
0x276: {  	s24 =	simm.s32 $0x2800  }
0x277: {  	[tilespmem:s24], [sflag:$0x1] =	stream.indirect_vreg.gather [hbm4b:s4+s2], $0x80, v3, vm0, $0xb8;
	[tilespmem:$0x10080] =	vst v63  }
0x278: {  	s29 =	simm.s32 $0x3000  }
0x279: {  	[tilespmem:s29], [sflag:$0x1] =	stream.indirect_vreg.gather [hbm4b:s5+s2], $0x80, v3, vm0, $0xb8;
	[tilespmem:$0x10080] =	vst v63  }
0x27a: {  	s19 =	simm.s32 $0x3800  }
0x27b: {  	[tilespmem:s19], [sflag:$0x1] =	stream.indirect_vreg.gather [hbm4b:s6+s2], $0x80, v3, vm0, $0xb8;
	[tilespmem:$0x10080] =	vst v63  }
0x27c: {  	v3 =	vld [tilespmem:$0x10010];
	_ =	sdelay $0x4  }
0x27d: {  	v57 =	vshll.u32 v3, $0x3  }
0x27e: {  	v3 =	vand.u32 $0x7, v3;
	v4 =	vand.u32 $0xFFFFFFC0, v57  }
0x27f: {  	v3 =	vor.u32 v3, v4  }
0x280: {  	v4 =	vperm.xlane v3, v0;
	_ =	sdelay $0x1  }
0x281: {  	v4 =	vadd.s32 v1, v4;
	_ =	sdelay $0x3  }
0x282: {  	s26 =	simm.s32 $0x4000  }
0x283: {  	[tilespmem:s26], [sflag:$0x1] =	stream.indirect_vreg.gather [hbm4b:s3+s2], $0x80, v4, vm0, $0xb8;
	[tilespmem:$0x10080] =	vst v63  }
0x284: {  	s22 =	simm.s32 $0x4800;
	v3 =	vperm.xlane v3, v2  }
0x285: {  	[tilespmem:s22], [sflag:$0x1] =	stream.indirect_vreg.gather [hbm4b:s4+s2], $0x80, v4, vm0, $0xb8;
	[tilespmem:$0x10080] =	vst v63  }
0x286: {  	v3 =	vadd.s32 v1, v3;
	s26 =	simm.s32 $0x5000  }
0x287: {  	[tilespmem:s26], [sflag:$0x1] =	stream.indirect_vreg.gather [hbm4b:s5+s2], $0x80, v4, vm0, $0xb8;
	[tilespmem:$0x10080] =	vst v63  }
0x288: {  	s16 =	simm.s32 $0x5800  }
0x289: {  	[tilespmem:s16], [sflag:$0x1] =	stream.indirect_vreg.gather [hbm4b:s6+s2], $0x80, v4, vm0, $0xb8;
	[tilespmem:$0x10080] =	vst v63  }
0x28a: {  	s0 =	simm.s32 $0x6000  }
0x28b: {  	[tilespmem:s0], [sflag:$0x1] =	stream.indirect_vreg.gather [hbm4b:s3+s2], $0x80, v3, vm0, $0xb8;
	[tilespmem:$0x10080] =	vst v63  }
0x28c: {  	s1 =	simm.s32 $0x6800  }
0x28d: {  	[tilespmem:s1], [sflag:$0x1] =	stream.indirect_vreg.gather [hbm4b:s4+s2], $0x80, v3, vm0, $0xb8;
	[tilespmem:$0x10080] =	vst v63  }
0x28e: {  	s7 =	simm.s32 $0x7000  }
0x28f: {  	[tilespmem:s7], [sflag:$0x1] =	stream.indirect_vreg.gather [hbm4b:s5+s2], $0x80, v3, vm0, $0xb8;
	[tilespmem:$0x10080] =	vst v63  }
0x290: {  	s29 =	simm.s32 $0x7800  }
0x291: {  	[tilespmem:s29], [sflag:$0x1] =	stream.indirect_vreg.gather [hbm4b:s6+s2], $0x80, v3, vm0, $0xb8;
	[tilespmem:$0x10080] =	vst v63  }
0x292: {  	v3 =	vld [tilespmem:$0x10020];
	_ =	sdelay $0x4  }
0x293: {  	v58 =	vshll.u32 v3, $0x3  }
0x294: {  	v3 =	vand.u32 $0x7, v3;
	v4 =	vand.u32 $0xFFFFFFC0, v58  }
0x295: {  	v3 =	vor.u32 v3, v4  }
0x296: {  	v4 =	vperm.xlane v3, v0;
	_ =	sdelay $0x1  }
0x297: {  	v4 =	vadd.s32 v1, v4;
	_ =	sdelay $0x3  }
0x298: {  	s13 =	simm.s32 $0x8000  }
0x299: {  	[tilespmem:s13], [sflag:$0x1] =	stream.indirect_vreg.gather [hbm4b:s3+s2], $0x80, v4, vm0, $0xb8;
	[tilespmem:$0x10080] =	vst v63  }
0x29a: {  	s14 =	simm.s32 $0x8800;
	v3 =	vperm.xlane v3, v2  }
0x29b: {  	[tilespmem:s14], [sflag:$0x1] =	stream.indirect_vreg.gather [hbm4b:s4+s2], $0x80, v4, vm0, $0xb8;
	[tilespmem:$0x10080] =	vst v63  }
0x29c: {  	s8 =	simm.s32 $0x9000;
	v3 =	vadd.s32 v1, v3  }
0x29d: {  	[tilespmem:s8], [sflag:$0x1] =	stream.indirect_vreg.gather [hbm4b:s5+s2], $0x80, v4, vm0, $0xb8;
	[tilespmem:$0x10080] =	vst v63  }
0x29e: {  	s10 =	simm.s32 $0x9800  }
0x29f: {  	[tilespmem:s10], [sflag:$0x1] =	stream.indirect_vreg.gather [hbm4b:s6+s2], $0x80, v4, vm0, $0xb8;
	[tilespmem:$0x10080] =	vst v63  }
0x2a0: {  	s11 =	simm.s32 $0xA000  }
0x2a1: {  	[tilespmem:s11], [sflag:$0x1] =	stream.indirect_vreg.gather [hbm4b:s3+s2], $0x80, v3, vm0, $0xb8;
	[tilespmem:$0x10080] =	vst v63  }
0x2a2: {  	s28 =	simm.s32 $0xA800  }
0x2a3: {  	[tilespmem:s28], [sflag:$0x1] =	stream.indirect_vreg.gather [hbm4b:s4+s2], $0x80, v3, vm0, $0xb8;
	[tilespmem:$0x10080] =	vst v63  }
0x2a4: {  	s12 =	simm.s32 $0xB000  }
0x2a5: {  	[tilespmem:s12], [sflag:$0x1] =	stream.indirect_vreg.gather [hbm4b:s5+s2], $0x80, v3, vm0, $0xb8;
	[tilespmem:$0x10080] =	vst v63  }
0x2a6: {  	s18 =	simm.s32 $0xB800  }
0x2a7: {  	[tilespmem:s18], [sflag:$0x1] =	stream.indirect_vreg.gather [hbm4b:s6+s2], $0x80, v3, vm0, $0xb8;
	[tilespmem:$0x10080] =	vst v63  }
0x2a8: {  	v3 =	vld [tilespmem:$0x10030];
	_ =	sdelay $0x4  }
0x2a9: {  	v59 =	vshll.u32 v3, $0x3  }
0x2aa: {  	v3 =	vand.u32 $0x7, v3;
	v4 =	vand.u32 $0xFFFFFFC0, v59  }
0x2ab: {  	v3 =	vor.u32 v3, v4  }
0x2ac: {  	v4 =	vperm.xlane v3, v0;
	_ =	sdelay $0x1  }
0x2ad: {  	v4 =	vadd.s32 v1, v4;
	_ =	sdelay $0x3  }
0x2ae: {  	s14 =	simm.s32 $0xC000  }
0x2af: {  	[tilespmem:s14], [sflag:$0x1] =	stream.indirect_vreg.gather [hbm4b:s3+s2], $0x80, v4, vm0, $0xb8;
	[tilespmem:$0x10080] =	vst v63  }
0x2b0: {  	s18 =	simm.s32 $0xC800;
	v3 =	vperm.xlane v3, v2  }
0x2b1: {  	[tilespmem:s18], [sflag:$0x1] =	stream.indirect_vreg.gather [hbm4b:s4+s2], $0x80, v4, vm0, $0xb8;
	[tilespmem:$0x10080] =	vst v63  }
0x2b2: {  	s15 =	simm.s32 $0xD000;
	v3 =	vadd.s32 v1, v3  }
0x2b3: {  	[tilespmem:s15], [sflag:$0x1] =	stream.indirect_vreg.gather [hbm4b:s5+s2], $0x80, v4, vm0, $0xb8;
	[tilespmem:$0x10080] =	vst v63  }
0x2b4: {  	s23 =	simm.s32 $0xD800  }
0x2b5: {  	[tilespmem:s23], [sflag:$0x1] =	stream.indirect_vreg.gather [hbm4b:s6+s2], $0x80, v4, vm0, $0xb8;
	[tilespmem:$0x10080] =	vst v63  }
0x2b6: {  	s25 =	simm.s32 $0xE000  }
0x2b7: {  	[tilespmem:s25], [sflag:$0x1] =	stream.indirect_vreg.gather [hbm4b:s3+s2], $0x80, v3, vm0, $0xb8;
	[tilespmem:$0x10080] =	vst v63  }
0x2b8: {  	s20 =	simm.s32 $0xE800  }
0x2b9: {  	[tilespmem:s20], [sflag:$0x1] =	stream.indirect_vreg.gather [hbm4b:s4+s2], $0x80, v3, vm0, $0xb8;
	[tilespmem:$0x10080] =	vst v63  }
0x2ba: {  	s31 =	simm.s32 $0xF000  }
0x2bb: {  	[tilespmem:s31], [sflag:$0x1] =	stream.indirect_vreg.gather [hbm4b:s5+s2], $0x80, v3, vm0, $0xb8;
	[tilespmem:$0x10080] =	vst v63  }
0x2bc: {  	s25 =	simm.s32 $0xF800  }
0x2bd: {  	[tilespmem:s25], [sflag:$0x1] =	stream.indirect_vreg.gather [hbm4b:s6+s2], $0x80, v3, vm0, $0xb8;
	[tilespmem:$0x10080] =	vst v63  }
0x2be: {  	_ =	swait.ge [sflag:s17], $0x10000  }
0x2bf: {  	[sflag:s17] =	ssyncset.done $0x0  }
0x2c0: {  	s31 =	rddreg [dreg:$0xf];
	[sflag:s17] =	ssyncadd.s32 $0xFFFF0000  }
0x2c1: {  	[hbm4b:s31+s2] =	stream.linear.scatter [tilespmem:s2], [sflag:$0x2], $0x10000, $0x38;
	[tilespmem:$0x10080] =	vst v63  }
0x2c2: {  	_ =	swait.ge [sflag:s9], $0x10000  }
0x2c3: {  	[sflag:s9] =	ssyncset.done $0x0  }
0x2c4: {  	s31 =	simm.s32 $0x10000;
	s18 =	rddreg [dreg:$0x10];
	[sflag:s9] =	ssyncadd.s32 $0xFFFF0000  }
0x2c5: {  	[tilespmem:s31], [sflag:$0x2] =	stream.linear.gather [hbm4b:s18+s2], $0x40, $0x38;
	[tilespmem:$0x10080] =	vst v63  }
0x2c6: {  	_ =	swait.ge [sflag:s9], $0x40  }
0x2c7: {  	[sflag:s9] =	ssyncset.done $0x0  }
0x2c8: {  	[sflag:s9] =	ssyncadd.s32 $0xFFFFFFC0  }
0x2c9: {  	v3 =	vld [tilespmem:$0x10000];
	_ =	sdelay $0x4  }
0x2ca: {  	v60 =	vshll.u32 v3, $0x3  }
0x2cb: {  	v3 =	vand.u32 $0x7, v3;
	v4 =	vand.u32 $0xFFFFFFC0, v60  }
0x2cc: {  	v3 =	vor.u32 v3, v4  }
0x2cd: {  	v4 =	vperm.xlane v3, v0;
	_ =	sdelay $0x1  }
0x2ce: {  	v4 =	vadd.s32 v1, v4;
	_ =	sdelay $0x4  }
0x2cf: {  	[tilespmem:s2], [sflag:$0x1] =	stream.indirect_vreg.gather [hbm4b:s3+s2], $0x80, v4, vm0, $0xb8;
	[tilespmem:$0x10080] =	vst v63  }
0x2d0: {  	s31 =	simm.s32 $0x800;
	v3 =	vperm.xlane v3, v2  }
0x2d1: {  	[tilespmem:s31], [sflag:$0x1] =	stream.indirect_vreg.gather [hbm4b:s4+s2], $0x80, v4, vm0, $0xb8;
	[tilespmem:$0x10080] =	vst v63  }
0x2d2: {  	s21 =	simm.s32 $0x1000;
	v3 =	vadd.s32 v1, v3  }
0x2d3: {  	[tilespmem:s21], [sflag:$0x1] =	stream.indirect_vreg.gather [hbm4b:s5+s2], $0x80, v4, vm0, $0xb8;
	[tilespmem:$0x10080] =	vst v63  }
0x2d4: {  	s21 =	simm.s32 $0x1800  }
0x2d5: {  	[tilespmem:s21], [sflag:$0x1] =	stream.indirect_vreg.gather [hbm4b:s6+s2], $0x80, v4, vm0, $0xb8;
	[tilespmem:$0x10080] =	vst v63  }
0x2d6: {  	s31 =	simm.s32 $0x2000  }
0x2d7: {  	[tilespmem:s31], [sflag:$0x1] =	stream.indirect_vreg.gather [hbm4b:s3+s2], $0x80, v3, vm0, $0xb8;
	[tilespmem:$0x10080] =	vst v63  }
0x2d8: {  	s21 =	simm.s32 $0x2800  }
0x2d9: {  	[tilespmem:s21], [sflag:$0x1] =	stream.indirect_vreg.gather [hbm4b:s4+s2], $0x80, v3, vm0, $0xb8;
	[tilespmem:$0x10080] =	vst v63  }
0x2da: {  	s31 =	simm.s32 $0x3000  }
0x2db: {  	[tilespmem:s31], [sflag:$0x1] =	stream.indirect_vreg.gather [hbm4b:s5+s2], $0x80, v3, vm0, $0xb8;
	[tilespmem:$0x10080] =	vst v63  }
0x2dc: {  	s21 =	simm.s32 $0x3800  }
0x2dd: {  	[tilespmem:s21], [sflag:$0x1] =	stream.indirect_vreg.gather [hbm4b:s6+s2], $0x80, v3, vm0, $0xb8;
	[tilespmem:$0x10080] =	vst v63  }
0x2de: {  	v3 =	vld [tilespmem:$0x10010];
	_ =	sdelay $0x4  }
0x2df: {  	v61 =	vshll.u32 v3, $0x3  }
0x2e0: {  	v3 =	vand.u32 $0x7, v3;
	v4 =	vand.u32 $0xFFFFFFC0, v61  }
0x2e1: {  	v3 =	vor.u32 v3, v4  }
0x2e2: {  	v4 =	vperm.xlane v3, v0;
	_ =	sdelay $0x1  }
0x2e3: {  	v4 =	vadd.s32 v1, v4;
	_ =	sdelay $0x3  }
0x2e4: {  	s24 =	simm.s32 $0x4000  }
0x2e5: {  	[tilespmem:s24], [sflag:$0x1] =	stream.indirect_vreg.gather [hbm4b:s3+s2], $0x80, v4, vm0, $0xb8;
	[tilespmem:$0x10080] =	vst v63  }
0x2e6: {  	v3 =	vperm.xlane v3, v2;
	s24 =	simm.s32 $0x4800  }
0x2e7: {  	[tilespmem:s24], [sflag:$0x1] =	stream.indirect_vreg.gather [hbm4b:s4+s2], $0x80, v4, vm0, $0xb8;
	[tilespmem:$0x10080] =	vst v63  }
0x2e8: {  	s19 =	simm.s32 $0x5000;
	v3 =	vadd.s32 v1, v3  }
0x2e9: {  	[tilespmem:s19], [sflag:$0x1] =	stream.indirect_vreg.gather [hbm4b:s5+s2], $0x80, v4, vm0, $0xb8;
	[tilespmem:$0x10080] =	vst v63  }
0x2ea: {  	s16 =	simm.s32 $0x5800  }
0x2eb: {  	[tilespmem:s16], [sflag:$0x1] =	stream.indirect_vreg.gather [hbm4b:s6+s2], $0x80, v4, vm0, $0xb8;
	[tilespmem:$0x10080] =	vst v63  }
0x2ec: {  	s22 =	simm.s32 $0x6000  }
0x2ed: {  	[tilespmem:s22], [sflag:$0x1] =	stream.indirect_vreg.gather [hbm4b:s3+s2], $0x80, v3, vm0, $0xb8;
	[tilespmem:$0x10080] =	vst v63  }
0x2ee: {  	s0 =	simm.s32 $0x6800  }
0x2ef: {  	[tilespmem:s0], [sflag:$0x1] =	stream.indirect_vreg.gather [hbm4b:s4+s2], $0x80, v3, vm0, $0xb8;
	[tilespmem:$0x10080] =	vst v63  }
0x2f0: {  	s1 =	simm.s32 $0x7000  }
0x2f1: {  	[tilespmem:s1], [sflag:$0x1] =	stream.indirect_vreg.gather [hbm4b:s5+s2], $0x80, v3, vm0, $0xb8;
	[tilespmem:$0x10080] =	vst v63  }
0x2f2: {  	s29 =	simm.s32 $0x7800  }
0x2f3: {  	[tilespmem:s29], [sflag:$0x1] =	stream.indirect_vreg.gather [hbm4b:s6+s2], $0x80, v3, vm0, $0xb8;
	[tilespmem:$0x10080] =	vst v63  }
0x2f4: {  	v3 =	vld [tilespmem:$0x10020];
	_ =	sdelay $0x4  }
0x2f5: {  	v62 =	vshll.u32 v3, $0x3  }
0x2f6: {  	v3 =	vand.u32 $0x7, v3;
	v4 =	vand.u32 $0xFFFFFFC0, v62  }
0x2f7: {  	v3 =	vor.u32 v3, v4  }
0x2f8: {  	v4 =	vperm.xlane v3, v0;
	_ =	sdelay $0x1  }
0x2f9: {  	v4 =	vadd.s32 v1, v4;
	_ =	sdelay $0x3  }
0x2fa: {  	s26 =	simm.s32 $0x8000  }
0x2fb: {  	[tilespmem:s26], [sflag:$0x1] =	stream.indirect_vreg.gather [hbm4b:s3+s2], $0x80, v4, vm0, $0xb8;
	[tilespmem:$0x10080] =	vst v63  }
0x2fc: {  	s13 =	simm.s32 $0x8800;
	v3 =	vperm.xlane v3, v2  }
0x2fd: {  	[tilespmem:s13], [sflag:$0x1] =	stream.indirect_vreg.gather [hbm4b:s4+s2], $0x80, v4, vm0, $0xb8;
	[tilespmem:$0x10080] =	vst v63  }
0x2fe: {  	s7 =	simm.s32 $0x9000;
	v3 =	vadd.s32 v1, v3  }
0x2ff: {  	[tilespmem:s7], [sflag:$0x1] =	stream.indirect_vreg.gather [hbm4b:s5+s2], $0x80, v4, vm0, $0xb8;
	[tilespmem:$0x10080] =	vst v63  }
0x300: {  	s8 =	simm.s32 $0x9800  }
0x301: {  	[tilespmem:s8], [sflag:$0x1] =	stream.indirect_vreg.gather [hbm4b:s6+s2], $0x80, v4, vm0, $0xb8;
	[tilespmem:$0x10080] =	vst v63  }
0x302: {  	s10 =	simm.s32 $0xA000  }
0x303: {  	[tilespmem:s10], [sflag:$0x1] =	stream.indirect_vreg.gather [hbm4b:s3+s2], $0x80, v3, vm0, $0xb8;
	[tilespmem:$0x10080] =	vst v63  }
0x304: {  	s28 =	simm.s32 $0xA800  }
0x305: {  	[tilespmem:s28], [sflag:$0x1] =	stream.indirect_vreg.gather [hbm4b:s4+s2], $0x80, v3, vm0, $0xb8;
	[tilespmem:$0x10080] =	vst v63  }
0x306: {  	s11 =	simm.s32 $0xB000  }
0x307: {  	[tilespmem:s11], [sflag:$0x1] =	stream.indirect_vreg.gather [hbm4b:s5+s2], $0x80, v3, vm0, $0xb8;
	[tilespmem:$0x10080] =	vst v63  }
0x308: {  	s26 =	simm.s32 $0xB800  }
0x309: {  	[tilespmem:s26], [sflag:$0x1] =	stream.indirect_vreg.gather [hbm4b:s6+s2], $0x80, v3, vm0, $0xb8;
	[tilespmem:$0x10080] =	vst v63  }
0x30a: {  	v3 =	vld [tilespmem:$0x10030];
	_ =	sdelay $0x4  }
0x30b: {  	v63 =	vshll.u32 v3, $0x3  }
0x30c: {  	v3 =	vand.u32 $0x7, v3;
	v4 =	vand.u32 $0xFFFFFFC0, v63  }
0x30d: {  	v3 =	vor.u32 v3, v4  }
0x30e: {  	v4 =	vperm.xlane v3, v0;
	_ =	sdelay $0x1  }
0x30f: {  	v4 =	vadd.s32 v1, v4;
	_ =	sdelay $0x3  }
0x310: {  	s28 =	simm.s32 $0xC000  }
0x311: {  	[tilespmem:s28], [sflag:$0x1] =	stream.indirect_vreg.gather [hbm4b:s3+s2], $0x80, v4, vm0, $0xb8;
	[tilespmem:$0x10080] =	vst v63  }
0x312: {  	s29 =	simm.s32 $0xC800;
	v3 =	vperm.xlane v3, v2  }
0x313: {  	[tilespmem:s29], [sflag:$0x1] =	stream.indirect_vreg.gather [hbm4b:s4+s2], $0x80, v4, vm0, $0xb8;
	[tilespmem:$0x10080] =	vst v63  }
0x314: {  	s12 =	simm.s32 $0xD000;
	v3 =	vadd.s32 v1, v3  }
0x315: {  	[tilespmem:s12], [sflag:$0x1] =	stream.indirect_vreg.gather [hbm4b:s5+s2], $0x80, v4, vm0, $0xb8;
	[tilespmem:$0x10080] =	vst v63  }
0x316: {  	s15 =	simm.s32 $0xD800  }
0x317: {  	[tilespmem:s15], [sflag:$0x1] =	stream.indirect_vreg.gather [hbm4b:s6+s2], $0x80, v4, vm0, $0xb8;
	[tilespmem:$0x10080] =	vst v63  }
0x318: {  	s23 =	simm.s32 $0xE000  }
0x319: {  	[tilespmem:s23], [sflag:$0x1] =	stream.indirect_vreg.gather [hbm4b:s3+s2], $0x80, v3, vm0, $0xb8;
	[tilespmem:$0x10080] =	vst v63  }
0x31a: {  	s14 =	simm.s32 $0xE800  }
0x31b: {  	[tilespmem:s14], [sflag:$0x1] =	stream.indirect_vreg.gather [hbm4b:s4+s2], $0x80, v3, vm0, $0xb8;
	[tilespmem:$0x10080] =	vst v63  }
0x31c: {  	s20 =	simm.s32 $0xF000  }
0x31d: {  	[tilespmem:s20], [sflag:$0x1] =	stream.indirect_vreg.gather [hbm4b:s5+s2], $0x80, v3, vm0, $0xb8;
	[tilespmem:$0x10080] =	vst v63  }
0x31e: {  	s25 =	simm.s32 $0xF800  }
0x31f: {  	[tilespmem:s25], [sflag:$0x1] =	stream.indirect_vreg.gather [hbm4b:s6+s2], $0x80, v3, vm0, $0xb8;
	[tilespmem:$0x10080] =	vst v63  }
0x320: {  	_ =	swait.ge [sflag:s17], $0x10000  }
0x321: {  	p0 =	sne.s32 s30, $0x1;
	[sflag:s17] =	ssyncset.done $0x0  }
.Ltmp0:
0x322: {  	s31 =	rddreg [dreg:$0x11];
	[sflag:s17] =	ssyncadd.s32 $0xFFFF0000;
	(pc) =	sbr.rel @p0 .LBB2_1-.Ltmp0, $4  }
0x323: {  	[hbm4b:s31+s2] =	stream.linear.scatter [tilespmem:s2], [sflag:$0x2], $0x10000, $0x38;
	[tilespmem:$0x10080] =	vst v63  }
0x324: {  	_ =	swait.ge [sflag:s9], $0x10000  }
0x325: {  	[sflag:s9] =	ssyncset.done $0x0  }
0x326: {  	s30 =	sadd.s32 $0xFFFFFFFF, s30;
	[sflag:s9] =	ssyncadd.s32 $0xFFFF0000  }
0x327: {  	_ =	sfence.sel $0x180000  }
0x328: {  	[bflag:$0x0] =	sbarrier.arrive $0xFFFF  }
0x329: {  	_ =	strace $0x9000004A  }
0x32a: {  	s0 =	stileid.u32;
	[bflag:$0x2] =	sbarrier.arrive $0xFFFF  }
0x32b: {  	p0 =	sne.s32 s0, $0x0;
	s0 =	rddreg [dreg:$0x1]  }
0x32c: {  	s0 =	sadd.s32 @!p0 $0x100000, s0  }
0x32d: {  	[sflag:s0] =	ssyncadd.tile.s32 @!p0 $0x1;
	_ =	shalt  }
.Lfunc_end2:
_tile_overlayer_lowered:
.L_overlay_start_2:
0x32e: {  	(tag) =	ssettag $0x2  }
0x32f: {  	s0 =	rddreg [dreg:$0x0];
	s2 =	stileid.u32  }
0x330: {  	s1 =	rddreg [dreg:$0x1];
	p0 =	sne.s32 s2, $0x0  }
0x331: {  	s3 =	rddreg [dreg:$0x2];
	[bflag:$0x3] =	sbarrier.arrive $0xFFFF;
	s2 =	simm.s32 @!p0 $0x1C02  }
0x332: {  	[timem:s3], [sflag:s2] =	dma.local @!p0 [hbm:s0], s1  }
0x333: {  	s0 =	simm.s32 @!p0 $0x2  }
0x334: {  	_ =	swait.ge @!p0 [sflag:s0], s1  }
0x335: {  	s1 =	ssub.s32 @!p0 $0x0, s1;
	[sflag:s0] =	ssyncset.done @!p0 $0x0  }
0x336: {  	[sflag:s0] =	ssyncadd.s32 @!p0 s1  }
0x337: {  	[bflag:$0x3] =	sbarrier.arrive $0xFFFF  }
0x338: {  	_ =	shalt  }

// kernel: kernel.8.cloned.1.call-start
scs
__scs_entry_jumppad:
0x0: {  	(pc) =	sbr.rel $0x88, $3  }
0x1: {  	(tag) =	ssettag $0x0;
	lr =	simm.s32 $0x1  }
0x2: {  	[smem:$0x3F9A] =	sst lr;
	_ =	strace $0xD0000000  }
0x3: {  	_ = 	snop  }
0x4: {  	_ = 	snop  }
0x5: {  	_ = 	snop  }
0x6: {  	_ = 	snop  }
0x7: {  	_ = 	snop  }
__scs_overlays_trampoline_lowered:
0x8: {  	[smem:$0x3FA9] =	sst s0  }
0x9: {  	[smem:$0x3FAA] =	sst s1  }
0xa: {  	[smem:$0x3FAB] =	sst s2  }
0xb: {  	[smem:$0x3FAC] =	sst s3  }
0xc: {  	[smem:$0x3FAD] =	sst s4  }
0xd: {  	[smem:$0x3FAE] =	sst s5  }
0xe: {  	[smem:$0x3FAF] =	sst s6  }
0xf: {  	[smem:$0x3FB0] =	sst s7  }
0x10: {  	[smem:$0x3FB1] =	sst s8  }
0x11: {  	[smem:$0x3FB2] =	sst s9;
	s0 =	simm.s32 @!p0 $0x0  }
0x12: {  	s1 =	sld [smem:$0x3F98];
	s0 =	simm.s32 @p0 $0x1  }
0x13: {  	[smem:$0x3FB3] =	sst s0;
	s0 =	simm.s32 @!p1 $0x0  }
0x14: {  	s2 =	sld [smem:$0x3F97];
	s0 =	simm.s32 @p1 $0x1  }
0x15: {  	[smem:$0x3FB4] =	sst s0;
	s0 =	simm.s32 @!p2 $0x0  }
0x16: {  	s3 =	sld [smem:$0x3FDB];
	s0 =	simm.s32 @p2 $0x1  }
0x17: {  	s4 =	simm.s32 $0x1BF5;
	[smem:$0x3FB6] =	sst s0  }
0x18: {  	s0 =	sld [smem:$0x3F99];
	_ =	swait.ge [sflag:s4], $0x0  }
0x19: {  	s7 =	sld [smem:$0x3F9A]  }
0x1a: {  	s8 =	sadd.s32 $0xFFFFE003, lr  }
0x1b: {  	s9 =	sadd.s32 $0xFFFFFEF7, lr;
	s5 =	simm.s32 $0xFFFFFFFF;
	p2 =	slt.u32 s8, $0xFFFFF086  }
0x1c: {  	p1 =	slt.u32 s9, $0xF7A;
	s5 =	simm.s32 @!p2 $0x0  }
0x1d: {  	s5 =	simm.s32 @p1 $0x1;
	p0 =	seq.s32 s7, s2  }
0x1e: {  	s7 =	smul.u32 @!p0 $0xF7A, s2;
	p2 =	seq.s32 @!p0 s5, $0x0  }
0x1f: {  	s9 =	smul.u32 $0xF7A, s1;
	s8 =	simm.s32 @!p0 $0x1BF5;
	p2 =	por !p2, p0  }
0x20: {  	[sflag:s8] =	ssyncset.s32 @!p0 $0xFFFFF086;
	s6 =	sadd.s32 @!p0 s3, s7;
	s7 =	simm.s32 @!p0 $0x108  }
0x21: {  	s3 =	sadd.s32 s3, s9;
	s6 =	sadd.s32 @!p0 $0x88, s6;
	s7 =	simm.s32 @p2 $0x1082  }
0x22: {  	[simem:s7], [sflag:s8] =	dma.local @!p0 [hbm:s6], $0xF7A  }
0x23: {  	s9 =	sor.u32 $0xD0000000, s2;
	s6 =	simm.s32 $0x108;
	_ =	swait.ge @!p0 [sflag:s8], $0x0  }
0x24: {  	s3 =	sadd.s32 $0x88, s3;
	s6 =	simm.s32 @!p1 $0x1082;
	[sflag:s4] =	ssyncset.s32 $0xFFFFF086  }
0x25: {  	[simem:s6], [sflag:s4] =	dma.local [hbm:s3], $0xF7A  }
0x26: {  	[smem:$0x3F9A] =	sst s1;
	(tag) =	ssettag s2;
	_ =	strace s9  }
0x27: {  	s1 =	sld [smem:$0x3FAA]  }
0x28: {  	s2 =	sld [smem:$0x3FAB]  }
0x29: {  	s4 =	sld [smem:$0x3FAD]  }
0x2a: {  	p0 =	seq.s32 s5, $0x0;
	s5 =	sld [smem:$0x3FAE]  }
0x2b: {  	s6 =	sld [smem:$0x3FAF]  }
0x2c: {  	s7 =	sld [smem:$0x3FB0]  }
0x2d: {  	s3 =	simm.s32 $0x108;
	s8 =	sld [smem:$0x3FB1]  }
0x2e: {  	s3 =	simm.s32 @!p0 $0x1082;
	s9 =	sld [smem:$0x3FB2]  }
0x2f: {  	lr =	sadd.s32 s0, s3;
	s0 =	sld [smem:$0x3FA9]  }
0x30: {  	s3 =	sld [smem:$0x3FAC]  }
0x31: {  	[smem:$0x3FB5] =	sst s10  }
0x32: {  	s10 =	sld [smem:$0x3FB3];
	_ =	sdelay $0x3  }
0x33: {  	p0 =	seq.s32 s10, $0x1;
	s10 =	sld [smem:$0x3FB5];
	_ =	sdelay $0x3  }
0x34: {  	[smem:$0x3FB5] =	sst s10  }
0x35: {  	s10 =	sld [smem:$0x3FB4];
	_ =	sdelay $0x3  }
0x36: {  	p1 =	seq.s32 s10, $0x1;
	s10 =	sld [smem:$0x3FB5];
	_ =	sdelay $0x3  }
0x37: {  	[smem:$0x3FB5] =	sst s10  }
0x38: {  	s10 =	sld [smem:$0x3FB6]  }
0x39: {  	_ = 	snop;
	(pc) =	sbr.ind lr, $3  }
0x3a: {  	_ = 	snop  }
0x3b: {  	_ = 	snop  }
0x3c: {  	p2 =	seq.s32 s10, $0x1;
	s10 =	sld [smem:$0x3FB5]  }
0x3d: {  	_ =	shalt  }
0x3e: {  	_ =	shalt  }
0x3f: {  	_ =	shalt  }
0x40: {  	_ =	shalt  }
0x41: {  	_ =	shalt  }
0x42: {  	_ =	shalt  }
0x43: {  	_ =	shalt  }
0x44: {  	_ =	shalt  }
0x45: {  	_ =	shalt  }
0x46: {  	_ =	shalt  }
0x47: {  	_ =	shalt  }
0x48: {  	_ =	shalt  }
0x49: {  	_ =	shalt  }
0x4a: {  	_ =	shalt  }
0x4b: {  	_ =	shalt  }
0x4c: {  	_ =	shalt  }
0x4d: {  	_ =	shalt  }
0x4e: {  	_ =	shalt  }
0x4f: {  	_ =	shalt  }
0x50: {  	_ =	shalt  }
0x51: {  	_ =	shalt  }
0x52: {  	_ =	shalt  }
0x53: {  	_ =	shalt  }
0x54: {  	_ =	shalt  }
0x55: {  	_ =	shalt  }
0x56: {  	_ =	shalt  }
0x57: {  	_ =	shalt  }
0x58: {  	_ =	shalt  }
0x59: {  	_ =	shalt  }
0x5a: {  	_ =	shalt  }
0x5b: {  	_ =	shalt  }
0x5c: {  	_ =	shalt  }
0x5d: {  	_ =	shalt  }
0x5e: {  	_ =	shalt  }
0x5f: {  	_ =	shalt  }
0x60: {  	_ =	shalt  }
0x61: {  	_ =	shalt  }
0x62: {  	_ =	shalt  }
0x63: {  	_ =	shalt  }
0x64: {  	_ =	shalt  }
0x65: {  	_ =	shalt  }
0x66: {  	_ =	shalt  }
0x67: {  	_ =	shalt  }
0x68: {  	_ =	shalt  }
0x69: {  	_ =	shalt  }
0x6a: {  	_ =	shalt  }
0x6b: {  	_ =	shalt  }
0x6c: {  	_ =	shalt  }
0x6d: {  	_ =	shalt  }
0x6e: {  	_ =	shalt  }
0x6f: {  	_ =	shalt  }
0x70: {  	_ =	shalt  }
0x71: {  	_ =	shalt  }
0x72: {  	_ =	shalt  }
0x73: {  	_ =	shalt  }
0x74: {  	_ =	shalt  }
0x75: {  	_ =	shalt  }
0x76: {  	_ =	shalt  }
0x77: {  	_ =	shalt  }
0x78: {  	_ =	shalt  }
0x79: {  	_ =	shalt  }
0x7a: {  	_ =	shalt  }
0x7b: {  	_ =	shalt  }
0x7c: {  	_ =	shalt  }
0x7d: {  	_ =	shalt  }
0x7e: {  	_ =	shalt  }
0x7f: {  	_ =	shalt  }
0x80: {  	_ =	shalt  }
0x81: {  	_ =	shalt  }
0x82: {  	_ =	shalt  }
0x83: {  	_ =	shalt  }
0x84: {  	_ =	shalt  }
0x85: {  	_ =	shalt  }
0x86: {  	_ =	shalt  }
0x87: {  	_ =	shalt  }
.Lfunc_end0:
.L_simem_size_0:
called_computation_lowered:
.L_overlay_start_0:
0x88: {  	s2 =	sld [smem:$0x3FD9]  }
0x89: {  	s3 =	sld [smem:$0x3FFE];
	_ =	sdelay $0x1  }
0x8a: {  	s1 =	srdreg.scid  }
0x8b: {  	s0 =	sand.u32 $0x1, s1  }
0x8c: {  	s17 =	sshll.u32 s0, $0xA;
	s2 =	sadd.s32 s3, s2  }
0x8d: {  	s2 =	sadd.s32 s2, s17  }
0x8e: {  	[smem:$0x3FC1] =	sst s2  }
0x8f: {  	_ = 	snop  }
0x90: {  	s2 =	sld [smem:$0x3FC9];
	(tm) =	ssettm $0x1  }
0x91: {  	s18 =	sld [smem:$0x3FFB];
	_ =	sdelay $0x3  }
0x92: {  	_ =	strace s18  }
0x93: {  	s3 =	sld [smem:$0x3FFC];
	_ =	sdelay $0x3  }
0x94: {  	_ =	strace s3  }
0x95: {  	s3 =	sld [smem:$0x3FFD];
	_ =	sdelay $0x3  }
0x96: {  	_ =	strace s3  }
0x97: {  	_ =	strace $0x8FFFFFFF  }
0x98: {  	s19 =	sld [smem:$0x3FDB];
	_ =	sdelay $0x1  }
0x99: {  	s4 =	simm.s32 $_scs_section_size  }
0x9a: {  	s5 =	simm.s32 $_size__tile_overlayer_lowered;
	s6 =	simm.s32 $_tile_overlayer_lowered  }
0x9b: {  	s22 =	simm.s32 $0x1BFF;
	s21 =	sshll.u32 s6, $0x1;
	s3 =	sadd.s32 s4, s19  }
0x9c: {  	s7 =	simm.s32 $0x0;
	s20 =	sshll.u32 s5, $0x1;
	s5 =	sadd.s32 s21, s3  }
0x9d: {  	[timem:s7], [sflag:s22] =	dma.local [hbm:s5], s20  }
0x9e: {  	_ =	swait.ge [sflag:s22], s20  }
0x9f: {  	s4 =	ssub.s32 $0x0, s20;
	[sflag:s22] =	ssyncset.done $0x0  }
0xa0: {  	[sflag:s22] =	ssyncadd.s32 s4;
	_ =	sdelay $0x1  }
0xa1: {  	s23 =	simm.s32 $0x1B8B  }
0xa2: {  	_ =	swait.ge [sflag:s23], $0x1  }
0xa3: {  	[sflag:s23] =	ssyncset.done $0x0  }
0xa4: {  	s25 =	simm.s32 $0x1B8E;
	s24 =	sld [smem:$0x3FFE];
	[sflag:s23] =	ssyncadd.s32 $0xFFFFFFFF  }
0xa5: {  	s26 =	simm.s32 $execute0_lowered;
	[smem:$0x3FD2] =	sst s25  }
0xa6: {  	s5 =	sshll.u32 s26, $0x1;
	_ =	strace $0x80000046;
	[dreg:$0x1] =	wrdreg $0xFFFFFFFF  }
0xa7: {  	s28 =	simm.s32 $_size_execute0_lowered;
	s3 =	sadd.s32 s3, s5;
	[dreg:$0x0] =	wrdreg $0x0  }
0xa8: {  	s5 =	sshll.u32 s28, $0x1;
	[dreg:$0x2] =	wrdreg s3  }
0xa9: {  	[dreg:$0x3] =	wrdreg s5  }
0xaa: {  	[dreg:$0x4] =	wrdreg $0xC0  }
0xab: {  	_ =	task [dreg:s7], $0x5FFFF  }
0xac: {  	[dreg:$0x1] =	wrdreg $0xFFFFFFFF  }
0xad: {  	[dreg:$0x0] =	wrdreg $0x60  }
0xae: {  	[dreg:$0x2] =	wrdreg s2  }
0xaf: {  	[dreg:$0x3] =	wrdreg s24  }
0xb0: {  	[dreg:$0x4] =	wrdreg $0x9  }
0xb1: {  	_ =	task.clear_ibuf [dreg:s7], $0x5FFFF;
	_ =	strace $0x90000046  }
0xb2: {  	s29 =	simm.s32 $0x9;
	_ =	strace $0x80000048  }
0xb3: {  	_ =	swait.ge [sflag:s29], $0x1  }
0xb4: {  	[sflag:s29] =	ssyncadd.s32 $0xFFFFFFFF  }
0xb5: {  	_ =	strace $0x90000048  }
0xb6: {  	_ =	sfence  }
0xb7: {  	s30 =	sld [smem:$0x0];
	_ =	sdelay $0x2  }
0xb8: {  	s31 =	sshll.u32 s1, $0xD;
	s1 =	sshrl.u32 s1, $0x2  }
0xb9: {  	s3 =	sand.u32 $0x4000, s31;
	s1 =	sadd.s32 s1, s30  }
0xba: {  	s0 =	sor.u32 s3, s0;
	s1 =	sshll.u32 s1, $0x11  }
0xbb: {  	s0 =	sor.u32 s1, s0  }
0xbc: {  	s0 =	sadd.s32 $0x8F2B, s0  }
0xbd: {  	[sflag:s0] =	ssyncadd.remote.s32 $0x1  }
0xbe: {  	_ =	sfence.sel $0xFFFF  }
0xbf: {  	[dreg:$0x0] =	wrdreg $0xFFFFFFFF;
	(pc) =	sbr.abs _section_cstart, $3  }
0xc0: {  	[dreg:$0x1] =	wrdreg $0xFFFFFFFF  }
0xc1: {  	_ =	task.clear_ibuf [dreg:s7], $0x2FFFF;
	_ =	strace $0x9FFFFFFF  }
0xc2: {  	(tm) =	ssettm $0x7FFFFFFF  }
0xc3: {  	_ =	shalt  }
tec
execute0_lowered:
.L_overlay_start_1:
0x0: {  	(tag) =	ssettag $0x1  }
0x1: {  	s1 =	rddreg [dreg:$0x0]  }
0x2: {  	s0 =	rddreg [dreg:$0x1];
	s2 =	simm.s32 $0x0;
	s3 =	srdreg.scid  }
0x3: {  	s6 =	stileid.u32;
	s30 =	simm.s32 $0x2;
	[smem:$0x7FF] =	sst s2  }
0x4: {  	s3 =	sand.u32 $0x1, s3;
	s5 =	sadd.s32 $0x41C00, s0;
	s7 =	sshll.u32 s6, $0x8  }
0x5: {  	s6 =	sadd.s32 $0x42000, s0;
	s4 =	sshll.u32 s3, $0xC;
	s8 =	ssub.s32 $0x2, s3  }
0x6: {  	_ =	strace $0x80000047;
	s4 =	sor.u32 s7, s4;
	s26 =	sshrl.u32 s8, $0x1  }
0x7: {  	s3 =	sadd.s32 $0x42600, s0;
	s9 =	sshll.u32 s4, $0x7;
	s7 =	ssub.s32 s8, s26  }
0x8: {  	s29 =	sshrl.u32 s4, $0x3;
	s10 =	sor.u32 $0x20, s4;
	s28 =	sadd.s32 s1, s9  }
0x9: {  	s15 =	sor.u32 $0x40, s4;
	s31 =	sadd.s32 s5, s29;
	[dreg:$0x3] =	wrdreg s28  }
0xa: {  	s9 =	sadd.s32 s6, s29;
	s11 =	sshll.u32 s10, $0x7;
	[dreg:$0x4] =	wrdreg s31  }
0xb: {  	s13 =	sshrl.u32 s10, $0x3;
	[dreg:$0x5] =	wrdreg s9;
	s12 =	sadd.s32 s1, s11  }
0xc: {  	s21 =	sor.u32 $0x60, s4;
	s14 =	sadd.s32 s5, s13;
	[dreg:$0x6] =	wrdreg s12  }
0xd: {  	s17 =	sshll.u32 s15, $0x7;
	s16 =	sadd.s32 s6, s13;
	[dreg:$0x7] =	wrdreg s14  }
0xe: {  	s19 =	sshrl.u32 s15, $0x3;
	s18 =	sadd.s32 s1, s17;
	[dreg:$0x8] =	wrdreg s16  }
0xf: {  	s23 =	sshll.u32 s21, $0x7;
	s20 =	sadd.s32 s5, s19;
	[dreg:$0x9] =	wrdreg s18  }
0x10: {  	s25 =	sshrl.u32 s21, $0x3;
	s22 =	sadd.s32 s6, s19;
	[dreg:$0xa] =	wrdreg s20  }
0x11: {  	s24 =	sadd.s32 s1, s23;
	s26 =	sadd.s32 s5, s25;
	[dreg:$0xb] =	wrdreg s22  }
0x12: {  	s28 =	sor.u32 $0x80, s4;
	s29 =	sadd.s32 s6, s25;
	[dreg:$0xc] =	wrdreg s24  }
0x13: {  	s13 =	sor.u32 $0xA0, s4;
	[dreg:$0xd] =	wrdreg s26;
	s31 =	sshll.u32 s28, $0x7  }
0x14: {  	[dreg:$0xe] =	wrdreg s29;
	s11 =	sshrl.u32 s28, $0x3;
	s9 =	sadd.s32 s1, s31  }
0x15: {  	s19 =	sor.u32 $0xC0, s4;
	s12 =	sadd.s32 s5, s11;
	[dreg:$0xf] =	wrdreg s9  }
0x16: {  	s15 =	sshll.u32 s13, $0x7;
	s14 =	sadd.s32 s6, s11;
	[dreg:$0x10] =	wrdreg s12  }
0x17: {  	s17 =	sshrl.u32 s13, $0x3;
	s16 =	sadd.s32 s1, s15;
	[dreg:$0x11] =	wrdreg s14  }
0x18: {  	s4 =	sor.u32 $0xE0, s4;
	s18 =	sadd.s32 s5, s17;
	[dreg:$0x12] =	wrdreg s16  }
0x19: {  	s21 =	sshll.u32 s19, $0x7;
	s20 =	sadd.s32 s6, s17;
	[dreg:$0x13] =	wrdreg s18  }
0x1a: {  	s23 =	sshrl.u32 s19, $0x3;
	s22 =	sadd.s32 s1, s21;
	[dreg:$0x14] =	wrdreg s20  }
0x1b: {  	s26 =	sshll.u32 s4, $0x7;
	s24 =	sadd.s32 s5, s23;
	[dreg:$0x15] =	wrdreg s22  }
0x1c: {  	s28 =	sshrl.u32 s4, $0x3;
	s25 =	sadd.s32 s6, s23;
	[dreg:$0x16] =	wrdreg s24  }
0x1d: {  	s4 =	sadd.s32 $0x42700, s0;
	s1 =	sadd.s32 s1, s26;
	[dreg:$0x17] =	wrdreg s25  }
0x1e: {  	v2 =	vlaneseq.u32;
	s29 =	sadd.s32 s5, s28;
	s5 =	sadd.s32 $0x42800, s0;
	[dreg:$0x18] =	wrdreg s1  }
0x1f: {  	vm0 =	vmmov $0xffff;
	v1 =	vshrl.u32 v2, $0x3;
	s31 =	sadd.s32 s6, s28;
	s6 =	sadd.s32 $0x42900, s0;
	[dreg:$0x19] =	wrdreg s29  }
0x20: {  	v0 =	vand.u32 $0x7, v2;
	v2 =	vor.u32 $0x8, v2;
	v1 =	vmul.u32 $0x8, v1;
	s0 =	smax.u32 s7, $0x1;
	s23 =	simm.s32 $0x1;
	[dreg:$0x1a] =	wrdreg s31  }
.LBB2_1:
0x21: {  	[dreg:$0x1b] =	wrdreg s0  }
0x22: {  	s21 =	rddreg [dreg:$0x3]  }
0x23: {  	[tilespmem:s2], [sflag:$0x1] =	stream.linear.gather [hbm4b:s21+s2], $0x8000, $0x38;
	[tilespmem:$0x10200] =	vst v63  }
0x24: {  	s22 =	rddreg [dreg:$0x4];
	s19 =	simm.s32 $0x10000  }
0x25: {  	[tilespmem:s19], [sflag:$0x1] =	stream.linear.gather [hbm4b:s22+s2], $0x20, $0x38;
	[tilespmem:$0x10200] =	vst v63  }
0x26: {  	s18 =	rddreg [dreg:$0x5];
	s20 =	simm.s32 $0x10080  }
0x27: {  	[tilespmem:s20], [sflag:$0x1] =	stream.linear.gather [hbm4b:s18+s2], $0x20, $0x38;
	[tilespmem:$0x10200] =	vst v63  }
0x28: {  	_ =	swait.ge [sflag:s23], $0x8000  }
0x29: {  	[sflag:s23] =	ssyncset.done $0x0  }
0x2a: {  	[sflag:s23] =	ssyncadd.s32 $0xFFFF8000  }
0x2b: {  	_ =	swait.ge [sflag:s23], $0x20  }
0x2c: {  	[sflag:s23] =	ssyncset.done $0x0  }
0x2d: {  	[sflag:s23] =	ssyncadd.s32 $0xFFFFFFE0  }
0x2e: {  	_ =	swait.ge [sflag:s23], $0x20  }
0x2f: {  	[sflag:s23] =	ssyncset.done $0x0  }
0x30: {  	[sflag:s23] =	ssyncadd.s32 $0xFFFFFFE0  }
0x31: {  	v3 =	vld [tilespmem:$0x10000];
	_ =	sdelay $0x4  }
0x32: {  	v4 =	vshll.u32 v3, $0x3  }
0x33: {  	v3 =	vand.u32 $0x7, v3;
	v4 =	vand.u32 $0xFFFFFFC0, v4  }
0x34: {  	v3 =	vor.u32 v3, v4  }
0x35: {  	v4 =	vperm.xlane v3, v0;
	_ =	sdelay $0x1  }
0x36: {  	v4 =	vadd.s32 v1, v4;
	_ =	sdelay $0x4  }
0x37: {  	[hbm4b:s3+s2] =	stream.indirect_vreg.scatter [tilespmem:s2], [sflag:$0x3], $0x80, v4, vm0, $0xb8;
	[tilespmem:$0x10200] =	vst v63  }
0x38: {  	s22 =	simm.s32 $0x800;
	v3 =	vperm.xlane v3, v2  }
0x39: {  	[hbm4b:s4+s2] =	stream.indirect_vreg.scatter [tilespmem:s22], [sflag:$0x3], $0x80, v4, vm0, $0xb8;
	[tilespmem:$0x10200] =	vst v63  }
0x3a: {  	s24 =	simm.s32 $0x1000;
	v3 =	vadd.s32 v1, v3  }
0x3b: {  	[hbm4b:s5+s2] =	stream.indirect_vreg.scatter [tilespmem:s24], [sflag:$0x3], $0x80, v4, vm0, $0xb8;
	[tilespmem:$0x10200] =	vst v63  }
0x3c: {  	s25 =	simm.s32 $0x1800  }
0x3d: {  	[hbm4b:s6+s2] =	stream.indirect_vreg.scatter [tilespmem:s25], [sflag:$0x3], $0x80, v4, vm0, $0xb8;
	[tilespmem:$0x10200] =	vst v63  }
0x3e: {  	s26 =	simm.s32 $0x2000  }
0x3f: {  	[hbm4b:s3+s2] =	stream.indirect_vreg.scatter [tilespmem:s26], [sflag:$0x3], $0x80, v3, vm0, $0xb8;
	[tilespmem:$0x10200] =	vst v63  }
0x40: {  	s28 =	simm.s32 $0x2800  }
0x41: {  	[hbm4b:s4+s2] =	stream.indirect_vreg.scatter [tilespmem:s28], [sflag:$0x3], $0x80, v3, vm0, $0xb8;
	[tilespmem:$0x10200] =	vst v63  }
0x42: {  	s29 =	simm.s32 $0x3000  }
0x43: {  	[hbm4b:s5+s2] =	stream.indirect_vreg.scatter [tilespmem:s29], [sflag:$0x3], $0x80, v3, vm0, $0xb8;
	[tilespmem:$0x10200] =	vst v63  }
0x44: {  	s31 =	simm.s32 $0x3800  }
0x45: {  	[hbm4b:s6+s2] =	stream.indirect_vreg.scatter [tilespmem:s31], [sflag:$0x3], $0x80, v3, vm0, $0xb8;
	[tilespmem:$0x10200] =	vst v63  }
0x46: {  	v3 =	vld [tilespmem:$0x10010];
	_ =	sdelay $0x4  }
0x47: {  	v33 =	vshll.u32 v3, $0x3  }
0x48: {  	v3 =	vand.u32 $0x7, v3;
	v4 =	vand.u32 $0xFFFFFFC0, v33  }
0x49: {  	v3 =	vor.u32 v3, v4  }
0x4a: {  	v4 =	vperm.xlane v3, v0;
	_ =	sdelay $0x1  }
0x4b: {  	v4 =	vadd.s32 v1, v4;
	_ =	sdelay $0x3  }
0x4c: {  	s7 =	simm.s32 $0x4000  }
0x4d: {  	[hbm4b:s3+s2] =	stream.indirect_vreg.scatter [tilespmem:s7], [sflag:$0x3], $0x80, v4, vm0, $0xb8;
	[tilespmem:$0x10200] =	vst v63  }
0x4e: {  	s9 =	simm.s32 $0x4800;
	v3 =	vperm.xlane v3, v2  }
0x4f: {  	[hbm4b:s4+s2] =	stream.indirect_vreg.scatter [tilespmem:s9], [sflag:$0x3], $0x80, v4, vm0, $0xb8;
	[tilespmem:$0x10200] =	vst v63  }
0x50: {  	s10 =	simm.s32 $0x5000;
	v3 =	vadd.s32 v1, v3  }
0x51: {  	[hbm4b:s5+s2] =	stream.indirect_vreg.scatter [tilespmem:s10], [sflag:$0x3], $0x80, v4, vm0, $0xb8;
	[tilespmem:$0x10200] =	vst v63  }
0x52: {  	s11 =	simm.s32 $0x5800  }
0x53: {  	[hbm4b:s6+s2] =	stream.indirect_vreg.scatter [tilespmem:s11], [sflag:$0x3], $0x80, v4, vm0, $0xb8;
	[tilespmem:$0x10200] =	vst v63  }
0x54: {  	s19 =	simm.s32 $0x6000  }
0x55: {  	[hbm4b:s3+s2] =	stream.indirect_vreg.scatter [tilespmem:s19], [sflag:$0x3], $0x80, v3, vm0, $0xb8;
	[tilespmem:$0x10200] =	vst v63  }
0x56: {  	s20 =	simm.s32 $0x6800  }
0x57: {  	[hbm4b:s4+s2] =	stream.indirect_vreg.scatter [tilespmem:s20], [sflag:$0x3], $0x80, v3, vm0, $0xb8;
	[tilespmem:$0x10200] =	vst v63  }
0x58: {  	s21 =	simm.s32 $0x7000  }
0x59: {  	[hbm4b:s5+s2] =	stream.indirect_vreg.scatter [tilespmem:s21], [sflag:$0x3], $0x80, v3, vm0, $0xb8;
	[tilespmem:$0x10200] =	vst v63  }
0x5a: {  	s24 =	simm.s32 $0x7800  }
0x5b: {  	[hbm4b:s6+s2] =	stream.indirect_vreg.scatter [tilespmem:s24], [sflag:$0x3], $0x80, v3, vm0, $0xb8;
	[tilespmem:$0x10200] =	vst v63  }
0x5c: {  	v3 =	vld [tilespmem:$0x10080];
	_ =	sdelay $0x4  }
0x5d: {  	v34 =	vshll.u32 v3, $0x3  }
0x5e: {  	v3 =	vand.u32 $0x7, v3;
	v4 =	vand.u32 $0xFFFFFFC0, v34  }
0x5f: {  	v3 =	vor.u32 v3, v4  }
0x60: {  	v4 =	vperm.xlane v3, v0;
	_ =	sdelay $0x1  }
0x61: {  	v4 =	vadd.s32 v1, v4;
	_ =	sdelay $0x4  }
0x62: {  	[hbm4b:s3+s2] =	stream.indirect_vreg.scatter [tilespmem:s2], [sflag:$0x3], $0x80, v4, vm0, $0xb8;
	[tilespmem:$0x10200] =	vst v63  }
0x63: {  	s12 =	simm.s32 $0x800;
	v3 =	vperm.xlane v3, v2  }
0x64: {  	[hbm4b:s4+s2] =	stream.indirect_vreg.scatter [tilespmem:s12], [sflag:$0x3], $0x80, v4, vm0, $0xb8;
	[tilespmem:$0x10200] =	vst v63  }
0x65: {  	s18 =	simm.s32 $0x1000;
	v3 =	vadd.s32 v1, v3  }
0x66: {  	[hbm4b:s5+s2] =	stream.indirect_vreg.scatter [tilespmem:s18], [sflag:$0x3], $0x80, v4, vm0, $0xb8;
	[tilespmem:$0x10200] =	vst v63  }
0x67: {  	s15 =	simm.s32 $0x1800  }
0x68: {  	[hbm4b:s6+s2] =	stream.indirect_vreg.scatter [tilespmem:s15], [sflag:$0x3], $0x80, v4, vm0, $0xb8;
	[tilespmem:$0x10200] =	vst v63  }
0x69: {  	s17 =	simm.s32 $0x2000  }
0x6a: {  	[hbm4b:s3+s2] =	stream.indirect_vreg.scatter [tilespmem:s17], [sflag:$0x3], $0x80, v3, vm0, $0xb8;
	[tilespmem:$0x10200] =	vst v63  }
0x6b: {  	s1 =	simm.s32 $0x2800  }
0x6c: {  	[hbm4b:s4+s2] =	stream.indirect_vreg.scatter [tilespmem:s1], [sflag:$0x3], $0x80, v3, vm0, $0xb8;
	[tilespmem:$0x10200] =	vst v63  }
0x6d: {  	s8 =	simm.s32 $0x3000  }
0x6e: {  	[hbm4b:s5+s2] =	stream.indirect_vreg.scatter [tilespmem:s8], [sflag:$0x3], $0x80, v3, vm0, $0xb8;
	[tilespmem:$0x10200] =	vst v63  }
0x6f: {  	s13 =	simm.s32 $0x3800  }
0x70: {  	[hbm4b:s6+s2] =	stream.indirect_vreg.scatter [tilespmem:s13], [sflag:$0x3], $0x80, v3, vm0, $0xb8;
	[tilespmem:$0x10200] =	vst v63  }
0x71: {  	v3 =	vld [tilespmem:$0x10090];
	_ =	sdelay $0x4  }
0x72: {  	v35 =	vshll.u32 v3, $0x3  }
0x73: {  	v3 =	vand.u32 $0x7, v3;
	v4 =	vand.u32 $0xFFFFFFC0, v35  }
0x74: {  	v3 =	vor.u32 v3, v4  }
0x75: {  	v4 =	vperm.xlane v3, v0;
	_ =	sdelay $0x1  }
0x76: {  	v4 =	vadd.s32 v1, v4;
	_ =	sdelay $0x3  }
0x77: {  	s14 =	simm.s32 $0x4000  }
0x78: {  	[hbm4b:s3+s2] =	stream.indirect_vreg.scatter [tilespmem:s14], [sflag:$0x3], $0x80, v4, vm0, $0xb8;
	[tilespmem:$0x10200] =	vst v63  }
0x79: {  	s7 =	simm.s32 $0x4800;
	v3 =	vperm.xlane v3, v2  }
0x7a: {  	[hbm4b:s4+s2] =	stream.indirect_vreg.scatter [tilespmem:s7], [sflag:$0x3], $0x80, v4, vm0, $0xb8;
	[tilespmem:$0x10200] =	vst v63  }
0x7b: {  	s16 =	simm.s32 $0x5000;
	v3 =	vadd.s32 v1, v3  }
0x7c: {  	[hbm4b:s5+s2] =	stream.indirect_vreg.scatter [tilespmem:s16], [sflag:$0x3], $0x80, v4, vm0, $0xb8;
	[tilespmem:$0x10200] =	vst v63  }
0x7d: {  	s9 =	simm.s32 $0x5800  }
0x7e: {  	[hbm4b:s6+s2] =	stream.indirect_vreg.scatter [tilespmem:s9], [sflag:$0x3], $0x80, v4, vm0, $0xb8;
	[tilespmem:$0x10200] =	vst v63  }
0x7f: {  	s19 =	simm.s32 $0x6000  }
0x80: {  	[hbm4b:s3+s2] =	stream.indirect_vreg.scatter [tilespmem:s19], [sflag:$0x3], $0x80, v3, vm0, $0xb8;
	[tilespmem:$0x10200] =	vst v63  }
0x81: {  	s20 =	simm.s32 $0x6800  }
0x82: {  	[hbm4b:s4+s2] =	stream.indirect_vreg.scatter [tilespmem:s20], [sflag:$0x3], $0x80, v3, vm0, $0xb8;
	[tilespmem:$0x10200] =	vst v63  }
0x83: {  	s22 =	simm.s32 $0x7000  }
0x84: {  	[hbm4b:s5+s2] =	stream.indirect_vreg.scatter [tilespmem:s22], [sflag:$0x3], $0x80, v3, vm0, $0xb8;
	[tilespmem:$0x10200] =	vst v63  }
0x85: {  	s11 =	simm.s32 $0x7800  }
0x86: {  	[hbm4b:s6+s2] =	stream.indirect_vreg.scatter [tilespmem:s11], [sflag:$0x3], $0x80, v3, vm0, $0xb8;
	[tilespmem:$0x10200] =	vst v63  }
0x87: {  	s25 =	rddreg [dreg:$0x6];
	s28 =	simm.s32 $0x8000  }
0x88: {  	[tilespmem:s28], [sflag:$0x2] =	stream.linear.gather [hbm4b:s25+s2], $0x8000, $0x38;
	[tilespmem:$0x10200] =	vst v63  }
0x89: {  	s26 =	rddreg [dreg:$0x7];
	s31 =	simm.s32 $0x10100  }
0x8a: {  	[tilespmem:s31], [sflag:$0x2] =	stream.linear.gather [hbm4b:s26+s2], $0x20, $0x38;
	[tilespmem:$0x10200] =	vst v63  }
0x8b: {  	s29 =	rddreg [dreg:$0x8];
	s1 =	simm.s32 $0x10180  }
0x8c: {  	[tilespmem:s1], [sflag:$0x2] =	stream.linear.gather [hbm4b:s29+s2], $0x20, $0x38;
	[tilespmem:$0x10200] =	vst v63  }
0x8d: {  	_ =	swait.ge [sflag:s30], $0x8000  }
0x8e: {  	[sflag:s30] =	ssyncset.done $0x0  }
0x8f: {  	[sflag:s30] =	ssyncadd.s32 $0xFFFF8000  }
0x90: {  	_ =	swait.ge [sflag:s30], $0x20  }
0x91: {  	[sflag:s30] =	ssyncset.done $0x0  }
0x92: {  	[sflag:s30] =	ssyncadd.s32 $0xFFFFFFE0  }
0x93: {  	_ =	swait.ge [sflag:s30], $0x20  }
0x94: {  	[sflag:s30] =	ssyncset.done $0x0  }
0x95: {  	[sflag:s30] =	ssyncadd.s32 $0xFFFFFFE0  }
0x96: {  	v3 =	vld [tilespmem:$0x10100];
	_ =	sdelay $0x4  }
0x97: {  	v36 =	vshll.u32 v3, $0x3  }
0x98: {  	v3 =	vand.u32 $0x7, v3;
	v4 =	vand.u32 $0xFFFFFFC0, v36  }
0x99: {  	v3 =	vor.u32 v3, v4  }
0x9a: {  	v4 =	vperm.xlane v3, v0;
	_ =	sdelay $0x1  }
0x9b: {  	v4 =	vadd.s32 v1, v4;
	_ =	sdelay $0x3  }
0x9c: {  	s19 =	simm.s32 $0x8000  }
0x9d: {  	[hbm4b:s3+s2] =	stream.indirect_vreg.scatter [tilespmem:s19], [sflag:$0x4], $0x80, v4, vm0, $0xb8;
	[tilespmem:$0x10200] =	vst v63  }
0x9e: {  	s7 =	simm.s32 $0x8800;
	v3 =	vperm.xlane v3, v2  }
0x9f: {  	[hbm4b:s4+s2] =	stream.indirect_vreg.scatter [tilespmem:s7], [sflag:$0x4], $0x80, v4, vm0, $0xb8;
	[tilespmem:$0x10200] =	vst v63  }
0xa0: {  	s8 =	simm.s32 $0x9000;
	v3 =	vadd.s32 v1, v3  }
0xa1: {  	[hbm4b:s5+s2] =	stream.indirect_vreg.scatter [tilespmem:s8], [sflag:$0x4], $0x80, v4, vm0, $0xb8;
	[tilespmem:$0x10200] =	vst v63  }
0xa2: {  	s9 =	simm.s32 $0x9800  }
0xa3: {  	[hbm4b:s6+s2] =	stream.indirect_vreg.scatter [tilespmem:s9], [sflag:$0x4], $0x80, v4, vm0, $0xb8;
	[tilespmem:$0x10200] =	vst v63  }
0xa4: {  	s10 =	simm.s32 $0xA000  }
0xa5: {  	[hbm4b:s3+s2] =	stream.indirect_vreg.scatter [tilespmem:s10], [sflag:$0x4], $0x80, v3, vm0, $0xb8;
	[tilespmem:$0x10200] =	vst v63  }
0xa6: {  	s20 =	simm.s32 $0xA800  }
0xa7: {  	[hbm4b:s4+s2] =	stream.indirect_vreg.scatter [tilespmem:s20], [sflag:$0x4], $0x80, v3, vm0, $0xb8;
	[tilespmem:$0x10200] =	vst v63  }
0xa8: {  	s24 =	simm.s32 $0xB000  }
0xa9: {  	[hbm4b:s5+s2] =	stream.indirect_vreg.scatter [tilespmem:s24], [sflag:$0x4], $0x80, v3, vm0, $0xb8;
	[tilespmem:$0x10200] =	vst v63  }
0xaa: {  	s25 =	simm.s32 $0xB800  }
0xab: {  	[hbm4b:s6+s2] =	stream.indirect_vreg.scatter [tilespmem:s25], [sflag:$0x4], $0x80, v3, vm0, $0xb8;
	[tilespmem:$0x10200] =	vst v63  }
0xac: {  	v3 =	vld [tilespmem:$0x10110];
	_ =	sdelay $0x4  }
0xad: {  	v37 =	vshll.u32 v3, $0x3  }
0xae: {  	v3 =	vand.u32 $0x7, v3;
	v4 =	vand.u32 $0xFFFFFFC0, v37  }
0xaf: {  	v3 =	vor.u32 v3, v4  }
0xb0: {  	v4 =	vperm.xlane v3, v0;
	_ =	sdelay $0x1  }
0xb1: {  	v4 =	vadd.s32 v1, v4;
	_ =	sdelay $0x3  }
0xb2: {  	s26 =	simm.s32 $0xC000  }
0xb3: {  	[hbm4b:s3+s2] =	stream.indirect_vreg.scatter [tilespmem:s26], [sflag:$0x4], $0x80, v4, vm0, $0xb8;
	[tilespmem:$0x10200] =	vst v63  }
0xb4: {  	s28 =	simm.s32 $0xC800;
	v3 =	vperm.xlane v3, v2  }
0xb5: {  	[hbm4b:s4+s2] =	stream.indirect_vreg.scatter [tilespmem:s28], [sflag:$0x4], $0x80, v4, vm0, $0xb8;
	[tilespmem:$0x10200] =	vst v63  }
0xb6: {  	s29 =	simm.s32 $0xD000;
	v3 =	vadd.s32 v1, v3  }
0xb7: {  	[hbm4b:s5+s2] =	stream.indirect_vreg.scatter [tilespmem:s29], [sflag:$0x4], $0x80, v4, vm0, $0xb8;
	[tilespmem:$0x10200] =	vst v63  }
0xb8: {  	s24 =	simm.s32 $0xD800  }
0xb9: {  	[hbm4b:s6+s2] =	stream.indirect_vreg.scatter [tilespmem:s24], [sflag:$0x4], $0x80, v4, vm0, $0xb8;
	[tilespmem:$0x10200] =	vst v63  }
0xba: {  	s25 =	simm.s32 $0xE000  }
0xbb: {  	[hbm4b:s3+s2] =	stream.indirect_vreg.scatter [tilespmem:s25], [sflag:$0x4], $0x80, v3, vm0, $0xb8;
	[tilespmem:$0x10200] =	vst v63  }
0xbc: {  	s28 =	simm.s32 $0xE800  }
0xbd: {  	[hbm4b:s4+s2] =	stream.indirect_vreg.scatter [tilespmem:s28], [sflag:$0x4], $0x80, v3, vm0, $0xb8;
	[tilespmem:$0x10200] =	vst v63  }
0xbe: {  	s29 =	simm.s32 $0xF000  }
0xbf: {  	[hbm4b:s5+s2] =	stream.indirect_vreg.scatter [tilespmem:s29], [sflag:$0x4], $0x80, v3, vm0, $0xb8;
	[tilespmem:$0x10200] =	vst v63  }
0xc0: {  	s21 =	simm.s32 $0xF800  }
0xc1: {  	[hbm4b:s6+s2] =	stream.indirect_vreg.scatter [tilespmem:s21], [sflag:$0x4], $0x80, v3, vm0, $0xb8;
	[tilespmem:$0x10200] =	vst v63  }
0xc2: {  	v3 =	vld [tilespmem:$0x10180];
	_ =	sdelay $0x4  }
0xc3: {  	v38 =	vshll.u32 v3, $0x3  }
0xc4: {  	v3 =	vand.u32 $0x7, v3;
	v4 =	vand.u32 $0xFFFFFFC0, v38  }
0xc5: {  	v3 =	vor.u32 v3, v4  }
0xc6: {  	v4 =	vperm.xlane v3, v0;
	_ =	sdelay $0x1  }
0xc7: {  	v4 =	vadd.s32 v1, v4;
	_ =	sdelay $0x4  }
0xc8: {  	[hbm4b:s3+s2] =	stream.indirect_vreg.scatter [tilespmem:s19], [sflag:$0x4], $0x80, v4, vm0, $0xb8;
	[tilespmem:$0x10200] =	vst v63  }
0xc9: {  	s22 =	simm.s32 $0x8800;
	v3 =	vperm.xlane v3, v2  }
0xca: {  	[hbm4b:s4+s2] =	stream.indirect_vreg.scatter [tilespmem:s22], [sflag:$0x4], $0x80, v4, vm0, $0xb8;
	[tilespmem:$0x10200] =	vst v63  }
0xcb: {  	s31 =	simm.s32 $0x9000;
	v3 =	vadd.s32 v1, v3  }
0xcc: {  	[hbm4b:s5+s2] =	stream.indirect_vreg.scatter [tilespmem:s31], [sflag:$0x4], $0x80, v4, vm0, $0xb8;
	[tilespmem:$0x10200] =	vst v63  }
0xcd: {  	s7 =	simm.s32 $0x9800  }
0xce: {  	[hbm4b:s6+s2] =	stream.indirect_vreg.scatter [tilespmem:s7], [sflag:$0x4], $0x80, v4, vm0, $0xb8;
	[tilespmem:$0x10200] =	vst v63  }
0xcf: {  	s8 =	simm.s32 $0xA000  }
0xd0: {  	[hbm4b:s3+s2] =	stream.indirect_vreg.scatter [tilespmem:s8], [sflag:$0x4], $0x80, v3, vm0, $0xb8;
	[tilespmem:$0x10200] =	vst v63  }
0xd1: {  	s9 =	simm.s32 $0xA800  }
0xd2: {  	[hbm4b:s4+s2] =	stream.indirect_vreg.scatter [tilespmem:s9], [sflag:$0x4], $0x80, v3, vm0, $0xb8;
	[tilespmem:$0x10200] =	vst v63  }
0xd3: {  	s10 =	simm.s32 $0xB000  }
0xd4: {  	[hbm4b:s5+s2] =	stream.indirect_vreg.scatter [tilespmem:s10], [sflag:$0x4], $0x80, v3, vm0, $0xb8;
	[tilespmem:$0x10200] =	vst v63  }
0xd5: {  	s20 =	simm.s32 $0xB800  }
0xd6: {  	[hbm4b:s6+s2] =	stream.indirect_vreg.scatter [tilespmem:s20], [sflag:$0x4], $0x80, v3, vm0, $0xb8;
	[tilespmem:$0x10200] =	vst v63  }
0xd7: {  	v3 =	vld [tilespmem:$0x10190];
	_ =	sdelay $0x4  }
0xd8: {  	v39 =	vshll.u32 v3, $0x3  }
0xd9: {  	v3 =	vand.u32 $0x7, v3;
	v4 =	vand.u32 $0xFFFFFFC0, v39  }
0xda: {  	v3 =	vor.u32 v3, v4  }
0xdb: {  	v4 =	vperm.xlane v3, v0;
	_ =	sdelay $0x1  }
0xdc: {  	v4 =	vadd.s32 v1, v4;
	_ =	sdelay $0x3  }
0xdd: {  	s0 =	simm.s32 $0xC000  }
0xde: {  	[hbm4b:s3+s2] =	stream.indirect_vreg.scatter [tilespmem:s0], [sflag:$0x4], $0x80, v4, vm0, $0xb8;
	[tilespmem:$0x10200] =	vst v63  }
0xdf: {  	s1 =	simm.s32 $0xC800;
	v3 =	vperm.xlane v3, v2  }
0xe0: {  	[hbm4b:s4+s2] =	stream.indirect_vreg.scatter [tilespmem:s1], [sflag:$0x4], $0x80, v4, vm0, $0xb8;
	[tilespmem:$0x10200] =	vst v63  }
0xe1: {  	s26 =	simm.s32 $0xD000;
	v3 =	vadd.s32 v1, v3  }
0xe2: {  	[hbm4b:s5+s2] =	stream.indirect_vreg.scatter [tilespmem:s26], [sflag:$0x4], $0x80, v4, vm0, $0xb8;
	[tilespmem:$0x10200] =	vst v63  }
0xe3: {  	s24 =	simm.s32 $0xD800  }
0xe4: {  	[hbm4b:s6+s2] =	stream.indirect_vreg.scatter [tilespmem:s24], [sflag:$0x4], $0x80, v4, vm0, $0xb8;
	[tilespmem:$0x10200] =	vst v63  }
0xe5: {  	s25 =	simm.s32 $0xE000  }
0xe6: {  	[hbm4b:s3+s2] =	stream.indirect_vreg.scatter [tilespmem:s25], [sflag:$0x4], $0x80, v3, vm0, $0xb8;
	[tilespmem:$0x10200] =	vst v63  }
0xe7: {  	s28 =	simm.s32 $0xE800  }
0xe8: {  	[hbm4b:s4+s2] =	stream.indirect_vreg.scatter [tilespmem:s28], [sflag:$0x4], $0x80, v3, vm0, $0xb8;
	[tilespmem:$0x10200] =	vst v63  }
0xe9: {  	s29 =	simm.s32 $0xF000  }
0xea: {  	[hbm4b:s5+s2] =	stream.indirect_vreg.scatter [tilespmem:s29], [sflag:$0x4], $0x80, v3, vm0, $0xb8;
	[tilespmem:$0x10200] =	vst v63  }
0xeb: {  	s21 =	simm.s32 $0xF800;
	s19 =	simm.s32 $0x3  }
0xec: {  	[hbm4b:s6+s2] =	stream.indirect_vreg.scatter [tilespmem:s21], [sflag:$0x4], $0x80, v3, vm0, $0xb8;
	[tilespmem:$0x10200] =	vst v63  }
0xed: {  	_ =	swait.ge [sflag:s19], $0x8000  }
0xee: {  	[sflag:s19] =	ssyncset.done $0x0  }
0xef: {  	[sflag:s19] =	ssyncadd.s32 $0xFFFF8000  }
0xf0: {  	_ =	swait.ge [sflag:s19], $0x8000  }
0xf1: {  	[sflag:s19] =	ssyncset.done $0x0  }
0xf2: {  	s7 =	rddreg [dreg:$0x9];
	[sflag:s19] =	ssyncadd.s32 $0xFFFF8000  }
0xf3: {  	[tilespmem:s2], [sflag:$0x1] =	stream.linear.gather [hbm4b:s7+s2], $0x8000, $0x38;
	[tilespmem:$0x10200] =	vst v63  }
0xf4: {  	s10 =	simm.s32 $0x10000;
	s8 =	rddreg [dreg:$0xa]  }
0xf5: {  	[tilespmem:s10], [sflag:$0x1] =	stream.linear.gather [hbm4b:s8+s2], $0x20, $0x38;
	[tilespmem:$0x10200] =	vst v63  }
0xf6: {  	s20 =	simm.s32 $0x10080;
	s9 =	rddreg [dreg:$0xb]  }
0xf7: {  	[tilespmem:s20], [sflag:$0x1] =	stream.linear.gather [hbm4b:s9+s2], $0x20, $0x38;
	[tilespmem:$0x10200] =	vst v63  }
0xf8: {  	_ =	swait.ge [sflag:s23], $0x8000  }
0xf9: {  	[sflag:s23] =	ssyncset.done $0x0  }
0xfa: {  	[sflag:s23] =	ssyncadd.s32 $0xFFFF8000  }
0xfb: {  	_ =	swait.ge [sflag:s23], $0x20  }
0xfc: {  	[sflag:s23] =	ssyncset.done $0x0  }
0xfd: {  	[sflag:s23] =	ssyncadd.s32 $0xFFFFFFE0  }
0xfe: {  	_ =	swait.ge [sflag:s23], $0x20  }
0xff: {  	[sflag:s23] =	ssyncset.done $0x0  }
0x100: {  	[sflag:s23] =	ssyncadd.s32 $0xFFFFFFE0  }
0x101: {  	v3 =	vld [tilespmem:$0x10000];
	_ =	sdelay $0x4  }
0x102: {  	v40 =	vshll.u32 v3, $0x3  }
0x103: {  	v3 =	vand.u32 $0x7, v3;
	v4 =	vand.u32 $0xFFFFFFC0, v40  }
0x104: {  	v3 =	vor.u32 v3, v4  }
0x105: {  	v4 =	vperm.xlane v3, v0;
	_ =	sdelay $0x1  }
0x106: {  	v4 =	vadd.s32 v1, v4;
	_ =	sdelay $0x4  }
0x107: {  	[hbm4b:s3+s2] =	stream.indirect_vreg.scatter [tilespmem:s2], [sflag:$0x3], $0x80, v4, vm0, $0xb8;
	[tilespmem:$0x10200] =	vst v63  }
0x108: {  	v3 =	vperm.xlane v3, v2  }
0x109: {  	[hbm4b:s4+s2] =	stream.indirect_vreg.scatter [tilespmem:s12], [sflag:$0x3], $0x80, v4, vm0, $0xb8;
	[tilespmem:$0x10200] =	vst v63  }
0x10a: {  	v3 =	vadd.s32 v1, v3  }
0x10b: {  	[hbm4b:s5+s2] =	stream.indirect_vreg.scatter [tilespmem:s18], [sflag:$0x3], $0x80, v4, vm0, $0xb8;
	[tilespmem:$0x10200] =	vst v63  }
0x10c: {  	_ = 	snop  }
0x10d: {  	[hbm4b:s6+s2] =	stream.indirect_vreg.scatter [tilespmem:s15], [sflag:$0x3], $0x80, v4, vm0, $0xb8;
	[tilespmem:$0x10200] =	vst v63  }
0x10e: {  	_ = 	snop  }
0x10f: {  	[hbm4b:s3+s2] =	stream.indirect_vreg.scatter [tilespmem:s17], [sflag:$0x3], $0x80, v3, vm0, $0xb8;
	[tilespmem:$0x10200] =	vst v63  }
0x110: {  	s21 =	simm.s32 $0x2800  }
0x111: {  	[hbm4b:s4+s2] =	stream.indirect_vreg.scatter [tilespmem:s21], [sflag:$0x3], $0x80, v3, vm0, $0xb8;
	[tilespmem:$0x10200] =	vst v63  }
0x112: {  	s22 =	simm.s32 $0x3000  }
0x113: {  	[hbm4b:s5+s2] =	stream.indirect_vreg.scatter [tilespmem:s22], [sflag:$0x3], $0x80, v3, vm0, $0xb8;
	[tilespmem:$0x10200] =	vst v63  }
0x114: {  	_ = 	snop  }
0x115: {  	[hbm4b:s6+s2] =	stream.indirect_vreg.scatter [tilespmem:s13], [sflag:$0x3], $0x80, v3, vm0, $0xb8;
	[tilespmem:$0x10200] =	vst v63  }
0x116: {  	v3 =	vld [tilespmem:$0x10010];
	_ =	sdelay $0x4  }
0x117: {  	v41 =	vshll.u32 v3, $0x3  }
0x118: {  	v3 =	vand.u32 $0x7, v3;
	v4 =	vand.u32 $0xFFFFFFC0, v41  }
0x119: {  	v3 =	vor.u32 v3, v4  }
0x11a: {  	v4 =	vperm.xlane v3, v0;
	_ =	sdelay $0x1  }
0x11b: {  	v4 =	vadd.s32 v1, v4;
	_ =	sdelay $0x4  }
0x11c: {  	[hbm4b:s3+s2] =	stream.indirect_vreg.scatter [tilespmem:s14], [sflag:$0x3], $0x80, v4, vm0, $0xb8;
	[tilespmem:$0x10200] =	vst v63  }
0x11d: {  	s24 =	simm.s32 $0x4800;
	v3 =	vperm.xlane v3, v2  }
0x11e: {  	[hbm4b:s4+s2] =	stream.indirect_vreg.scatter [tilespmem:s24], [sflag:$0x3], $0x80, v4, vm0, $0xb8;
	[tilespmem:$0x10200] =	vst v63  }
0x11f: {  	v3 =	vadd.s32 v1, v3  }
0x120: {  	[hbm4b:s5+s2] =	stream.indirect_vreg.scatter [tilespmem:s16], [sflag:$0x3], $0x80, v4, vm0, $0xb8;
	[tilespmem:$0x10200] =	vst v63  }
0x121: {  	s25 =	simm.s32 $0x5800  }
0x122: {  	[hbm4b:s6+s2] =	stream.indirect_vreg.scatter [tilespmem:s25], [sflag:$0x3], $0x80, v4, vm0, $0xb8;
	[tilespmem:$0x10200] =	vst v63  }
0x123: {  	s26 =	simm.s32 $0x6000  }
0x124: {  	[hbm4b:s3+s2] =	stream.indirect_vreg.scatter [tilespmem:s26], [sflag:$0x3], $0x80, v3, vm0, $0xb8;
	[tilespmem:$0x10200] =	vst v63  }
0x125: {  	s29 =	simm.s32 $0x6800  }
0x126: {  	[hbm4b:s4+s2] =	stream.indirect_vreg.scatter [tilespmem:s29], [sflag:$0x3], $0x80, v3, vm0, $0xb8;
	[tilespmem:$0x10200] =	vst v63  }
0x127: {  	s31 =	simm.s32 $0x7000  }
0x128: {  	[hbm4b:s5+s2] =	stream.indirect_vreg.scatter [tilespmem:s31], [sflag:$0x3], $0x80, v3, vm0, $0xb8;
	[tilespmem:$0x10200] =	vst v63  }
0x129: {  	_ = 	snop  }
0x12a: {  	[hbm4b:s6+s2] =	stream.indirect_vreg.scatter [tilespmem:s11], [sflag:$0x3], $0x80, v3, vm0, $0xb8;
	[tilespmem:$0x10200] =	vst v63  }
0x12b: {  	v3 =	vld [tilespmem:$0x10080];
	_ =	sdelay $0x4  }
0x12c: {  	v42 =	vshll.u32 v3, $0x3  }
0x12d: {  	v3 =	vand.u32 $0x7, v3;
	v4 =	vand.u32 $0xFFFFFFC0, v42  }
0x12e: {  	v3 =	vor.u32 v3, v4  }
0x12f: {  	v4 =	vperm.xlane v3, v0;
	_ =	sdelay $0x1  }
0x130: {  	v4 =	vadd.s32 v1, v4;
	_ =	sdelay $0x4  }
0x131: {  	[hbm4b:s3+s2] =	stream.indirect_vreg.scatter [tilespmem:s2], [sflag:$0x3], $0x80, v4, vm0, $0xb8;
	[tilespmem:$0x10200] =	vst v63  }
0x132: {  	v3 =	vperm.xlane v3, v2  }
0x133: {  	[hbm4b:s4+s2] =	stream.indirect_vreg.scatter [tilespmem:s12], [sflag:$0x3], $0x80, v4, vm0, $0xb8;
	[tilespmem:$0x10200] =	vst v63  }
0x134: {  	v3 =	vadd.s32 v1, v3  }
0x135: {  	[hbm4b:s5+s2] =	stream.indirect_vreg.scatter [tilespmem:s18], [sflag:$0x3], $0x80, v4, vm0, $0xb8;
	[tilespmem:$0x10200] =	vst v63  }
0x136: {  	_ = 	snop  }
0x137: {  	[hbm4b:s6+s2] =	stream.indirect_vreg.scatter [tilespmem:s15], [sflag:$0x3], $0x80, v4, vm0, $0xb8;
	[tilespmem:$0x10200] =	vst v63  }
0x138: {  	_ = 	snop  }
0x139: {  	[hbm4b:s3+s2] =	stream.indirect_vreg.scatter [tilespmem:s17], [sflag:$0x3], $0x80, v3, vm0, $0xb8;
	[tilespmem:$0x10200] =	vst v63  }
0x13a: {  	_ = 	snop  }
0x13b: {  	[hbm4b:s4+s2] =	stream.indirect_vreg.scatter [tilespmem:s21], [sflag:$0x3], $0x80, v3, vm0, $0xb8;
	[tilespmem:$0x10200] =	vst v63  }
0x13c: {  	_ = 	snop  }
0x13d: {  	[hbm4b:s5+s2] =	stream.indirect_vreg.scatter [tilespmem:s22], [sflag:$0x3], $0x80, v3, vm0, $0xb8;
	[tilespmem:$0x10200] =	vst v63  }
0x13e: {  	_ = 	snop  }
0x13f: {  	[hbm4b:s6+s2] =	stream.indirect_vreg.scatter [tilespmem:s13], [sflag:$0x3], $0x80, v3, vm0, $0xb8;
	[tilespmem:$0x10200] =	vst v63  }
0x140: {  	v3 =	vld [tilespmem:$0x10090];
	_ =	sdelay $0x4  }
0x141: {  	v43 =	vshll.u32 v3, $0x3  }
0x142: {  	v3 =	vand.u32 $0x7, v3;
	v4 =	vand.u32 $0xFFFFFFC0, v43  }
0x143: {  	v3 =	vor.u32 v3, v4  }
0x144: {  	v4 =	vperm.xlane v3, v0;
	_ =	sdelay $0x1  }
0x145: {  	v4 =	vadd.s32 v1, v4;
	_ =	sdelay $0x4  }
0x146: {  	[hbm4b:s3+s2] =	stream.indirect_vreg.scatter [tilespmem:s14], [sflag:$0x3], $0x80, v4, vm0, $0xb8;
	[tilespmem:$0x10200] =	vst v63  }
0x147: {  	v3 =	vperm.xlane v3, v2  }
0x148: {  	[hbm4b:s4+s2] =	stream.indirect_vreg.scatter [tilespmem:s24], [sflag:$0x3], $0x80, v4, vm0, $0xb8;
	[tilespmem:$0x10200] =	vst v63  }
0x149: {  	v3 =	vadd.s32 v1, v3  }
0x14a: {  	[hbm4b:s5+s2] =	stream.indirect_vreg.scatter [tilespmem:s16], [sflag:$0x3], $0x80, v4, vm0, $0xb8;
	[tilespmem:$0x10200] =	vst v63  }
0x14b: {  	_ = 	snop  }
0x14c: {  	[hbm4b:s6+s2] =	stream.indirect_vreg.scatter [tilespmem:s25], [sflag:$0x3], $0x80, v4, vm0, $0xb8;
	[tilespmem:$0x10200] =	vst v63  }
0x14d: {  	_ = 	snop  }
0x14e: {  	[hbm4b:s3+s2] =	stream.indirect_vreg.scatter [tilespmem:s26], [sflag:$0x3], $0x80, v3, vm0, $0xb8;
	[tilespmem:$0x10200] =	vst v63  }
0x14f: {  	_ = 	snop  }
0x150: {  	[hbm4b:s4+s2] =	stream.indirect_vreg.scatter [tilespmem:s29], [sflag:$0x3], $0x80, v3, vm0, $0xb8;
	[tilespmem:$0x10200] =	vst v63  }
0x151: {  	_ = 	snop  }
0x152: {  	[hbm4b:s5+s2] =	stream.indirect_vreg.scatter [tilespmem:s31], [sflag:$0x3], $0x80, v3, vm0, $0xb8;
	[tilespmem:$0x10200] =	vst v63  }
0x153: {  	s20 =	simm.s32 $0x4  }
0x154: {  	[hbm4b:s6+s2] =	stream.indirect_vreg.scatter [tilespmem:s11], [sflag:$0x3], $0x80, v3, vm0, $0xb8;
	[tilespmem:$0x10200] =	vst v63  }
0x155: {  	_ =	swait.ge [sflag:s20], $0x8000  }
0x156: {  	[sflag:s20] =	ssyncset.done $0x0  }
0x157: {  	[sflag:s20] =	ssyncadd.s32 $0xFFFF8000  }
0x158: {  	_ =	swait.ge [sflag:s20], $0x8000  }
0x159: {  	[sflag:s20] =	ssyncset.done $0x0  }
0x15a: {  	s14 =	simm.s32 $0x8000;
	s12 =	rddreg [dreg:$0xc];
	[sflag:s20] =	ssyncadd.s32 $0xFFFF8000  }
0x15b: {  	[tilespmem:s14], [sflag:$0x2] =	stream.linear.gather [hbm4b:s12+s2], $0x8000, $0x38;
	[tilespmem:$0x10200] =	vst v63  }
0x15c: {  	s16 =	simm.s32 $0x10100;
	s13 =	rddreg [dreg:$0xd]  }
0x15d: {  	[tilespmem:s16], [sflag:$0x2] =	stream.linear.gather [hbm4b:s13+s2], $0x20, $0x38;
	[tilespmem:$0x10200] =	vst v63  }
0x15e: {  	s17 =	simm.s32 $0x10180;
	s15 =	rddreg [dreg:$0xe]  }
0x15f: {  	[tilespmem:s17], [sflag:$0x2] =	stream.linear.gather [hbm4b:s15+s2], $0x20, $0x38;
	[tilespmem:$0x10200] =	vst v63  }
0x160: {  	_ =	swait.ge [sflag:s30], $0x8000  }
0x161: {  	[sflag:s30] =	ssyncset.done $0x0  }
0x162: {  	[sflag:s30] =	ssyncadd.s32 $0xFFFF8000  }
0x163: {  	_ =	swait.ge [sflag:s30], $0x20  }
0x164: {  	[sflag:s30] =	ssyncset.done $0x0  }
0x165: {  	[sflag:s30] =	ssyncadd.s32 $0xFFFFFFE0  }
0x166: {  	_ =	swait.ge [sflag:s30], $0x20  }
0x167: {  	[sflag:s30] =	ssyncset.done $0x0  }
0x168: {  	[sflag:s30] =	ssyncadd.s32 $0xFFFFFFE0  }
0x169: {  	v3 =	vld [tilespmem:$0x10100];
	_ =	sdelay $0x4  }
0x16a: {  	v44 =	vshll.u32 v3, $0x3  }
0x16b: {  	v3 =	vand.u32 $0x7, v3;
	v4 =	vand.u32 $0xFFFFFFC0, v44  }
0x16c: {  	v3 =	vor.u32 v3, v4  }
0x16d: {  	v4 =	vperm.xlane v3, v0;
	_ =	sdelay $0x1  }
0x16e: {  	v4 =	vadd.s32 v1, v4;
	_ =	sdelay $0x4  }
0x16f: {  	[hbm4b:s3+s2] =	stream.indirect_vreg.scatter [tilespmem:s14], [sflag:$0x4], $0x80, v4, vm0, $0xb8;
	[tilespmem:$0x10200] =	vst v63  }
0x170: {  	s18 =	simm.s32 $0x8800;
	v3 =	vperm.xlane v3, v2  }
0x171: {  	[hbm4b:s4+s2] =	stream.indirect_vreg.scatter [tilespmem:s18], [sflag:$0x4], $0x80, v4, vm0, $0xb8;
	[tilespmem:$0x10200] =	vst v63  }
0x172: {  	s0 =	simm.s32 $0x9000;
	v3 =	vadd.s32 v1, v3  }
0x173: {  	[hbm4b:s5+s2] =	stream.indirect_vreg.scatter [tilespmem:s0], [sflag:$0x4], $0x80, v4, vm0, $0xb8;
	[tilespmem:$0x10200] =	vst v63  }
0x174: {  	s1 =	simm.s32 $0x9800  }
0x175: {  	[hbm4b:s6+s2] =	stream.indirect_vreg.scatter [tilespmem:s1], [sflag:$0x4], $0x80, v4, vm0, $0xb8;
	[tilespmem:$0x10200] =	vst v63  }
0x176: {  	s8 =	simm.s32 $0xA000  }
0x177: {  	[hbm4b:s3+s2] =	stream.indirect_vreg.scatter [tilespmem:s8], [sflag:$0x4], $0x80, v3, vm0, $0xb8;
	[tilespmem:$0x10200] =	vst v63  }
0x178: {  	s9 =	simm.s32 $0xA800  }
0x179: {  	[hbm4b:s4+s2] =	stream.indirect_vreg.scatter [tilespmem:s9], [sflag:$0x4], $0x80, v3, vm0, $0xb8;
	[tilespmem:$0x10200] =	vst v63  }
0x17a: {  	s11 =	simm.s32 $0xB000  }
0x17b: {  	[hbm4b:s5+s2] =	stream.indirect_vreg.scatter [tilespmem:s11], [sflag:$0x4], $0x80, v3, vm0, $0xb8;
	[tilespmem:$0x10200] =	vst v63  }
0x17c: {  	s12 =	simm.s32 $0xB800  }
0x17d: {  	[hbm4b:s6+s2] =	stream.indirect_vreg.scatter [tilespmem:s12], [sflag:$0x4], $0x80, v3, vm0, $0xb8;
	[tilespmem:$0x10200] =	vst v63  }
0x17e: {  	v3 =	vld [tilespmem:$0x10110];
	_ =	sdelay $0x4  }
0x17f: {  	v45 =	vshll.u32 v3, $0x3  }
0x180: {  	v3 =	vand.u32 $0x7, v3;
	v4 =	vand.u32 $0xFFFFFFC0, v45  }
0x181: {  	v3 =	vor.u32 v3, v4  }
0x182: {  	v4 =	vperm.xlane v3, v0;
	_ =	sdelay $0x1  }
0x183: {  	v4 =	vadd.s32 v1, v4;
	_ =	sdelay $0x3  }
0x184: {  	s13 =	simm.s32 $0xC000  }
0x185: {  	[hbm4b:s3+s2] =	stream.indirect_vreg.scatter [tilespmem:s13], [sflag:$0x4], $0x80, v4, vm0, $0xb8;
	[tilespmem:$0x10200] =	vst v63  }
0x186: {  	s14 =	simm.s32 $0xC800;
	v3 =	vperm.xlane v3, v2  }
0x187: {  	[hbm4b:s4+s2] =	stream.indirect_vreg.scatter [tilespmem:s14], [sflag:$0x4], $0x80, v4, vm0, $0xb8;
	[tilespmem:$0x10200] =	vst v63  }
0x188: {  	s22 =	simm.s32 $0xD000;
	v3 =	vadd.s32 v1, v3  }
0x189: {  	[hbm4b:s5+s2] =	stream.indirect_vreg.scatter [tilespmem:s22], [sflag:$0x4], $0x80, v4, vm0, $0xb8;
	[tilespmem:$0x10200] =	vst v63  }
0x18a: {  	s24 =	simm.s32 $0xD800  }
0x18b: {  	[hbm4b:s6+s2] =	stream.indirect_vreg.scatter [tilespmem:s24], [sflag:$0x4], $0x80, v4, vm0, $0xb8;
	[tilespmem:$0x10200] =	vst v63  }
0x18c: {  	s25 =	simm.s32 $0xE000  }
0x18d: {  	[hbm4b:s3+s2] =	stream.indirect_vreg.scatter [tilespmem:s25], [sflag:$0x4], $0x80, v3, vm0, $0xb8;
	[tilespmem:$0x10200] =	vst v63  }
0x18e: {  	s26 =	simm.s32 $0xE800  }
0x18f: {  	[hbm4b:s4+s2] =	stream.indirect_vreg.scatter [tilespmem:s26], [sflag:$0x4], $0x80, v3, vm0, $0xb8;
	[tilespmem:$0x10200] =	vst v63  }
0x190: {  	s29 =	simm.s32 $0xF000  }
0x191: {  	[hbm4b:s5+s2] =	stream.indirect_vreg.scatter [tilespmem:s29], [sflag:$0x4], $0x80, v3, vm0, $0xb8;
	[tilespmem:$0x10200] =	vst v63  }
0x192: {  	s10 =	simm.s32 $0xF800  }
0x193: {  	[hbm4b:s6+s2] =	stream.indirect_vreg.scatter [tilespmem:s10], [sflag:$0x4], $0x80, v3, vm0, $0xb8;
	[tilespmem:$0x10200] =	vst v63  }
0x194: {  	v3 =	vld [tilespmem:$0x10180];
	_ =	sdelay $0x4  }
0x195: {  	v46 =	vshll.u32 v3, $0x3  }
0x196: {  	v3 =	vand.u32 $0x7, v3;
	v4 =	vand.u32 $0xFFFFFFC0, v46  }
0x197: {  	v3 =	vor.u32 v3, v4  }
0x198: {  	v4 =	vperm.xlane v3, v0;
	_ =	sdelay $0x1  }
0x199: {  	v4 =	vadd.s32 v1, v4;
	_ =	sdelay $0x3  }
0x19a: {  	s31 =	simm.s32 $0x8000  }
0x19b: {  	[hbm4b:s3+s2] =	stream.indirect_vreg.scatter [tilespmem:s31], [sflag:$0x4], $0x80, v4, vm0, $0xb8;
	[tilespmem:$0x10200] =	vst v63  }
0x19c: {  	v3 =	vperm.xlane v3, v2  }
0x19d: {  	[hbm4b:s4+s2] =	stream.indirect_vreg.scatter [tilespmem:s18], [sflag:$0x4], $0x80, v4, vm0, $0xb8;
	[tilespmem:$0x10200] =	vst v63  }
0x19e: {  	v3 =	vadd.s32 v1, v3  }
0x19f: {  	[hbm4b:s5+s2] =	stream.indirect_vreg.scatter [tilespmem:s0], [sflag:$0x4], $0x80, v4, vm0, $0xb8;
	[tilespmem:$0x10200] =	vst v63  }
0x1a0: {  	_ = 	snop  }
0x1a1: {  	[hbm4b:s6+s2] =	stream.indirect_vreg.scatter [tilespmem:s1], [sflag:$0x4], $0x80, v4, vm0, $0xb8;
	[tilespmem:$0x10200] =	vst v63  }
0x1a2: {  	_ = 	snop  }
0x1a3: {  	[hbm4b:s3+s2] =	stream.indirect_vreg.scatter [tilespmem:s8], [sflag:$0x4], $0x80, v3, vm0, $0xb8;
	[tilespmem:$0x10200] =	vst v63  }
0x1a4: {  	_ = 	snop  }
0x1a5: {  	[hbm4b:s4+s2] =	stream.indirect_vreg.scatter [tilespmem:s9], [sflag:$0x4], $0x80, v3, vm0, $0xb8;
	[tilespmem:$0x10200] =	vst v63  }
0x1a6: {  	_ = 	snop  }
0x1a7: {  	[hbm4b:s5+s2] =	stream.indirect_vreg.scatter [tilespmem:s11], [sflag:$0x4], $0x80, v3, vm0, $0xb8;
	[tilespmem:$0x10200] =	vst v63  }
0x1a8: {  	_ = 	snop  }
0x1a9: {  	[hbm4b:s6+s2] =	stream.indirect_vreg.scatter [tilespmem:s12], [sflag:$0x4], $0x80, v3, vm0, $0xb8;
	[tilespmem:$0x10200] =	vst v63  }
0x1aa: {  	v3 =	vld [tilespmem:$0x10190];
	_ =	sdelay $0x4  }
0x1ab: {  	v47 =	vshll.u32 v3, $0x3  }
0x1ac: {  	v3 =	vand.u32 $0x7, v3;
	v4 =	vand.u32 $0xFFFFFFC0, v47  }
0x1ad: {  	v3 =	vor.u32 v3, v4  }
0x1ae: {  	v4 =	vperm.xlane v3, v0;
	_ =	sdelay $0x1  }
0x1af: {  	v4 =	vadd.s32 v1, v4;
	_ =	sdelay $0x4  }
0x1b0: {  	[hbm4b:s3+s2] =	stream.indirect_vreg.scatter [tilespmem:s13], [sflag:$0x4], $0x80, v4, vm0, $0xb8;
	[tilespmem:$0x10200] =	vst v63  }
0x1b1: {  	v3 =	vperm.xlane v3, v2  }
0x1b2: {  	[hbm4b:s4+s2] =	stream.indirect_vreg.scatter [tilespmem:s14], [sflag:$0x4], $0x80, v4, vm0, $0xb8;
	[tilespmem:$0x10200] =	vst v63  }
0x1b3: {  	v3 =	vadd.s32 v1, v3  }
0x1b4: {  	[hbm4b:s5+s2] =	stream.indirect_vreg.scatter [tilespmem:s22], [sflag:$0x4], $0x80, v4, vm0, $0xb8;
	[tilespmem:$0x10200] =	vst v63  }
0x1b5: {  	_ = 	snop  }
0x1b6: {  	[hbm4b:s6+s2] =	stream.indirect_vreg.scatter [tilespmem:s24], [sflag:$0x4], $0x80, v4, vm0, $0xb8;
	[tilespmem:$0x10200] =	vst v63  }
0x1b7: {  	_ = 	snop  }
0x1b8: {  	[hbm4b:s3+s2] =	stream.indirect_vreg.scatter [tilespmem:s25], [sflag:$0x4], $0x80, v3, vm0, $0xb8;
	[tilespmem:$0x10200] =	vst v63  }
0x1b9: {  	_ = 	snop  }
0x1ba: {  	[hbm4b:s4+s2] =	stream.indirect_vreg.scatter [tilespmem:s26], [sflag:$0x4], $0x80, v3, vm0, $0xb8;
	[tilespmem:$0x10200] =	vst v63  }
0x1bb: {  	_ = 	snop  }
0x1bc: {  	[hbm4b:s5+s2] =	stream.indirect_vreg.scatter [tilespmem:s29], [sflag:$0x4], $0x80, v3, vm0, $0xb8;
	[tilespmem:$0x10200] =	vst v63  }
0x1bd: {  	_ = 	snop  }
0x1be: {  	[hbm4b:s6+s2] =	stream.indirect_vreg.scatter [tilespmem:s10], [sflag:$0x4], $0x80, v3, vm0, $0xb8;
	[tilespmem:$0x10200] =	vst v63  }
0x1bf: {  	_ =	swait.ge [sflag:s19], $0x8000  }
0x1c0: {  	[sflag:s19] =	ssyncset.done $0x0  }
0x1c1: {  	[sflag:s19] =	ssyncadd.s32 $0xFFFF8000  }
0x1c2: {  	_ =	swait.ge [sflag:s19], $0x8000  }
0x1c3: {  	[sflag:s19] =	ssyncset.done $0x0  }
0x1c4: {  	s15 =	rddreg [dreg:$0xf];
	[sflag:s19] =	ssyncadd.s32 $0xFFFF8000  }
0x1c5: {  	[tilespmem:s2], [sflag:$0x1] =	stream.linear.gather [hbm4b:s15+s2], $0x8000, $0x38;
	[tilespmem:$0x10200] =	vst v63  }
0x1c6: {  	s18 =	simm.s32 $0x10000;
	s16 =	rddreg [dreg:$0x10]  }
0x1c7: {  	[tilespmem:s18], [sflag:$0x1] =	stream.linear.gather [hbm4b:s16+s2], $0x20, $0x38;
	[tilespmem:$0x10200] =	vst v63  }
0x1c8: {  	s24 =	simm.s32 $0x10080;
	s17 =	rddreg [dreg:$0x11]  }
0x1c9: {  	[tilespmem:s24], [sflag:$0x1] =	stream.linear.gather [hbm4b:s17+s2], $0x20, $0x38;
	[tilespmem:$0x10200] =	vst v63  }
0x1ca: {  	_ =	swait.ge [sflag:s23], $0x8000  }
0x1cb: {  	[sflag:s23] =	ssyncset.done $0x0  }
0x1cc: {  	[sflag:s23] =	ssyncadd.s32 $0xFFFF8000  }
0x1cd: {  	_ =	swait.ge [sflag:s23], $0x20  }
0x1ce: {  	[sflag:s23] =	ssyncset.done $0x0  }
0x1cf: {  	[sflag:s23] =	ssyncadd.s32 $0xFFFFFFE0  }
0x1d0: {  	_ =	swait.ge [sflag:s23], $0x20  }
0x1d1: {  	[sflag:s23] =	ssyncset.done $0x0  }
0x1d2: {  	[sflag:s23] =	ssyncadd.s32 $0xFFFFFFE0  }
0x1d3: {  	v3 =	vld [tilespmem:$0x10000];
	_ =	sdelay $0x4  }
0x1d4: {  	v48 =	vshll.u32 v3, $0x3  }
0x1d5: {  	v3 =	vand.u32 $0x7, v3;
	v4 =	vand.u32 $0xFFFFFFC0, v48  }
0x1d6: {  	v3 =	vor.u32 v3, v4  }
0x1d7: {  	v4 =	vperm.xlane v3, v0;
	_ =	sdelay $0x1  }
0x1d8: {  	v4 =	vadd.s32 v1, v4;
	_ =	sdelay $0x4  }
0x1d9: {  	[hbm4b:s3+s2] =	stream.indirect_vreg.scatter [tilespmem:s2], [sflag:$0x3], $0x80, v4, vm0, $0xb8;
	[tilespmem:$0x10200] =	vst v63  }
0x1da: {  	s25 =	simm.s32 $0x800;
	v3 =	vperm.xlane v3, v2  }
0x1db: {  	[hbm4b:s4+s2] =	stream.indirect_vreg.scatter [tilespmem:s25], [sflag:$0x3], $0x80, v4, vm0, $0xb8;
	[tilespmem:$0x10200] =	vst v63  }
0x1dc: {  	s26 =	simm.s32 $0x1000;
	v3 =	vadd.s32 v1, v3  }
0x1dd: {  	[hbm4b:s5+s2] =	stream.indirect_vreg.scatter [tilespmem:s26], [sflag:$0x3], $0x80, v4, vm0, $0xb8;
	[tilespmem:$0x10200] =	vst v63  }
0x1de: {  	s1 =	simm.s32 $0x1800  }
0x1df: {  	[hbm4b:s6+s2] =	stream.indirect_vreg.scatter [tilespmem:s1], [sflag:$0x3], $0x80, v4, vm0, $0xb8;
	[tilespmem:$0x10200] =	vst v63  }
0x1e0: {  	s8 =	simm.s32 $0x2000  }
0x1e1: {  	[hbm4b:s3+s2] =	stream.indirect_vreg.scatter [tilespmem:s8], [sflag:$0x3], $0x80, v3, vm0, $0xb8;
	[tilespmem:$0x10200] =	vst v63  }
0x1e2: {  	s15 =	simm.s32 $0x2800  }
0x1e3: {  	[hbm4b:s4+s2] =	stream.indirect_vreg.scatter [tilespmem:s15], [sflag:$0x3], $0x80, v3, vm0, $0xb8;
	[tilespmem:$0x10200] =	vst v63  }
0x1e4: {  	s18 =	simm.s32 $0x3000  }
0x1e5: {  	[hbm4b:s5+s2] =	stream.indirect_vreg.scatter [tilespmem:s18], [sflag:$0x3], $0x80, v3, vm0, $0xb8;
	[tilespmem:$0x10200] =	vst v63  }
0x1e6: {  	s21 =	simm.s32 $0x3800  }
0x1e7: {  	[hbm4b:s6+s2] =	stream.indirect_vreg.scatter [tilespmem:s21], [sflag:$0x3], $0x80, v3, vm0, $0xb8;
	[tilespmem:$0x10200] =	vst v63  }
0x1e8: {  	v3 =	vld [tilespmem:$0x10010];
	_ =	sdelay $0x4  }
0x1e9: {  	v49 =	vshll.u32 v3, $0x3  }
0x1ea: {  	v3 =	vand.u32 $0x7, v3;
	v4 =	vand.u32 $0xFFFFFFC0, v49  }
0x1eb: {  	v3 =	vor.u32 v3, v4  }
0x1ec: {  	v4 =	vperm.xlane v3, v0;
	_ =	sdelay $0x1  }
0x1ed: {  	v4 =	vadd.s32 v1, v4;
	_ =	sdelay $0x3  }
0x1ee: {  	s29 =	simm.s32 $0x4000  }
0x1ef: {  	[hbm4b:s3+s2] =	stream.indirect_vreg.scatter [tilespmem:s29], [sflag:$0x3], $0x80, v4, vm0, $0xb8;
	[tilespmem:$0x10200] =	vst v63  }
0x1f0: {  	s28 =	simm.s32 $0x4800;
	v3 =	vperm.xlane v3, v2  }
0x1f1: {  	[hbm4b:s4+s2] =	stream.indirect_vreg.scatter [tilespmem:s28], [sflag:$0x3], $0x80, v4, vm0, $0xb8;
	[tilespmem:$0x10200] =	vst v63  }
0x1f2: {  	s9 =	simm.s32 $0x5000;
	v3 =	vadd.s32 v1, v3  }
0x1f3: {  	[hbm4b:s5+s2] =	stream.indirect_vreg.scatter [tilespmem:s9], [sflag:$0x3], $0x80, v4, vm0, $0xb8;
	[tilespmem:$0x10200] =	vst v63  }
0x1f4: {  	s11 =	simm.s32 $0x5800  }
0x1f5: {  	[hbm4b:s6+s2] =	stream.indirect_vreg.scatter [tilespmem:s11], [sflag:$0x3], $0x80, v4, vm0, $0xb8;
	[tilespmem:$0x10200] =	vst v63  }
0x1f6: {  	s12 =	simm.s32 $0x6000  }
0x1f7: {  	[hbm4b:s3+s2] =	stream.indirect_vreg.scatter [tilespmem:s12], [sflag:$0x3], $0x80, v3, vm0, $0xb8;
	[tilespmem:$0x10200] =	vst v63  }
0x1f8: {  	s13 =	simm.s32 $0x6800  }
0x1f9: {  	[hbm4b:s4+s2] =	stream.indirect_vreg.scatter [tilespmem:s13], [sflag:$0x3], $0x80, v3, vm0, $0xb8;
	[tilespmem:$0x10200] =	vst v63  }
0x1fa: {  	s22 =	simm.s32 $0x7000  }
0x1fb: {  	[hbm4b:s5+s2] =	stream.indirect_vreg.scatter [tilespmem:s22], [sflag:$0x3], $0x80, v3, vm0, $0xb8;
	[tilespmem:$0x10200] =	vst v63  }
0x1fc: {  	s7 =	simm.s32 $0x7800  }
0x1fd: {  	[hbm4b:s6+s2] =	stream.indirect_vreg.scatter [tilespmem:s7], [sflag:$0x3], $0x80, v3, vm0, $0xb8;
	[tilespmem:$0x10200] =	vst v63  }
0x1fe: {  	v3 =	vld [tilespmem:$0x10080];
	_ =	sdelay $0x4  }
0x1ff: {  	v50 =	vshll.u32 v3, $0x3  }
0x200: {  	v3 =	vand.u32 $0x7, v3;
	v4 =	vand.u32 $0xFFFFFFC0, v50  }
0x201: {  	v3 =	vor.u32 v3, v4  }
0x202: {  	v4 =	vperm.xlane v3, v0;
	_ =	sdelay $0x1  }
0x203: {  	v4 =	vadd.s32 v1, v4;
	_ =	sdelay $0x4  }
0x204: {  	[hbm4b:s3+s2] =	stream.indirect_vreg.scatter [tilespmem:s2], [sflag:$0x3], $0x80, v4, vm0, $0xb8;
	[tilespmem:$0x10200] =	vst v63  }
0x205: {  	v3 =	vperm.xlane v3, v2  }
0x206: {  	[hbm4b:s4+s2] =	stream.indirect_vreg.scatter [tilespmem:s25], [sflag:$0x3], $0x80, v4, vm0, $0xb8;
	[tilespmem:$0x10200] =	vst v63  }
0x207: {  	v3 =	vadd.s32 v1, v3  }
0x208: {  	[hbm4b:s5+s2] =	stream.indirect_vreg.scatter [tilespmem:s26], [sflag:$0x3], $0x80, v4, vm0, $0xb8;
	[tilespmem:$0x10200] =	vst v63  }
0x209: {  	_ = 	snop  }
0x20a: {  	[hbm4b:s6+s2] =	stream.indirect_vreg.scatter [tilespmem:s1], [sflag:$0x3], $0x80, v4, vm0, $0xb8;
	[tilespmem:$0x10200] =	vst v63  }
0x20b: {  	_ = 	snop  }
0x20c: {  	[hbm4b:s3+s2] =	stream.indirect_vreg.scatter [tilespmem:s8], [sflag:$0x3], $0x80, v3, vm0, $0xb8;
	[tilespmem:$0x10200] =	vst v63  }
0x20d: {  	_ = 	snop  }
0x20e: {  	[hbm4b:s4+s2] =	stream.indirect_vreg.scatter [tilespmem:s15], [sflag:$0x3], $0x80, v3, vm0, $0xb8;
	[tilespmem:$0x10200] =	vst v63  }
0x20f: {  	_ = 	snop  }
0x210: {  	[hbm4b:s5+s2] =	stream.indirect_vreg.scatter [tilespmem:s18], [sflag:$0x3], $0x80, v3, vm0, $0xb8;
	[tilespmem:$0x10200] =	vst v63  }
0x211: {  	_ = 	snop  }
0x212: {  	[hbm4b:s6+s2] =	stream.indirect_vreg.scatter [tilespmem:s21], [sflag:$0x3], $0x80, v3, vm0, $0xb8;
	[tilespmem:$0x10200] =	vst v63  }
0x213: {  	v3 =	vld [tilespmem:$0x10090];
	_ =	sdelay $0x4  }
0x214: {  	v51 =	vshll.u32 v3, $0x3  }
0x215: {  	v3 =	vand.u32 $0x7, v3;
	v4 =	vand.u32 $0xFFFFFFC0, v51  }
0x216: {  	v3 =	vor.u32 v3, v4  }
0x217: {  	v4 =	vperm.xlane v3, v0;
	_ =	sdelay $0x1  }
0x218: {  	v4 =	vadd.s32 v1, v4;
	_ =	sdelay $0x4  }
0x219: {  	[hbm4b:s3+s2] =	stream.indirect_vreg.scatter [tilespmem:s29], [sflag:$0x3], $0x80, v4, vm0, $0xb8;
	[tilespmem:$0x10200] =	vst v63  }
0x21a: {  	v3 =	vperm.xlane v3, v2  }
0x21b: {  	[hbm4b:s4+s2] =	stream.indirect_vreg.scatter [tilespmem:s28], [sflag:$0x3], $0x80, v4, vm0, $0xb8;
	[tilespmem:$0x10200] =	vst v63  }
0x21c: {  	v3 =	vadd.s32 v1, v3  }
0x21d: {  	[hbm4b:s5+s2] =	stream.indirect_vreg.scatter [tilespmem:s9], [sflag:$0x3], $0x80, v4, vm0, $0xb8;
	[tilespmem:$0x10200] =	vst v63  }
0x21e: {  	_ = 	snop  }
0x21f: {  	[hbm4b:s6+s2] =	stream.indirect_vreg.scatter [tilespmem:s11], [sflag:$0x3], $0x80, v4, vm0, $0xb8;
	[tilespmem:$0x10200] =	vst v63  }
0x220: {  	_ = 	snop  }
0x221: {  	[hbm4b:s3+s2] =	stream.indirect_vreg.scatter [tilespmem:s12], [sflag:$0x3], $0x80, v3, vm0, $0xb8;
	[tilespmem:$0x10200] =	vst v63  }
0x222: {  	_ = 	snop  }
0x223: {  	[hbm4b:s4+s2] =	stream.indirect_vreg.scatter [tilespmem:s13], [sflag:$0x3], $0x80, v3, vm0, $0xb8;
	[tilespmem:$0x10200] =	vst v63  }
0x224: {  	_ = 	snop  }
0x225: {  	[hbm4b:s5+s2] =	stream.indirect_vreg.scatter [tilespmem:s22], [sflag:$0x3], $0x80, v3, vm0, $0xb8;
	[tilespmem:$0x10200] =	vst v63  }
0x226: {  	_ = 	snop  }
0x227: {  	[hbm4b:s6+s2] =	stream.indirect_vreg.scatter [tilespmem:s7], [sflag:$0x3], $0x80, v3, vm0, $0xb8;
	[tilespmem:$0x10200] =	vst v63  }
0x228: {  	_ =	swait.ge [sflag:s20], $0x8000  }
0x229: {  	[sflag:s20] =	ssyncset.done $0x0  }
0x22a: {  	[sflag:s20] =	ssyncadd.s32 $0xFFFF8000  }
0x22b: {  	_ =	swait.ge [sflag:s20], $0x8000  }
0x22c: {  	[sflag:s20] =	ssyncset.done $0x0  }
0x22d: {  	s16 =	rddreg [dreg:$0x12];
	[sflag:s20] =	ssyncadd.s32 $0xFFFF8000  }
0x22e: {  	[tilespmem:s31], [sflag:$0x2] =	stream.linear.gather [hbm4b:s16+s2], $0x8000, $0x38;
	[tilespmem:$0x10200] =	vst v63  }
0x22f: {  	s1 =	simm.s32 $0x10100;
	s17 =	rddreg [dreg:$0x13]  }
0x230: {  	[tilespmem:s1], [sflag:$0x2] =	stream.linear.gather [hbm4b:s17+s2], $0x20, $0x38;
	[tilespmem:$0x10200] =	vst v63  }
0x231: {  	s7 =	simm.s32 $0x10180;
	s18 =	rddreg [dreg:$0x14]  }
0x232: {  	[tilespmem:s7], [sflag:$0x2] =	stream.linear.gather [hbm4b:s18+s2], $0x20, $0x38;
	[tilespmem:$0x10200] =	vst v63  }
0x233: {  	_ =	swait.ge [sflag:s30], $0x8000  }
0x234: {  	[sflag:s30] =	ssyncset.done $0x0  }
0x235: {  	[sflag:s30] =	ssyncadd.s32 $0xFFFF8000  }
0x236: {  	_ =	swait.ge [sflag:s30], $0x20  }
0x237: {  	[sflag:s30] =	ssyncset.done $0x0  }
0x238: {  	[sflag:s30] =	ssyncadd.s32 $0xFFFFFFE0  }
0x239: {  	_ =	swait.ge [sflag:s30], $0x20  }
0x23a: {  	[sflag:s30] =	ssyncset.done $0x0  }
0x23b: {  	[sflag:s30] =	ssyncadd.s32 $0xFFFFFFE0  }
0x23c: {  	v3 =	vld [tilespmem:$0x10100];
	_ =	sdelay $0x4  }
0x23d: {  	v52 =	vshll.u32 v3, $0x3  }
0x23e: {  	v3 =	vand.u32 $0x7, v3;
	v4 =	vand.u32 $0xFFFFFFC0, v52  }
0x23f: {  	v3 =	vor.u32 v3, v4  }
0x240: {  	v4 =	vperm.xlane v3, v0;
	_ =	sdelay $0x1  }
0x241: {  	v4 =	vadd.s32 v1, v4;
	_ =	sdelay $0x4  }
0x242: {  	[hbm4b:s3+s2] =	stream.indirect_vreg.scatter [tilespmem:s31], [sflag:$0x4], $0x80, v4, vm0, $0xb8;
	[tilespmem:$0x10200] =	vst v63  }
0x243: {  	s7 =	simm.s32 $0x8800;
	v3 =	vperm.xlane v3, v2  }
0x244: {  	[hbm4b:s4+s2] =	stream.indirect_vreg.scatter [tilespmem:s7], [sflag:$0x4], $0x80, v4, vm0, $0xb8;
	[tilespmem:$0x10200] =	vst v63  }
0x245: {  	s15 =	simm.s32 $0x9000;
	v3 =	vadd.s32 v1, v3  }
0x246: {  	[hbm4b:s5+s2] =	stream.indirect_vreg.scatter [tilespmem:s15], [sflag:$0x4], $0x80, v4, vm0, $0xb8;
	[tilespmem:$0x10200] =	vst v63  }
0x247: {  	s16 =	simm.s32 $0x9800  }
0x248: {  	[hbm4b:s6+s2] =	stream.indirect_vreg.scatter [tilespmem:s16], [sflag:$0x4], $0x80, v4, vm0, $0xb8;
	[tilespmem:$0x10200] =	vst v63  }
0x249: {  	s0 =	simm.s32 $0xA000  }
0x24a: {  	[hbm4b:s3+s2] =	stream.indirect_vreg.scatter [tilespmem:s0], [sflag:$0x4], $0x80, v3, vm0, $0xb8;
	[tilespmem:$0x10200] =	vst v63  }
0x24b: {  	s1 =	simm.s32 $0xA800  }
0x24c: {  	[hbm4b:s4+s2] =	stream.indirect_vreg.scatter [tilespmem:s1], [sflag:$0x4], $0x80, v3, vm0, $0xb8;
	[tilespmem:$0x10200] =	vst v63  }
0x24d: {  	s8 =	simm.s32 $0xB000  }
0x24e: {  	[hbm4b:s5+s2] =	stream.indirect_vreg.scatter [tilespmem:s8], [sflag:$0x4], $0x80, v3, vm0, $0xb8;
	[tilespmem:$0x10200] =	vst v63  }
0x24f: {  	s21 =	simm.s32 $0xB800  }
0x250: {  	[hbm4b:s6+s2] =	stream.indirect_vreg.scatter [tilespmem:s21], [sflag:$0x4], $0x80, v3, vm0, $0xb8;
	[tilespmem:$0x10200] =	vst v63  }
0x251: {  	v3 =	vld [tilespmem:$0x10110];
	_ =	sdelay $0x4  }
0x252: {  	v53 =	vshll.u32 v3, $0x3  }
0x253: {  	v3 =	vand.u32 $0x7, v3;
	v4 =	vand.u32 $0xFFFFFFC0, v53  }
0x254: {  	v3 =	vor.u32 v3, v4  }
0x255: {  	v4 =	vperm.xlane v3, v0;
	_ =	sdelay $0x1  }
0x256: {  	v4 =	vadd.s32 v1, v4;
	_ =	sdelay $0x3  }
0x257: {  	s17 =	simm.s32 $0xC000  }
0x258: {  	[hbm4b:s3+s2] =	stream.indirect_vreg.scatter [tilespmem:s17], [sflag:$0x4], $0x80, v4, vm0, $0xb8;
	[tilespmem:$0x10200] =	vst v63  }
0x259: {  	s18 =	simm.s32 $0xC800;
	v3 =	vperm.xlane v3, v2  }
0x25a: {  	[hbm4b:s4+s2] =	stream.indirect_vreg.scatter [tilespmem:s18], [sflag:$0x4], $0x80, v4, vm0, $0xb8;
	[tilespmem:$0x10200] =	vst v63  }
0x25b: {  	s9 =	simm.s32 $0xD000;
	v3 =	vadd.s32 v1, v3  }
0x25c: {  	[hbm4b:s5+s2] =	stream.indirect_vreg.scatter [tilespmem:s9], [sflag:$0x4], $0x80, v4, vm0, $0xb8;
	[tilespmem:$0x10200] =	vst v63  }
0x25d: {  	s11 =	simm.s32 $0xD800  }
0x25e: {  	[hbm4b:s6+s2] =	stream.indirect_vreg.scatter [tilespmem:s11], [sflag:$0x4], $0x80, v4, vm0, $0xb8;
	[tilespmem:$0x10200] =	vst v63  }
0x25f: {  	s12 =	simm.s32 $0xE000  }
0x260: {  	[hbm4b:s3+s2] =	stream.indirect_vreg.scatter [tilespmem:s12], [sflag:$0x4], $0x80, v3, vm0, $0xb8;
	[tilespmem:$0x10200] =	vst v63  }
0x261: {  	s13 =	simm.s32 $0xE800  }
0x262: {  	[hbm4b:s4+s2] =	stream.indirect_vreg.scatter [tilespmem:s13], [sflag:$0x4], $0x80, v3, vm0, $0xb8;
	[tilespmem:$0x10200] =	vst v63  }
0x263: {  	s14 =	simm.s32 $0xF000  }
0x264: {  	[hbm4b:s5+s2] =	stream.indirect_vreg.scatter [tilespmem:s14], [sflag:$0x4], $0x80, v3, vm0, $0xb8;
	[tilespmem:$0x10200] =	vst v63  }
0x265: {  	s22 =	simm.s32 $0xF800  }
0x266: {  	[hbm4b:s6+s2] =	stream.indirect_vreg.scatter [tilespmem:s22], [sflag:$0x4], $0x80, v3, vm0, $0xb8;
	[tilespmem:$0x10200] =	vst v63  }
0x267: {  	v3 =	vld [tilespmem:$0x10180];
	_ =	sdelay $0x4  }
0x268: {  	v54 =	vshll.u32 v3, $0x3  }
0x269: {  	v3 =	vand.u32 $0x7, v3;
	v4 =	vand.u32 $0xFFFFFFC0, v54  }
0x26a: {  	v3 =	vor.u32 v3, v4  }
0x26b: {  	v4 =	vperm.xlane v3, v0;
	_ =	sdelay $0x1  }
0x26c: {  	v4 =	vadd.s32 v1, v4;
	_ =	sdelay $0x4  }
0x26d: {  	[hbm4b:s3+s2] =	stream.indirect_vreg.scatter [tilespmem:s31], [sflag:$0x4], $0x80, v4, vm0, $0xb8;
	[tilespmem:$0x10200] =	vst v63  }
0x26e: {  	v3 =	vperm.xlane v3, v2  }
0x26f: {  	[hbm4b:s4+s2] =	stream.indirect_vreg.scatter [tilespmem:s7], [sflag:$0x4], $0x80, v4, vm0, $0xb8;
	[tilespmem:$0x10200] =	vst v63  }
0x270: {  	v3 =	vadd.s32 v1, v3  }
0x271: {  	[hbm4b:s5+s2] =	stream.indirect_vreg.scatter [tilespmem:s15], [sflag:$0x4], $0x80, v4, vm0, $0xb8;
	[tilespmem:$0x10200] =	vst v63  }
0x272: {  	_ = 	snop  }
0x273: {  	[hbm4b:s6+s2] =	stream.indirect_vreg.scatter [tilespmem:s16], [sflag:$0x4], $0x80, v4, vm0, $0xb8;
	[tilespmem:$0x10200] =	vst v63  }
0x274: {  	_ = 	snop  }
0x275: {  	[hbm4b:s3+s2] =	stream.indirect_vreg.scatter [tilespmem:s0], [sflag:$0x4], $0x80, v3, vm0, $0xb8;
	[tilespmem:$0x10200] =	vst v63  }
0x276: {  	_ = 	snop  }
0x277: {  	[hbm4b:s4+s2] =	stream.indirect_vreg.scatter [tilespmem:s1], [sflag:$0x4], $0x80, v3, vm0, $0xb8;
	[tilespmem:$0x10200] =	vst v63  }
0x278: {  	_ = 	snop  }
0x279: {  	[hbm4b:s5+s2] =	stream.indirect_vreg.scatter [tilespmem:s8], [sflag:$0x4], $0x80, v3, vm0, $0xb8;
	[tilespmem:$0x10200] =	vst v63  }
0x27a: {  	_ = 	snop  }
0x27b: {  	[hbm4b:s6+s2] =	stream.indirect_vreg.scatter [tilespmem:s21], [sflag:$0x4], $0x80, v3, vm0, $0xb8;
	[tilespmem:$0x10200] =	vst v63  }
0x27c: {  	v3 =	vld [tilespmem:$0x10190];
	_ =	sdelay $0x4  }
0x27d: {  	v55 =	vshll.u32 v3, $0x3  }
0x27e: {  	v3 =	vand.u32 $0x7, v3;
	v4 =	vand.u32 $0xFFFFFFC0, v55  }
0x27f: {  	v3 =	vor.u32 v3, v4  }
0x280: {  	v4 =	vperm.xlane v3, v0;
	_ =	sdelay $0x1  }
0x281: {  	v4 =	vadd.s32 v1, v4;
	_ =	sdelay $0x4  }
0x282: {  	[hbm4b:s3+s2] =	stream.indirect_vreg.scatter [tilespmem:s17], [sflag:$0x4], $0x80, v4, vm0, $0xb8;
	[tilespmem:$0x10200] =	vst v63  }
0x283: {  	v3 =	vperm.xlane v3, v2  }
0x284: {  	[hbm4b:s4+s2] =	stream.indirect_vreg.scatter [tilespmem:s18], [sflag:$0x4], $0x80, v4, vm0, $0xb8;
	[tilespmem:$0x10200] =	vst v63  }
0x285: {  	v3 =	vadd.s32 v1, v3  }
0x286: {  	[hbm4b:s5+s2] =	stream.indirect_vreg.scatter [tilespmem:s9], [sflag:$0x4], $0x80, v4, vm0, $0xb8;
	[tilespmem:$0x10200] =	vst v63  }
0x287: {  	_ = 	snop  }
0x288: {  	[hbm4b:s6+s2] =	stream.indirect_vreg.scatter [tilespmem:s11], [sflag:$0x4], $0x80, v4, vm0, $0xb8;
	[tilespmem:$0x10200] =	vst v63  }
0x289: {  	_ = 	snop  }
0x28a: {  	[hbm4b:s3+s2] =	stream.indirect_vreg.scatter [tilespmem:s12], [sflag:$0x4], $0x80, v3, vm0, $0xb8;
	[tilespmem:$0x10200] =	vst v63  }
0x28b: {  	_ = 	snop  }
0x28c: {  	[hbm4b:s4+s2] =	stream.indirect_vreg.scatter [tilespmem:s13], [sflag:$0x4], $0x80, v3, vm0, $0xb8;
	[tilespmem:$0x10200] =	vst v63  }
0x28d: {  	_ = 	snop  }
0x28e: {  	[hbm4b:s5+s2] =	stream.indirect_vreg.scatter [tilespmem:s14], [sflag:$0x4], $0x80, v3, vm0, $0xb8;
	[tilespmem:$0x10200] =	vst v63  }
0x28f: {  	_ = 	snop  }
0x290: {  	[hbm4b:s6+s2] =	stream.indirect_vreg.scatter [tilespmem:s22], [sflag:$0x4], $0x80, v3, vm0, $0xb8;
	[tilespmem:$0x10200] =	vst v63  }
0x291: {  	_ =	swait.ge [sflag:s19], $0x8000  }
0x292: {  	[sflag:s19] =	ssyncset.done $0x0  }
0x293: {  	[sflag:s19] =	ssyncadd.s32 $0xFFFF8000  }
0x294: {  	_ =	swait.ge [sflag:s19], $0x8000  }
0x295: {  	[sflag:s19] =	ssyncset.done $0x0  }
0x296: {  	s8 =	rddreg [dreg:$0x15];
	[sflag:s19] =	ssyncadd.s32 $0xFFFF8000  }
0x297: {  	[tilespmem:s2], [sflag:$0x1] =	stream.linear.gather [hbm4b:s8+s2], $0x8000, $0x38;
	[tilespmem:$0x10200] =	vst v63  }
0x298: {  	s12 =	simm.s32 $0x10000;
	s9 =	rddreg [dreg:$0x16]  }
0x299: {  	[tilespmem:s12], [sflag:$0x1] =	stream.linear.gather [hbm4b:s9+s2], $0x20, $0x38;
	[tilespmem:$0x10200] =	vst v63  }
0x29a: {  	s10 =	simm.s32 $0x10080;
	s11 =	rddreg [dreg:$0x17]  }
0x29b: {  	[tilespmem:s10], [sflag:$0x1] =	stream.linear.gather [hbm4b:s11+s2], $0x20, $0x38;
	[tilespmem:$0x10200] =	vst v63  }
0x29c: {  	_ =	swait.ge [sflag:s23], $0x8000  }
0x29d: {  	[sflag:s23] =	ssyncset.done $0x0  }
0x29e: {  	[sflag:s23] =	ssyncadd.s32 $0xFFFF8000  }
0x29f: {  	_ =	swait.ge [sflag:s23], $0x20  }
0x2a0: {  	[sflag:s23] =	ssyncset.done $0x0  }
0x2a1: {  	[sflag:s23] =	ssyncadd.s32 $0xFFFFFFE0  }
0x2a2: {  	_ =	swait.ge [sflag:s23], $0x20  }
0x2a3: {  	[sflag:s23] =	ssyncset.done $0x0  }
0x2a4: {  	[sflag:s23] =	ssyncadd.s32 $0xFFFFFFE0  }
0x2a5: {  	v3 =	vld [tilespmem:$0x10000];
	_ =	sdelay $0x4  }
0x2a6: {  	v56 =	vshll.u32 v3, $0x3  }
0x2a7: {  	v3 =	vand.u32 $0x7, v3;
	v4 =	vand.u32 $0xFFFFFFC0, v56  }
0x2a8: {  	v3 =	vor.u32 v3, v4  }
0x2a9: {  	v4 =	vperm.xlane v3, v0;
	_ =	sdelay $0x1  }
0x2aa: {  	v4 =	vadd.s32 v1, v4;
	_ =	sdelay $0x4  }
0x2ab: {  	[hbm4b:s3+s2] =	stream.indirect_vreg.scatter [tilespmem:s2], [sflag:$0x3], $0x80, v4, vm0, $0xb8;
	[tilespmem:$0x10200] =	vst v63  }
0x2ac: {  	s9 =	simm.s32 $0x800;
	v3 =	vperm.xlane v3, v2  }
0x2ad: {  	[hbm4b:s4+s2] =	stream.indirect_vreg.scatter [tilespmem:s9], [sflag:$0x3], $0x80, v4, vm0, $0xb8;
	[tilespmem:$0x10200] =	vst v63  }
0x2ae: {  	s26 =	simm.s32 $0x1000;
	v3 =	vadd.s32 v1, v3  }
0x2af: {  	[hbm4b:s5+s2] =	stream.indirect_vreg.scatter [tilespmem:s26], [sflag:$0x3], $0x80, v4, vm0, $0xb8;
	[tilespmem:$0x10200] =	vst v63  }
0x2b0: {  	s1 =	simm.s32 $0x1800  }
0x2b1: {  	[hbm4b:s6+s2] =	stream.indirect_vreg.scatter [tilespmem:s1], [sflag:$0x3], $0x80, v4, vm0, $0xb8;
	[tilespmem:$0x10200] =	vst v63  }
0x2b2: {  	s8 =	simm.s32 $0x2000  }
0x2b3: {  	[hbm4b:s3+s2] =	stream.indirect_vreg.scatter [tilespmem:s8], [sflag:$0x3], $0x80, v3, vm0, $0xb8;
	[tilespmem:$0x10200] =	vst v63  }
0x2b4: {  	s24 =	simm.s32 $0x2800  }
0x2b5: {  	[hbm4b:s4+s2] =	stream.indirect_vreg.scatter [tilespmem:s24], [sflag:$0x3], $0x80, v3, vm0, $0xb8;
	[tilespmem:$0x10200] =	vst v63  }
0x2b6: {  	s25 =	simm.s32 $0x3000  }
0x2b7: {  	[hbm4b:s5+s2] =	stream.indirect_vreg.scatter [tilespmem:s25], [sflag:$0x3], $0x80, v3, vm0, $0xb8;
	[tilespmem:$0x10200] =	vst v63  }
0x2b8: {  	s10 =	simm.s32 $0x3800  }
0x2b9: {  	[hbm4b:s6+s2] =	stream.indirect_vreg.scatter [tilespmem:s10], [sflag:$0x3], $0x80, v3, vm0, $0xb8;
	[tilespmem:$0x10200] =	vst v63  }
0x2ba: {  	v3 =	vld [tilespmem:$0x10010];
	_ =	sdelay $0x4  }
0x2bb: {  	v57 =	vshll.u32 v3, $0x3  }
0x2bc: {  	v3 =	vand.u32 $0x7, v3;
	v4 =	vand.u32 $0xFFFFFFC0, v57  }
0x2bd: {  	v3 =	vor.u32 v3, v4  }
0x2be: {  	v4 =	vperm.xlane v3, v0;
	_ =	sdelay $0x1  }
0x2bf: {  	v4 =	vadd.s32 v1, v4;
	_ =	sdelay $0x3  }
0x2c0: {  	s11 =	simm.s32 $0x4000  }
0x2c1: {  	[hbm4b:s3+s2] =	stream.indirect_vreg.scatter [tilespmem:s11], [sflag:$0x3], $0x80, v4, vm0, $0xb8;
	[tilespmem:$0x10200] =	vst v63  }
0x2c2: {  	s21 =	simm.s32 $0x4800;
	v3 =	vperm.xlane v3, v2  }
0x2c3: {  	[hbm4b:s4+s2] =	stream.indirect_vreg.scatter [tilespmem:s21], [sflag:$0x3], $0x80, v4, vm0, $0xb8;
	[tilespmem:$0x10200] =	vst v63  }
0x2c4: {  	s7 =	simm.s32 $0x5000;
	v3 =	vadd.s32 v1, v3  }
0x2c5: {  	[hbm4b:s5+s2] =	stream.indirect_vreg.scatter [tilespmem:s7], [sflag:$0x3], $0x80, v4, vm0, $0xb8;
	[tilespmem:$0x10200] =	vst v63  }
0x2c6: {  	s28 =	simm.s32 $0x5800  }
0x2c7: {  	[hbm4b:s6+s2] =	stream.indirect_vreg.scatter [tilespmem:s28], [sflag:$0x3], $0x80, v4, vm0, $0xb8;
	[tilespmem:$0x10200] =	vst v63  }
0x2c8: {  	s29 =	simm.s32 $0x6000  }
0x2c9: {  	[hbm4b:s3+s2] =	stream.indirect_vreg.scatter [tilespmem:s29], [sflag:$0x3], $0x80, v3, vm0, $0xb8;
	[tilespmem:$0x10200] =	vst v63  }
0x2ca: {  	s22 =	simm.s32 $0x6800  }
0x2cb: {  	[hbm4b:s4+s2] =	stream.indirect_vreg.scatter [tilespmem:s22], [sflag:$0x3], $0x80, v3, vm0, $0xb8;
	[tilespmem:$0x10200] =	vst v63  }
0x2cc: {  	s0 =	simm.s32 $0x7000  }
0x2cd: {  	[hbm4b:s5+s2] =	stream.indirect_vreg.scatter [tilespmem:s0], [sflag:$0x3], $0x80, v3, vm0, $0xb8;
	[tilespmem:$0x10200] =	vst v63  }
0x2ce: {  	s12 =	simm.s32 $0x7800  }
0x2cf: {  	[hbm4b:s6+s2] =	stream.indirect_vreg.scatter [tilespmem:s12], [sflag:$0x3], $0x80, v3, vm0, $0xb8;
	[tilespmem:$0x10200] =	vst v63  }
0x2d0: {  	v3 =	vld [tilespmem:$0x10080];
	_ =	sdelay $0x4  }
0x2d1: {  	v58 =	vshll.u32 v3, $0x3  }
0x2d2: {  	v3 =	vand.u32 $0x7, v3;
	v4 =	vand.u32 $0xFFFFFFC0, v58  }
0x2d3: {  	v3 =	vor.u32 v3, v4  }
0x2d4: {  	v4 =	vperm.xlane v3, v0;
	_ =	sdelay $0x1  }
0x2d5: {  	v4 =	vadd.s32 v1, v4;
	_ =	sdelay $0x4  }
0x2d6: {  	[hbm4b:s3+s2] =	stream.indirect_vreg.scatter [tilespmem:s2], [sflag:$0x3], $0x80, v4, vm0, $0xb8;
	[tilespmem:$0x10200] =	vst v63  }
0x2d7: {  	v3 =	vperm.xlane v3, v2  }
0x2d8: {  	[hbm4b:s4+s2] =	stream.indirect_vreg.scatter [tilespmem:s9], [sflag:$0x3], $0x80, v4, vm0, $0xb8;
	[tilespmem:$0x10200] =	vst v63  }
0x2d9: {  	v3 =	vadd.s32 v1, v3  }
0x2da: {  	[hbm4b:s5+s2] =	stream.indirect_vreg.scatter [tilespmem:s26], [sflag:$0x3], $0x80, v4, vm0, $0xb8;
	[tilespmem:$0x10200] =	vst v63  }
0x2db: {  	_ = 	snop  }
0x2dc: {  	[hbm4b:s6+s2] =	stream.indirect_vreg.scatter [tilespmem:s1], [sflag:$0x3], $0x80, v4, vm0, $0xb8;
	[tilespmem:$0x10200] =	vst v63  }
0x2dd: {  	_ = 	snop  }
0x2de: {  	[hbm4b:s3+s2] =	stream.indirect_vreg.scatter [tilespmem:s8], [sflag:$0x3], $0x80, v3, vm0, $0xb8;
	[tilespmem:$0x10200] =	vst v63  }
0x2df: {  	_ = 	snop  }
0x2e0: {  	[hbm4b:s4+s2] =	stream.indirect_vreg.scatter [tilespmem:s24], [sflag:$0x3], $0x80, v3, vm0, $0xb8;
	[tilespmem:$0x10200] =	vst v63  }
0x2e1: {  	_ = 	snop  }
0x2e2: {  	[hbm4b:s5+s2] =	stream.indirect_vreg.scatter [tilespmem:s25], [sflag:$0x3], $0x80, v3, vm0, $0xb8;
	[tilespmem:$0x10200] =	vst v63  }
0x2e3: {  	_ = 	snop  }
0x2e4: {  	[hbm4b:s6+s2] =	stream.indirect_vreg.scatter [tilespmem:s10], [sflag:$0x3], $0x80, v3, vm0, $0xb8;
	[tilespmem:$0x10200] =	vst v63  }
0x2e5: {  	v3 =	vld [tilespmem:$0x10090];
	_ =	sdelay $0x4  }
0x2e6: {  	v59 =	vshll.u32 v3, $0x3  }
0x2e7: {  	v3 =	vand.u32 $0x7, v3;
	v4 =	vand.u32 $0xFFFFFFC0, v59  }
0x2e8: {  	v3 =	vor.u32 v3, v4  }
0x2e9: {  	v4 =	vperm.xlane v3, v0;
	_ =	sdelay $0x1  }
0x2ea: {  	v4 =	vadd.s32 v1, v4;
	_ =	sdelay $0x4  }
0x2eb: {  	[hbm4b:s3+s2] =	stream.indirect_vreg.scatter [tilespmem:s11], [sflag:$0x3], $0x80, v4, vm0, $0xb8;
	[tilespmem:$0x10200] =	vst v63  }
0x2ec: {  	v3 =	vperm.xlane v3, v2  }
0x2ed: {  	[hbm4b:s4+s2] =	stream.indirect_vreg.scatter [tilespmem:s21], [sflag:$0x3], $0x80, v4, vm0, $0xb8;
	[tilespmem:$0x10200] =	vst v63  }
0x2ee: {  	v3 =	vadd.s32 v1, v3  }
0x2ef: {  	[hbm4b:s5+s2] =	stream.indirect_vreg.scatter [tilespmem:s7], [sflag:$0x3], $0x80, v4, vm0, $0xb8;
	[tilespmem:$0x10200] =	vst v63  }
0x2f0: {  	_ = 	snop  }
0x2f1: {  	[hbm4b:s6+s2] =	stream.indirect_vreg.scatter [tilespmem:s28], [sflag:$0x3], $0x80, v4, vm0, $0xb8;
	[tilespmem:$0x10200] =	vst v63  }
0x2f2: {  	_ = 	snop  }
0x2f3: {  	[hbm4b:s3+s2] =	stream.indirect_vreg.scatter [tilespmem:s29], [sflag:$0x3], $0x80, v3, vm0, $0xb8;
	[tilespmem:$0x10200] =	vst v63  }
0x2f4: {  	_ = 	snop  }
0x2f5: {  	[hbm4b:s4+s2] =	stream.indirect_vreg.scatter [tilespmem:s22], [sflag:$0x3], $0x80, v3, vm0, $0xb8;
	[tilespmem:$0x10200] =	vst v63  }
0x2f6: {  	_ = 	snop  }
0x2f7: {  	[hbm4b:s5+s2] =	stream.indirect_vreg.scatter [tilespmem:s0], [sflag:$0x3], $0x80, v3, vm0, $0xb8;
	[tilespmem:$0x10200] =	vst v63  }
0x2f8: {  	_ = 	snop  }
0x2f9: {  	[hbm4b:s6+s2] =	stream.indirect_vreg.scatter [tilespmem:s12], [sflag:$0x3], $0x80, v3, vm0, $0xb8;
	[tilespmem:$0x10200] =	vst v63  }
0x2fa: {  	_ =	swait.ge [sflag:s20], $0x8000  }
0x2fb: {  	[sflag:s20] =	ssyncset.done $0x0  }
0x2fc: {  	[sflag:s20] =	ssyncadd.s32 $0xFFFF8000  }
0x2fd: {  	_ =	swait.ge [sflag:s20], $0x8000  }
0x2fe: {  	[sflag:s20] =	ssyncset.done $0x0  }
0x2ff: {  	s0 =	rddreg [dreg:$0x18];
	[sflag:s20] =	ssyncadd.s32 $0xFFFF8000  }
0x300: {  	[tilespmem:s31], [sflag:$0x2] =	stream.linear.gather [hbm4b:s0+s2], $0x8000, $0x38;
	[tilespmem:$0x10200] =	vst v63  }
0x301: {  	s8 =	simm.s32 $0x10100;
	s1 =	rddreg [dreg:$0x19]  }
0x302: {  	[tilespmem:s8], [sflag:$0x2] =	stream.linear.gather [hbm4b:s1+s2], $0x20, $0x38;
	[tilespmem:$0x10200] =	vst v63  }
0x303: {  	s9 =	simm.s32 $0x10180;
	s7 =	rddreg [dreg:$0x1a]  }
0x304: {  	[tilespmem:s9], [sflag:$0x2] =	stream.linear.gather [hbm4b:s7+s2], $0x20, $0x38;
	[tilespmem:$0x10200] =	vst v63  }
0x305: {  	_ =	swait.ge [sflag:s30], $0x8000  }
0x306: {  	[sflag:s30] =	ssyncset.done $0x0  }
0x307: {  	[sflag:s30] =	ssyncadd.s32 $0xFFFF8000  }
0x308: {  	_ =	swait.ge [sflag:s30], $0x20  }
0x309: {  	[sflag:s30] =	ssyncset.done $0x0  }
0x30a: {  	[sflag:s30] =	ssyncadd.s32 $0xFFFFFFE0  }
0x30b: {  	_ =	swait.ge [sflag:s30], $0x20  }
0x30c: {  	[sflag:s30] =	ssyncset.done $0x0  }
0x30d: {  	[sflag:s30] =	ssyncadd.s32 $0xFFFFFFE0  }
0x30e: {  	v3 =	vld [tilespmem:$0x10100];
	_ =	sdelay $0x4  }
0x30f: {  	v60 =	vshll.u32 v3, $0x3  }
0x310: {  	v3 =	vand.u32 $0x7, v3;
	v4 =	vand.u32 $0xFFFFFFC0, v60  }
0x311: {  	v3 =	vor.u32 v3, v4  }
0x312: {  	v4 =	vperm.xlane v3, v0;
	_ =	sdelay $0x1  }
0x313: {  	v4 =	vadd.s32 v1, v4;
	_ =	sdelay $0x4  }
0x314: {  	[hbm4b:s3+s2] =	stream.indirect_vreg.scatter [tilespmem:s31], [sflag:$0x4], $0x80, v4, vm0, $0xb8;
	[tilespmem:$0x10200] =	vst v63  }
0x315: {  	s10 =	simm.s32 $0x8800;
	v3 =	vperm.xlane v3, v2  }
0x316: {  	[hbm4b:s4+s2] =	stream.indirect_vreg.scatter [tilespmem:s10], [sflag:$0x4], $0x80, v4, vm0, $0xb8;
	[tilespmem:$0x10200] =	vst v63  }
0x317: {  	s15 =	simm.s32 $0x9000;
	v3 =	vadd.s32 v1, v3  }
0x318: {  	[hbm4b:s5+s2] =	stream.indirect_vreg.scatter [tilespmem:s15], [sflag:$0x4], $0x80, v4, vm0, $0xb8;
	[tilespmem:$0x10200] =	vst v63  }
0x319: {  	s16 =	simm.s32 $0x9800  }
0x31a: {  	[hbm4b:s6+s2] =	stream.indirect_vreg.scatter [tilespmem:s16], [sflag:$0x4], $0x80, v4, vm0, $0xb8;
	[tilespmem:$0x10200] =	vst v63  }
0x31b: {  	s11 =	simm.s32 $0xA000  }
0x31c: {  	[hbm4b:s3+s2] =	stream.indirect_vreg.scatter [tilespmem:s11], [sflag:$0x4], $0x80, v3, vm0, $0xb8;
	[tilespmem:$0x10200] =	vst v63  }
0x31d: {  	s12 =	simm.s32 $0xA800  }
0x31e: {  	[hbm4b:s4+s2] =	stream.indirect_vreg.scatter [tilespmem:s12], [sflag:$0x4], $0x80, v3, vm0, $0xb8;
	[tilespmem:$0x10200] =	vst v63  }
0x31f: {  	s22 =	simm.s32 $0xB000  }
0x320: {  	[hbm4b:s5+s2] =	stream.indirect_vreg.scatter [tilespmem:s22], [sflag:$0x4], $0x80, v3, vm0, $0xb8;
	[tilespmem:$0x10200] =	vst v63  }
0x321: {  	s24 =	simm.s32 $0xB800  }
0x322: {  	[hbm4b:s6+s2] =	stream.indirect_vreg.scatter [tilespmem:s24], [sflag:$0x4], $0x80, v3, vm0, $0xb8;
	[tilespmem:$0x10200] =	vst v63  }
0x323: {  	v3 =	vld [tilespmem:$0x10110];
	_ =	sdelay $0x4  }
0x324: {  	v61 =	vshll.u32 v3, $0x3  }
0x325: {  	v3 =	vand.u32 $0x7, v3;
	v4 =	vand.u32 $0xFFFFFFC0, v61  }
0x326: {  	v3 =	vor.u32 v3, v4  }
0x327: {  	v4 =	vperm.xlane v3, v0;
	_ =	sdelay $0x1  }
0x328: {  	v4 =	vadd.s32 v1, v4;
	_ =	sdelay $0x3  }
0x329: {  	s17 =	simm.s32 $0xC000  }
0x32a: {  	[hbm4b:s3+s2] =	stream.indirect_vreg.scatter [tilespmem:s17], [sflag:$0x4], $0x80, v4, vm0, $0xb8;
	[tilespmem:$0x10200] =	vst v63  }
0x32b: {  	s18 =	simm.s32 $0xC800;
	v3 =	vperm.xlane v3, v2  }
0x32c: {  	[hbm4b:s4+s2] =	stream.indirect_vreg.scatter [tilespmem:s18], [sflag:$0x4], $0x80, v4, vm0, $0xb8;
	[tilespmem:$0x10200] =	vst v63  }
0x32d: {  	s25 =	simm.s32 $0xD000;
	v3 =	vadd.s32 v1, v3  }
0x32e: {  	[hbm4b:s5+s2] =	stream.indirect_vreg.scatter [tilespmem:s25], [sflag:$0x4], $0x80, v4, vm0, $0xb8;
	[tilespmem:$0x10200] =	vst v63  }
0x32f: {  	s26 =	simm.s32 $0xD800  }
0x330: {  	[hbm4b:s6+s2] =	stream.indirect_vreg.scatter [tilespmem:s26], [sflag:$0x4], $0x80, v4, vm0, $0xb8;
	[tilespmem:$0x10200] =	vst v63  }
0x331: {  	s28 =	simm.s32 $0xE000  }
0x332: {  	[hbm4b:s3+s2] =	stream.indirect_vreg.scatter [tilespmem:s28], [sflag:$0x4], $0x80, v3, vm0, $0xb8;
	[tilespmem:$0x10200] =	vst v63  }
0x333: {  	s13 =	simm.s32 $0xE800  }
0x334: {  	[hbm4b:s4+s2] =	stream.indirect_vreg.scatter [tilespmem:s13], [sflag:$0x4], $0x80, v3, vm0, $0xb8;
	[tilespmem:$0x10200] =	vst v63  }
0x335: {  	s14 =	simm.s32 $0xF000  }
0x336: {  	[hbm4b:s5+s2] =	stream.indirect_vreg.scatter [tilespmem:s14], [sflag:$0x4], $0x80, v3, vm0, $0xb8;
	[tilespmem:$0x10200] =	vst v63  }
0x337: {  	s29 =	simm.s32 $0xF800  }
0x338: {  	[hbm4b:s6+s2] =	stream.indirect_vreg.scatter [tilespmem:s29], [sflag:$0x4], $0x80, v3, vm0, $0xb8;
	[tilespmem:$0x10200] =	vst v63  }
0x339: {  	v3 =	vld [tilespmem:$0x10180];
	_ =	sdelay $0x4  }
0x33a: {  	v62 =	vshll.u32 v3, $0x3  }
0x33b: {  	v3 =	vand.u32 $0x7, v3;
	v4 =	vand.u32 $0xFFFFFFC0, v62  }
0x33c: {  	v3 =	vor.u32 v3, v4  }
0x33d: {  	v4 =	vperm.xlane v3, v0;
	_ =	sdelay $0x1  }
0x33e: {  	v4 =	vadd.s32 v1, v4;
	_ =	sdelay $0x4  }
0x33f: {  	[hbm4b:s3+s2] =	stream.indirect_vreg.scatter [tilespmem:s31], [sflag:$0x4], $0x80, v4, vm0, $0xb8;
	[tilespmem:$0x10200] =	vst v63  }
0x340: {  	v3 =	vperm.xlane v3, v2  }
0x341: {  	[hbm4b:s4+s2] =	stream.indirect_vreg.scatter [tilespmem:s10], [sflag:$0x4], $0x80, v4, vm0, $0xb8;
	[tilespmem:$0x10200] =	vst v63  }
0x342: {  	v3 =	vadd.s32 v1, v3  }
0x343: {  	[hbm4b:s5+s2] =	stream.indirect_vreg.scatter [tilespmem:s15], [sflag:$0x4], $0x80, v4, vm0, $0xb8;
	[tilespmem:$0x10200] =	vst v63  }
0x344: {  	_ = 	snop  }
0x345: {  	[hbm4b:s6+s2] =	stream.indirect_vreg.scatter [tilespmem:s16], [sflag:$0x4], $0x80, v4, vm0, $0xb8;
	[tilespmem:$0x10200] =	vst v63  }
0x346: {  	_ = 	snop  }
0x347: {  	[hbm4b:s3+s2] =	stream.indirect_vreg.scatter [tilespmem:s11], [sflag:$0x4], $0x80, v3, vm0, $0xb8;
	[tilespmem:$0x10200] =	vst v63  }
0x348: {  	_ = 	snop  }
0x349: {  	[hbm4b:s4+s2] =	stream.indirect_vreg.scatter [tilespmem:s12], [sflag:$0x4], $0x80, v3, vm0, $0xb8;
	[tilespmem:$0x10200] =	vst v63  }
0x34a: {  	_ = 	snop  }
0x34b: {  	[hbm4b:s5+s2] =	stream.indirect_vreg.scatter [tilespmem:s22], [sflag:$0x4], $0x80, v3, vm0, $0xb8;
	[tilespmem:$0x10200] =	vst v63  }
0x34c: {  	_ = 	snop  }
0x34d: {  	[hbm4b:s6+s2] =	stream.indirect_vreg.scatter [tilespmem:s24], [sflag:$0x4], $0x80, v3, vm0, $0xb8;
	[tilespmem:$0x10200] =	vst v63  }
0x34e: {  	v3 =	vld [tilespmem:$0x10190];
	_ =	sdelay $0x4  }
0x34f: {  	v63 =	vshll.u32 v3, $0x3  }
0x350: {  	v3 =	vand.u32 $0x7, v3;
	v4 =	vand.u32 $0xFFFFFFC0, v63  }
0x351: {  	v3 =	vor.u32 v3, v4  }
0x352: {  	v4 =	vperm.xlane v3, v0;
	_ =	sdelay $0x1  }
0x353: {  	v4 =	vadd.s32 v1, v4;
	_ =	sdelay $0x4  }
0x354: {  	[hbm4b:s3+s2] =	stream.indirect_vreg.scatter [tilespmem:s17], [sflag:$0x4], $0x80, v4, vm0, $0xb8;
	[tilespmem:$0x10200] =	vst v63  }
0x355: {  	v3 =	vperm.xlane v3, v2  }
0x356: {  	[hbm4b:s4+s2] =	stream.indirect_vreg.scatter [tilespmem:s18], [sflag:$0x4], $0x80, v4, vm0, $0xb8;
	[tilespmem:$0x10200] =	vst v63  }
0x357: {  	v3 =	vadd.s32 v1, v3  }
0x358: {  	[hbm4b:s5+s2] =	stream.indirect_vreg.scatter [tilespmem:s25], [sflag:$0x4], $0x80, v4, vm0, $0xb8;
	[tilespmem:$0x10200] =	vst v63  }
0x359: {  	_ = 	snop  }
0x35a: {  	[hbm4b:s6+s2] =	stream.indirect_vreg.scatter [tilespmem:s26], [sflag:$0x4], $0x80, v4, vm0, $0xb8;
	[tilespmem:$0x10200] =	vst v63  }
0x35b: {  	_ = 	snop  }
0x35c: {  	[hbm4b:s3+s2] =	stream.indirect_vreg.scatter [tilespmem:s28], [sflag:$0x4], $0x80, v3, vm0, $0xb8;
	[tilespmem:$0x10200] =	vst v63  }
0x35d: {  	_ = 	snop  }
0x35e: {  	[hbm4b:s4+s2] =	stream.indirect_vreg.scatter [tilespmem:s13], [sflag:$0x4], $0x80, v3, vm0, $0xb8;
	[tilespmem:$0x10200] =	vst v63  }
0x35f: {  	_ = 	snop  }
0x360: {  	[hbm4b:s5+s2] =	stream.indirect_vreg.scatter [tilespmem:s14], [sflag:$0x4], $0x80, v3, vm0, $0xb8;
	[tilespmem:$0x10200] =	vst v63  }
0x361: {  	_ = 	snop  }
0x362: {  	[hbm4b:s6+s2] =	stream.indirect_vreg.scatter [tilespmem:s29], [sflag:$0x4], $0x80, v3, vm0, $0xb8;
	[tilespmem:$0x10200] =	vst v63  }
0x363: {  	s31 =	rddreg [dreg:$0x1b];
	_ =	swait.ge [sflag:s19], $0x8000  }
0x364: {  	[sflag:s19] =	ssyncset.done $0x0  }
0x365: {  	[sflag:s19] =	ssyncadd.s32 $0xFFFF8000  }
0x366: {  	_ =	swait.ge [sflag:s19], $0x8000  }
0x367: {  	[sflag:s19] =	ssyncset.done $0x0  }
0x368: {  	[sflag:s19] =	ssyncadd.s32 $0xFFFF8000  }
0x369: {  	p0 =	sne.s32 s31, $0x1;
	_ =	swait.ge [sflag:s20], $0x8000  }
.Ltmp0:
0x36a: {  	[sflag:s20] =	ssyncset.done $0x0;
	(pc) =	sbr.rel @p0 .LBB2_1-.Ltmp0, $4  }
0x36b: {  	[sflag:s20] =	ssyncadd.s32 $0xFFFF8000  }
0x36c: {  	_ =	swait.ge [sflag:s20], $0x8000  }
0x36d: {  	[sflag:s20] =	ssyncset.done $0x0  }
0x36e: {  	s0 =	sadd.s32 $0xFFFFFFFF, s31;
	[sflag:s20] =	ssyncadd.s32 $0xFFFF8000  }
0x36f: {  	_ =	sfence.sel $0x180000  }
0x370: {  	[bflag:$0x0] =	sbarrier.arrive $0xFFFF  }
0x371: {  	_ =	strace $0x90000047  }
0x372: {  	s0 =	stileid.u32;
	[bflag:$0x2] =	sbarrier.arrive $0xFFFF  }
0x373: {  	p0 =	sne.s32 s0, $0x0;
	s0 =	rddreg [dreg:$0x2]  }
0x374: {  	s0 =	sadd.s32 @!p0 $0x100000, s0  }
0x375: {  	[sflag:s0] =	ssyncadd.tile.s32 @!p0 $0x1;
	_ =	shalt  }
.Lfunc_end2:
_tile_overlayer_lowered:
.L_overlay_start_2:
0x376: {  	(tag) =	ssettag $0x2  }
0x377: {  	s0 =	rddreg [dreg:$0x0];
	s2 =	stileid.u32  }
0x378: {  	s1 =	rddreg [dreg:$0x1];
	p0 =	sne.s32 s2, $0x0  }
0x379: {  	s3 =	rddreg [dreg:$0x2];
	[bflag:$0x3] =	sbarrier.arrive $0xFFFF;
	s2 =	simm.s32 @!p0 $0x1C05  }
0x37a: {  	[timem:s3], [sflag:s2] =	dma.local @!p0 [hbm:s0], s1  }
0x37b: {  	s0 =	simm.s32 @!p0 $0x5  }
0x37c: {  	_ =	swait.ge @!p0 [sflag:s0], s1  }
0x37d: {  	s1 =	ssub.s32 @!p0 $0x0, s1;
	[sflag:s0] =	ssyncset.done @!p0 $0x0  }
0x37e: {  	[sflag:s0] =	ssyncadd.s32 @!p0 s1  }
0x37f: {  	[bflag:$0x3] =	sbarrier.arrive $0xFFFF  }
0x380: {  	_ =	shalt  }

</sc_bundles>
